<compile_context>
chip_gen: v7x
topology: tpu7x:2x2x1
jax: 0.10.2.dev20260603
libtpu: 0.0.44.dev20260713+nightly
codegen_flags: <defaults>
</compile_context>

<pallas_src>
import functools

import jax
import jax.numpy as jnp
from jax import lax
from jax.experimental import pallas as pl
from jax.experimental.pallas import tpu as pltpu
from jax.experimental.pallas import tpu_sc as plsc

D = 32
BB = 128
NC = 2
NS = 16
NW = NC * NS


@functools.partial(jax.jit, static_argnums=(2, 3))
def _sc_gather_t(idsT, table, seq, batch):
    mesh = plsc.VectorSubcoreMesh(core_axis_name="c", subcore_axis_name="s")
    nbuf = 10
    ngrp = seq // nbuf

    @functools.partial(
        pl.kernel,
        out_type=jax.ShapeDtypeStruct((seq, D // 8, batch // BB, 8 * BB),
                                      jnp.float32),
        mesh=mesh,
        scratch_types=(
            [pltpu.VMEM((seq, BB), jnp.int32)]
            + [pltpu.VMEM((10 * BB, D), jnp.float32)]
            + [pltpu.VMEM((10, D * BB), jnp.float32)]
            + [pltpu.SemaphoreType.DMA] * 20
        ),
        compiler_params=pltpu.CompilerParams(
            use_tc_tiling_on_sc=False, needs_layout_passes=False
        ),
    )
    def k(ids_hbm, table_hbm, out_hbm, idx_v, buf, bufT, *sems):
        gsem, osem = sems[:nbuf], sems[nbuf:]
        wid = lax.axis_index("s") * NC + lax.axis_index("c")
        pltpu.sync_copy(
            ids_hbm.at[pl.ds(0, seq), pl.ds(wid * BB, BB)], idx_v
        )

        iota16 = jnp.arange(16, dtype=jnp.int32)
        iota_hi = iota16 + 16
        iota_bb = iota16 * BB

        def start_gather(s, p):
            pltpu.async_copy(
                table_hbm.at[idx_v.at[s]],
                buf.at[pl.ds(p * BB, BB)],
                gsem[p],
            )

        def wait_gather(p):
            pltpu.make_async_copy(
                table_hbm.at[pl.ds(0, BB)],
                buf.at[pl.ds(p * BB, BB)],
                gsem[p],
            ).wait()

        def transpose(p):
            @plsc.parallel_loop(0, BB, 1, unroll=8)
            def _(b0):
                wb = lax.bitwise_and(iota16 + b0, BB - 1)
                rows = wb + p * BB
                sidx = iota_bb + wb
                v0 = plsc.load_gather(buf, [rows, iota16])
                plsc.store_scatter(bufT.at[p], [sidx], v0)
                v1 = plsc.load_gather(buf, [rows, iota_hi])
                plsc.store_scatter(bufT.at[p], [sidx + 16 * BB], v1)

        def start_out(s, p):
            for dt in range(D // 8):
                pltpu.async_copy(
                    bufT.at[p, pl.ds(dt * 8 * BB, 8 * BB)],
                    out_hbm.at[s, dt, wid],
                    osem[p],
                )

        def wait_out(p):
            for dt in range(D // 8):
                pltpu.make_async_copy(
                    bufT.at[p, pl.ds(0, 8 * BB)],
                    out_hbm.at[0, 0, 0],
                    osem[p],
                ).wait()

        for p in range(nbuf):
            start_gather(p, p)

        def body(g, carry):
            for p in range(nbuf):
                s = nbuf * g + p
                wait_gather(p)

                @pl.when(g > 0)
                def _():
                    wait_out(p)

                transpose(p)
                start_out(s, p)

                @pl.when(g < ngrp - 1)
                def _():
                    start_gather(s + nbuf, p)

            return carry

        lax.fori_loop(0, ngrp, body, 0)
        for p in range(nbuf):
            wait_out(p)

    return k(idsT, table)


def kernel(relation_ids, table):
    batch, seq = relation_ids.shape
    idsT = relation_ids.T.astype(jnp.int32)
    out4 = _sc_gather_t(idsT, table.astype(jnp.float32), seq, batch)
    out5 = out4.reshape(seq, D // 8, batch // BB, 8, BB)
    return out5.transpose(2, 4, 0, 1, 3).reshape(batch, seq, D)

# --- scband reference (transcript-rebuilt; emitter-appended) ---
"""Pipeline reference for scband-relation-encoder-87488483820039 (READ-ONLY COPY).

The authoritative reference and input builder live on the scoring server;
editing this copy changes nothing except your own understanding.
"""

import jax, jax.numpy as jnp
import numpy as np

VOCAB = 100000
EMBED_DIM = 32
BATCH = 4096
SEQ = 200

def setup_inputs(seed: int = 0) -> dict:
    key = jax.random.key(seed)
    k_idx, k_tab = jax.random.split(key)
    relation_ids = jax.random.randint(k_idx, (BATCH, SEQ), 0, VOCAB, dtype=jnp.int64 if jax.config.jax_enable_x64 else jnp.int32)
    # nn.Embedding default init: N(0, 1)
    table = jax.random.normal(k_tab, (VOCAB, EMBED_DIM), dtype=jnp.float32)
    return {"relation_ids": relation_ids, "table": table}

def reference(relation_ids, table):
    # RelationEncoder.forward: embedding lookup
    return jnp.take(table, relation_ids, axis=0)

if __name__ == "__main__":
    import jax
    _d = setup_inputs()
    print(jax.jit(kernel)(*tuple(_d.values())))

</pallas_src>

<mosaic_0001>
#map = affine_map<(d0, d1) -> (0, 0)>
#map1 = affine_map<(d0, d1) -> (0, 0, 0, 0)>
module attributes {stable_mosaic.version = 14 : i64} {
  func.func @k(%arg0: i32, %arg1: i32, %arg2: memref<200x4096xi32, #tpu.memory_space<hbm>>, %arg3: memref<100000x32xf32, #tpu.memory_space<hbm>>, %arg4: memref<200x4x32x1024xf32, #tpu.memory_space<hbm>>, %arg5: memref<200x128xi32, #tpu.memory_space<vmem>>, %arg6: memref<1280x32xf32, #tpu.memory_space<vmem>>, %arg7: memref<10x4096xf32, #tpu.memory_space<vmem>>, %arg8: memref<!tpu.dma_semaphore, #tpu.memory_space<semaphore_mem>>, %arg9: memref<!tpu.dma_semaphore, #tpu.memory_space<semaphore_mem>>, %arg10: memref<!tpu.dma_semaphore, #tpu.memory_space<semaphore_mem>>, %arg11: memref<!tpu.dma_semaphore, #tpu.memory_space<semaphore_mem>>, %arg12: memref<!tpu.dma_semaphore, #tpu.memory_space<semaphore_mem>>, %arg13: memref<!tpu.dma_semaphore, #tpu.memory_space<semaphore_mem>>, %arg14: memref<!tpu.dma_semaphore, #tpu.memory_space<semaphore_mem>>, %arg15: memref<!tpu.dma_semaphore, #tpu.memory_space<semaphore_mem>>, %arg16: memref<!tpu.dma_semaphore, #tpu.memory_space<semaphore_mem>>, %arg17: memref<!tpu.dma_semaphore, #tpu.memory_space<semaphore_mem>>, %arg18: memref<!tpu.dma_semaphore, #tpu.memory_space<semaphore_mem>>, %arg19: memref<!tpu.dma_semaphore, #tpu.memory_space<semaphore_mem>>, %arg20: memref<!tpu.dma_semaphore, #tpu.memory_space<semaphore_mem>>, %arg21: memref<!tpu.dma_semaphore, #tpu.memory_space<semaphore_mem>>, %arg22: memref<!tpu.dma_semaphore, #tpu.memory_space<semaphore_mem>>, %arg23: memref<!tpu.dma_semaphore, #tpu.memory_space<semaphore_mem>>, %arg24: memref<!tpu.dma_semaphore, #tpu.memory_space<semaphore_mem>>, %arg25: memref<!tpu.dma_semaphore, #tpu.memory_space<semaphore_mem>>, %arg26: memref<!tpu.dma_semaphore, #tpu.memory_space<semaphore_mem>>, %arg27: memref<!tpu.dma_semaphore, #tpu.memory_space<semaphore_mem>>) attributes {dimension_semantics = [#tpu.dimension_semantics<core_parallel>, #tpu.dimension_semantics<subcore_parallel>], iteration_bounds = array<i64: 2, 16>, scalar_prefetch = 0 : i64, scratch_operands = 23 : i64, tpu.core_type = #tpu.core_type<sc_vector_subcore>, window_params = [{transform_indices = #map}, {transform_indices = #map}, {transform_indices = #map1}]} {
    %mul3A = arith.constant 2 : i32
    %mul3A_0 = arith.muli %arg1, %mul3A : i32
    %add3A = arith.addi %mul3A_0, %arg0 : i32
    %mul3A_1 = arith.constant 128 : i32
    %mul3A_2 = arith.muli %add3A, %mul3A_1 : i32
    "tpu.region"() ({
      %run_scoped3A = tpu.sem_alloc : memref<!tpu.dma_semaphore, #tpu.memory_space<semaphore_mem>>
      %dma_start3A_752 = arith.constant 0 : i32
      %dma_start3A_753 = tpu.memref_slice %arg2[%dma_start3A_752, %mul3A_2] : memref<200x4096xi32, #tpu.memory_space<hbm>> -> memref<200x128xi32, #tpu.memory_space<hbm>>
      %dma_start3A_754 = arith.constant 0 : i32
      %dma_start3A_755 = tpu.memref_slice %arg2[%dma_start3A_754, %mul3A_2] : memref<200x4096xi32, #tpu.memory_space<hbm>> -> memref<200x128xi32, #tpu.memory_space<hbm>>
      tpu.enqueue_dma source(%dma_start3A_755 : memref<200x128xi32, #tpu.memory_space<hbm>>) target(%arg5 : memref<200x128xi32, #tpu.memory_space<vmem>>) target_semaphore(%run_scoped3A : memref<!tpu.dma_semaphore, #tpu.memory_space<semaphore_mem>>)
      %dma_wait3A_756 = arith.constant 0 : i32
      %dma_wait3A_757 = tpu.memref_slice %arg2[%dma_wait3A_756, %mul3A_2] : memref<200x4096xi32, #tpu.memory_space<hbm>> -> memref<200x128xi32, #tpu.memory_space<hbm>>
      %dma_wait3A_758 = arith.constant 0 : i32
      %dma_wait3A_759 = tpu.memref_slice %arg2[%dma_wait3A_758, %mul3A_2] : memref<200x4096xi32, #tpu.memory_space<hbm>> -> memref<200x128xi32, #tpu.memory_space<hbm>>
      tpu.wait_dma2 semaphore(%run_scoped3A : memref<!tpu.dma_semaphore, #tpu.memory_space<semaphore_mem>>) src(%dma_wait3A_759 : memref<200x128xi32, #tpu.memory_space<hbm>>) dst(%arg5 : memref<200x128xi32, #tpu.memory_space<vmem>>)
      tpu.yield
    }) : () -> ()
    %iota3A = tpu.iota {dimensions = array<i32: 0>} : vector<16xi32>
    %add3A_3 = arith.constant 16 : i32
    %add3A_4 = vector.broadcast %add3A_3 : i32 to vector<16xi32>
    %add3A_5 = arith.addi %iota3A, %add3A_4 : vector<16xi32>
    %mul3A_6 = arith.constant 128 : i32
    %mul3A_7 = vector.broadcast %mul3A_6 : i32 to vector<16xi32>
    %mul3A_8 = arith.muli %iota3A, %mul3A_7 : vector<16xi32>
    %dma_start3A = arith.constant 0 : i32
    %dma_start3A_9 = arith.constant 0 : i32
    %dma_start3A_10 = arith.constant 0 : i32
    %dma_start3A_11 = tpu.memref_slice %arg6[%dma_start3A_9, %dma_start3A_10] : memref<1280x32xf32, #tpu.memory_space<vmem>> -> memref<128x32xf32, #tpu.memory_space<vmem>>
    %dma_start3A_12 = arith.constant 0 : i32
    %dma_start3A_13 = tpu.memref_slice %arg5[%dma_start3A, %dma_start3A_12] : memref<200x128xi32, #tpu.memory_space<vmem>> -> memref<1x128xi32, #tpu.memory_space<vmem>>
    %dma_start3A_14 = tpu.memref_squeeze %dma_start3A_13 : memref<1x128xi32, #tpu.memory_space<vmem>> -> memref<128xi32, #tpu.memory_space<vmem>>
    %dma_start3A_15 = arith.constant 0 : i32
    %dma_start3A_16 = arith.constant 0 : i32
    %dma_start3A_17 = tpu.memref_slice %arg3[%dma_start3A_15, %dma_start3A_16] : memref<100000x32xf32, #tpu.memory_space<hbm>> -> memref<100000x32xf32, #tpu.memory_space<hbm>>
    tpu.enqueue_indirect_dma source(%dma_start3A_17 : memref<100000x32xf32, #tpu.memory_space<hbm>>) target(%dma_start3A_11 : memref<128x32xf32, #tpu.memory_space<vmem>>) offsets(%dma_start3A_14 : memref<128xi32, #tpu.memory_space<vmem>>) semaphore(%arg8 : memref<!tpu.dma_semaphore, #tpu.memory_space<semaphore_mem>>)
    %dma_start3A_18 = arith.constant 1 : i32
    %dma_start3A_19 = arith.constant 128 : i32
    %dma_start3A_20 = arith.constant 0 : i32
    %dma_start3A_21 = tpu.memref_slice %arg6[%dma_start3A_19, %dma_start3A_20] : memref<1280x32xf32, #tpu.memory_space<vmem>> -> memref<128x32xf32, #tpu.memory_space<vmem>>
    %dma_start3A_22 = arith.constant 0 : i32
    %dma_start3A_23 = tpu.memref_slice %arg5[%dma_start3A_18, %dma_start3A_22] : memref<200x128xi32, #tpu.memory_space<vmem>> -> memref<1x128xi32, #tpu.memory_space<vmem>>
    %dma_start3A_24 = tpu.memref_squeeze %dma_start3A_23 : memref<1x128xi32, #tpu.memory_space<vmem>> -> memref<128xi32, #tpu.memory_space<vmem>>
    %dma_start3A_25 = arith.constant 0 : i32
    %dma_start3A_26 = arith.constant 0 : i32
    %dma_start3A_27 = tpu.memref_slice %arg3[%dma_start3A_25, %dma_start3A_26] : memref<100000x32xf32, #tpu.memory_space<hbm>> -> memref<100000x32xf32, #tpu.memory_space<hbm>>
    tpu.enqueue_indirect_dma source(%dma_start3A_27 : memref<100000x32xf32, #tpu.memory_space<hbm>>) target(%dma_start3A_21 : memref<128x32xf32, #tpu.memory_space<vmem>>) offsets(%dma_start3A_24 : memref<128xi32, #tpu.memory_space<vmem>>) semaphore(%arg9 : memref<!tpu.dma_semaphore, #tpu.memory_space<semaphore_mem>>)
    %dma_start3A_28 = arith.constant 2 : i32
    %dma_start3A_29 = arith.constant 256 : i32
    %dma_start3A_30 = arith.constant 0 : i32
    %dma_start3A_31 = tpu.memref_slice %arg6[%dma_start3A_29, %dma_start3A_30] : memref<1280x32xf32, #tpu.memory_space<vmem>> -> memref<128x32xf32, #tpu.memory_space<vmem>>
    %dma_start3A_32 = arith.constant 0 : i32
    %dma_start3A_33 = tpu.memref_slice %arg5[%dma_start3A_28, %dma_start3A_32] : memref<200x128xi32, #tpu.memory_space<vmem>> -> memref<1x128xi32, #tpu.memory_space<vmem>>
    %dma_start3A_34 = tpu.memref_squeeze %dma_start3A_33 : memref<1x128xi32, #tpu.memory_space<vmem>> -> memref<128xi32, #tpu.memory_space<vmem>>
    %dma_start3A_35 = arith.constant 0 : i32
    %dma_start3A_36 = arith.constant 0 : i32
    %dma_start3A_37 = tpu.memref_slice %arg3[%dma_start3A_35, %dma_start3A_36] : memref<100000x32xf32, #tpu.memory_space<hbm>> -> memref<100000x32xf32, #tpu.memory_space<hbm>>
    tpu.enqueue_indirect_dma source(%dma_start3A_37 : memref<100000x32xf32, #tpu.memory_space<hbm>>) target(%dma_start3A_31 : memref<128x32xf32, #tpu.memory_space<vmem>>) offsets(%dma_start3A_34 : memref<128xi32, #tpu.memory_space<vmem>>) semaphore(%arg10 : memref<!tpu.dma_semaphore, #tpu.memory_space<semaphore_mem>>)
    %dma_start3A_38 = arith.constant 3 : i32
    %dma_start3A_39 = arith.constant 384 : i32
    %dma_start3A_40 = arith.constant 0 : i32
    %dma_start3A_41 = tpu.memref_slice %arg6[%dma_start3A_39, %dma_start3A_40] : memref<1280x32xf32, #tpu.memory_space<vmem>> -> memref<128x32xf32, #tpu.memory_space<vmem>>
    %dma_start3A_42 = arith.constant 0 : i32
    %dma_start3A_43 = tpu.memref_slice %arg5[%dma_start3A_38, %dma_start3A_42] : memref<200x128xi32, #tpu.memory_space<vmem>> -> memref<1x128xi32, #tpu.memory_space<vmem>>
    %dma_start3A_44 = tpu.memref_squeeze %dma_start3A_43 : memref<1x128xi32, #tpu.memory_space<vmem>> -> memref<128xi32, #tpu.memory_space<vmem>>
    %dma_start3A_45 = arith.constant 0 : i32
    %dma_start3A_46 = arith.constant 0 : i32
    %dma_start3A_47 = tpu.memref_slice %arg3[%dma_start3A_45, %dma_start3A_46] : memref<100000x32xf32, #tpu.memory_space<hbm>> -> memref<100000x32xf32, #tpu.memory_space<hbm>>
    tpu.enqueue_indirect_dma source(%dma_start3A_47 : memref<100000x32xf32, #tpu.memory_space<hbm>>) target(%dma_start3A_41 : memref<128x32xf32, #tpu.memory_space<vmem>>) offsets(%dma_start3A_44 : memref<128xi32, #tpu.memory_space<vmem>>) semaphore(%arg11 : memref<!tpu.dma_semaphore, #tpu.memory_space<semaphore_mem>>)
    %dma_start3A_48 = arith.constant 4 : i32
    %dma_start3A_49 = arith.constant 512 : i32
    %dma_start3A_50 = arith.constant 0 : i32
    %dma_start3A_51 = tpu.memref_slice %arg6[%dma_start3A_49, %dma_start3A_50] : memref<1280x32xf32, #tpu.memory_space<vmem>> -> memref<128x32xf32, #tpu.memory_space<vmem>>
    %dma_start3A_52 = arith.constant 0 : i32
    %dma_start3A_53 = tpu.memref_slice %arg5[%dma_start3A_48, %dma_start3A_52] : memref<200x128xi32, #tpu.memory_space<vmem>> -> memref<1x128xi32, #tpu.memory_space<vmem>>
    %dma_start3A_54 = tpu.memref_squeeze %dma_start3A_53 : memref<1x128xi32, #tpu.memory_space<vmem>> -> memref<128xi32, #tpu.memory_space<vmem>>
    %dma_start3A_55 = arith.constant 0 : i32
    %dma_start3A_56 = arith.constant 0 : i32
    %dma_start3A_57 = tpu.memref_slice %arg3[%dma_start3A_55, %dma_start3A_56] : memref<100000x32xf32, #tpu.memory_space<hbm>> -> memref<100000x32xf32, #tpu.memory_space<hbm>>
    tpu.enqueue_indirect_dma source(%dma_start3A_57 : memref<100000x32xf32, #tpu.memory_space<hbm>>) target(%dma_start3A_51 : memref<128x32xf32, #tpu.memory_space<vmem>>) offsets(%dma_start3A_54 : memref<128xi32, #tpu.memory_space<vmem>>) semaphore(%arg12 : memref<!tpu.dma_semaphore, #tpu.memory_space<semaphore_mem>>)
    %dma_start3A_58 = arith.constant 5 : i32
    %dma_start3A_59 = arith.constant 640 : i32
    %dma_start3A_60 = arith.constant 0 : i32
    %dma_start3A_61 = tpu.memref_slice %arg6[%dma_start3A_59, %dma_start3A_60] : memref<1280x32xf32, #tpu.memory_space<vmem>> -> memref<128x32xf32, #tpu.memory_space<vmem>>
    %dma_start3A_62 = arith.constant 0 : i32
    %dma_start3A_63 = tpu.memref_slice %arg5[%dma_start3A_58, %dma_start3A_62] : memref<200x128xi32, #tpu.memory_space<vmem>> -> memref<1x128xi32, #tpu.memory_space<vmem>>
    %dma_start3A_64 = tpu.memref_squeeze %dma_start3A_63 : memref<1x128xi32, #tpu.memory_space<vmem>> -> memref<128xi32, #tpu.memory_space<vmem>>
    %dma_start3A_65 = arith.constant 0 : i32
    %dma_start3A_66 = arith.constant 0 : i32
    %dma_start3A_67 = tpu.memref_slice %arg3[%dma_start3A_65, %dma_start3A_66] : memref<100000x32xf32, #tpu.memory_space<hbm>> -> memref<100000x32xf32, #tpu.memory_space<hbm>>
    tpu.enqueue_indirect_dma source(%dma_start3A_67 : memref<100000x32xf32, #tpu.memory_space<hbm>>) target(%dma_start3A_61 : memref<128x32xf32, #tpu.memory_space<vmem>>) offsets(%dma_start3A_64 : memref<128xi32, #tpu.memory_space<vmem>>) semaphore(%arg13 : memref<!tpu.dma_semaphore, #tpu.memory_space<semaphore_mem>>)
    %dma_start3A_68 = arith.constant 6 : i32
    %dma_start3A_69 = arith.constant 768 : i32
    %dma_start3A_70 = arith.constant 0 : i32
    %dma_start3A_71 = tpu.memref_slice %arg6[%dma_start3A_69, %dma_start3A_70] : memref<1280x32xf32, #tpu.memory_space<vmem>> -> memref<128x32xf32, #tpu.memory_space<vmem>>
    %dma_start3A_72 = arith.constant 0 : i32
    %dma_start3A_73 = tpu.memref_slice %arg5[%dma_start3A_68, %dma_start3A_72] : memref<200x128xi32, #tpu.memory_space<vmem>> -> memref<1x128xi32, #tpu.memory_space<vmem>>
    %dma_start3A_74 = tpu.memref_squeeze %dma_start3A_73 : memref<1x128xi32, #tpu.memory_space<vmem>> -> memref<128xi32, #tpu.memory_space<vmem>>
    %dma_start3A_75 = arith.constant 0 : i32
    %dma_start3A_76 = arith.constant 0 : i32
    %dma_start3A_77 = tpu.memref_slice %arg3[%dma_start3A_75, %dma_start3A_76] : memref<100000x32xf32, #tpu.memory_space<hbm>> -> memref<100000x32xf32, #tpu.memory_space<hbm>>
    tpu.enqueue_indirect_dma source(%dma_start3A_77 : memref<100000x32xf32, #tpu.memory_space<hbm>>) target(%dma_start3A_71 : memref<128x32xf32, #tpu.memory_space<vmem>>) offsets(%dma_start3A_74 : memref<128xi32, #tpu.memory_space<vmem>>) semaphore(%arg14 : memref<!tpu.dma_semaphore, #tpu.memory_space<semaphore_mem>>)
    %dma_start3A_78 = arith.constant 7 : i32
    %dma_start3A_79 = arith.constant 896 : i32
    %dma_start3A_80 = arith.constant 0 : i32
    %dma_start3A_81 = tpu.memref_slice %arg6[%dma_start3A_79, %dma_start3A_80] : memref<1280x32xf32, #tpu.memory_space<vmem>> -> memref<128x32xf32, #tpu.memory_space<vmem>>
    %dma_start3A_82 = arith.constant 0 : i32
    %dma_start3A_83 = tpu.memref_slice %arg5[%dma_start3A_78, %dma_start3A_82] : memref<200x128xi32, #tpu.memory_space<vmem>> -> memref<1x128xi32, #tpu.memory_space<vmem>>
    %dma_start3A_84 = tpu.memref_squeeze %dma_start3A_83 : memref<1x128xi32, #tpu.memory_space<vmem>> -> memref<128xi32, #tpu.memory_space<vmem>>
    %dma_start3A_85 = arith.constant 0 : i32
    %dma_start3A_86 = arith.constant 0 : i32
    %dma_start3A_87 = tpu.memref_slice %arg3[%dma_start3A_85, %dma_start3A_86] : memref<100000x32xf32, #tpu.memory_space<hbm>> -> memref<100000x32xf32, #tpu.memory_space<hbm>>
    tpu.enqueue_indirect_dma source(%dma_start3A_87 : memref<100000x32xf32, #tpu.memory_space<hbm>>) target(%dma_start3A_81 : memref<128x32xf32, #tpu.memory_space<vmem>>) offsets(%dma_start3A_84 : memref<128xi32, #tpu.memory_space<vmem>>) semaphore(%arg15 : memref<!tpu.dma_semaphore, #tpu.memory_space<semaphore_mem>>)
    %dma_start3A_88 = arith.constant 8 : i32
    %dma_start3A_89 = arith.constant 1024 : i32
    %dma_start3A_90 = arith.constant 0 : i32
    %dma_start3A_91 = tpu.memref_slice %arg6[%dma_start3A_89, %dma_start3A_90] : memref<1280x32xf32, #tpu.memory_space<vmem>> -> memref<128x32xf32, #tpu.memory_space<vmem>>
    %dma_start3A_92 = arith.constant 0 : i32
    %dma_start3A_93 = tpu.memref_slice %arg5[%dma_start3A_88, %dma_start3A_92] : memref<200x128xi32, #tpu.memory_space<vmem>> -> memref<1x128xi32, #tpu.memory_space<vmem>>
    %dma_start3A_94 = tpu.memref_squeeze %dma_start3A_93 : memref<1x128xi32, #tpu.memory_space<vmem>> -> memref<128xi32, #tpu.memory_space<vmem>>
    %dma_start3A_95 = arith.constant 0 : i32
    %dma_start3A_96 = arith.constant 0 : i32
    %dma_start3A_97 = tpu.memref_slice %arg3[%dma_start3A_95, %dma_start3A_96] : memref<100000x32xf32, #tpu.memory_space<hbm>> -> memref<100000x32xf32, #tpu.memory_space<hbm>>
    tpu.enqueue_indirect_dma source(%dma_start3A_97 : memref<100000x32xf32, #tpu.memory_space<hbm>>) target(%dma_start3A_91 : memref<128x32xf32, #tpu.memory_space<vmem>>) offsets(%dma_start3A_94 : memref<128xi32, #tpu.memory_space<vmem>>) semaphore(%arg16 : memref<!tpu.dma_semaphore, #tpu.memory_space<semaphore_mem>>)
    %dma_start3A_98 = arith.constant 9 : i32
    %dma_start3A_99 = arith.constant 1152 : i32
    %dma_start3A_100 = arith.constant 0 : i32
    %dma_start3A_101 = tpu.memref_slice %arg6[%dma_start3A_99, %dma_start3A_100] : memref<1280x32xf32, #tpu.memory_space<vmem>> -> memref<128x32xf32, #tpu.memory_space<vmem>>
    %dma_start3A_102 = arith.constant 0 : i32
    %dma_start3A_103 = tpu.memref_slice %arg5[%dma_start3A_98, %dma_start3A_102] : memref<200x128xi32, #tpu.memory_space<vmem>> -> memref<1x128xi32, #tpu.memory_space<vmem>>
    %dma_start3A_104 = tpu.memref_squeeze %dma_start3A_103 : memref<1x128xi32, #tpu.memory_space<vmem>> -> memref<128xi32, #tpu.memory_space<vmem>>
    %dma_start3A_105 = arith.constant 0 : i32
    %dma_start3A_106 = arith.constant 0 : i32
    %dma_start3A_107 = tpu.memref_slice %arg3[%dma_start3A_105, %dma_start3A_106] : memref<100000x32xf32, #tpu.memory_space<hbm>> -> memref<100000x32xf32, #tpu.memory_space<hbm>>
    tpu.enqueue_indirect_dma source(%dma_start3A_107 : memref<100000x32xf32, #tpu.memory_space<hbm>>) target(%dma_start3A_101 : memref<128x32xf32, #tpu.memory_space<vmem>>) offsets(%dma_start3A_104 : memref<128xi32, #tpu.memory_space<vmem>>) semaphore(%arg17 : memref<!tpu.dma_semaphore, #tpu.memory_space<semaphore_mem>>)
    %scan3A = arith.constant 0 : i32
    %scan3A_108 = arith.constant 0 : i32
    %scan3A_109 = arith.constant 20 : i32
    %scan3A_110 = arith.addi %scan3A_108, %scan3A_109 : i32
    %scan3A_111 = arith.constant 1 : i32
    scf.for %scan3A_752 = %scan3A_108 to %scan3A_110 step %scan3A_111  : i32 {
      %mul3A_753 = arith.constant 10 : i32
      %mul3A_754 = arith.muli %mul3A_753, %scan3A_752 : i32
      %add3A_755 = arith.constant 0 : i32
      %add3A_756 = arith.addi %mul3A_754, %add3A_755 : i32
      %dma_wait3A_757 = arith.constant 0 : i32
      %dma_wait3A_758 = arith.constant 0 : i32
      %dma_wait3A_759 = tpu.memref_slice %arg6[%dma_wait3A_757, %dma_wait3A_758] : memref<1280x32xf32, #tpu.memory_space<vmem>> -> memref<128x32xf32, #tpu.memory_space<vmem>>
      %dma_wait3A_760 = arith.constant 0 : i32
      %dma_wait3A_761 = arith.constant 0 : i32
      %dma_wait3A_762 = tpu.memref_slice %arg3[%dma_wait3A_760, %dma_wait3A_761] : memref<100000x32xf32, #tpu.memory_space<hbm>> -> memref<128x32xf32, #tpu.memory_space<hbm>>
      %dma_wait3A_763 = arith.constant 0 : i32
      %dma_wait3A_764 = arith.constant 0 : i32
      %dma_wait3A_765 = tpu.memref_slice %arg6[%dma_wait3A_763, %dma_wait3A_764] : memref<1280x32xf32, #tpu.memory_space<vmem>> -> memref<128x32xf32, #tpu.memory_space<vmem>>
      %dma_wait3A_766 = arith.constant 0 : i32
      %dma_wait3A_767 = arith.constant 0 : i32
      %dma_wait3A_768 = tpu.memref_slice %arg3[%dma_wait3A_766, %dma_wait3A_767] : memref<100000x32xf32, #tpu.memory_space<hbm>> -> memref<128x32xf32, #tpu.memory_space<hbm>>
      tpu.wait_dma2 semaphore(%arg8 : memref<!tpu.dma_semaphore, #tpu.memory_space<semaphore_mem>>) src(%dma_wait3A_768 : memref<128x32xf32, #tpu.memory_space<hbm>>) dst(%dma_wait3A_765 : memref<128x32xf32, #tpu.memory_space<vmem>>)
      %gt3A = arith.constant 0 : i32
      %gt3A_769 = arith.cmpi sgt, %scan3A_752, %gt3A : i32
      %convert_element_type3A = arith.extui %gt3A_769 : i1 to i32
      %cond3A = arith.constant 0 : i32
      %cond3A_770 = arith.cmpi ne, %convert_element_type3A, %cond3A : i32
      scf.if %cond3A_770 {
        %dma_wait3A_1598 = arith.constant 0 : i32
        %dma_wait3A_1599 = arith.constant 0 : i32
        %dma_wait3A_1600 = arith.constant 0 : i32
        %dma_wait3A_1601 = arith.constant 0 : i32
        %dma_wait3A_1602 = arith.constant 0 : i32
        %dma_wait3A_1603 = tpu.memref_slice %arg7[%dma_wait3A_1598, %dma_wait3A_1602] : memref<10x4096xf32, #tpu.memory_space<vmem>> -> memref<1x1024xf32, #tpu.memory_space<vmem>>
        %dma_wait3A_1604 = tpu.memref_squeeze %dma_wait3A_1603 : memref<1x1024xf32, #tpu.memory_space<vmem>> -> memref<1024xf32, #tpu.memory_space<vmem>>
        %dma_wait3A_1605 = arith.constant 0 : i32
        %dma_wait3A_1606 = tpu.memref_slice %arg4[%dma_wait3A_1599, %dma_wait3A_1600, %dma_wait3A_1601, %dma_wait3A_1605] : memref<200x4x32x1024xf32, #tpu.memory_space<hbm>> -> memref<1x1x1x1024xf32, #tpu.memory_space<hbm>>
        %dma_wait3A_1607 = tpu.memref_squeeze %dma_wait3A_1606 : memref<1x1x1x1024xf32, #tpu.memory_space<hbm>> -> memref<1024xf32, #tpu.memory_space<hbm>>
        %dma_wait3A_1608 = arith.constant 0 : i32
        %dma_wait3A_1609 = tpu.memref_slice %arg4[%dma_wait3A_1599, %dma_wait3A_1600, %dma_wait3A_1601, %dma_wait3A_1608] : memref<200x4x32x1024xf32, #tpu.memory_space<hbm>> -> memref<1x1x1x1024xf32, #tpu.memory_space<hbm>>
        %dma_wait3A_1610 = tpu.memref_squeeze %dma_wait3A_1609 : memref<1x1x1x1024xf32, #tpu.memory_space<hbm>> -> memref<1024xf32, #tpu.memory_space<hbm>>
        %dma_wait3A_1611 = arith.constant 0 : i32
        %dma_wait3A_1612 = tpu.memref_slice %arg7[%dma_wait3A_1598, %dma_wait3A_1611] : memref<10x4096xf32, #tpu.memory_space<vmem>> -> memref<1x1024xf32, #tpu.memory_space<vmem>>
        %dma_wait3A_1613 = tpu.memref_squeeze %dma_wait3A_1612 : memref<1x1024xf32, #tpu.memory_space<vmem>> -> memref<1024xf32, #tpu.memory_space<vmem>>
        tpu.wait_dma2 semaphore(%arg18 : memref<!tpu.dma_semaphore, #tpu.memory_space<semaphore_mem>>) src(%dma_wait3A_1613 : memref<1024xf32, #tpu.memory_space<vmem>>) dst(%dma_wait3A_1610 : memref<1024xf32, #tpu.memory_space<hbm>>)
        %dma_wait3A_1614 = arith.constant 0 : i32
        %dma_wait3A_1615 = arith.constant 0 : i32
        %dma_wait3A_1616 = arith.constant 0 : i32
        %dma_wait3A_1617 = arith.constant 0 : i32
        %dma_wait3A_1618 = arith.constant 0 : i32
        %dma_wait3A_1619 = tpu.memref_slice %arg7[%dma_wait3A_1614, %dma_wait3A_1618] : memref<10x4096xf32, #tpu.memory_space<vmem>> -> memref<1x1024xf32, #tpu.memory_space<vmem>>
        %dma_wait3A_1620 = tpu.memref_squeeze %dma_wait3A_1619 : memref<1x1024xf32, #tpu.memory_space<vmem>> -> memref<1024xf32, #tpu.memory_space<vmem>>
        %dma_wait3A_1621 = arith.constant 0 : i32
        %dma_wait3A_1622 = tpu.memref_slice %arg4[%dma_wait3A_1615, %dma_wait3A_1616, %dma_wait3A_1617, %dma_wait3A_1621] : memref<200x4x32x1024xf32, #tpu.memory_space<hbm>> -> memref<1x1x1x1024xf32, #tpu.memory_space<hbm>>
        %dma_wait3A_1623 = tpu.memref_squeeze %dma_wait3A_1622 : memref<1x1x1x1024xf32, #tpu.memory_space<hbm>> -> memref<1024xf32, #tpu.memory_space<hbm>>
        %dma_wait3A_1624 = arith.constant 0 : i32
        %dma_wait3A_1625 = tpu.memref_slice %arg4[%dma_wait3A_1615, %dma_wait3A_1616, %dma_wait3A_1617, %dma_wait3A_1624] : memref<200x4x32x1024xf32, #tpu.memory_space<hbm>> -> memref<1x1x1x1024xf32, #tpu.memory_space<hbm>>
        %dma_wait3A_1626 = tpu.memref_squeeze %dma_wait3A_1625 : memref<1x1x1x1024xf32, #tpu.memory_space<hbm>> -> memref<1024xf32, #tpu.memory_space<hbm>>
        %dma_wait3A_1627 = arith.constant 0 : i32
        %dma_wait3A_1628 = tpu.memref_slice %arg7[%dma_wait3A_1614, %dma_wait3A_1627] : memref<10x4096xf32, #tpu.memory_space<vmem>> -> memref<1x1024xf32, #tpu.memory_space<vmem>>
        %dma_wait3A_1629 = tpu.memref_squeeze %dma_wait3A_1628 : memref<1x1024xf32, #tpu.memory_space<vmem>> -> memref<1024xf32, #tpu.memory_space<vmem>>
        tpu.wait_dma2 semaphore(%arg18 : memref<!tpu.dma_semaphore, #tpu.memory_space<semaphore_mem>>) src(%dma_wait3A_1629 : memref<1024xf32, #tpu.memory_space<vmem>>) dst(%dma_wait3A_1626 : memref<1024xf32, #tpu.memory_space<hbm>>)
        %dma_wait3A_1630 = arith.constant 0 : i32
        %dma_wait3A_1631 = arith.constant 0 : i32
        %dma_wait3A_1632 = arith.constant 0 : i32
        %dma_wait3A_1633 = arith.constant 0 : i32
        %dma_wait3A_1634 = arith.constant 0 : i32
        %dma_wait3A_1635 = tpu.memref_slice %arg7[%dma_wait3A_1630, %dma_wait3A_1634] : memref<10x4096xf32, #tpu.memory_space<vmem>> -> memref<1x1024xf32, #tpu.memory_space<vmem>>
        %dma_wait3A_1636 = tpu.memref_squeeze %dma_wait3A_1635 : memref<1x1024xf32, #tpu.memory_space<vmem>> -> memref<1024xf32, #tpu.memory_space<vmem>>
        %dma_wait3A_1637 = arith.constant 0 : i32
        %dma_wait3A_1638 = tpu.memref_slice %arg4[%dma_wait3A_1631, %dma_wait3A_1632, %dma_wait3A_1633, %dma_wait3A_1637] : memref<200x4x32x1024xf32, #tpu.memory_space<hbm>> -> memref<1x1x1x1024xf32, #tpu.memory_space<hbm>>
        %dma_wait3A_1639 = tpu.memref_squeeze %dma_wait3A_1638 : memref<1x1x1x1024xf32, #tpu.memory_space<hbm>> -> memref<1024xf32, #tpu.memory_space<hbm>>
        %dma_wait3A_1640 = arith.constant 0 : i32
        %dma_wait3A_1641 = tpu.memref_slice %arg4[%dma_wait3A_1631, %dma_wait3A_1632, %dma_wait3A_1633, %dma_wait3A_1640] : memref<200x4x32x1024xf32, #tpu.memory_space<hbm>> -> memref<1x1x1x1024xf32, #tpu.memory_space<hbm>>
        %dma_wait3A_1642 = tpu.memref_squeeze %dma_wait3A_1641 : memref<1x1x1x1024xf32, #tpu.memory_space<hbm>> -> memref<1024xf32, #tpu.memory_space<hbm>>
        %dma_wait3A_1643 = arith.constant 0 : i32
        %dma_wait3A_1644 = tpu.memref_slice %arg7[%dma_wait3A_1630, %dma_wait3A_1643] : memref<10x4096xf32, #tpu.memory_space<vmem>> -> memref<1x1024xf32, #tpu.memory_space<vmem>>
        %dma_wait3A_1645 = tpu.memref_squeeze %dma_wait3A_1644 : memref<1x1024xf32, #tpu.memory_space<vmem>> -> memref<1024xf32, #tpu.memory_space<vmem>>
        tpu.wait_dma2 semaphore(%arg18 : memref<!tpu.dma_semaphore, #tpu.memory_space<semaphore_mem>>) src(%dma_wait3A_1645 : memref<1024xf32, #tpu.memory_space<vmem>>) dst(%dma_wait3A_1642 : memref<1024xf32, #tpu.memory_space<hbm>>)
        %dma_wait3A_1646 = arith.constant 0 : i32
        %dma_wait3A_1647 = arith.constant 0 : i32
        %dma_wait3A_1648 = arith.constant 0 : i32
        %dma_wait3A_1649 = arith.constant 0 : i32
        %dma_wait3A_1650 = arith.constant 0 : i32
        %dma_wait3A_1651 = tpu.memref_slice %arg7[%dma_wait3A_1646, %dma_wait3A_1650] : memref<10x4096xf32, #tpu.memory_space<vmem>> -> memref<1x1024xf32, #tpu.memory_space<vmem>>
        %dma_wait3A_1652 = tpu.memref_squeeze %dma_wait3A_1651 : memref<1x1024xf32, #tpu.memory_space<vmem>> -> memref<1024xf32, #tpu.memory_space<vmem>>
        %dma_wait3A_1653 = arith.constant 0 : i32
        %dma_wait3A_1654 = tpu.memref_slice %arg4[%dma_wait3A_1647, %dma_wait3A_1648, %dma_wait3A_1649, %dma_wait3A_1653] : memref<200x4x32x1024xf32, #tpu.memory_space<hbm>> -> memref<1x1x1x1024xf32, #tpu.memory_space<hbm>>
        %dma_wait3A_1655 = tpu.memref_squeeze %dma_wait3A_1654 : memref<1x1x1x1024xf32, #tpu.memory_space<hbm>> -> memref<1024xf32, #tpu.memory_space<hbm>>
        %dma_wait3A_1656 = arith.constant 0 : i32
        %dma_wait3A_1657 = tpu.memref_slice %arg4[%dma_wait3A_1647, %dma_wait3A_1648, %dma_wait3A_1649, %dma_wait3A_1656] : memref<200x4x32x1024xf32, #tpu.memory_space<hbm>> -> memref<1x1x1x1024xf32, #tpu.memory_space<hbm>>
        %dma_wait3A_1658 = tpu.memref_squeeze %dma_wait3A_1657 : memref<1x1x1x1024xf32, #tpu.memory_space<hbm>> -> memref<1024xf32, #tpu.memory_space<hbm>>
        %dma_wait3A_1659 = arith.constant 0 : i32
        %dma_wait3A_1660 = tpu.memref_slice %arg7[%dma_wait3A_1646, %dma_wait3A_1659] : memref<10x4096xf32, #tpu.memory_space<vmem>> -> memref<1x1024xf32, #tpu.memory_space<vmem>>
        %dma_wait3A_1661 = tpu.memref_squeeze %dma_wait3A_1660 : memref<1x1024xf32, #tpu.memory_space<vmem>> -> memref<1024xf32, #tpu.memory_space<vmem>>
        tpu.wait_dma2 semaphore(%arg18 : memref<!tpu.dma_semaphore, #tpu.memory_space<semaphore_mem>>) src(%dma_wait3A_1661 : memref<1024xf32, #tpu.memory_space<vmem>>) dst(%dma_wait3A_1658 : memref<1024xf32, #tpu.memory_space<hbm>>)
      } else {
      }
      %parallel_loop3A = arith.constant 0 : i32
      %parallel_loop3A_771 = arith.constant 128 : i32
      %parallel_loop3A_772 = arith.constant 1 : i32
      scf.for %parallel_loop3A_1598 = %parallel_loop3A to %parallel_loop3A_771 step %parallel_loop3A_772  : i32 {
        %parallel_loop3A_1599 = vector.broadcast %parallel_loop3A_1598 : i32 to vector<16xi32>
        %parallel_loop3A_1600 = arith.addi %iota3A, %parallel_loop3A_1599 : vector<16xi32>
        %parallel_loop3A_1601 = arith.constant 127 : i32
        %parallel_loop3A_1602 = vector.broadcast %parallel_loop3A_1601 : i32 to vector<16xi32>
        %parallel_loop3A_1603 = arith.andi %parallel_loop3A_1600, %parallel_loop3A_1602 : vector<16xi32>
        %parallel_loop3A_1604 = arith.constant 0 : i32
        %parallel_loop3A_1605 = vector.broadcast %parallel_loop3A_1604 : i32 to vector<16xi32>
        %parallel_loop3A_1606 = arith.addi %parallel_loop3A_1603, %parallel_loop3A_1605 : vector<16xi32>
        %parallel_loop3A_1607 = arith.addi %mul3A_8, %parallel_loop3A_1603 : vector<16xi32>
        %parallel_loop3A_1608 = tpu.vector_load_idx %arg6[%parallel_loop3A_1606, %iota3A] : memref<1280x32xf32, #tpu.memory_space<vmem>>[vector<16xi32>, vector<16xi32>], vector<16xf32>,
        %parallel_loop3A_1609 = arith.constant 0 : i32
        %parallel_loop3A_1610 = arith.constant 0 : i32
        %parallel_loop3A_1611 = tpu.memref_slice %arg7[%parallel_loop3A_1609, %parallel_loop3A_1610] : memref<10x4096xf32, #tpu.memory_space<vmem>> -> memref<1x4096xf32, #tpu.memory_space<vmem>>
        %parallel_loop3A_1612 = tpu.memref_squeeze %parallel_loop3A_1611 : memref<1x4096xf32, #tpu.memory_space<vmem>> -> memref<4096xf32, #tpu.memory_space<vmem>>
        tpu.vector_store_idx %parallel_loop3A_1612[%parallel_loop3A_1607], %parallel_loop3A_1608 : memref<4096xf32, #tpu.memory_space<vmem>>[vector<16xi32>], vector<16xf32>,
        %parallel_loop3A_1613 = tpu.vector_load_idx %arg6[%parallel_loop3A_1606, %add3A_5] : memref<1280x32xf32, #tpu.memory_space<vmem>>[vector<16xi32>, vector<16xi32>], vector<16xf32>,
        %parallel_loop3A_1614 = arith.constant 2048 : i32
        %parallel_loop3A_1615 = vector.broadcast %parallel_loop3A_1614 : i32 to vector<16xi32>
        %parallel_loop3A_1616 = arith.addi %parallel_loop3A_1607, %parallel_loop3A_1615 : vector<16xi32>
        %parallel_loop3A_1617 = arith.constant 0 : i32
        %parallel_loop3A_1618 = arith.constant 0 : i32
        %parallel_loop3A_1619 = tpu.memref_slice %arg7[%parallel_loop3A_1617, %parallel_loop3A_1618] : memref<10x4096xf32, #tpu.memory_space<vmem>> -> memref<1x4096xf32, #tpu.memory_space<vmem>>
        %parallel_loop3A_1620 = tpu.memref_squeeze %parallel_loop3A_1619 : memref<1x4096xf32, #tpu.memory_space<vmem>> -> memref<4096xf32, #tpu.memory_space<vmem>>
        tpu.vector_store_idx %parallel_loop3A_1620[%parallel_loop3A_1616], %parallel_loop3A_1613 : memref<4096xf32, #tpu.memory_space<vmem>>[vector<16xi32>], vector<16xf32>,
      } {sc.loop_unroll_factor = 8 : i64, sc.parallel_access}
      %dma_start3A_773 = arith.constant 0 : i32
      %dma_start3A_774 = arith.constant 0 : i32
      %dma_start3A_775 = arith.constant 0 : i32
      %dma_start3A_776 = tpu.memref_slice %arg7[%dma_start3A_773, %dma_start3A_775] : memref<10x4096xf32, #tpu.memory_space<vmem>> -> memref<1x1024xf32, #tpu.memory_space<vmem>>
      %dma_start3A_777 = tpu.memref_squeeze %dma_start3A_776 : memref<1x1024xf32, #tpu.memory_space<vmem>> -> memref<1024xf32, #tpu.memory_space<vmem>>
      %dma_start3A_778 = arith.constant 0 : i32
      %dma_start3A_779 = tpu.memref_slice %arg4[%add3A_756, %dma_start3A_774, %add3A, %dma_start3A_778] : memref<200x4x32x1024xf32, #tpu.memory_space<hbm>> -> memref<1x1x1x1024xf32, #tpu.memory_space<hbm>>
      %dma_start3A_780 = tpu.memref_squeeze %dma_start3A_779 : memref<1x1x1x1024xf32, #tpu.memory_space<hbm>> -> memref<1024xf32, #tpu.memory_space<hbm>>
      %dma_start3A_781 = arith.constant 0 : i32
      %dma_start3A_782 = tpu.memref_slice %arg4[%add3A_756, %dma_start3A_774, %add3A, %dma_start3A_781] : memref<200x4x32x1024xf32, #tpu.memory_space<hbm>> -> memref<1x1x1x1024xf32, #tpu.memory_space<hbm>>
      %dma_start3A_783 = tpu.memref_squeeze %dma_start3A_782 : memref<1x1x1x1024xf32, #tpu.memory_space<hbm>> -> memref<1024xf32, #tpu.memory_space<hbm>>
      %dma_start3A_784 = arith.constant 0 : i32
      %dma_start3A_785 = tpu.memref_slice %arg7[%dma_start3A_773, %dma_start3A_784] : memref<10x4096xf32, #tpu.memory_space<vmem>> -> memref<1x1024xf32, #tpu.memory_space<vmem>>
      %dma_start3A_786 = tpu.memref_squeeze %dma_start3A_785 : memref<1x1024xf32, #tpu.memory_space<vmem>> -> memref<1024xf32, #tpu.memory_space<vmem>>
      tpu.enqueue_dma source(%dma_start3A_786 : memref<1024xf32, #tpu.memory_space<vmem>>) target(%dma_start3A_783 : memref<1024xf32, #tpu.memory_space<hbm>>) target_semaphore(%arg18 : memref<!tpu.dma_semaphore, #tpu.memory_space<semaphore_mem>>)
      %dma_start3A_787 = arith.constant 0 : i32
      %dma_start3A_788 = arith.constant 1 : i32
      %dma_start3A_789 = arith.constant 1024 : i32
      %dma_start3A_790 = tpu.memref_slice %arg7[%dma_start3A_787, %dma_start3A_789] : memref<10x4096xf32, #tpu.memory_space<vmem>> -> memref<1x1024xf32, #tpu.memory_space<vmem>>
      %dma_start3A_791 = tpu.memref_squeeze %dma_start3A_790 : memref<1x1024xf32, #tpu.memory_space<vmem>> -> memref<1024xf32, #tpu.memory_space<vmem>>
      %dma_start3A_792 = arith.constant 0 : i32
      %dma_start3A_793 = tpu.memref_slice %arg4[%add3A_756, %dma_start3A_788, %add3A, %dma_start3A_792] : memref<200x4x32x1024xf32, #tpu.memory_space<hbm>> -> memref<1x1x1x1024xf32, #tpu.memory_space<hbm>>
      %dma_start3A_794 = tpu.memref_squeeze %dma_start3A_793 : memref<1x1x1x1024xf32, #tpu.memory_space<hbm>> -> memref<1024xf32, #tpu.memory_space<hbm>>
      %dma_start3A_795 = arith.constant 0 : i32
      %dma_start3A_796 = tpu.memref_slice %arg4[%add3A_756, %dma_start3A_788, %add3A, %dma_start3A_795] : memref<200x4x32x1024xf32, #tpu.memory_space<hbm>> -> memref<1x1x1x1024xf32, #tpu.memory_space<hbm>>
      %dma_start3A_797 = tpu.memref_squeeze %dma_start3A_796 : memref<1x1x1x1024xf32, #tpu.memory_space<hbm>> -> memref<1024xf32, #tpu.memory_space<hbm>>
      %dma_start3A_798 = arith.constant 1024 : i32
      %dma_start3A_799 = tpu.memref_slice %arg7[%dma_start3A_787, %dma_start3A_798] : memref<10x4096xf32, #tpu.memory_space<vmem>> -> memref<1x1024xf32, #tpu.memory_space<vmem>>
      %dma_start3A_800 = tpu.memref_squeeze %dma_start3A_799 : memref<1x1024xf32, #tpu.memory_space<vmem>> -> memref<1024xf32, #tpu.memory_space<vmem>>
      tpu.enqueue_dma source(%dma_start3A_800 : memref<1024xf32, #tpu.memory_space<vmem>>) target(%dma_start3A_797 : memref<1024xf32, #tpu.memory_space<hbm>>) target_semaphore(%arg18 : memref<!tpu.dma_semaphore, #tpu.memory_space<semaphore_mem>>)
      %dma_start3A_801 = arith.constant 0 : i32
      %dma_start3A_802 = arith.constant 2 : i32
      %dma_start3A_803 = arith.constant 2048 : i32
      %dma_start3A_804 = tpu.memref_slice %arg7[%dma_start3A_801, %dma_start3A_803] : memref<10x4096xf32, #tpu.memory_space<vmem>> -> memref<1x1024xf32, #tpu.memory_space<vmem>>
      %dma_start3A_805 = tpu.memref_squeeze %dma_start3A_804 : memref<1x1024xf32, #tpu.memory_space<vmem>> -> memref<1024xf32, #tpu.memory_space<vmem>>
      %dma_start3A_806 = arith.constant 0 : i32
      %dma_start3A_807 = tpu.memref_slice %arg4[%add3A_756, %dma_start3A_802, %add3A, %dma_start3A_806] : memref<200x4x32x1024xf32, #tpu.memory_space<hbm>> -> memref<1x1x1x1024xf32, #tpu.memory_space<hbm>>
      %dma_start3A_808 = tpu.memref_squeeze %dma_start3A_807 : memref<1x1x1x1024xf32, #tpu.memory_space<hbm>> -> memref<1024xf32, #tpu.memory_space<hbm>>
      %dma_start3A_809 = arith.constant 0 : i32
      %dma_start3A_810 = tpu.memref_slice %arg4[%add3A_756, %dma_start3A_802, %add3A, %dma_start3A_809] : memref<200x4x32x1024xf32, #tpu.memory_space<hbm>> -> memref<1x1x1x1024xf32, #tpu.memory_space<hbm>>
      %dma_start3A_811 = tpu.memref_squeeze %dma_start3A_810 : memref<1x1x1x1024xf32, #tpu.memory_space<hbm>> -> memref<1024xf32, #tpu.memory_space<hbm>>
      %dma_start3A_812 = arith.constant 2048 : i32
      %dma_start3A_813 = tpu.memref_slice %arg7[%dma_start3A_801, %dma_start3A_812] : memref<10x4096xf32, #tpu.memory_space<vmem>> -> memref<1x1024xf32, #tpu.memory_space<vmem>>
      %dma_start3A_814 = tpu.memref_squeeze %dma_start3A_813 : memref<1x1024xf32, #tpu.memory_space<vmem>> -> memref<1024xf32, #tpu.memory_space<vmem>>
      tpu.enqueue_dma source(%dma_start3A_814 : memref<1024xf32, #tpu.memory_space<vmem>>) target(%dma_start3A_811 : memref<1024xf32, #tpu.memory_space<hbm>>) target_semaphore(%arg18 : memref<!tpu.dma_semaphore, #tpu.memory_space<semaphore_mem>>)
      %dma_start3A_815 = arith.constant 0 : i32
      %dma_start3A_816 = arith.constant 3 : i32
      %dma_start3A_817 = arith.constant 3072 : i32
      %dma_start3A_818 = tpu.memref_slice %arg7[%dma_start3A_815, %dma_start3A_817] : memref<10x4096xf32, #tpu.memory_space<vmem>> -> memref<1x1024xf32, #tpu.memory_space<vmem>>
      %dma_start3A_819 = tpu.memref_squeeze %dma_start3A_818 : memref<1x1024xf32, #tpu.memory_space<vmem>> -> memref<1024xf32, #tpu.memory_space<vmem>>
      %dma_start3A_820 = arith.constant 0 : i32
      %dma_start3A_821 = tpu.memref_slice %arg4[%add3A_756, %dma_start3A_816, %add3A, %dma_start3A_820] : memref<200x4x32x1024xf32, #tpu.memory_space<hbm>> -> memref<1x1x1x1024xf32, #tpu.memory_space<hbm>>
      %dma_start3A_822 = tpu.memref_squeeze %dma_start3A_821 : memref<1x1x1x1024xf32, #tpu.memory_space<hbm>> -> memref<1024xf32, #tpu.memory_space<hbm>>
      %dma_start3A_823 = arith.constant 0 : i32
      %dma_start3A_824 = tpu.memref_slice %arg4[%add3A_756, %dma_start3A_816, %add3A, %dma_start3A_823] : memref<200x4x32x1024xf32, #tpu.memory_space<hbm>> -> memref<1x1x1x1024xf32, #tpu.memory_space<hbm>>
      %dma_start3A_825 = tpu.memref_squeeze %dma_start3A_824 : memref<1x1x1x1024xf32, #tpu.memory_space<hbm>> -> memref<1024xf32, #tpu.memory_space<hbm>>
      %dma_start3A_826 = arith.constant 3072 : i32
      %dma_start3A_827 = tpu.memref_slice %arg7[%dma_start3A_815, %dma_start3A_826] : memref<10x4096xf32, #tpu.memory_space<vmem>> -> memref<1x1024xf32, #tpu.memory_space<vmem>>
      %dma_start3A_828 = tpu.memref_squeeze %dma_start3A_827 : memref<1x1024xf32, #tpu.memory_space<vmem>> -> memref<1024xf32, #tpu.memory_space<vmem>>
      tpu.enqueue_dma source(%dma_start3A_828 : memref<1024xf32, #tpu.memory_space<vmem>>) target(%dma_start3A_825 : memref<1024xf32, #tpu.memory_space<hbm>>) target_semaphore(%arg18 : memref<!tpu.dma_semaphore, #tpu.memory_space<semaphore_mem>>)
      %lt3A = arith.constant 19 : i32
      %lt3A_829 = arith.cmpi slt, %scan3A_752, %lt3A : i32
      %convert_element_type3A_830 = arith.extui %lt3A_829 : i1 to i32
      %cond3A_831 = arith.constant 0 : i32
      %cond3A_832 = arith.cmpi ne, %convert_element_type3A_830, %cond3A_831 : i32
      scf.if %cond3A_832 {
        %add3A_1598 = arith.constant 10 : i32
        %add3A_1599 = arith.addi %add3A_756, %add3A_1598 : i32
        %dma_start3A_1600 = arith.constant 0 : i32
        %dma_start3A_1601 = arith.constant 0 : i32
        %dma_start3A_1602 = tpu.memref_slice %arg6[%dma_start3A_1600, %dma_start3A_1601] : memref<1280x32xf32, #tpu.memory_space<vmem>> -> memref<128x32xf32, #tpu.memory_space<vmem>>
        %dma_start3A_1603 = arith.constant 0 : i32
        %dma_start3A_1604 = tpu.memref_slice %arg5[%add3A_1599, %dma_start3A_1603] : memref<200x128xi32, #tpu.memory_space<vmem>> -> memref<1x128xi32, #tpu.memory_space<vmem>>
        %dma_start3A_1605 = tpu.memref_squeeze %dma_start3A_1604 : memref<1x128xi32, #tpu.memory_space<vmem>> -> memref<128xi32, #tpu.memory_space<vmem>>
        %dma_start3A_1606 = arith.constant 0 : i32
        %dma_start3A_1607 = arith.constant 0 : i32
        %dma_start3A_1608 = tpu.memref_slice %arg3[%dma_start3A_1606, %dma_start3A_1607] : memref<100000x32xf32, #tpu.memory_space<hbm>> -> memref<100000x32xf32, #tpu.memory_space<hbm>>
        tpu.enqueue_indirect_dma source(%dma_start3A_1608 : memref<100000x32xf32, #tpu.memory_space<hbm>>) target(%dma_start3A_1602 : memref<128x32xf32, #tpu.memory_space<vmem>>) offsets(%dma_start3A_1605 : memref<128xi32, #tpu.memory_space<vmem>>) semaphore(%arg8 : memref<!tpu.dma_semaphore, #tpu.memory_space<semaphore_mem>>)
      } else {
      }
      %mul3A_833 = arith.constant 10 : i32
      %mul3A_834 = arith.muli %mul3A_833, %scan3A_752 : i32
      %add3A_835 = arith.constant 1 : i32
      %add3A_836 = arith.addi %mul3A_834, %add3A_835 : i32
      %dma_wait3A_837 = arith.constant 128 : i32
      %dma_wait3A_838 = arith.constant 0 : i32
      %dma_wait3A_839 = tpu.memref_slice %arg6[%dma_wait3A_837, %dma_wait3A_838] : memref<1280x32xf32, #tpu.memory_space<vmem>> -> memref<128x32xf32, #tpu.memory_space<vmem>>
      %dma_wait3A_840 = arith.constant 0 : i32
      %dma_wait3A_841 = arith.constant 0 : i32
      %dma_wait3A_842 = tpu.memref_slice %arg3[%dma_wait3A_840, %dma_wait3A_841] : memref<100000x32xf32, #tpu.memory_space<hbm>> -> memref<128x32xf32, #tpu.memory_space<hbm>>
      %dma_wait3A_843 = arith.constant 128 : i32
      %dma_wait3A_844 = arith.constant 0 : i32
      %dma_wait3A_845 = tpu.memref_slice %arg6[%dma_wait3A_843, %dma_wait3A_844] : memref<1280x32xf32, #tpu.memory_space<vmem>> -> memref<128x32xf32, #tpu.memory_space<vmem>>
      %dma_wait3A_846 = arith.constant 0 : i32
      %dma_wait3A_847 = arith.constant 0 : i32
      %dma_wait3A_848 = tpu.memref_slice %arg3[%dma_wait3A_846, %dma_wait3A_847] : memref<100000x32xf32, #tpu.memory_space<hbm>> -> memref<128x32xf32, #tpu.memory_space<hbm>>
      tpu.wait_dma2 semaphore(%arg9 : memref<!tpu.dma_semaphore, #tpu.memory_space<semaphore_mem>>) src(%dma_wait3A_848 : memref<128x32xf32, #tpu.memory_space<hbm>>) dst(%dma_wait3A_845 : memref<128x32xf32, #tpu.memory_space<vmem>>)
      %gt3A_849 = arith.constant 0 : i32
      %gt3A_850 = arith.cmpi sgt, %scan3A_752, %gt3A_849 : i32
      %convert_element_type3A_851 = arith.extui %gt3A_850 : i1 to i32
      %cond3A_852 = arith.constant 0 : i32
      %cond3A_853 = arith.cmpi ne, %convert_element_type3A_851, %cond3A_852 : i32
      scf.if %cond3A_853 {
        %dma_wait3A_1598 = arith.constant 1 : i32
        %dma_wait3A_1599 = arith.constant 0 : i32
        %dma_wait3A_1600 = arith.constant 0 : i32
        %dma_wait3A_1601 = arith.constant 0 : i32
        %dma_wait3A_1602 = arith.constant 0 : i32
        %dma_wait3A_1603 = tpu.memref_slice %arg7[%dma_wait3A_1598, %dma_wait3A_1602] : memref<10x4096xf32, #tpu.memory_space<vmem>> -> memref<1x1024xf32, #tpu.memory_space<vmem>>
        %dma_wait3A_1604 = tpu.memref_squeeze %dma_wait3A_1603 : memref<1x1024xf32, #tpu.memory_space<vmem>> -> memref<1024xf32, #tpu.memory_space<vmem>>
        %dma_wait3A_1605 = arith.constant 0 : i32
        %dma_wait3A_1606 = tpu.memref_slice %arg4[%dma_wait3A_1599, %dma_wait3A_1600, %dma_wait3A_1601, %dma_wait3A_1605] : memref<200x4x32x1024xf32, #tpu.memory_space<hbm>> -> memref<1x1x1x1024xf32, #tpu.memory_space<hbm>>
        %dma_wait3A_1607 = tpu.memref_squeeze %dma_wait3A_1606 : memref<1x1x1x1024xf32, #tpu.memory_space<hbm>> -> memref<1024xf32, #tpu.memory_space<hbm>>
        %dma_wait3A_1608 = arith.constant 0 : i32
        %dma_wait3A_1609 = tpu.memref_slice %arg4[%dma_wait3A_1599, %dma_wait3A_1600, %dma_wait3A_1601, %dma_wait3A_1608] : memref<200x4x32x1024xf32, #tpu.memory_space<hbm>> -> memref<1x1x1x1024xf32, #tpu.memory_space<hbm>>
        %dma_wait3A_1610 = tpu.memref_squeeze %dma_wait3A_1609 : memref<1x1x1x1024xf32, #tpu.memory_space<hbm>> -> memref<1024xf32, #tpu.memory_space<hbm>>
        %dma_wait3A_1611 = arith.constant 0 : i32
        %dma_wait3A_1612 = tpu.memref_slice %arg7[%dma_wait3A_1598, %dma_wait3A_1611] : memref<10x4096xf32, #tpu.memory_space<vmem>> -> memref<1x1024xf32, #tpu.memory_space<vmem>>
        %dma_wait3A_1613 = tpu.memref_squeeze %dma_wait3A_1612 : memref<1x1024xf32, #tpu.memory_space<vmem>> -> memref<1024xf32, #tpu.memory_space<vmem>>
        tpu.wait_dma2 semaphore(%arg19 : memref<!tpu.dma_semaphore, #tpu.memory_space<semaphore_mem>>) src(%dma_wait3A_1613 : memref<1024xf32, #tpu.memory_space<vmem>>) dst(%dma_wait3A_1610 : memref<1024xf32, #tpu.memory_space<hbm>>)
        %dma_wait3A_1614 = arith.constant 1 : i32
        %dma_wait3A_1615 = arith.constant 0 : i32
        %dma_wait3A_1616 = arith.constant 0 : i32
        %dma_wait3A_1617 = arith.constant 0 : i32
        %dma_wait3A_1618 = arith.constant 0 : i32
        %dma_wait3A_1619 = tpu.memref_slice %arg7[%dma_wait3A_1614, %dma_wait3A_1618] : memref<10x4096xf32, #tpu.memory_space<vmem>> -> memref<1x1024xf32, #tpu.memory_space<vmem>>
        %dma_wait3A_1620 = tpu.memref_squeeze %dma_wait3A_1619 : memref<1x1024xf32, #tpu.memory_space<vmem>> -> memref<1024xf32, #tpu.memory_space<vmem>>
        %dma_wait3A_1621 = arith.constant 0 : i32
        %dma_wait3A_1622 = tpu.memref_slice %arg4[%dma_wait3A_1615, %dma_wait3A_1616, %dma_wait3A_1617, %dma_wait3A_1621] : memref<200x4x32x1024xf32, #tpu.memory_space<hbm>> -> memref<1x1x1x1024xf32, #tpu.memory_space<hbm>>
        %dma_wait3A_1623 = tpu.memref_squeeze %dma_wait3A_1622 : memref<1x1x1x1024xf32, #tpu.memory_space<hbm>> -> memref<1024xf32, #tpu.memory_space<hbm>>
        %dma_wait3A_1624 = arith.constant 0 : i32
        %dma_wait3A_1625 = tpu.memref_slice %arg4[%dma_wait3A_1615, %dma_wait3A_1616, %dma_wait3A_1617, %dma_wait3A_1624] : memref<200x4x32x1024xf32, #tpu.memory_space<hbm>> -> memref<1x1x1x1024xf32, #tpu.memory_space<hbm>>
        %dma_wait3A_1626 = tpu.memref_squeeze %dma_wait3A_1625 : memref<1x1x1x1024xf32, #tpu.memory_space<hbm>> -> memref<1024xf32, #tpu.memory_space<hbm>>
        %dma_wait3A_1627 = arith.constant 0 : i32
        %dma_wait3A_1628 = tpu.memref_slice %arg7[%dma_wait3A_1614, %dma_wait3A_1627] : memref<10x4096xf32, #tpu.memory_space<vmem>> -> memref<1x1024xf32, #tpu.memory_space<vmem>>
        %dma_wait3A_1629 = tpu.memref_squeeze %dma_wait3A_1628 : memref<1x1024xf32, #tpu.memory_space<vmem>> -> memref<1024xf32, #tpu.memory_space<vmem>>
        tpu.wait_dma2 semaphore(%arg19 : memref<!tpu.dma_semaphore, #tpu.memory_space<semaphore_mem>>) src(%dma_wait3A_1629 : memref<1024xf32, #tpu.memory_space<vmem>>) dst(%dma_wait3A_1626 : memref<1024xf32, #tpu.memory_space<hbm>>)
        %dma_wait3A_1630 = arith.constant 1 : i32
        %dma_wait3A_1631 = arith.constant 0 : i32
        %dma_wait3A_1632 = arith.constant 0 : i32
        %dma_wait3A_1633 = arith.constant 0 : i32
        %dma_wait3A_1634 = arith.constant 0 : i32
        %dma_wait3A_1635 = tpu.memref_slice %arg7[%dma_wait3A_1630, %dma_wait3A_1634] : memref<10x4096xf32, #tpu.memory_space<vmem>> -> memref<1x1024xf32, #tpu.memory_space<vmem>>
        %dma_wait3A_1636 = tpu.memref_squeeze %dma_wait3A_1635 : memref<1x1024xf32, #tpu.memory_space<vmem>> -> memref<1024xf32, #tpu.memory_space<vmem>>
        %dma_wait3A_1637 = arith.constant 0 : i32
        %dma_wait3A_1638 = tpu.memref_slice %arg4[%dma_wait3A_1631, %dma_wait3A_1632, %dma_wait3A_1633, %dma_wait3A_1637] : memref<200x4x32x1024xf32, #tpu.memory_space<hbm>> -> memref<1x1x1x1024xf32, #tpu.memory_space<hbm>>
        %dma_wait3A_1639 = tpu.memref_squeeze %dma_wait3A_1638 : memref<1x1x1x1024xf32, #tpu.memory_space<hbm>> -> memref<1024xf32, #tpu.memory_space<hbm>>
        %dma_wait3A_1640 = arith.constant 0 : i32
        %dma_wait3A_1641 = tpu.memref_slice %arg4[%dma_wait3A_1631, %dma_wait3A_1632, %dma_wait3A_1633, %dma_wait3A_1640] : memref<200x4x32x1024xf32, #tpu.memory_space<hbm>> -> memref<1x1x1x1024xf32, #tpu.memory_space<hbm>>
        %dma_wait3A_1642 = tpu.memref_squeeze %dma_wait3A_1641 : memref<1x1x1x1024xf32, #tpu.memory_space<hbm>> -> memref<1024xf32, #tpu.memory_space<hbm>>
        %dma_wait3A_1643 = arith.constant 0 : i32
        %dma_wait3A_1644 = tpu.memref_slice %arg7[%dma_wait3A_1630, %dma_wait3A_1643] : memref<10x4096xf32, #tpu.memory_space<vmem>> -> memref<1x1024xf32, #tpu.memory_space<vmem>>
        %dma_wait3A_1645 = tpu.memref_squeeze %dma_wait3A_1644 : memref<1x1024xf32, #tpu.memory_space<vmem>> -> memref<1024xf32, #tpu.memory_space<vmem>>
        tpu.wait_dma2 semaphore(%arg19 : memref<!tpu.dma_semaphore, #tpu.memory_space<semaphore_mem>>) src(%dma_wait3A_1645 : memref<1024xf32, #tpu.memory_space<vmem>>) dst(%dma_wait3A_1642 : memref<1024xf32, #tpu.memory_space<hbm>>)
        %dma_wait3A_1646 = arith.constant 1 : i32
        %dma_wait3A_1647 = arith.constant 0 : i32
        %dma_wait3A_1648 = arith.constant 0 : i32
        %dma_wait3A_1649 = arith.constant 0 : i32
        %dma_wait3A_1650 = arith.constant 0 : i32
        %dma_wait3A_1651 = tpu.memref_slice %arg7[%dma_wait3A_1646, %dma_wait3A_1650] : memref<10x4096xf32, #tpu.memory_space<vmem>> -> memref<1x1024xf32, #tpu.memory_space<vmem>>
        %dma_wait3A_1652 = tpu.memref_squeeze %dma_wait3A_1651 : memref<1x1024xf32, #tpu.memory_space<vmem>> -> memref<1024xf32, #tpu.memory_space<vmem>>
        %dma_wait3A_1653 = arith.constant 0 : i32
        %dma_wait3A_1654 = tpu.memref_slice %arg4[%dma_wait3A_1647, %dma_wait3A_1648, %dma_wait3A_1649, %dma_wait3A_1653] : memref<200x4x32x1024xf32, #tpu.memory_space<hbm>> -> memref<1x1x1x1024xf32, #tpu.memory_space<hbm>>
        %dma_wait3A_1655 = tpu.memref_squeeze %dma_wait3A_1654 : memref<1x1x1x1024xf32, #tpu.memory_space<hbm>> -> memref<1024xf32, #tpu.memory_space<hbm>>
        %dma_wait3A_1656 = arith.constant 0 : i32
        %dma_wait3A_1657 = tpu.memref_slice %arg4[%dma_wait3A_1647, %dma_wait3A_1648, %dma_wait3A_1649, %dma_wait3A_1656] : memref<200x4x32x1024xf32, #tpu.memory_space<hbm>> -> memref<1x1x1x1024xf32, #tpu.memory_space<hbm>>
        %dma_wait3A_1658 = tpu.memref_squeeze %dma_wait3A_1657 : memref<1x1x1x1024xf32, #tpu.memory_space<hbm>> -> memref<1024xf32, #tpu.memory_space<hbm>>
        %dma_wait3A_1659 = arith.constant 0 : i32
        %dma_wait3A_1660 = tpu.memref_slice %arg7[%dma_wait3A_1646, %dma_wait3A_1659] : memref<10x4096xf32, #tpu.memory_space<vmem>> -> memref<1x1024xf32, #tpu.memory_space<vmem>>
        %dma_wait3A_1661 = tpu.memref_squeeze %dma_wait3A_1660 : memref<1x1024xf32, #tpu.memory_space<vmem>> -> memref<1024xf32, #tpu.memory_space<vmem>>
        tpu.wait_dma2 semaphore(%arg19 : memref<!tpu.dma_semaphore, #tpu.memory_space<semaphore_mem>>) src(%dma_wait3A_1661 : memref<1024xf32, #tpu.memory_space<vmem>>) dst(%dma_wait3A_1658 : memref<1024xf32, #tpu.memory_space<hbm>>)
      } else {
      }
      %parallel_loop3A_854 = arith.constant 0 : i32
      %parallel_loop3A_855 = arith.constant 128 : i32
      %parallel_loop3A_856 = arith.constant 1 : i32
      scf.for %parallel_loop3A_1598 = %parallel_loop3A_854 to %parallel_loop3A_855 step %parallel_loop3A_856  : i32 {
        %parallel_loop3A_1599 = vector.broadcast %parallel_loop3A_1598 : i32 to vector<16xi32>
        %parallel_loop3A_1600 = arith.addi %iota3A, %parallel_loop3A_1599 : vector<16xi32>
        %parallel_loop3A_1601 = arith.constant 127 : i32
        %parallel_loop3A_1602 = vector.broadcast %parallel_loop3A_1601 : i32 to vector<16xi32>
        %parallel_loop3A_1603 = arith.andi %parallel_loop3A_1600, %parallel_loop3A_1602 : vector<16xi32>
        %parallel_loop3A_1604 = arith.constant 128 : i32
        %parallel_loop3A_1605 = vector.broadcast %parallel_loop3A_1604 : i32 to vector<16xi32>
        %parallel_loop3A_1606 = arith.addi %parallel_loop3A_1603, %parallel_loop3A_1605 : vector<16xi32>
        %parallel_loop3A_1607 = arith.addi %mul3A_8, %parallel_loop3A_1603 : vector<16xi32>
        %parallel_loop3A_1608 = tpu.vector_load_idx %arg6[%parallel_loop3A_1606, %iota3A] : memref<1280x32xf32, #tpu.memory_space<vmem>>[vector<16xi32>, vector<16xi32>], vector<16xf32>,
        %parallel_loop3A_1609 = arith.constant 1 : i32
        %parallel_loop3A_1610 = arith.constant 0 : i32
        %parallel_loop3A_1611 = tpu.memref_slice %arg7[%parallel_loop3A_1609, %parallel_loop3A_1610] : memref<10x4096xf32, #tpu.memory_space<vmem>> -> memref<1x4096xf32, #tpu.memory_space<vmem>>
        %parallel_loop3A_1612 = tpu.memref_squeeze %parallel_loop3A_1611 : memref<1x4096xf32, #tpu.memory_space<vmem>> -> memref<4096xf32, #tpu.memory_space<vmem>>
        tpu.vector_store_idx %parallel_loop3A_1612[%parallel_loop3A_1607], %parallel_loop3A_1608 : memref<4096xf32, #tpu.memory_space<vmem>>[vector<16xi32>], vector<16xf32>,
        %parallel_loop3A_1613 = tpu.vector_load_idx %arg6[%parallel_loop3A_1606, %add3A_5] : memref<1280x32xf32, #tpu.memory_space<vmem>>[vector<16xi32>, vector<16xi32>], vector<16xf32>,
        %parallel_loop3A_1614 = arith.constant 2048 : i32
        %parallel_loop3A_1615 = vector.broadcast %parallel_loop3A_1614 : i32 to vector<16xi32>
        %parallel_loop3A_1616 = arith.addi %parallel_loop3A_1607, %parallel_loop3A_1615 : vector<16xi32>
        %parallel_loop3A_1617 = arith.constant 1 : i32
        %parallel_loop3A_1618 = arith.constant 0 : i32
        %parallel_loop3A_1619 = tpu.memref_slice %arg7[%parallel_loop3A_1617, %parallel_loop3A_1618] : memref<10x4096xf32, #tpu.memory_space<vmem>> -> memref<1x4096xf32, #tpu.memory_space<vmem>>
        %parallel_loop3A_1620 = tpu.memref_squeeze %parallel_loop3A_1619 : memref<1x4096xf32, #tpu.memory_space<vmem>> -> memref<4096xf32, #tpu.memory_space<vmem>>
        tpu.vector_store_idx %parallel_loop3A_1620[%parallel_loop3A_1616], %parallel_loop3A_1613 : memref<4096xf32, #tpu.memory_space<vmem>>[vector<16xi32>], vector<16xf32>,
      } {sc.loop_unroll_factor = 8 : i64, sc.parallel_access}
      %dma_start3A_857 = arith.constant 1 : i32
      %dma_start3A_858 = arith.constant 0 : i32
      %dma_start3A_859 = arith.constant 0 : i32
      %dma_start3A_860 = tpu.memref_slice %arg7[%dma_start3A_857, %dma_start3A_859] : memref<10x4096xf32, #tpu.memory_space<vmem>> -> memref<1x1024xf32, #tpu.memory_space<vmem>>
      %dma_start3A_861 = tpu.memref_squeeze %dma_start3A_860 : memref<1x1024xf32, #tpu.memory_space<vmem>> -> memref<1024xf32, #tpu.memory_space<vmem>>
      %dma_start3A_862 = arith.constant 0 : i32
      %dma_start3A_863 = tpu.memref_slice %arg4[%add3A_836, %dma_start3A_858, %add3A, %dma_start3A_862] : memref<200x4x32x1024xf32, #tpu.memory_space<hbm>> -> memref<1x1x1x1024xf32, #tpu.memory_space<hbm>>
      %dma_start3A_864 = tpu.memref_squeeze %dma_start3A_863 : memref<1x1x1x1024xf32, #tpu.memory_space<hbm>> -> memref<1024xf32, #tpu.memory_space<hbm>>
      %dma_start3A_865 = arith.constant 0 : i32
      %dma_start3A_866 = tpu.memref_slice %arg4[%add3A_836, %dma_start3A_858, %add3A, %dma_start3A_865] : memref<200x4x32x1024xf32, #tpu.memory_space<hbm>> -> memref<1x1x1x1024xf32, #tpu.memory_space<hbm>>
      %dma_start3A_867 = tpu.memref_squeeze %dma_start3A_866 : memref<1x1x1x1024xf32, #tpu.memory_space<hbm>> -> memref<1024xf32, #tpu.memory_space<hbm>>
      %dma_start3A_868 = arith.constant 0 : i32
      %dma_start3A_869 = tpu.memref_slice %arg7[%dma_start3A_857, %dma_start3A_868] : memref<10x4096xf32, #tpu.memory_space<vmem>> -> memref<1x1024xf32, #tpu.memory_space<vmem>>
      %dma_start3A_870 = tpu.memref_squeeze %dma_start3A_869 : memref<1x1024xf32, #tpu.memory_space<vmem>> -> memref<1024xf32, #tpu.memory_space<vmem>>
      tpu.enqueue_dma source(%dma_start3A_870 : memref<1024xf32, #tpu.memory_space<vmem>>) target(%dma_start3A_867 : memref<1024xf32, #tpu.memory_space<hbm>>) target_semaphore(%arg19 : memref<!tpu.dma_semaphore, #tpu.memory_space<semaphore_mem>>)
      %dma_start3A_871 = arith.constant 1 : i32
      %dma_start3A_872 = arith.constant 1 : i32
      %dma_start3A_873 = arith.constant 1024 : i32
      %dma_start3A_874 = tpu.memref_slice %arg7[%dma_start3A_871, %dma_start3A_873] : memref<10x4096xf32, #tpu.memory_space<vmem>> -> memref<1x1024xf32, #tpu.memory_space<vmem>>
      %dma_start3A_875 = tpu.memref_squeeze %dma_start3A_874 : memref<1x1024xf32, #tpu.memory_space<vmem>> -> memref<1024xf32, #tpu.memory_space<vmem>>
      %dma_start3A_876 = arith.constant 0 : i32
      %dma_start3A_877 = tpu.memref_slice %arg4[%add3A_836, %dma_start3A_872, %add3A, %dma_start3A_876] : memref<200x4x32x1024xf32, #tpu.memory_space<hbm>> -> memref<1x1x1x1024xf32, #tpu.memory_space<hbm>>
      %dma_start3A_878 = tpu.memref_squeeze %dma_start3A_877 : memref<1x1x1x1024xf32, #tpu.memory_space<hbm>> -> memref<1024xf32, #tpu.memory_space<hbm>>
      %dma_start3A_879 = arith.constant 0 : i32
      %dma_start3A_880 = tpu.memref_slice %arg4[%add3A_836, %dma_start3A_872, %add3A, %dma_start3A_879] : memref<200x4x32x1024xf32, #tpu.memory_space<hbm>> -> memref<1x1x1x1024xf32, #tpu.memory_space<hbm>>
      %dma_start3A_881 = tpu.memref_squeeze %dma_start3A_880 : memref<1x1x1x1024xf32, #tpu.memory_space<hbm>> -> memref<1024xf32, #tpu.memory_space<hbm>>
      %dma_start3A_882 = arith.constant 1024 : i32
      %dma_start3A_883 = tpu.memref_slice %arg7[%dma_start3A_871, %dma_start3A_882] : memref<10x4096xf32, #tpu.memory_space<vmem>> -> memref<1x1024xf32, #tpu.memory_space<vmem>>
      %dma_start3A_884 = tpu.memref_squeeze %dma_start3A_883 : memref<1x1024xf32, #tpu.memory_space<vmem>> -> memref<1024xf32, #tpu.memory_space<vmem>>
      tpu.enqueue_dma source(%dma_start3A_884 : memref<1024xf32, #tpu.memory_space<vmem>>) target(%dma_start3A_881 : memref<1024xf32, #tpu.memory_space<hbm>>) target_semaphore(%arg19 : memref<!tpu.dma_semaphore, #tpu.memory_space<semaphore_mem>>)
      %dma_start3A_885 = arith.constant 1 : i32
      %dma_start3A_886 = arith.constant 2 : i32
      %dma_start3A_887 = arith.constant 2048 : i32
      %dma_start3A_888 = tpu.memref_slice %arg7[%dma_start3A_885, %dma_start3A_887] : memref<10x4096xf32, #tpu.memory_space<vmem>> -> memref<1x1024xf32, #tpu.memory_space<vmem>>
      %dma_start3A_889 = tpu.memref_squeeze %dma_start3A_888 : memref<1x1024xf32, #tpu.memory_space<vmem>> -> memref<1024xf32, #tpu.memory_space<vmem>>
      %dma_start3A_890 = arith.constant 0 : i32
      %dma_start3A_891 = tpu.memref_slice %arg4[%add3A_836, %dma_start3A_886, %add3A, %dma_start3A_890] : memref<200x4x32x1024xf32, #tpu.memory_space<hbm>> -> memref<1x1x1x1024xf32, #tpu.memory_space<hbm>>
      %dma_start3A_892 = tpu.memref_squeeze %dma_start3A_891 : memref<1x1x1x1024xf32, #tpu.memory_space<hbm>> -> memref<1024xf32, #tpu.memory_space<hbm>>
      %dma_start3A_893 = arith.constant 0 : i32
      %dma_start3A_894 = tpu.memref_slice %arg4[%add3A_836, %dma_start3A_886, %add3A, %dma_start3A_893] : memref<200x4x32x1024xf32, #tpu.memory_space<hbm>> -> memref<1x1x1x1024xf32, #tpu.memory_space<hbm>>
      %dma_start3A_895 = tpu.memref_squeeze %dma_start3A_894 : memref<1x1x1x1024xf32, #tpu.memory_space<hbm>> -> memref<1024xf32, #tpu.memory_space<hbm>>
      %dma_start3A_896 = arith.constant 2048 : i32
      %dma_start3A_897 = tpu.memref_slice %arg7[%dma_start3A_885, %dma_start3A_896] : memref<10x4096xf32, #tpu.memory_space<vmem>> -> memref<1x1024xf32, #tpu.memory_space<vmem>>
      %dma_start3A_898 = tpu.memref_squeeze %dma_start3A_897 : memref<1x1024xf32, #tpu.memory_space<vmem>> -> memref<1024xf32, #tpu.memory_space<vmem>>
      tpu.enqueue_dma source(%dma_start3A_898 : memref<1024xf32, #tpu.memory_space<vmem>>) target(%dma_start3A_895 : memref<1024xf32, #tpu.memory_space<hbm>>) target_semaphore(%arg19 : memref<!tpu.dma_semaphore, #tpu.memory_space<semaphore_mem>>)
      %dma_start3A_899 = arith.constant 1 : i32
      %dma_start3A_900 = arith.constant 3 : i32
      %dma_start3A_901 = arith.constant 3072 : i32
      %dma_start3A_902 = tpu.memref_slice %arg7[%dma_start3A_899, %dma_start3A_901] : memref<10x4096xf32, #tpu.memory_space<vmem>> -> memref<1x1024xf32, #tpu.memory_space<vmem>>
      %dma_start3A_903 = tpu.memref_squeeze %dma_start3A_902 : memref<1x1024xf32, #tpu.memory_space<vmem>> -> memref<1024xf32, #tpu.memory_space<vmem>>
      %dma_start3A_904 = arith.constant 0 : i32
      %dma_start3A_905 = tpu.memref_slice %arg4[%add3A_836, %dma_start3A_900, %add3A, %dma_start3A_904] : memref<200x4x32x1024xf32, #tpu.memory_space<hbm>> -> memref<1x1x1x1024xf32, #tpu.memory_space<hbm>>
      %dma_start3A_906 = tpu.memref_squeeze %dma_start3A_905 : memref<1x1x1x1024xf32, #tpu.memory_space<hbm>> -> memref<1024xf32, #tpu.memory_space<hbm>>
      %dma_start3A_907 = arith.constant 0 : i32
      %dma_start3A_908 = tpu.memref_slice %arg4[%add3A_836, %dma_start3A_900, %add3A, %dma_start3A_907] : memref<200x4x32x1024xf32, #tpu.memory_space<hbm>> -> memref<1x1x1x1024xf32, #tpu.memory_space<hbm>>
      %dma_start3A_909 = tpu.memref_squeeze %dma_start3A_908 : memref<1x1x1x1024xf32, #tpu.memory_space<hbm>> -> memref<1024xf32, #tpu.memory_space<hbm>>
      %dma_start3A_910 = arith.constant 3072 : i32
      %dma_start3A_911 = tpu.memref_slice %arg7[%dma_start3A_899, %dma_start3A_910] : memref<10x4096xf32, #tpu.memory_space<vmem>> -> memref<1x1024xf32, #tpu.memory_space<vmem>>
      %dma_start3A_912 = tpu.memref_squeeze %dma_start3A_911 : memref<1x1024xf32, #tpu.memory_space<vmem>> -> memref<1024xf32, #tpu.memory_space<vmem>>
      tpu.enqueue_dma source(%dma_start3A_912 : memref<1024xf32, #tpu.memory_space<vmem>>) target(%dma_start3A_909 : memref<1024xf32, #tpu.memory_space<hbm>>) target_semaphore(%arg19 : memref<!tpu.dma_semaphore, #tpu.memory_space<semaphore_mem>>)
      %lt3A_913 = arith.constant 19 : i32
      %lt3A_914 = arith.cmpi slt, %scan3A_752, %lt3A_913 : i32
      %convert_element_type3A_915 = arith.extui %lt3A_914 : i1 to i32
      %cond3A_916 = arith.constant 0 : i32
      %cond3A_917 = arith.cmpi ne, %convert_element_type3A_915, %cond3A_916 : i32
      scf.if %cond3A_917 {
        %add3A_1598 = arith.constant 10 : i32
        %add3A_1599 = arith.addi %add3A_836, %add3A_1598 : i32
        %dma_start3A_1600 = arith.constant 128 : i32
        %dma_start3A_1601 = arith.constant 0 : i32
        %dma_start3A_1602 = tpu.memref_slice %arg6[%dma_start3A_1600, %dma_start3A_1601] : memref<1280x32xf32, #tpu.memory_space<vmem>> -> memref<128x32xf32, #tpu.memory_space<vmem>>
        %dma_start3A_1603 = arith.constant 0 : i32
        %dma_start3A_1604 = tpu.memref_slice %arg5[%add3A_1599, %dma_start3A_1603] : memref<200x128xi32, #tpu.memory_space<vmem>> -> memref<1x128xi32, #tpu.memory_space<vmem>>
        %dma_start3A_1605 = tpu.memref_squeeze %dma_start3A_1604 : memref<1x128xi32, #tpu.memory_space<vmem>> -> memref<128xi32, #tpu.memory_space<vmem>>
        %dma_start3A_1606 = arith.constant 0 : i32
        %dma_start3A_1607 = arith.constant 0 : i32
        %dma_start3A_1608 = tpu.memref_slice %arg3[%dma_start3A_1606, %dma_start3A_1607] : memref<100000x32xf32, #tpu.memory_space<hbm>> -> memref<100000x32xf32, #tpu.memory_space<hbm>>
        tpu.enqueue_indirect_dma source(%dma_start3A_1608 : memref<100000x32xf32, #tpu.memory_space<hbm>>) target(%dma_start3A_1602 : memref<128x32xf32, #tpu.memory_space<vmem>>) offsets(%dma_start3A_1605 : memref<128xi32, #tpu.memory_space<vmem>>) semaphore(%arg9 : memref<!tpu.dma_semaphore, #tpu.memory_space<semaphore_mem>>)
      } else {
      }
      %mul3A_918 = arith.constant 10 : i32
      %mul3A_919 = arith.muli %mul3A_918, %scan3A_752 : i32
      %add3A_920 = arith.constant 2 : i32
      %add3A_921 = arith.addi %mul3A_919, %add3A_920 : i32
      %dma_wait3A_922 = arith.constant 256 : i32
      %dma_wait3A_923 = arith.constant 0 : i32
      %dma_wait3A_924 = tpu.memref_slice %arg6[%dma_wait3A_922, %dma_wait3A_923] : memref<1280x32xf32, #tpu.memory_space<vmem>> -> memref<128x32xf32, #tpu.memory_space<vmem>>
      %dma_wait3A_925 = arith.constant 0 : i32
      %dma_wait3A_926 = arith.constant 0 : i32
      %dma_wait3A_927 = tpu.memref_slice %arg3[%dma_wait3A_925, %dma_wait3A_926] : memref<100000x32xf32, #tpu.memory_space<hbm>> -> memref<128x32xf32, #tpu.memory_space<hbm>>
      %dma_wait3A_928 = arith.constant 256 : i32
      %dma_wait3A_929 = arith.constant 0 : i32
      %dma_wait3A_930 = tpu.memref_slice %arg6[%dma_wait3A_928, %dma_wait3A_929] : memref<1280x32xf32, #tpu.memory_space<vmem>> -> memref<128x32xf32, #tpu.memory_space<vmem>>
      %dma_wait3A_931 = arith.constant 0 : i32
      %dma_wait3A_932 = arith.constant 0 : i32
      %dma_wait3A_933 = tpu.memref_slice %arg3[%dma_wait3A_931, %dma_wait3A_932] : memref<100000x32xf32, #tpu.memory_space<hbm>> -> memref<128x32xf32, #tpu.memory_space<hbm>>
      tpu.wait_dma2 semaphore(%arg10 : memref<!tpu.dma_semaphore, #tpu.memory_space<semaphore_mem>>) src(%dma_wait3A_933 : memref<128x32xf32, #tpu.memory_space<hbm>>) dst(%dma_wait3A_930 : memref<128x32xf32, #tpu.memory_space<vmem>>)
      %gt3A_934 = arith.constant 0 : i32
      %gt3A_935 = arith.cmpi sgt, %scan3A_752, %gt3A_934 : i32
      %convert_element_type3A_936 = arith.extui %gt3A_935 : i1 to i32
      %cond3A_937 = arith.constant 0 : i32
      %cond3A_938 = arith.cmpi ne, %convert_element_type3A_936, %cond3A_937 : i32
      scf.if %cond3A_938 {
        %dma_wait3A_1598 = arith.constant 2 : i32
        %dma_wait3A_1599 = arith.constant 0 : i32
        %dma_wait3A_1600 = arith.constant 0 : i32
        %dma_wait3A_1601 = arith.constant 0 : i32
        %dma_wait3A_1602 = arith.constant 0 : i32
        %dma_wait3A_1603 = tpu.memref_slice %arg7[%dma_wait3A_1598, %dma_wait3A_1602] : memref<10x4096xf32, #tpu.memory_space<vmem>> -> memref<1x1024xf32, #tpu.memory_space<vmem>>
        %dma_wait3A_1604 = tpu.memref_squeeze %dma_wait3A_1603 : memref<1x1024xf32, #tpu.memory_space<vmem>> -> memref<1024xf32, #tpu.memory_space<vmem>>
        %dma_wait3A_1605 = arith.constant 0 : i32
        %dma_wait3A_1606 = tpu.memref_slice %arg4[%dma_wait3A_1599, %dma_wait3A_1600, %dma_wait3A_1601, %dma_wait3A_1605] : memref<200x4x32x1024xf32, #tpu.memory_space<hbm>> -> memref<1x1x1x1024xf32, #tpu.memory_space<hbm>>
        %dma_wait3A_1607 = tpu.memref_squeeze %dma_wait3A_1606 : memref<1x1x1x1024xf32, #tpu.memory_space<hbm>> -> memref<1024xf32, #tpu.memory_space<hbm>>
        %dma_wait3A_1608 = arith.constant 0 : i32
        %dma_wait3A_1609 = tpu.memref_slice %arg4[%dma_wait3A_1599, %dma_wait3A_1600, %dma_wait3A_1601, %dma_wait3A_1608] : memref<200x4x32x1024xf32, #tpu.memory_space<hbm>> -> memref<1x1x1x1024xf32, #tpu.memory_space<hbm>>
        %dma_wait3A_1610 = tpu.memref_squeeze %dma_wait3A_1609 : memref<1x1x1x1024xf32, #tpu.memory_space<hbm>> -> memref<1024xf32, #tpu.memory_space<hbm>>
        %dma_wait3A_1611 = arith.constant 0 : i32
        %dma_wait3A_1612 = tpu.memref_slice %arg7[%dma_wait3A_1598, %dma_wait3A_1611] : memref<10x4096xf32, #tpu.memory_space<vmem>> -> memref<1x1024xf32, #tpu.memory_space<vmem>>
        %dma_wait3A_1613 = tpu.memref_squeeze %dma_wait3A_1612 : memref<1x1024xf32, #tpu.memory_space<vmem>> -> memref<1024xf32, #tpu.memory_space<vmem>>
        tpu.wait_dma2 semaphore(%arg20 : memref<!tpu.dma_semaphore, #tpu.memory_space<semaphore_mem>>) src(%dma_wait3A_1613 : memref<1024xf32, #tpu.memory_space<vmem>>) dst(%dma_wait3A_1610 : memref<1024xf32, #tpu.memory_space<hbm>>)
        %dma_wait3A_1614 = arith.constant 2 : i32
        %dma_wait3A_1615 = arith.constant 0 : i32
        %dma_wait3A_1616 = arith.constant 0 : i32
        %dma_wait3A_1617 = arith.constant 0 : i32
        %dma_wait3A_1618 = arith.constant 0 : i32
        %dma_wait3A_1619 = tpu.memref_slice %arg7[%dma_wait3A_1614, %dma_wait3A_1618] : memref<10x4096xf32, #tpu.memory_space<vmem>> -> memref<1x1024xf32, #tpu.memory_space<vmem>>
        %dma_wait3A_1620 = tpu.memref_squeeze %dma_wait3A_1619 : memref<1x1024xf32, #tpu.memory_space<vmem>> -> memref<1024xf32, #tpu.memory_space<vmem>>
        %dma_wait3A_1621 = arith.constant 0 : i32
        %dma_wait3A_1622 = tpu.memref_slice %arg4[%dma_wait3A_1615, %dma_wait3A_1616, %dma_wait3A_1617, %dma_wait3A_1621] : memref<200x4x32x1024xf32, #tpu.memory_space<hbm>> -> memref<1x1x1x1024xf32, #tpu.memory_space<hbm>>
        %dma_wait3A_1623 = tpu.memref_squeeze %dma_wait3A_1622 : memref<1x1x1x1024xf32, #tpu.memory_space<hbm>> -> memref<1024xf32, #tpu.memory_space<hbm>>
        %dma_wait3A_1624 = arith.constant 0 : i32
        %dma_wait3A_1625 = tpu.memref_slice %arg4[%dma_wait3A_1615, %dma_wait3A_1616, %dma_wait3A_1617, %dma_wait3A_1624] : memref<200x4x32x1024xf32, #tpu.memory_space<hbm>> -> memref<1x1x1x1024xf32, #tpu.memory_space<hbm>>
        %dma_wait3A_1626 = tpu.memref_squeeze %dma_wait3A_1625 : memref<1x1x1x1024xf32, #tpu.memory_space<hbm>> -> memref<1024xf32, #tpu.memory_space<hbm>>
        %dma_wait3A_1627 = arith.constant 0 : i32
        %dma_wait3A_1628 = tpu.memref_slice %arg7[%dma_wait3A_1614, %dma_wait3A_1627] : memref<10x4096xf32, #tpu.memory_space<vmem>> -> memref<1x1024xf32, #tpu.memory_space<vmem>>
        %dma_wait3A_1629 = tpu.memref_squeeze %dma_wait3A_1628 : memref<1x1024xf32, #tpu.memory_space<vmem>> -> memref<1024xf32, #tpu.memory_space<vmem>>
        tpu.wait_dma2 semaphore(%arg20 : memref<!tpu.dma_semaphore, #tpu.memory_space<semaphore_mem>>) src(%dma_wait3A_1629 : memref<1024xf32, #tpu.memory_space<vmem>>) dst(%dma_wait3A_1626 : memref<1024xf32, #tpu.memory_space<hbm>>)
        %dma_wait3A_1630 = arith.constant 2 : i32
        %dma_wait3A_1631 = arith.constant 0 : i32
        %dma_wait3A_1632 = arith.constant 0 : i32
        %dma_wait3A_1633 = arith.constant 0 : i32
        %dma_wait3A_1634 = arith.constant 0 : i32
        %dma_wait3A_1635 = tpu.memref_slice %arg7[%dma_wait3A_1630, %dma_wait3A_1634] : memref<10x4096xf32, #tpu.memory_space<vmem>> -> memref<1x1024xf32, #tpu.memory_space<vmem>>
        %dma_wait3A_1636 = tpu.memref_squeeze %dma_wait3A_1635 : memref<1x1024xf32, #tpu.memory_space<vmem>> -> memref<1024xf32, #tpu.memory_space<vmem>>
        %dma_wait3A_1637 = arith.constant 0 : i32
        %dma_wait3A_1638 = tpu.memref_slice %arg4[%dma_wait3A_1631, %dma_wait3A_1632, %dma_wait3A_1633, %dma_wait3A_1637] : memref<200x4x32x1024xf32, #tpu.memory_space<hbm>> -> memref<1x1x1x1024xf32, #tpu.memory_space<hbm>>
        %dma_wait3A_1639 = tpu.memref_squeeze %dma_wait3A_1638 : memref<1x1x1x1024xf32, #tpu.memory_space<hbm>> -> memref<1024xf32, #tpu.memory_space<hbm>>
        %dma_wait3A_1640 = arith.constant 0 : i32
        %dma_wait3A_1641 = tpu.memref_slice %arg4[%dma_wait3A_1631, %dma_wait3A_1632, %dma_wait3A_1633, %dma_wait3A_1640] : memref<200x4x32x1024xf32, #tpu.memory_space<hbm>> -> memref<1x1x1x1024xf32, #tpu.memory_space<hbm>>
        %dma_wait3A_1642 = tpu.memref_squeeze %dma_wait3A_1641 : memref<1x1x1x1024xf32, #tpu.memory_space<hbm>> -> memref<1024xf32, #tpu.memory_space<hbm>>
        %dma_wait3A_1643 = arith.constant 0 : i32
        %dma_wait3A_1644 = tpu.memref_slice %arg7[%dma_wait3A_1630, %dma_wait3A_1643] : memref<10x4096xf32, #tpu.memory_space<vmem>> -> memref<1x1024xf32, #tpu.memory_space<vmem>>
        %dma_wait3A_1645 = tpu.memref_squeeze %dma_wait3A_1644 : memref<1x1024xf32, #tpu.memory_space<vmem>> -> memref<1024xf32, #tpu.memory_space<vmem>>
        tpu.wait_dma2 semaphore(%arg20 : memref<!tpu.dma_semaphore, #tpu.memory_space<semaphore_mem>>) src(%dma_wait3A_1645 : memref<1024xf32, #tpu.memory_space<vmem>>) dst(%dma_wait3A_1642 : memref<1024xf32, #tpu.memory_space<hbm>>)
        %dma_wait3A_1646 = arith.constant 2 : i32
        %dma_wait3A_1647 = arith.constant 0 : i32
        %dma_wait3A_1648 = arith.constant 0 : i32
        %dma_wait3A_1649 = arith.constant 0 : i32
        %dma_wait3A_1650 = arith.constant 0 : i32
        %dma_wait3A_1651 = tpu.memref_slice %arg7[%dma_wait3A_1646, %dma_wait3A_1650] : memref<10x4096xf32, #tpu.memory_space<vmem>> -> memref<1x1024xf32, #tpu.memory_space<vmem>>
        %dma_wait3A_1652 = tpu.memref_squeeze %dma_wait3A_1651 : memref<1x1024xf32, #tpu.memory_space<vmem>> -> memref<1024xf32, #tpu.memory_space<vmem>>
        %dma_wait3A_1653 = arith.constant 0 : i32
        %dma_wait3A_1654 = tpu.memref_slice %arg4[%dma_wait3A_1647, %dma_wait3A_1648, %dma_wait3A_1649, %dma_wait3A_1653] : memref<200x4x32x1024xf32, #tpu.memory_space<hbm>> -> memref<1x1x1x1024xf32, #tpu.memory_space<hbm>>
        %dma_wait3A_1655 = tpu.memref_squeeze %dma_wait3A_1654 : memref<1x1x1x1024xf32, #tpu.memory_space<hbm>> -> memref<1024xf32, #tpu.memory_space<hbm>>
        %dma_wait3A_1656 = arith.constant 0 : i32
        %dma_wait3A_1657 = tpu.memref_slice %arg4[%dma_wait3A_1647, %dma_wait3A_1648, %dma_wait3A_1649, %dma_wait3A_1656] : memref<200x4x32x1024xf32, #tpu.memory_space<hbm>> -> memref<1x1x1x1024xf32, #tpu.memory_space<hbm>>
        %dma_wait3A_1658 = tpu.memref_squeeze %dma_wait3A_1657 : memref<1x1x1x1024xf32, #tpu.memory_space<hbm>> -> memref<1024xf32, #tpu.memory_space<hbm>>
        %dma_wait3A_1659 = arith.constant 0 : i32
        %dma_wait3A_1660 = tpu.memref_slice %arg7[%dma_wait3A_1646, %dma_wait3A_1659] : memref<10x4096xf32, #tpu.memory_space<vmem>> -> memref<1x1024xf32, #tpu.memory_space<vmem>>
        %dma_wait3A_1661 = tpu.memref_squeeze %dma_wait3A_1660 : memref<1x1024xf32, #tpu.memory_space<vmem>> -> memref<1024xf32, #tpu.memory_space<vmem>>
        tpu.wait_dma2 semaphore(%arg20 : memref<!tpu.dma_semaphore, #tpu.memory_space<semaphore_mem>>) src(%dma_wait3A_1661 : memref<1024xf32, #tpu.memory_space<vmem>>) dst(%dma_wait3A_1658 : memref<1024xf32, #tpu.memory_space<hbm>>)
      } else {
      }
      %parallel_loop3A_939 = arith.constant 0 : i32
      %parallel_loop3A_940 = arith.constant 128 : i32
      %parallel_loop3A_941 = arith.constant 1 : i32
      scf.for %parallel_loop3A_1598 = %parallel_loop3A_939 to %parallel_loop3A_940 step %parallel_loop3A_941  : i32 {
        %parallel_loop3A_1599 = vector.broadcast %parallel_loop3A_1598 : i32 to vector<16xi32>
        %parallel_loop3A_1600 = arith.addi %iota3A, %parallel_loop3A_1599 : vector<16xi32>
        %parallel_loop3A_1601 = arith.constant 127 : i32
        %parallel_loop3A_1602 = vector.broadcast %parallel_loop3A_1601 : i32 to vector<16xi32>
        %parallel_loop3A_1603 = arith.andi %parallel_loop3A_1600, %parallel_loop3A_1602 : vector<16xi32>
        %parallel_loop3A_1604 = arith.constant 256 : i32
        %parallel_loop3A_1605 = vector.broadcast %parallel_loop3A_1604 : i32 to vector<16xi32>
        %parallel_loop3A_1606 = arith.addi %parallel_loop3A_1603, %parallel_loop3A_1605 : vector<16xi32>
        %parallel_loop3A_1607 = arith.addi %mul3A_8, %parallel_loop3A_1603 : vector<16xi32>
        %parallel_loop3A_1608 = tpu.vector_load_idx %arg6[%parallel_loop3A_1606, %iota3A] : memref<1280x32xf32, #tpu.memory_space<vmem>>[vector<16xi32>, vector<16xi32>], vector<16xf32>,
        %parallel_loop3A_1609 = arith.constant 2 : i32
        %parallel_loop3A_1610 = arith.constant 0 : i32
        %parallel_loop3A_1611 = tpu.memref_slice %arg7[%parallel_loop3A_1609, %parallel_loop3A_1610] : memref<10x4096xf32, #tpu.memory_space<vmem>> -> memref<1x4096xf32, #tpu.memory_space<vmem>>
        %parallel_loop3A_1612 = tpu.memref_squeeze %parallel_loop3A_1611 : memref<1x4096xf32, #tpu.memory_space<vmem>> -> memref<4096xf32, #tpu.memory_space<vmem>>
        tpu.vector_store_idx %parallel_loop3A_1612[%parallel_loop3A_1607], %parallel_loop3A_1608 : memref<4096xf32, #tpu.memory_space<vmem>>[vector<16xi32>], vector<16xf32>,
        %parallel_loop3A_1613 = tpu.vector_load_idx %arg6[%parallel_loop3A_1606, %add3A_5] : memref<1280x32xf32, #tpu.memory_space<vmem>>[vector<16xi32>, vector<16xi32>], vector<16xf32>,
        %parallel_loop3A_1614 = arith.constant 2048 : i32
        %parallel_loop3A_1615 = vector.broadcast %parallel_loop3A_1614 : i32 to vector<16xi32>
        %parallel_loop3A_1616 = arith.addi %parallel_loop3A_1607, %parallel_loop3A_1615 : vector<16xi32>
        %parallel_loop3A_1617 = arith.constant 2 : i32
        %parallel_loop3A_1618 = arith.constant 0 : i32
        %parallel_loop3A_1619 = tpu.memref_slice %arg7[%parallel_loop3A_1617, %parallel_loop3A_1618] : memref<10x4096xf32, #tpu.memory_space<vmem>> -> memref<1x4096xf32, #tpu.memory_space<vmem>>
        %parallel_loop3A_1620 = tpu.memref_squeeze %parallel_loop3A_1619 : memref<1x4096xf32, #tpu.memory_space<vmem>> -> memref<4096xf32, #tpu.memory_space<vmem>>
        tpu.vector_store_idx %parallel_loop3A_1620[%parallel_loop3A_1616], %parallel_loop3A_1613 : memref<4096xf32, #tpu.memory_space<vmem>>[vector<16xi32>], vector<16xf32>,
      } {sc.loop_unroll_factor = 8 : i64, sc.parallel_access}
      %dma_start3A_942 = arith.constant 2 : i32
      %dma_start3A_943 = arith.constant 0 : i32
      %dma_start3A_944 = arith.constant 0 : i32
      %dma_start3A_945 = tpu.memref_slice %arg7[%dma_start3A_942, %dma_start3A_944] : memref<10x4096xf32, #tpu.memory_space<vmem>> -> memref<1x1024xf32, #tpu.memory_space<vmem>>
      %dma_start3A_946 = tpu.memref_squeeze %dma_start3A_945 : memref<1x1024xf32, #tpu.memory_space<vmem>> -> memref<1024xf32, #tpu.memory_space<vmem>>
      %dma_start3A_947 = arith.constant 0 : i32
      %dma_start3A_948 = tpu.memref_slice %arg4[%add3A_921, %dma_start3A_943, %add3A, %dma_start3A_947] : memref<200x4x32x1024xf32, #tpu.memory_space<hbm>> -> memref<1x1x1x1024xf32, #tpu.memory_space<hbm>>
      %dma_start3A_949 = tpu.memref_squeeze %dma_start3A_948 : memref<1x1x1x1024xf32, #tpu.memory_space<hbm>> -> memref<1024xf32, #tpu.memory_space<hbm>>
      %dma_start3A_950 = arith.constant 0 : i32
      %dma_start3A_951 = tpu.memref_slice %arg4[%add3A_921, %dma_start3A_943, %add3A, %dma_start3A_950] : memref<200x4x32x1024xf32, #tpu.memory_space<hbm>> -> memref<1x1x1x1024xf32, #tpu.memory_space<hbm>>
      %dma_start3A_952 = tpu.memref_squeeze %dma_start3A_951 : memref<1x1x1x1024xf32, #tpu.memory_space<hbm>> -> memref<1024xf32, #tpu.memory_space<hbm>>
      %dma_start3A_953 = arith.constant 0 : i32
      %dma_start3A_954 = tpu.memref_slice %arg7[%dma_start3A_942, %dma_start3A_953] : memref<10x4096xf32, #tpu.memory_space<vmem>> -> memref<1x1024xf32, #tpu.memory_space<vmem>>
      %dma_start3A_955 = tpu.memref_squeeze %dma_start3A_954 : memref<1x1024xf32, #tpu.memory_space<vmem>> -> memref<1024xf32, #tpu.memory_space<vmem>>
      tpu.enqueue_dma source(%dma_start3A_955 : memref<1024xf32, #tpu.memory_space<vmem>>) target(%dma_start3A_952 : memref<1024xf32, #tpu.memory_space<hbm>>) target_semaphore(%arg20 : memref<!tpu.dma_semaphore, #tpu.memory_space<semaphore_mem>>)
      %dma_start3A_956 = arith.constant 2 : i32
      %dma_start3A_957 = arith.constant 1 : i32
      %dma_start3A_958 = arith.constant 1024 : i32
      %dma_start3A_959 = tpu.memref_slice %arg7[%dma_start3A_956, %dma_start3A_958] : memref<10x4096xf32, #tpu.memory_space<vmem>> -> memref<1x1024xf32, #tpu.memory_space<vmem>>
      %dma_start3A_960 = tpu.memref_squeeze %dma_start3A_959 : memref<1x1024xf32, #tpu.memory_space<vmem>> -> memref<1024xf32, #tpu.memory_space<vmem>>
      %dma_start3A_961 = arith.constant 0 : i32
      %dma_start3A_962 = tpu.memref_slice %arg4[%add3A_921, %dma_start3A_957, %add3A, %dma_start3A_961] : memref<200x4x32x1024xf32, #tpu.memory_space<hbm>> -> memref<1x1x1x1024xf32, #tpu.memory_space<hbm>>
      %dma_start3A_963 = tpu.memref_squeeze %dma_start3A_962 : memref<1x1x1x1024xf32, #tpu.memory_space<hbm>> -> memref<1024xf32, #tpu.memory_space<hbm>>
      %dma_start3A_964 = arith.constant 0 : i32
      %dma_start3A_965 = tpu.memref_slice %arg4[%add3A_921, %dma_start3A_957, %add3A, %dma_start3A_964] : memref<200x4x32x1024xf32, #tpu.memory_space<hbm>> -> memref<1x1x1x1024xf32, #tpu.memory_space<hbm>>
      %dma_start3A_966 = tpu.memref_squeeze %dma_start3A_965 : memref<1x1x1x1024xf32, #tpu.memory_space<hbm>> -> memref<1024xf32, #tpu.memory_space<hbm>>
      %dma_start3A_967 = arith.constant 1024 : i32
      %dma_start3A_968 = tpu.memref_slice %arg7[%dma_start3A_956, %dma_start3A_967] : memref<10x4096xf32, #tpu.memory_space<vmem>> -> memref<1x1024xf32, #tpu.memory_space<vmem>>
      %dma_start3A_969 = tpu.memref_squeeze %dma_start3A_968 : memref<1x1024xf32, #tpu.memory_space<vmem>> -> memref<1024xf32, #tpu.memory_space<vmem>>
      tpu.enqueue_dma source(%dma_start3A_969 : memref<1024xf32, #tpu.memory_space<vmem>>) target(%dma_start3A_966 : memref<1024xf32, #tpu.memory_space<hbm>>) target_semaphore(%arg20 : memref<!tpu.dma_semaphore, #tpu.memory_space<semaphore_mem>>)
      %dma_start3A_970 = arith.constant 2 : i32
      %dma_start3A_971 = arith.constant 2 : i32
      %dma_start3A_972 = arith.constant 2048 : i32
      %dma_start3A_973 = tpu.memref_slice %arg7[%dma_start3A_970, %dma_start3A_972] : memref<10x4096xf32, #tpu.memory_space<vmem>> -> memref<1x1024xf32, #tpu.memory_space<vmem>>
      %dma_start3A_974 = tpu.memref_squeeze %dma_start3A_973 : memref<1x1024xf32, #tpu.memory_space<vmem>> -> memref<1024xf32, #tpu.memory_space<vmem>>
      %dma_start3A_975 = arith.constant 0 : i32
      %dma_start3A_976 = tpu.memref_slice %arg4[%add3A_921, %dma_start3A_971, %add3A, %dma_start3A_975] : memref<200x4x32x1024xf32, #tpu.memory_space<hbm>> -> memref<1x1x1x1024xf32, #tpu.memory_space<hbm>>
      %dma_start3A_977 = tpu.memref_squeeze %dma_start3A_976 : memref<1x1x1x1024xf32, #tpu.memory_space<hbm>> -> memref<1024xf32, #tpu.memory_space<hbm>>
      %dma_start3A_978 = arith.constant 0 : i32
      %dma_start3A_979 = tpu.memref_slice %arg4[%add3A_921, %dma_start3A_971, %add3A, %dma_start3A_978] : memref<200x4x32x1024xf32, #tpu.memory_space<hbm>> -> memref<1x1x1x1024xf32, #tpu.memory_space<hbm>>
      %dma_start3A_980 = tpu.memref_squeeze %dma_start3A_979 : memref<1x1x1x1024xf32, #tpu.memory_space<hbm>> -> memref<1024xf32, #tpu.memory_space<hbm>>
      %dma_start3A_981 = arith.constant 2048 : i32
      %dma_start3A_982 = tpu.memref_slice %arg7[%dma_start3A_970, %dma_start3A_981] : memref<10x4096xf32, #tpu.memory_space<vmem>> -> memref<1x1024xf32, #tpu.memory_space<vmem>>
      %dma_start3A_983 = tpu.memref_squeeze %dma_start3A_982 : memref<1x1024xf32, #tpu.memory_space<vmem>> -> memref<1024xf32, #tpu.memory_space<vmem>>
      tpu.enqueue_dma source(%dma_start3A_983 : memref<1024xf32, #tpu.memory_space<vmem>>) target(%dma_start3A_980 : memref<1024xf32, #tpu.memory_space<hbm>>) target_semaphore(%arg20 : memref<!tpu.dma_semaphore, #tpu.memory_space<semaphore_mem>>)
      %dma_start3A_984 = arith.constant 2 : i32
      %dma_start3A_985 = arith.constant 3 : i32
      %dma_start3A_986 = arith.constant 3072 : i32
      %dma_start3A_987 = tpu.memref_slice %arg7[%dma_start3A_984, %dma_start3A_986] : memref<10x4096xf32, #tpu.memory_space<vmem>> -> memref<1x1024xf32, #tpu.memory_space<vmem>>
      %dma_start3A_988 = tpu.memref_squeeze %dma_start3A_987 : memref<1x1024xf32, #tpu.memory_space<vmem>> -> memref<1024xf32, #tpu.memory_space<vmem>>
      %dma_start3A_989 = arith.constant 0 : i32
      %dma_start3A_990 = tpu.memref_slice %arg4[%add3A_921, %dma_start3A_985, %add3A, %dma_start3A_989] : memref<200x4x32x1024xf32, #tpu.memory_space<hbm>> -> memref<1x1x1x1024xf32, #tpu.memory_space<hbm>>
      %dma_start3A_991 = tpu.memref_squeeze %dma_start3A_990 : memref<1x1x1x1024xf32, #tpu.memory_space<hbm>> -> memref<1024xf32, #tpu.memory_space<hbm>>
      %dma_start3A_992 = arith.constant 0 : i32
      %dma_start3A_993 = tpu.memref_slice %arg4[%add3A_921, %dma_start3A_985, %add3A, %dma_start3A_992] : memref<200x4x32x1024xf32, #tpu.memory_space<hbm>> -> memref<1x1x1x1024xf32, #tpu.memory_space<hbm>>
      %dma_start3A_994 = tpu.memref_squeeze %dma_start3A_993 : memref<1x1x1x1024xf32, #tpu.memory_space<hbm>> -> memref<1024xf32, #tpu.memory_space<hbm>>
      %dma_start3A_995 = arith.constant 3072 : i32
      %dma_start3A_996 = tpu.memref_slice %arg7[%dma_start3A_984, %dma_start3A_995] : memref<10x4096xf32, #tpu.memory_space<vmem>> -> memref<1x1024xf32, #tpu.memory_space<vmem>>
      %dma_start3A_997 = tpu.memref_squeeze %dma_start3A_996 : memref<1x1024xf32, #tpu.memory_space<vmem>> -> memref<1024xf32, #tpu.memory_space<vmem>>
      tpu.enqueue_dma source(%dma_start3A_997 : memref<1024xf32, #tpu.memory_space<vmem>>) target(%dma_start3A_994 : memref<1024xf32, #tpu.memory_space<hbm>>) target_semaphore(%arg20 : memref<!tpu.dma_semaphore, #tpu.memory_space<semaphore_mem>>)
      %lt3A_998 = arith.constant 19 : i32
      %lt3A_999 = arith.cmpi slt, %scan3A_752, %lt3A_998 : i32
      %convert_element_type3A_1000 = arith.extui %lt3A_999 : i1 to i32
      %cond3A_1001 = arith.constant 0 : i32
      %cond3A_1002 = arith.cmpi ne, %convert_element_type3A_1000, %cond3A_1001 : i32
      scf.if %cond3A_1002 {
        %add3A_1598 = arith.constant 10 : i32
        %add3A_1599 = arith.addi %add3A_921, %add3A_1598 : i32
        %dma_start3A_1600 = arith.constant 256 : i32
        %dma_start3A_1601 = arith.constant 0 : i32
        %dma_start3A_1602 = tpu.memref_slice %arg6[%dma_start3A_1600, %dma_start3A_1601] : memref<1280x32xf32, #tpu.memory_space<vmem>> -> memref<128x32xf32, #tpu.memory_space<vmem>>
        %dma_start3A_1603 = arith.constant 0 : i32
        %dma_start3A_1604 = tpu.memref_slice %arg5[%add3A_1599, %dma_start3A_1603] : memref<200x128xi32, #tpu.memory_space<vmem>> -> memref<1x128xi32, #tpu.memory_space<vmem>>
        %dma_start3A_1605 = tpu.memref_squeeze %dma_start3A_1604 : memref<1x128xi32, #tpu.memory_space<vmem>> -> memref<128xi32, #tpu.memory_space<vmem>>
        %dma_start3A_1606 = arith.constant 0 : i32
        %dma_start3A_1607 = arith.constant 0 : i32
        %dma_start3A_1608 = tpu.memref_slice %arg3[%dma_start3A_1606, %dma_start3A_1607] : memref<100000x32xf32, #tpu.memory_space<hbm>> -> memref<100000x32xf32, #tpu.memory_space<hbm>>
        tpu.enqueue_indirect_dma source(%dma_start3A_1608 : memref<100000x32xf32, #tpu.memory_space<hbm>>) target(%dma_start3A_1602 : memref<128x32xf32, #tpu.memory_space<vmem>>) offsets(%dma_start3A_1605 : memref<128xi32, #tpu.memory_space<vmem>>) semaphore(%arg10 : memref<!tpu.dma_semaphore, #tpu.memory_space<semaphore_mem>>)
      } else {
      }
      %mul3A_1003 = arith.constant 10 : i32
      %mul3A_1004 = arith.muli %mul3A_1003, %scan3A_752 : i32
      %add3A_1005 = arith.constant 3 : i32
      %add3A_1006 = arith.addi %mul3A_1004, %add3A_1005 : i32
      %dma_wait3A_1007 = arith.constant 384 : i32
      %dma_wait3A_1008 = arith.constant 0 : i32
      %dma_wait3A_1009 = tpu.memref_slice %arg6[%dma_wait3A_1007, %dma_wait3A_1008] : memref<1280x32xf32, #tpu.memory_space<vmem>> -> memref<128x32xf32, #tpu.memory_space<vmem>>
      %dma_wait3A_1010 = arith.constant 0 : i32
      %dma_wait3A_1011 = arith.constant 0 : i32
      %dma_wait3A_1012 = tpu.memref_slice %arg3[%dma_wait3A_1010, %dma_wait3A_1011] : memref<100000x32xf32, #tpu.memory_space<hbm>> -> memref<128x32xf32, #tpu.memory_space<hbm>>
      %dma_wait3A_1013 = arith.constant 384 : i32
      %dma_wait3A_1014 = arith.constant 0 : i32
      %dma_wait3A_1015 = tpu.memref_slice %arg6[%dma_wait3A_1013, %dma_wait3A_1014] : memref<1280x32xf32, #tpu.memory_space<vmem>> -> memref<128x32xf32, #tpu.memory_space<vmem>>
      %dma_wait3A_1016 = arith.constant 0 : i32
      %dma_wait3A_1017 = arith.constant 0 : i32
      %dma_wait3A_1018 = tpu.memref_slice %arg3[%dma_wait3A_1016, %dma_wait3A_1017] : memref<100000x32xf32, #tpu.memory_space<hbm>> -> memref<128x32xf32, #tpu.memory_space<hbm>>
      tpu.wait_dma2 semaphore(%arg11 : memref<!tpu.dma_semaphore, #tpu.memory_space<semaphore_mem>>) src(%dma_wait3A_1018 : memref<128x32xf32, #tpu.memory_space<hbm>>) dst(%dma_wait3A_1015 : memref<128x32xf32, #tpu.memory_space<vmem>>)
      %gt3A_1019 = arith.constant 0 : i32
      %gt3A_1020 = arith.cmpi sgt, %scan3A_752, %gt3A_1019 : i32
      %convert_element_type3A_1021 = arith.extui %gt3A_1020 : i1 to i32
      %cond3A_1022 = arith.constant 0 : i32
      %cond3A_1023 = arith.cmpi ne, %convert_element_type3A_1021, %cond3A_1022 : i32
      scf.if %cond3A_1023 {
        %dma_wait3A_1598 = arith.constant 3 : i32
        %dma_wait3A_1599 = arith.constant 0 : i32
        %dma_wait3A_1600 = arith.constant 0 : i32
        %dma_wait3A_1601 = arith.constant 0 : i32
        %dma_wait3A_1602 = arith.constant 0 : i32
        %dma_wait3A_1603 = tpu.memref_slice %arg7[%dma_wait3A_1598, %dma_wait3A_1602] : memref<10x4096xf32, #tpu.memory_space<vmem>> -> memref<1x1024xf32, #tpu.memory_space<vmem>>
        %dma_wait3A_1604 = tpu.memref_squeeze %dma_wait3A_1603 : memref<1x1024xf32, #tpu.memory_space<vmem>> -> memref<1024xf32, #tpu.memory_space<vmem>>
        %dma_wait3A_1605 = arith.constant 0 : i32
        %dma_wait3A_1606 = tpu.memref_slice %arg4[%dma_wait3A_1599, %dma_wait3A_1600, %dma_wait3A_1601, %dma_wait3A_1605] : memref<200x4x32x1024xf32, #tpu.memory_space<hbm>> -> memref<1x1x1x1024xf32, #tpu.memory_space<hbm>>
        %dma_wait3A_1607 = tpu.memref_squeeze %dma_wait3A_1606 : memref<1x1x1x1024xf32, #tpu.memory_space<hbm>> -> memref<1024xf32, #tpu.memory_space<hbm>>
        %dma_wait3A_1608 = arith.constant 0 : i32
        %dma_wait3A_1609 = tpu.memref_slice %arg4[%dma_wait3A_1599, %dma_wait3A_1600, %dma_wait3A_1601, %dma_wait3A_1608] : memref<200x4x32x1024xf32, #tpu.memory_space<hbm>> -> memref<1x1x1x1024xf32, #tpu.memory_space<hbm>>
        %dma_wait3A_1610 = tpu.memref_squeeze %dma_wait3A_1609 : memref<1x1x1x1024xf32, #tpu.memory_space<hbm>> -> memref<1024xf32, #tpu.memory_space<hbm>>
        %dma_wait3A_1611 = arith.constant 0 : i32
        %dma_wait3A_1612 = tpu.memref_slice %arg7[%dma_wait3A_1598, %dma_wait3A_1611] : memref<10x4096xf32, #tpu.memory_space<vmem>> -> memref<1x1024xf32, #tpu.memory_space<vmem>>
        %dma_wait3A_1613 = tpu.memref_squeeze %dma_wait3A_1612 : memref<1x1024xf32, #tpu.memory_space<vmem>> -> memref<1024xf32, #tpu.memory_space<vmem>>
        tpu.wait_dma2 semaphore(%arg21 : memref<!tpu.dma_semaphore, #tpu.memory_space<semaphore_mem>>) src(%dma_wait3A_1613 : memref<1024xf32, #tpu.memory_space<vmem>>) dst(%dma_wait3A_1610 : memref<1024xf32, #tpu.memory_space<hbm>>)
        %dma_wait3A_1614 = arith.constant 3 : i32
        %dma_wait3A_1615 = arith.constant 0 : i32
        %dma_wait3A_1616 = arith.constant 0 : i32
        %dma_wait3A_1617 = arith.constant 0 : i32
        %dma_wait3A_1618 = arith.constant 0 : i32
        %dma_wait3A_1619 = tpu.memref_slice %arg7[%dma_wait3A_1614, %dma_wait3A_1618] : memref<10x4096xf32, #tpu.memory_space<vmem>> -> memref<1x1024xf32, #tpu.memory_space<vmem>>
        %dma_wait3A_1620 = tpu.memref_squeeze %dma_wait3A_1619 : memref<1x1024xf32, #tpu.memory_space<vmem>> -> memref<1024xf32, #tpu.memory_space<vmem>>
        %dma_wait3A_1621 = arith.constant 0 : i32
        %dma_wait3A_1622 = tpu.memref_slice %arg4[%dma_wait3A_1615, %dma_wait3A_1616, %dma_wait3A_1617, %dma_wait3A_1621] : memref<200x4x32x1024xf32, #tpu.memory_space<hbm>> -> memref<1x1x1x1024xf32, #tpu.memory_space<hbm>>
        %dma_wait3A_1623 = tpu.memref_squeeze %dma_wait3A_1622 : memref<1x1x1x1024xf32, #tpu.memory_space<hbm>> -> memref<1024xf32, #tpu.memory_space<hbm>>
        %dma_wait3A_1624 = arith.constant 0 : i32
        %dma_wait3A_1625 = tpu.memref_slice %arg4[%dma_wait3A_1615, %dma_wait3A_1616, %dma_wait3A_1617, %dma_wait3A_1624] : memref<200x4x32x1024xf32, #tpu.memory_space<hbm>> -> memref<1x1x1x1024xf32, #tpu.memory_space<hbm>>
        %dma_wait3A_1626 = tpu.memref_squeeze %dma_wait3A_1625 : memref<1x1x1x1024xf32, #tpu.memory_space<hbm>> -> memref<1024xf32, #tpu.memory_space<hbm>>
        %dma_wait3A_1627 = arith.constant 0 : i32
        %dma_wait3A_1628 = tpu.memref_slice %arg7[%dma_wait3A_1614, %dma_wait3A_1627] : memref<10x4096xf32, #tpu.memory_space<vmem>> -> memref<1x1024xf32, #tpu.memory_space<vmem>>
        %dma_wait3A_1629 = tpu.memref_squeeze %dma_wait3A_1628 : memref<1x1024xf32, #tpu.memory_space<vmem>> -> memref<1024xf32, #tpu.memory_space<vmem>>
        tpu.wait_dma2 semaphore(%arg21 : memref<!tpu.dma_semaphore, #tpu.memory_space<semaphore_mem>>) src(%dma_wait3A_1629 : memref<1024xf32, #tpu.memory_space<vmem>>) dst(%dma_wait3A_1626 : memref<1024xf32, #tpu.memory_space<hbm>>)
        %dma_wait3A_1630 = arith.constant 3 : i32
        %dma_wait3A_1631 = arith.constant 0 : i32
        %dma_wait3A_1632 = arith.constant 0 : i32
        %dma_wait3A_1633 = arith.constant 0 : i32
        %dma_wait3A_1634 = arith.constant 0 : i32
        %dma_wait3A_1635 = tpu.memref_slice %arg7[%dma_wait3A_1630, %dma_wait3A_1634] : memref<10x4096xf32, #tpu.memory_space<vmem>> -> memref<1x1024xf32, #tpu.memory_space<vmem>>
        %dma_wait3A_1636 = tpu.memref_squeeze %dma_wait3A_1635 : memref<1x1024xf32, #tpu.memory_space<vmem>> -> memref<1024xf32, #tpu.memory_space<vmem>>
        %dma_wait3A_1637 = arith.constant 0 : i32
        %dma_wait3A_1638 = tpu.memref_slice %arg4[%dma_wait3A_1631, %dma_wait3A_1632, %dma_wait3A_1633, %dma_wait3A_1637] : memref<200x4x32x1024xf32, #tpu.memory_space<hbm>> -> memref<1x1x1x1024xf32, #tpu.memory_space<hbm>>
        %dma_wait3A_1639 = tpu.memref_squeeze %dma_wait3A_1638 : memref<1x1x1x1024xf32, #tpu.memory_space<hbm>> -> memref<1024xf32, #tpu.memory_space<hbm>>
        %dma_wait3A_1640 = arith.constant 0 : i32
        %dma_wait3A_1641 = tpu.memref_slice %arg4[%dma_wait3A_1631, %dma_wait3A_1632, %dma_wait3A_1633, %dma_wait3A_1640] : memref<200x4x32x1024xf32, #tpu.memory_space<hbm>> -> memref<1x1x1x1024xf32, #tpu.memory_space<hbm>>
        %dma_wait3A_1642 = tpu.memref_squeeze %dma_wait3A_1641 : memref<1x1x1x1024xf32, #tpu.memory_space<hbm>> -> memref<1024xf32, #tpu.memory_space<hbm>>
        %dma_wait3A_1643 = arith.constant 0 : i32
        %dma_wait3A_1644 = tpu.memref_slice %arg7[%dma_wait3A_1630, %dma_wait3A_1643] : memref<10x4096xf32, #tpu.memory_space<vmem>> -> memref<1x1024xf32, #tpu.memory_space<vmem>>
        %dma_wait3A_1645 = tpu.memref_squeeze %dma_wait3A_1644 : memref<1x1024xf32, #tpu.memory_space<vmem>> -> memref<1024xf32, #tpu.memory_space<vmem>>
        tpu.wait_dma2 semaphore(%arg21 : memref<!tpu.dma_semaphore, #tpu.memory_space<semaphore_mem>>) src(%dma_wait3A_1645 : memref<1024xf32, #tpu.memory_space<vmem>>) dst(%dma_wait3A_1642 : memref<1024xf32, #tpu.memory_space<hbm>>)
        %dma_wait3A_1646 = arith.constant 3 : i32
        %dma_wait3A_1647 = arith.constant 0 : i32
        %dma_wait3A_1648 = arith.constant 0 : i32
        %dma_wait3A_1649 = arith.constant 0 : i32
        %dma_wait3A_1650 = arith.constant 0 : i32
        %dma_wait3A_1651 = tpu.memref_slice %arg7[%dma_wait3A_1646, %dma_wait3A_1650] : memref<10x4096xf32, #tpu.memory_space<vmem>> -> memref<1x1024xf32, #tpu.memory_space<vmem>>
        %dma_wait3A_1652 = tpu.memref_squeeze %dma_wait3A_1651 : memref<1x1024xf32, #tpu.memory_space<vmem>> -> memref<1024xf32, #tpu.memory_space<vmem>>
        %dma_wait3A_1653 = arith.constant 0 : i32
        %dma_wait3A_1654 = tpu.memref_slice %arg4[%dma_wait3A_1647, %dma_wait3A_1648, %dma_wait3A_1649, %dma_wait3A_1653] : memref<200x4x32x1024xf32, #tpu.memory_space<hbm>> -> memref<1x1x1x1024xf32, #tpu.memory_space<hbm>>
        %dma_wait3A_1655 = tpu.memref_squeeze %dma_wait3A_1654 : memref<1x1x1x1024xf32, #tpu.memory_space<hbm>> -> memref<1024xf32, #tpu.memory_space<hbm>>
        %dma_wait3A_1656 = arith.constant 0 : i32
        %dma_wait3A_1657 = tpu.memref_slice %arg4[%dma_wait3A_1647, %dma_wait3A_1648, %dma_wait3A_1649, %dma_wait3A_1656] : memref<200x4x32x1024xf32, #tpu.memory_space<hbm>> -> memref<1x1x1x1024xf32, #tpu.memory_space<hbm>>
        %dma_wait3A_1658 = tpu.memref_squeeze %dma_wait3A_1657 : memref<1x1x1x1024xf32, #tpu.memory_space<hbm>> -> memref<1024xf32, #tpu.memory_space<hbm>>
        %dma_wait3A_1659 = arith.constant 0 : i32
        %dma_wait3A_1660 = tpu.memref_slice %arg7[%dma_wait3A_1646, %dma_wait3A_1659] : memref<10x4096xf32, #tpu.memory_space<vmem>> -> memref<1x1024xf32, #tpu.memory_space<vmem>>
        %dma_wait3A_1661 = tpu.memref_squeeze %dma_wait3A_1660 : memref<1x1024xf32, #tpu.memory_space<vmem>> -> memref<1024xf32, #tpu.memory_space<vmem>>
        tpu.wait_dma2 semaphore(%arg21 : memref<!tpu.dma_semaphore, #tpu.memory_space<semaphore_mem>>) src(%dma_wait3A_1661 : memref<1024xf32, #tpu.memory_space<vmem>>) dst(%dma_wait3A_1658 : memref<1024xf32, #tpu.memory_space<hbm>>)
      } else {
      }
      %parallel_loop3A_1024 = arith.constant 0 : i32
      %parallel_loop3A_1025 = arith.constant 128 : i32
      %parallel_loop3A_1026 = arith.constant 1 : i32
      scf.for %parallel_loop3A_1598 = %parallel_loop3A_1024 to %parallel_loop3A_1025 step %parallel_loop3A_1026  : i32 {
        %parallel_loop3A_1599 = vector.broadcast %parallel_loop3A_1598 : i32 to vector<16xi32>
        %parallel_loop3A_1600 = arith.addi %iota3A, %parallel_loop3A_1599 : vector<16xi32>
        %parallel_loop3A_1601 = arith.constant 127 : i32
        %parallel_loop3A_1602 = vector.broadcast %parallel_loop3A_1601 : i32 to vector<16xi32>
        %parallel_loop3A_1603 = arith.andi %parallel_loop3A_1600, %parallel_loop3A_1602 : vector<16xi32>
        %parallel_loop3A_1604 = arith.constant 384 : i32
        %parallel_loop3A_1605 = vector.broadcast %parallel_loop3A_1604 : i32 to vector<16xi32>
        %parallel_loop3A_1606 = arith.addi %parallel_loop3A_1603, %parallel_loop3A_1605 : vector<16xi32>
        %parallel_loop3A_1607 = arith.addi %mul3A_8, %parallel_loop3A_1603 : vector<16xi32>
        %parallel_loop3A_1608 = tpu.vector_load_idx %arg6[%parallel_loop3A_1606, %iota3A] : memref<1280x32xf32, #tpu.memory_space<vmem>>[vector<16xi32>, vector<16xi32>], vector<16xf32>,
        %parallel_loop3A_1609 = arith.constant 3 : i32
        %parallel_loop3A_1610 = arith.constant 0 : i32
        %parallel_loop3A_1611 = tpu.memref_slice %arg7[%parallel_loop3A_1609, %parallel_loop3A_1610] : memref<10x4096xf32, #tpu.memory_space<vmem>> -> memref<1x4096xf32, #tpu.memory_space<vmem>>
        %parallel_loop3A_1612 = tpu.memref_squeeze %parallel_loop3A_1611 : memref<1x4096xf32, #tpu.memory_space<vmem>> -> memref<4096xf32, #tpu.memory_space<vmem>>
        tpu.vector_store_idx %parallel_loop3A_1612[%parallel_loop3A_1607], %parallel_loop3A_1608 : memref<4096xf32, #tpu.memory_space<vmem>>[vector<16xi32>], vector<16xf32>,
        %parallel_loop3A_1613 = tpu.vector_load_idx %arg6[%parallel_loop3A_1606, %add3A_5] : memref<1280x32xf32, #tpu.memory_space<vmem>>[vector<16xi32>, vector<16xi32>], vector<16xf32>,
        %parallel_loop3A_1614 = arith.constant 2048 : i32
        %parallel_loop3A_1615 = vector.broadcast %parallel_loop3A_1614 : i32 to vector<16xi32>
        %parallel_loop3A_1616 = arith.addi %parallel_loop3A_1607, %parallel_loop3A_1615 : vector<16xi32>
        %parallel_loop3A_1617 = arith.constant 3 : i32
        %parallel_loop3A_1618 = arith.constant 0 : i32
        %parallel_loop3A_1619 = tpu.memref_slice %arg7[%parallel_loop3A_1617, %parallel_loop3A_1618] : memref<10x4096xf32, #tpu.memory_space<vmem>> -> memref<1x4096xf32, #tpu.memory_space<vmem>>
        %parallel_loop3A_1620 = tpu.memref_squeeze %parallel_loop3A_1619 : memref<1x4096xf32, #tpu.memory_space<vmem>> -> memref<4096xf32, #tpu.memory_space<vmem>>
        tpu.vector_store_idx %parallel_loop3A_1620[%parallel_loop3A_1616], %parallel_loop3A_1613 : memref<4096xf32, #tpu.memory_space<vmem>>[vector<16xi32>], vector<16xf32>,
      } {sc.loop_unroll_factor = 8 : i64, sc.parallel_access}
      %dma_start3A_1027 = arith.constant 3 : i32
      %dma_start3A_1028 = arith.constant 0 : i32
      %dma_start3A_1029 = arith.constant 0 : i32
      %dma_start3A_1030 = tpu.memref_slice %arg7[%dma_start3A_1027, %dma_start3A_1029] : memref<10x4096xf32, #tpu.memory_space<vmem>> -> memref<1x1024xf32, #tpu.memory_space<vmem>>
      %dma_start3A_1031 = tpu.memref_squeeze %dma_start3A_1030 : memref<1x1024xf32, #tpu.memory_space<vmem>> -> memref<1024xf32, #tpu.memory_space<vmem>>
      %dma_start3A_1032 = arith.constant 0 : i32
      %dma_start3A_1033 = tpu.memref_slice %arg4[%add3A_1006, %dma_start3A_1028, %add3A, %dma_start3A_1032] : memref<200x4x32x1024xf32, #tpu.memory_space<hbm>> -> memref<1x1x1x1024xf32, #tpu.memory_space<hbm>>
      %dma_start3A_1034 = tpu.memref_squeeze %dma_start3A_1033 : memref<1x1x1x1024xf32, #tpu.memory_space<hbm>> -> memref<1024xf32, #tpu.memory_space<hbm>>
      %dma_start3A_1035 = arith.constant 0 : i32
      %dma_start3A_1036 = tpu.memref_slice %arg4[%add3A_1006, %dma_start3A_1028, %add3A, %dma_start3A_1035] : memref<200x4x32x1024xf32, #tpu.memory_space<hbm>> -> memref<1x1x1x1024xf32, #tpu.memory_space<hbm>>
      %dma_start3A_1037 = tpu.memref_squeeze %dma_start3A_1036 : memref<1x1x1x1024xf32, #tpu.memory_space<hbm>> -> memref<1024xf32, #tpu.memory_space<hbm>>
      %dma_start3A_1038 = arith.constant 0 : i32
      %dma_start3A_1039 = tpu.memref_slice %arg7[%dma_start3A_1027, %dma_start3A_1038] : memref<10x4096xf32, #tpu.memory_space<vmem>> -> memref<1x1024xf32, #tpu.memory_space<vmem>>
      %dma_start3A_1040 = tpu.memref_squeeze %dma_start3A_1039 : memref<1x1024xf32, #tpu.memory_space<vmem>> -> memref<1024xf32, #tpu.memory_space<vmem>>
      tpu.enqueue_dma source(%dma_start3A_1040 : memref<1024xf32, #tpu.memory_space<vmem>>) target(%dma_start3A_1037 : memref<1024xf32, #tpu.memory_space<hbm>>) target_semaphore(%arg21 : memref<!tpu.dma_semaphore, #tpu.memory_space<semaphore_mem>>)
      %dma_start3A_1041 = arith.constant 3 : i32
      %dma_start3A_1042 = arith.constant 1 : i32
      %dma_start3A_1043 = arith.constant 1024 : i32
      %dma_start3A_1044 = tpu.memref_slice %arg7[%dma_start3A_1041, %dma_start3A_1043] : memref<10x4096xf32, #tpu.memory_space<vmem>> -> memref<1x1024xf32, #tpu.memory_space<vmem>>
      %dma_start3A_1045 = tpu.memref_squeeze %dma_start3A_1044 : memref<1x1024xf32, #tpu.memory_space<vmem>> -> memref<1024xf32, #tpu.memory_space<vmem>>
      %dma_start3A_1046 = arith.constant 0 : i32
      %dma_start3A_1047 = tpu.memref_slice %arg4[%add3A_1006, %dma_start3A_1042, %add3A, %dma_start3A_1046] : memref<200x4x32x1024xf32, #tpu.memory_space<hbm>> -> memref<1x1x1x1024xf32, #tpu.memory_space<hbm>>
      %dma_start3A_1048 = tpu.memref_squeeze %dma_start3A_1047 : memref<1x1x1x1024xf32, #tpu.memory_space<hbm>> -> memref<1024xf32, #tpu.memory_space<hbm>>
      %dma_start3A_1049 = arith.constant 0 : i32
      %dma_start3A_1050 = tpu.memref_slice %arg4[%add3A_1006, %dma_start3A_1042, %add3A, %dma_start3A_1049] : memref<200x4x32x1024xf32, #tpu.memory_space<hbm>> -> memref<1x1x1x1024xf32, #tpu.memory_space<hbm>>
      %dma_start3A_1051 = tpu.memref_squeeze %dma_start3A_1050 : memref<1x1x1x1024xf32, #tpu.memory_space<hbm>> -> memref<1024xf32, #tpu.memory_space<hbm>>
      %dma_start3A_1052 = arith.constant 1024 : i32
      %dma_start3A_1053 = tpu.memref_slice %arg7[%dma_start3A_1041, %dma_start3A_1052] : memref<10x4096xf32, #tpu.memory_space<vmem>> -> memref<1x1024xf32, #tpu.memory_space<vmem>>
      %dma_start3A_1054 = tpu.memref_squeeze %dma_start3A_1053 : memref<1x1024xf32, #tpu.memory_space<vmem>> -> memref<1024xf32, #tpu.memory_space<vmem>>
      tpu.enqueue_dma source(%dma_start3A_1054 : memref<1024xf32, #tpu.memory_space<vmem>>) target(%dma_start3A_1051 : memref<1024xf32, #tpu.memory_space<hbm>>) target_semaphore(%arg21 : memref<!tpu.dma_semaphore, #tpu.memory_space<semaphore_mem>>)
      %dma_start3A_1055 = arith.constant 3 : i32
      %dma_start3A_1056 = arith.constant 2 : i32
      %dma_start3A_1057 = arith.constant 2048 : i32
      %dma_start3A_1058 = tpu.memref_slice %arg7[%dma_start3A_1055, %dma_start3A_1057] : memref<10x4096xf32, #tpu.memory_space<vmem>> -> memref<1x1024xf32, #tpu.memory_space<vmem>>
      %dma_start3A_1059 = tpu.memref_squeeze %dma_start3A_1058 : memref<1x1024xf32, #tpu.memory_space<vmem>> -> memref<1024xf32, #tpu.memory_space<vmem>>
      %dma_start3A_1060 = arith.constant 0 : i32
      %dma_start3A_1061 = tpu.memref_slice %arg4[%add3A_1006, %dma_start3A_1056, %add3A, %dma_start3A_1060] : memref<200x4x32x1024xf32, #tpu.memory_space<hbm>> -> memref<1x1x1x1024xf32, #tpu.memory_space<hbm>>
      %dma_start3A_1062 = tpu.memref_squeeze %dma_start3A_1061 : memref<1x1x1x1024xf32, #tpu.memory_space<hbm>> -> memref<1024xf32, #tpu.memory_space<hbm>>
      %dma_start3A_1063 = arith.constant 0 : i32
      %dma_start3A_1064 = tpu.memref_slice %arg4[%add3A_1006, %dma_start3A_1056, %add3A, %dma_start3A_1063] : memref<200x4x32x1024xf32, #tpu.memory_space<hbm>> -> memref<1x1x1x1024xf32, #tpu.memory_space<hbm>>
      %dma_start3A_1065 = tpu.memref_squeeze %dma_start3A_1064 : memref<1x1x1x1024xf32, #tpu.memory_space<hbm>> -> memref<1024xf32, #tpu.memory_space<hbm>>
      %dma_start3A_1066 = arith.constant 2048 : i32
      %dma_start3A_1067 = tpu.memref_slice %arg7[%dma_start3A_1055, %dma_start3A_1066] : memref<10x4096xf32, #tpu.memory_space<vmem>> -> memref<1x1024xf32, #tpu.memory_space<vmem>>
      %dma_start3A_1068 = tpu.memref_squeeze %dma_start3A_1067 : memref<1x1024xf32, #tpu.memory_space<vmem>> -> memref<1024xf32, #tpu.memory_space<vmem>>
      tpu.enqueue_dma source(%dma_start3A_1068 : memref<1024xf32, #tpu.memory_space<vmem>>) target(%dma_start3A_1065 : memref<1024xf32, #tpu.memory_space<hbm>>) target_semaphore(%arg21 : memref<!tpu.dma_semaphore, #tpu.memory_space<semaphore_mem>>)
      %dma_start3A_1069 = arith.constant 3 : i32
      %dma_start3A_1070 = arith.constant 3 : i32
      %dma_start3A_1071 = arith.constant 3072 : i32
      %dma_start3A_1072 = tpu.memref_slice %arg7[%dma_start3A_1069, %dma_start3A_1071] : memref<10x4096xf32, #tpu.memory_space<vmem>> -> memref<1x1024xf32, #tpu.memory_space<vmem>>
      %dma_start3A_1073 = tpu.memref_squeeze %dma_start3A_1072 : memref<1x1024xf32, #tpu.memory_space<vmem>> -> memref<1024xf32, #tpu.memory_space<vmem>>
      %dma_start3A_1074 = arith.constant 0 : i32
      %dma_start3A_1075 = tpu.memref_slice %arg4[%add3A_1006, %dma_start3A_1070, %add3A, %dma_start3A_1074] : memref<200x4x32x1024xf32, #tpu.memory_space<hbm>> -> memref<1x1x1x1024xf32, #tpu.memory_space<hbm>>
      %dma_start3A_1076 = tpu.memref_squeeze %dma_start3A_1075 : memref<1x1x1x1024xf32, #tpu.memory_space<hbm>> -> memref<1024xf32, #tpu.memory_space<hbm>>
      %dma_start3A_1077 = arith.constant 0 : i32
      %dma_start3A_1078 = tpu.memref_slice %arg4[%add3A_1006, %dma_start3A_1070, %add3A, %dma_start3A_1077] : memref<200x4x32x1024xf32, #tpu.memory_space<hbm>> -> memref<1x1x1x1024xf32, #tpu.memory_space<hbm>>
      %dma_start3A_1079 = tpu.memref_squeeze %dma_start3A_1078 : memref<1x1x1x1024xf32, #tpu.memory_space<hbm>> -> memref<1024xf32, #tpu.memory_space<hbm>>
      %dma_start3A_1080 = arith.constant 3072 : i32
      %dma_start3A_1081 = tpu.memref_slice %arg7[%dma_start3A_1069, %dma_start3A_1080] : memref<10x4096xf32, #tpu.memory_space<vmem>> -> memref<1x1024xf32, #tpu.memory_space<vmem>>
      %dma_start3A_1082 = tpu.memref_squeeze %dma_start3A_1081 : memref<1x1024xf32, #tpu.memory_space<vmem>> -> memref<1024xf32, #tpu.memory_space<vmem>>
      tpu.enqueue_dma source(%dma_start3A_1082 : memref<1024xf32, #tpu.memory_space<vmem>>) target(%dma_start3A_1079 : memref<1024xf32, #tpu.memory_space<hbm>>) target_semaphore(%arg21 : memref<!tpu.dma_semaphore, #tpu.memory_space<semaphore_mem>>)
      %lt3A_1083 = arith.constant 19 : i32
      %lt3A_1084 = arith.cmpi slt, %scan3A_752, %lt3A_1083 : i32
      %convert_element_type3A_1085 = arith.extui %lt3A_1084 : i1 to i32
      %cond3A_1086 = arith.constant 0 : i32
      %cond3A_1087 = arith.cmpi ne, %convert_element_type3A_1085, %cond3A_1086 : i32
      scf.if %cond3A_1087 {
        %add3A_1598 = arith.constant 10 : i32
        %add3A_1599 = arith.addi %add3A_1006, %add3A_1598 : i32
        %dma_start3A_1600 = arith.constant 384 : i32
        %dma_start3A_1601 = arith.constant 0 : i32
        %dma_start3A_1602 = tpu.memref_slice %arg6[%dma_start3A_1600, %dma_start3A_1601] : memref<1280x32xf32, #tpu.memory_space<vmem>> -> memref<128x32xf32, #tpu.memory_space<vmem>>
        %dma_start3A_1603 = arith.constant 0 : i32
        %dma_start3A_1604 = tpu.memref_slice %arg5[%add3A_1599, %dma_start3A_1603] : memref<200x128xi32, #tpu.memory_space<vmem>> -> memref<1x128xi32, #tpu.memory_space<vmem>>
        %dma_start3A_1605 = tpu.memref_squeeze %dma_start3A_1604 : memref<1x128xi32, #tpu.memory_space<vmem>> -> memref<128xi32, #tpu.memory_space<vmem>>
        %dma_start3A_1606 = arith.constant 0 : i32
        %dma_start3A_1607 = arith.constant 0 : i32
        %dma_start3A_1608 = tpu.memref_slice %arg3[%dma_start3A_1606, %dma_start3A_1607] : memref<100000x32xf32, #tpu.memory_space<hbm>> -> memref<100000x32xf32, #tpu.memory_space<hbm>>
        tpu.enqueue_indirect_dma source(%dma_start3A_1608 : memref<100000x32xf32, #tpu.memory_space<hbm>>) target(%dma_start3A_1602 : memref<128x32xf32, #tpu.memory_space<vmem>>) offsets(%dma_start3A_1605 : memref<128xi32, #tpu.memory_space<vmem>>) semaphore(%arg11 : memref<!tpu.dma_semaphore, #tpu.memory_space<semaphore_mem>>)
      } else {
      }
      %mul3A_1088 = arith.constant 10 : i32
      %mul3A_1089 = arith.muli %mul3A_1088, %scan3A_752 : i32
      %add3A_1090 = arith.constant 4 : i32
      %add3A_1091 = arith.addi %mul3A_1089, %add3A_1090 : i32
      %dma_wait3A_1092 = arith.constant 512 : i32
      %dma_wait3A_1093 = arith.constant 0 : i32
      %dma_wait3A_1094 = tpu.memref_slice %arg6[%dma_wait3A_1092, %dma_wait3A_1093] : memref<1280x32xf32, #tpu.memory_space<vmem>> -> memref<128x32xf32, #tpu.memory_space<vmem>>
      %dma_wait3A_1095 = arith.constant 0 : i32
      %dma_wait3A_1096 = arith.constant 0 : i32
      %dma_wait3A_1097 = tpu.memref_slice %arg3[%dma_wait3A_1095, %dma_wait3A_1096] : memref<100000x32xf32, #tpu.memory_space<hbm>> -> memref<128x32xf32, #tpu.memory_space<hbm>>
      %dma_wait3A_1098 = arith.constant 512 : i32
      %dma_wait3A_1099 = arith.constant 0 : i32
      %dma_wait3A_1100 = tpu.memref_slice %arg6[%dma_wait3A_1098, %dma_wait3A_1099] : memref<1280x32xf32, #tpu.memory_space<vmem>> -> memref<128x32xf32, #tpu.memory_space<vmem>>
      %dma_wait3A_1101 = arith.constant 0 : i32
      %dma_wait3A_1102 = arith.constant 0 : i32
      %dma_wait3A_1103 = tpu.memref_slice %arg3[%dma_wait3A_1101, %dma_wait3A_1102] : memref<100000x32xf32, #tpu.memory_space<hbm>> -> memref<128x32xf32, #tpu.memory_space<hbm>>
      tpu.wait_dma2 semaphore(%arg12 : memref<!tpu.dma_semaphore, #tpu.memory_space<semaphore_mem>>) src(%dma_wait3A_1103 : memref<128x32xf32, #tpu.memory_space<hbm>>) dst(%dma_wait3A_1100 : memref<128x32xf32, #tpu.memory_space<vmem>>)
      %gt3A_1104 = arith.constant 0 : i32
      %gt3A_1105 = arith.cmpi sgt, %scan3A_752, %gt3A_1104 : i32
      %convert_element_type3A_1106 = arith.extui %gt3A_1105 : i1 to i32
      %cond3A_1107 = arith.constant 0 : i32
      %cond3A_1108 = arith.cmpi ne, %convert_element_type3A_1106, %cond3A_1107 : i32
      scf.if %cond3A_1108 {
        %dma_wait3A_1598 = arith.constant 4 : i32
        %dma_wait3A_1599 = arith.constant 0 : i32
        %dma_wait3A_1600 = arith.constant 0 : i32
        %dma_wait3A_1601 = arith.constant 0 : i32
        %dma_wait3A_1602 = arith.constant 0 : i32
        %dma_wait3A_1603 = tpu.memref_slice %arg7[%dma_wait3A_1598, %dma_wait3A_1602] : memref<10x4096xf32, #tpu.memory_space<vmem>> -> memref<1x1024xf32, #tpu.memory_space<vmem>>
        %dma_wait3A_1604 = tpu.memref_squeeze %dma_wait3A_1603 : memref<1x1024xf32, #tpu.memory_space<vmem>> -> memref<1024xf32, #tpu.memory_space<vmem>>
        %dma_wait3A_1605 = arith.constant 0 : i32
        %dma_wait3A_1606 = tpu.memref_slice %arg4[%dma_wait3A_1599, %dma_wait3A_1600, %dma_wait3A_1601, %dma_wait3A_1605] : memref<200x4x32x1024xf32, #tpu.memory_space<hbm>> -> memref<1x1x1x1024xf32, #tpu.memory_space<hbm>>
        %dma_wait3A_1607 = tpu.memref_squeeze %dma_wait3A_1606 : memref<1x1x1x1024xf32, #tpu.memory_space<hbm>> -> memref<1024xf32, #tpu.memory_space<hbm>>
        %dma_wait3A_1608 = arith.constant 0 : i32
        %dma_wait3A_1609 = tpu.memref_slice %arg4[%dma_wait3A_1599, %dma_wait3A_1600, %dma_wait3A_1601, %dma_wait3A_1608] : memref<200x4x32x1024xf32, #tpu.memory_space<hbm>> -> memref<1x1x1x1024xf32, #tpu.memory_space<hbm>>
        %dma_wait3A_1610 = tpu.memref_squeeze %dma_wait3A_1609 : memref<1x1x1x1024xf32, #tpu.memory_space<hbm>> -> memref<1024xf32, #tpu.memory_space<hbm>>
        %dma_wait3A_1611 = arith.constant 0 : i32
        %dma_wait3A_1612 = tpu.memref_slice %arg7[%dma_wait3A_1598, %dma_wait3A_1611] : memref<10x4096xf32, #tpu.memory_space<vmem>> -> memref<1x1024xf32, #tpu.memory_space<vmem>>
        %dma_wait3A_1613 = tpu.memref_squeeze %dma_wait3A_1612 : memref<1x1024xf32, #tpu.memory_space<vmem>> -> memref<1024xf32, #tpu.memory_space<vmem>>
        tpu.wait_dma2 semaphore(%arg22 : memref<!tpu.dma_semaphore, #tpu.memory_space<semaphore_mem>>) src(%dma_wait3A_1613 : memref<1024xf32, #tpu.memory_space<vmem>>) dst(%dma_wait3A_1610 : memref<1024xf32, #tpu.memory_space<hbm>>)
        %dma_wait3A_1614 = arith.constant 4 : i32
        %dma_wait3A_1615 = arith.constant 0 : i32
        %dma_wait3A_1616 = arith.constant 0 : i32
        %dma_wait3A_1617 = arith.constant 0 : i32
        %dma_wait3A_1618 = arith.constant 0 : i32
        %dma_wait3A_1619 = tpu.memref_slice %arg7[%dma_wait3A_1614, %dma_wait3A_1618] : memref<10x4096xf32, #tpu.memory_space<vmem>> -> memref<1x1024xf32, #tpu.memory_space<vmem>>
        %dma_wait3A_1620 = tpu.memref_squeeze %dma_wait3A_1619 : memref<1x1024xf32, #tpu.memory_space<vmem>> -> memref<1024xf32, #tpu.memory_space<vmem>>
        %dma_wait3A_1621 = arith.constant 0 : i32
        %dma_wait3A_1622 = tpu.memref_slice %arg4[%dma_wait3A_1615, %dma_wait3A_1616, %dma_wait3A_1617, %dma_wait3A_1621] : memref<200x4x32x1024xf32, #tpu.memory_space<hbm>> -> memref<1x1x1x1024xf32, #tpu.memory_space<hbm>>
        %dma_wait3A_1623 = tpu.memref_squeeze %dma_wait3A_1622 : memref<1x1x1x1024xf32, #tpu.memory_space<hbm>> -> memref<1024xf32, #tpu.memory_space<hbm>>
        %dma_wait3A_1624 = arith.constant 0 : i32
        %dma_wait3A_1625 = tpu.memref_slice %arg4[%dma_wait3A_1615, %dma_wait3A_1616, %dma_wait3A_1617, %dma_wait3A_1624] : memref<200x4x32x1024xf32, #tpu.memory_space<hbm>> -> memref<1x1x1x1024xf32, #tpu.memory_space<hbm>>
        %dma_wait3A_1626 = tpu.memref_squeeze %dma_wait3A_1625 : memref<1x1x1x1024xf32, #tpu.memory_space<hbm>> -> memref<1024xf32, #tpu.memory_space<hbm>>
        %dma_wait3A_1627 = arith.constant 0 : i32
        %dma_wait3A_1628 = tpu.memref_slice %arg7[%dma_wait3A_1614, %dma_wait3A_1627] : memref<10x4096xf32, #tpu.memory_space<vmem>> -> memref<1x1024xf32, #tpu.memory_space<vmem>>
        %dma_wait3A_1629 = tpu.memref_squeeze %dma_wait3A_1628 : memref<1x1024xf32, #tpu.memory_space<vmem>> -> memref<1024xf32, #tpu.memory_space<vmem>>
        tpu.wait_dma2 semaphore(%arg22 : memref<!tpu.dma_semaphore, #tpu.memory_space<semaphore_mem>>) src(%dma_wait3A_1629 : memref<1024xf32, #tpu.memory_space<vmem>>) dst(%dma_wait3A_1626 : memref<1024xf32, #tpu.memory_space<hbm>>)
        %dma_wait3A_1630 = arith.constant 4 : i32
        %dma_wait3A_1631 = arith.constant 0 : i32
        %dma_wait3A_1632 = arith.constant 0 : i32
        %dma_wait3A_1633 = arith.constant 0 : i32
        %dma_wait3A_1634 = arith.constant 0 : i32
        %dma_wait3A_1635 = tpu.memref_slice %arg7[%dma_wait3A_1630, %dma_wait3A_1634] : memref<10x4096xf32, #tpu.memory_space<vmem>> -> memref<1x1024xf32, #tpu.memory_space<vmem>>
        %dma_wait3A_1636 = tpu.memref_squeeze %dma_wait3A_1635 : memref<1x1024xf32, #tpu.memory_space<vmem>> -> memref<1024xf32, #tpu.memory_space<vmem>>
        %dma_wait3A_1637 = arith.constant 0 : i32
        %dma_wait3A_1638 = tpu.memref_slice %arg4[%dma_wait3A_1631, %dma_wait3A_1632, %dma_wait3A_1633, %dma_wait3A_1637] : memref<200x4x32x1024xf32, #tpu.memory_space<hbm>> -> memref<1x1x1x1024xf32, #tpu.memory_space<hbm>>
        %dma_wait3A_1639 = tpu.memref_squeeze %dma_wait3A_1638 : memref<1x1x1x1024xf32, #tpu.memory_space<hbm>> -> memref<1024xf32, #tpu.memory_space<hbm>>
        %dma_wait3A_1640 = arith.constant 0 : i32
        %dma_wait3A_1641 = tpu.memref_slice %arg4[%dma_wait3A_1631, %dma_wait3A_1632, %dma_wait3A_1633, %dma_wait3A_1640] : memref<200x4x32x1024xf32, #tpu.memory_space<hbm>> -> memref<1x1x1x1024xf32, #tpu.memory_space<hbm>>
        %dma_wait3A_1642 = tpu.memref_squeeze %dma_wait3A_1641 : memref<1x1x1x1024xf32, #tpu.memory_space<hbm>> -> memref<1024xf32, #tpu.memory_space<hbm>>
        %dma_wait3A_1643 = arith.constant 0 : i32
        %dma_wait3A_1644 = tpu.memref_slice %arg7[%dma_wait3A_1630, %dma_wait3A_1643] : memref<10x4096xf32, #tpu.memory_space<vmem>> -> memref<1x1024xf32, #tpu.memory_space<vmem>>
        %dma_wait3A_1645 = tpu.memref_squeeze %dma_wait3A_1644 : memref<1x1024xf32, #tpu.memory_space<vmem>> -> memref<1024xf32, #tpu.memory_space<vmem>>
        tpu.wait_dma2 semaphore(%arg22 : memref<!tpu.dma_semaphore, #tpu.memory_space<semaphore_mem>>) src(%dma_wait3A_1645 : memref<1024xf32, #tpu.memory_space<vmem>>) dst(%dma_wait3A_1642 : memref<1024xf32, #tpu.memory_space<hbm>>)
        %dma_wait3A_1646 = arith.constant 4 : i32
        %dma_wait3A_1647 = arith.constant 0 : i32
        %dma_wait3A_1648 = arith.constant 0 : i32
        %dma_wait3A_1649 = arith.constant 0 : i32
        %dma_wait3A_1650 = arith.constant 0 : i32
        %dma_wait3A_1651 = tpu.memref_slice %arg7[%dma_wait3A_1646, %dma_wait3A_1650] : memref<10x4096xf32, #tpu.memory_space<vmem>> -> memref<1x1024xf32, #tpu.memory_space<vmem>>
        %dma_wait3A_1652 = tpu.memref_squeeze %dma_wait3A_1651 : memref<1x1024xf32, #tpu.memory_space<vmem>> -> memref<1024xf32, #tpu.memory_space<vmem>>
        %dma_wait3A_1653 = arith.constant 0 : i32
        %dma_wait3A_1654 = tpu.memref_slice %arg4[%dma_wait3A_1647, %dma_wait3A_1648, %dma_wait3A_1649, %dma_wait3A_1653] : memref<200x4x32x1024xf32, #tpu.memory_space<hbm>> -> memref<1x1x1x1024xf32, #tpu.memory_space<hbm>>
        %dma_wait3A_1655 = tpu.memref_squeeze %dma_wait3A_1654 : memref<1x1x1x1024xf32, #tpu.memory_space<hbm>> -> memref<1024xf32, #tpu.memory_space<hbm>>
        %dma_wait3A_1656 = arith.constant 0 : i32
        %dma_wait3A_1657 = tpu.memref_slice %arg4[%dma_wait3A_1647, %dma_wait3A_1648, %dma_wait3A_1649, %dma_wait3A_1656] : memref<200x4x32x1024xf32, #tpu.memory_space<hbm>> -> memref<1x1x1x1024xf32, #tpu.memory_space<hbm>>
        %dma_wait3A_1658 = tpu.memref_squeeze %dma_wait3A_1657 : memref<1x1x1x1024xf32, #tpu.memory_space<hbm>> -> memref<1024xf32, #tpu.memory_space<hbm>>
        %dma_wait3A_1659 = arith.constant 0 : i32
        %dma_wait3A_1660 = tpu.memref_slice %arg7[%dma_wait3A_1646, %dma_wait3A_1659] : memref<10x4096xf32, #tpu.memory_space<vmem>> -> memref<1x1024xf32, #tpu.memory_space<vmem>>
        %dma_wait3A_1661 = tpu.memref_squeeze %dma_wait3A_1660 : memref<1x1024xf32, #tpu.memory_space<vmem>> -> memref<1024xf32, #tpu.memory_space<vmem>>
        tpu.wait_dma2 semaphore(%arg22 : memref<!tpu.dma_semaphore, #tpu.memory_space<semaphore_mem>>) src(%dma_wait3A_1661 : memref<1024xf32, #tpu.memory_space<vmem>>) dst(%dma_wait3A_1658 : memref<1024xf32, #tpu.memory_space<hbm>>)
      } else {
      }
      %parallel_loop3A_1109 = arith.constant 0 : i32
      %parallel_loop3A_1110 = arith.constant 128 : i32
      %parallel_loop3A_1111 = arith.constant 1 : i32
      scf.for %parallel_loop3A_1598 = %parallel_loop3A_1109 to %parallel_loop3A_1110 step %parallel_loop3A_1111  : i32 {
        %parallel_loop3A_1599 = vector.broadcast %parallel_loop3A_1598 : i32 to vector<16xi32>
        %parallel_loop3A_1600 = arith.addi %iota3A, %parallel_loop3A_1599 : vector<16xi32>
        %parallel_loop3A_1601 = arith.constant 127 : i32
        %parallel_loop3A_1602 = vector.broadcast %parallel_loop3A_1601 : i32 to vector<16xi32>
        %parallel_loop3A_1603 = arith.andi %parallel_loop3A_1600, %parallel_loop3A_1602 : vector<16xi32>
        %parallel_loop3A_1604 = arith.constant 512 : i32
        %parallel_loop3A_1605 = vector.broadcast %parallel_loop3A_1604 : i32 to vector<16xi32>
        %parallel_loop3A_1606 = arith.addi %parallel_loop3A_1603, %parallel_loop3A_1605 : vector<16xi32>
        %parallel_loop3A_1607 = arith.addi %mul3A_8, %parallel_loop3A_1603 : vector<16xi32>
        %parallel_loop3A_1608 = tpu.vector_load_idx %arg6[%parallel_loop3A_1606, %iota3A] : memref<1280x32xf32, #tpu.memory_space<vmem>>[vector<16xi32>, vector<16xi32>], vector<16xf32>,
        %parallel_loop3A_1609 = arith.constant 4 : i32
        %parallel_loop3A_1610 = arith.constant 0 : i32
        %parallel_loop3A_1611 = tpu.memref_slice %arg7[%parallel_loop3A_1609, %parallel_loop3A_1610] : memref<10x4096xf32, #tpu.memory_space<vmem>> -> memref<1x4096xf32, #tpu.memory_space<vmem>>
        %parallel_loop3A_1612 = tpu.memref_squeeze %parallel_loop3A_1611 : memref<1x4096xf32, #tpu.memory_space<vmem>> -> memref<4096xf32, #tpu.memory_space<vmem>>
        tpu.vector_store_idx %parallel_loop3A_1612[%parallel_loop3A_1607], %parallel_loop3A_1608 : memref<4096xf32, #tpu.memory_space<vmem>>[vector<16xi32>], vector<16xf32>,
        %parallel_loop3A_1613 = tpu.vector_load_idx %arg6[%parallel_loop3A_1606, %add3A_5] : memref<1280x32xf32, #tpu.memory_space<vmem>>[vector<16xi32>, vector<16xi32>], vector<16xf32>,
        %parallel_loop3A_1614 = arith.constant 2048 : i32
        %parallel_loop3A_1615 = vector.broadcast %parallel_loop3A_1614 : i32 to vector<16xi32>
        %parallel_loop3A_1616 = arith.addi %parallel_loop3A_1607, %parallel_loop3A_1615 : vector<16xi32>
        %parallel_loop3A_1617 = arith.constant 4 : i32
        %parallel_loop3A_1618 = arith.constant 0 : i32
        %parallel_loop3A_1619 = tpu.memref_slice %arg7[%parallel_loop3A_1617, %parallel_loop3A_1618] : memref<10x4096xf32, #tpu.memory_space<vmem>> -> memref<1x4096xf32, #tpu.memory_space<vmem>>
        %parallel_loop3A_1620 = tpu.memref_squeeze %parallel_loop3A_1619 : memref<1x4096xf32, #tpu.memory_space<vmem>> -> memref<4096xf32, #tpu.memory_space<vmem>>
        tpu.vector_store_idx %parallel_loop3A_1620[%parallel_loop3A_1616], %parallel_loop3A_1613 : memref<4096xf32, #tpu.memory_space<vmem>>[vector<16xi32>], vector<16xf32>,
      } {sc.loop_unroll_factor = 8 : i64, sc.parallel_access}
      %dma_start3A_1112 = arith.constant 4 : i32
      %dma_start3A_1113 = arith.constant 0 : i32
      %dma_start3A_1114 = arith.constant 0 : i32
      %dma_start3A_1115 = tpu.memref_slice %arg7[%dma_start3A_1112, %dma_start3A_1114] : memref<10x4096xf32, #tpu.memory_space<vmem>> -> memref<1x1024xf32, #tpu.memory_space<vmem>>
      %dma_start3A_1116 = tpu.memref_squeeze %dma_start3A_1115 : memref<1x1024xf32, #tpu.memory_space<vmem>> -> memref<1024xf32, #tpu.memory_space<vmem>>
      %dma_start3A_1117 = arith.constant 0 : i32
      %dma_start3A_1118 = tpu.memref_slice %arg4[%add3A_1091, %dma_start3A_1113, %add3A, %dma_start3A_1117] : memref<200x4x32x1024xf32, #tpu.memory_space<hbm>> -> memref<1x1x1x1024xf32, #tpu.memory_space<hbm>>
      %dma_start3A_1119 = tpu.memref_squeeze %dma_start3A_1118 : memref<1x1x1x1024xf32, #tpu.memory_space<hbm>> -> memref<1024xf32, #tpu.memory_space<hbm>>
      %dma_start3A_1120 = arith.constant 0 : i32
      %dma_start3A_1121 = tpu.memref_slice %arg4[%add3A_1091, %dma_start3A_1113, %add3A, %dma_start3A_1120] : memref<200x4x32x1024xf32, #tpu.memory_space<hbm>> -> memref<1x1x1x1024xf32, #tpu.memory_space<hbm>>
      %dma_start3A_1122 = tpu.memref_squeeze %dma_start3A_1121 : memref<1x1x1x1024xf32, #tpu.memory_space<hbm>> -> memref<1024xf32, #tpu.memory_space<hbm>>
      %dma_start3A_1123 = arith.constant 0 : i32
      %dma_start3A_1124 = tpu.memref_slice %arg7[%dma_start3A_1112, %dma_start3A_1123] : memref<10x4096xf32, #tpu.memory_space<vmem>> -> memref<1x1024xf32, #tpu.memory_space<vmem>>
      %dma_start3A_1125 = tpu.memref_squeeze %dma_start3A_1124 : memref<1x1024xf32, #tpu.memory_space<vmem>> -> memref<1024xf32, #tpu.memory_space<vmem>>
      tpu.enqueue_dma source(%dma_start3A_1125 : memref<1024xf32, #tpu.memory_space<vmem>>) target(%dma_start3A_1122 : memref<1024xf32, #tpu.memory_space<hbm>>) target_semaphore(%arg22 : memref<!tpu.dma_semaphore, #tpu.memory_space<semaphore_mem>>)
      %dma_start3A_1126 = arith.constant 4 : i32
      %dma_start3A_1127 = arith.constant 1 : i32
      %dma_start3A_1128 = arith.constant 1024 : i32
      %dma_start3A_1129 = tpu.memref_slice %arg7[%dma_start3A_1126, %dma_start3A_1128] : memref<10x4096xf32, #tpu.memory_space<vmem>> -> memref<1x1024xf32, #tpu.memory_space<vmem>>
      %dma_start3A_1130 = tpu.memref_squeeze %dma_start3A_1129 : memref<1x1024xf32, #tpu.memory_space<vmem>> -> memref<1024xf32, #tpu.memory_space<vmem>>
      %dma_start3A_1131 = arith.constant 0 : i32
      %dma_start3A_1132 = tpu.memref_slice %arg4[%add3A_1091, %dma_start3A_1127, %add3A, %dma_start3A_1131] : memref<200x4x32x1024xf32, #tpu.memory_space<hbm>> -> memref<1x1x1x1024xf32, #tpu.memory_space<hbm>>
      %dma_start3A_1133 = tpu.memref_squeeze %dma_start3A_1132 : memref<1x1x1x1024xf32, #tpu.memory_space<hbm>> -> memref<1024xf32, #tpu.memory_space<hbm>>
      %dma_start3A_1134 = arith.constant 0 : i32
      %dma_start3A_1135 = tpu.memref_slice %arg4[%add3A_1091, %dma_start3A_1127, %add3A, %dma_start3A_1134] : memref<200x4x32x1024xf32, #tpu.memory_space<hbm>> -> memref<1x1x1x1024xf32, #tpu.memory_space<hbm>>
      %dma_start3A_1136 = tpu.memref_squeeze %dma_start3A_1135 : memref<1x1x1x1024xf32, #tpu.memory_space<hbm>> -> memref<1024xf32, #tpu.memory_space<hbm>>
      %dma_start3A_1137 = arith.constant 1024 : i32
      %dma_start3A_1138 = tpu.memref_slice %arg7[%dma_start3A_1126, %dma_start3A_1137] : memref<10x4096xf32, #tpu.memory_space<vmem>> -> memref<1x1024xf32, #tpu.memory_space<vmem>>
      %dma_start3A_1139 = tpu.memref_squeeze %dma_start3A_1138 : memref<1x1024xf32, #tpu.memory_space<vmem>> -> memref<1024xf32, #tpu.memory_space<vmem>>
      tpu.enqueue_dma source(%dma_start3A_1139 : memref<1024xf32, #tpu.memory_space<vmem>>) target(%dma_start3A_1136 : memref<1024xf32, #tpu.memory_space<hbm>>) target_semaphore(%arg22 : memref<!tpu.dma_semaphore, #tpu.memory_space<semaphore_mem>>)
      %dma_start3A_1140 = arith.constant 4 : i32
      %dma_start3A_1141 = arith.constant 2 : i32
      %dma_start3A_1142 = arith.constant 2048 : i32
      %dma_start3A_1143 = tpu.memref_slice %arg7[%dma_start3A_1140, %dma_start3A_1142] : memref<10x4096xf32, #tpu.memory_space<vmem>> -> memref<1x1024xf32, #tpu.memory_space<vmem>>
      %dma_start3A_1144 = tpu.memref_squeeze %dma_start3A_1143 : memref<1x1024xf32, #tpu.memory_space<vmem>> -> memref<1024xf32, #tpu.memory_space<vmem>>
      %dma_start3A_1145 = arith.constant 0 : i32
      %dma_start3A_1146 = tpu.memref_slice %arg4[%add3A_1091, %dma_start3A_1141, %add3A, %dma_start3A_1145] : memref<200x4x32x1024xf32, #tpu.memory_space<hbm>> -> memref<1x1x1x1024xf32, #tpu.memory_space<hbm>>
      %dma_start3A_1147 = tpu.memref_squeeze %dma_start3A_1146 : memref<1x1x1x1024xf32, #tpu.memory_space<hbm>> -> memref<1024xf32, #tpu.memory_space<hbm>>
      %dma_start3A_1148 = arith.constant 0 : i32
      %dma_start3A_1149 = tpu.memref_slice %arg4[%add3A_1091, %dma_start3A_1141, %add3A, %dma_start3A_1148] : memref<200x4x32x1024xf32, #tpu.memory_space<hbm>> -> memref<1x1x1x1024xf32, #tpu.memory_space<hbm>>
      %dma_start3A_1150 = tpu.memref_squeeze %dma_start3A_1149 : memref<1x1x1x1024xf32, #tpu.memory_space<hbm>> -> memref<1024xf32, #tpu.memory_space<hbm>>
      %dma_start3A_1151 = arith.constant 2048 : i32
      %dma_start3A_1152 = tpu.memref_slice %arg7[%dma_start3A_1140, %dma_start3A_1151] : memref<10x4096xf32, #tpu.memory_space<vmem>> -> memref<1x1024xf32, #tpu.memory_space<vmem>>
      %dma_start3A_1153 = tpu.memref_squeeze %dma_start3A_1152 : memref<1x1024xf32, #tpu.memory_space<vmem>> -> memref<1024xf32, #tpu.memory_space<vmem>>
      tpu.enqueue_dma source(%dma_start3A_1153 : memref<1024xf32, #tpu.memory_space<vmem>>) target(%dma_start3A_1150 : memref<1024xf32, #tpu.memory_space<hbm>>) target_semaphore(%arg22 : memref<!tpu.dma_semaphore, #tpu.memory_space<semaphore_mem>>)
      %dma_start3A_1154 = arith.constant 4 : i32
      %dma_start3A_1155 = arith.constant 3 : i32
      %dma_start3A_1156 = arith.constant 3072 : i32
      %dma_start3A_1157 = tpu.memref_slice %arg7[%dma_start3A_1154, %dma_start3A_1156] : memref<10x4096xf32, #tpu.memory_space<vmem>> -> memref<1x1024xf32, #tpu.memory_space<vmem>>
      %dma_start3A_1158 = tpu.memref_squeeze %dma_start3A_1157 : memref<1x1024xf32, #tpu.memory_space<vmem>> -> memref<1024xf32, #tpu.memory_space<vmem>>
      %dma_start3A_1159 = arith.constant 0 : i32
      %dma_start3A_1160 = tpu.memref_slice %arg4[%add3A_1091, %dma_start3A_1155, %add3A, %dma_start3A_1159] : memref<200x4x32x1024xf32, #tpu.memory_space<hbm>> -> memref<1x1x1x1024xf32, #tpu.memory_space<hbm>>
      %dma_start3A_1161 = tpu.memref_squeeze %dma_start3A_1160 : memref<1x1x1x1024xf32, #tpu.memory_space<hbm>> -> memref<1024xf32, #tpu.memory_space<hbm>>
      %dma_start3A_1162 = arith.constant 0 : i32
      %dma_start3A_1163 = tpu.memref_slice %arg4[%add3A_1091, %dma_start3A_1155, %add3A, %dma_start3A_1162] : memref<200x4x32x1024xf32, #tpu.memory_space<hbm>> -> memref<1x1x1x1024xf32, #tpu.memory_space<hbm>>
      %dma_start3A_1164 = tpu.memref_squeeze %dma_start3A_1163 : memref<1x1x1x1024xf32, #tpu.memory_space<hbm>> -> memref<1024xf32, #tpu.memory_space<hbm>>
      %dma_start3A_1165 = arith.constant 3072 : i32
      %dma_start3A_1166 = tpu.memref_slice %arg7[%dma_start3A_1154, %dma_start3A_1165] : memref<10x4096xf32, #tpu.memory_space<vmem>> -> memref<1x1024xf32, #tpu.memory_space<vmem>>
      %dma_start3A_1167 = tpu.memref_squeeze %dma_start3A_1166 : memref<1x1024xf32, #tpu.memory_space<vmem>> -> memref<1024xf32, #tpu.memory_space<vmem>>
      tpu.enqueue_dma source(%dma_start3A_1167 : memref<1024xf32, #tpu.memory_space<vmem>>) target(%dma_start3A_1164 : memref<1024xf32, #tpu.memory_space<hbm>>) target_semaphore(%arg22 : memref<!tpu.dma_semaphore, #tpu.memory_space<semaphore_mem>>)
      %lt3A_1168 = arith.constant 19 : i32
      %lt3A_1169 = arith.cmpi slt, %scan3A_752, %lt3A_1168 : i32
      %convert_element_type3A_1170 = arith.extui %lt3A_1169 : i1 to i32
      %cond3A_1171 = arith.constant 0 : i32
      %cond3A_1172 = arith.cmpi ne, %convert_element_type3A_1170, %cond3A_1171 : i32
      scf.if %cond3A_1172 {
        %add3A_1598 = arith.constant 10 : i32
        %add3A_1599 = arith.addi %add3A_1091, %add3A_1598 : i32
        %dma_start3A_1600 = arith.constant 512 : i32
        %dma_start3A_1601 = arith.constant 0 : i32
        %dma_start3A_1602 = tpu.memref_slice %arg6[%dma_start3A_1600, %dma_start3A_1601] : memref<1280x32xf32, #tpu.memory_space<vmem>> -> memref<128x32xf32, #tpu.memory_space<vmem>>
        %dma_start3A_1603 = arith.constant 0 : i32
        %dma_start3A_1604 = tpu.memref_slice %arg5[%add3A_1599, %dma_start3A_1603] : memref<200x128xi32, #tpu.memory_space<vmem>> -> memref<1x128xi32, #tpu.memory_space<vmem>>
        %dma_start3A_1605 = tpu.memref_squeeze %dma_start3A_1604 : memref<1x128xi32, #tpu.memory_space<vmem>> -> memref<128xi32, #tpu.memory_space<vmem>>
        %dma_start3A_1606 = arith.constant 0 : i32
        %dma_start3A_1607 = arith.constant 0 : i32
        %dma_start3A_1608 = tpu.memref_slice %arg3[%dma_start3A_1606, %dma_start3A_1607] : memref<100000x32xf32, #tpu.memory_space<hbm>> -> memref<100000x32xf32, #tpu.memory_space<hbm>>
        tpu.enqueue_indirect_dma source(%dma_start3A_1608 : memref<100000x32xf32, #tpu.memory_space<hbm>>) target(%dma_start3A_1602 : memref<128x32xf32, #tpu.memory_space<vmem>>) offsets(%dma_start3A_1605 : memref<128xi32, #tpu.memory_space<vmem>>) semaphore(%arg12 : memref<!tpu.dma_semaphore, #tpu.memory_space<semaphore_mem>>)
      } else {
      }
      %mul3A_1173 = arith.constant 10 : i32
      %mul3A_1174 = arith.muli %mul3A_1173, %scan3A_752 : i32
      %add3A_1175 = arith.constant 5 : i32
      %add3A_1176 = arith.addi %mul3A_1174, %add3A_1175 : i32
      %dma_wait3A_1177 = arith.constant 640 : i32
      %dma_wait3A_1178 = arith.constant 0 : i32
      %dma_wait3A_1179 = tpu.memref_slice %arg6[%dma_wait3A_1177, %dma_wait3A_1178] : memref<1280x32xf32, #tpu.memory_space<vmem>> -> memref<128x32xf32, #tpu.memory_space<vmem>>
      %dma_wait3A_1180 = arith.constant 0 : i32
      %dma_wait3A_1181 = arith.constant 0 : i32
      %dma_wait3A_1182 = tpu.memref_slice %arg3[%dma_wait3A_1180, %dma_wait3A_1181] : memref<100000x32xf32, #tpu.memory_space<hbm>> -> memref<128x32xf32, #tpu.memory_space<hbm>>
      %dma_wait3A_1183 = arith.constant 640 : i32
      %dma_wait3A_1184 = arith.constant 0 : i32
      %dma_wait3A_1185 = tpu.memref_slice %arg6[%dma_wait3A_1183, %dma_wait3A_1184] : memref<1280x32xf32, #tpu.memory_space<vmem>> -> memref<128x32xf32, #tpu.memory_space<vmem>>
      %dma_wait3A_1186 = arith.constant 0 : i32
      %dma_wait3A_1187 = arith.constant 0 : i32
      %dma_wait3A_1188 = tpu.memref_slice %arg3[%dma_wait3A_1186, %dma_wait3A_1187] : memref<100000x32xf32, #tpu.memory_space<hbm>> -> memref<128x32xf32, #tpu.memory_space<hbm>>
      tpu.wait_dma2 semaphore(%arg13 : memref<!tpu.dma_semaphore, #tpu.memory_space<semaphore_mem>>) src(%dma_wait3A_1188 : memref<128x32xf32, #tpu.memory_space<hbm>>) dst(%dma_wait3A_1185 : memref<128x32xf32, #tpu.memory_space<vmem>>)
      %gt3A_1189 = arith.constant 0 : i32
      %gt3A_1190 = arith.cmpi sgt, %scan3A_752, %gt3A_1189 : i32
      %convert_element_type3A_1191 = arith.extui %gt3A_1190 : i1 to i32
      %cond3A_1192 = arith.constant 0 : i32
      %cond3A_1193 = arith.cmpi ne, %convert_element_type3A_1191, %cond3A_1192 : i32
      scf.if %cond3A_1193 {
        %dma_wait3A_1598 = arith.constant 5 : i32
        %dma_wait3A_1599 = arith.constant 0 : i32
        %dma_wait3A_1600 = arith.constant 0 : i32
        %dma_wait3A_1601 = arith.constant 0 : i32
        %dma_wait3A_1602 = arith.constant 0 : i32
        %dma_wait3A_1603 = tpu.memref_slice %arg7[%dma_wait3A_1598, %dma_wait3A_1602] : memref<10x4096xf32, #tpu.memory_space<vmem>> -> memref<1x1024xf32, #tpu.memory_space<vmem>>
        %dma_wait3A_1604 = tpu.memref_squeeze %dma_wait3A_1603 : memref<1x1024xf32, #tpu.memory_space<vmem>> -> memref<1024xf32, #tpu.memory_space<vmem>>
        %dma_wait3A_1605 = arith.constant 0 : i32
        %dma_wait3A_1606 = tpu.memref_slice %arg4[%dma_wait3A_1599, %dma_wait3A_1600, %dma_wait3A_1601, %dma_wait3A_1605] : memref<200x4x32x1024xf32, #tpu.memory_space<hbm>> -> memref<1x1x1x1024xf32, #tpu.memory_space<hbm>>
        %dma_wait3A_1607 = tpu.memref_squeeze %dma_wait3A_1606 : memref<1x1x1x1024xf32, #tpu.memory_space<hbm>> -> memref<1024xf32, #tpu.memory_space<hbm>>
        %dma_wait3A_1608 = arith.constant 0 : i32
        %dma_wait3A_1609 = tpu.memref_slice %arg4[%dma_wait3A_1599, %dma_wait3A_1600, %dma_wait3A_1601, %dma_wait3A_1608] : memref<200x4x32x1024xf32, #tpu.memory_space<hbm>> -> memref<1x1x1x1024xf32, #tpu.memory_space<hbm>>
        %dma_wait3A_1610 = tpu.memref_squeeze %dma_wait3A_1609 : memref<1x1x1x1024xf32, #tpu.memory_space<hbm>> -> memref<1024xf32, #tpu.memory_space<hbm>>
        %dma_wait3A_1611 = arith.constant 0 : i32
        %dma_wait3A_1612 = tpu.memref_slice %arg7[%dma_wait3A_1598, %dma_wait3A_1611] : memref<10x4096xf32, #tpu.memory_space<vmem>> -> memref<1x1024xf32, #tpu.memory_space<vmem>>
        %dma_wait3A_1613 = tpu.memref_squeeze %dma_wait3A_1612 : memref<1x1024xf32, #tpu.memory_space<vmem>> -> memref<1024xf32, #tpu.memory_space<vmem>>
        tpu.wait_dma2 semaphore(%arg23 : memref<!tpu.dma_semaphore, #tpu.memory_space<semaphore_mem>>) src(%dma_wait3A_1613 : memref<1024xf32, #tpu.memory_space<vmem>>) dst(%dma_wait3A_1610 : memref<1024xf32, #tpu.memory_space<hbm>>)
        %dma_wait3A_1614 = arith.constant 5 : i32
        %dma_wait3A_1615 = arith.constant 0 : i32
        %dma_wait3A_1616 = arith.constant 0 : i32
        %dma_wait3A_1617 = arith.constant 0 : i32
        %dma_wait3A_1618 = arith.constant 0 : i32
        %dma_wait3A_1619 = tpu.memref_slice %arg7[%dma_wait3A_1614, %dma_wait3A_1618] : memref<10x4096xf32, #tpu.memory_space<vmem>> -> memref<1x1024xf32, #tpu.memory_space<vmem>>
        %dma_wait3A_1620 = tpu.memref_squeeze %dma_wait3A_1619 : memref<1x1024xf32, #tpu.memory_space<vmem>> -> memref<1024xf32, #tpu.memory_space<vmem>>
        %dma_wait3A_1621 = arith.constant 0 : i32
        %dma_wait3A_1622 = tpu.memref_slice %arg4[%dma_wait3A_1615, %dma_wait3A_1616, %dma_wait3A_1617, %dma_wait3A_1621] : memref<200x4x32x1024xf32, #tpu.memory_space<hbm>> -> memref<1x1x1x1024xf32, #tpu.memory_space<hbm>>
        %dma_wait3A_1623 = tpu.memref_squeeze %dma_wait3A_1622 : memref<1x1x1x1024xf32, #tpu.memory_space<hbm>> -> memref<1024xf32, #tpu.memory_space<hbm>>
        %dma_wait3A_1624 = arith.constant 0 : i32
        %dma_wait3A_1625 = tpu.memref_slice %arg4[%dma_wait3A_1615, %dma_wait3A_1616, %dma_wait3A_1617, %dma_wait3A_1624] : memref<200x4x32x1024xf32, #tpu.memory_space<hbm>> -> memref<1x1x1x1024xf32, #tpu.memory_space<hbm>>
        %dma_wait3A_1626 = tpu.memref_squeeze %dma_wait3A_1625 : memref<1x1x1x1024xf32, #tpu.memory_space<hbm>> -> memref<1024xf32, #tpu.memory_space<hbm>>
        %dma_wait3A_1627 = arith.constant 0 : i32
        %dma_wait3A_1628 = tpu.memref_slice %arg7[%dma_wait3A_1614, %dma_wait3A_1627] : memref<10x4096xf32, #tpu.memory_space<vmem>> -> memref<1x1024xf32, #tpu.memory_space<vmem>>
        %dma_wait3A_1629 = tpu.memref_squeeze %dma_wait3A_1628 : memref<1x1024xf32, #tpu.memory_space<vmem>> -> memref<1024xf32, #tpu.memory_space<vmem>>
        tpu.wait_dma2 semaphore(%arg23 : memref<!tpu.dma_semaphore, #tpu.memory_space<semaphore_mem>>) src(%dma_wait3A_1629 : memref<1024xf32, #tpu.memory_space<vmem>>) dst(%dma_wait3A_1626 : memref<1024xf32, #tpu.memory_space<hbm>>)
        %dma_wait3A_1630 = arith.constant 5 : i32
        %dma_wait3A_1631 = arith.constant 0 : i32
        %dma_wait3A_1632 = arith.constant 0 : i32
        %dma_wait3A_1633 = arith.constant 0 : i32
        %dma_wait3A_1634 = arith.constant 0 : i32
        %dma_wait3A_1635 = tpu.memref_slice %arg7[%dma_wait3A_1630, %dma_wait3A_1634] : memref<10x4096xf32, #tpu.memory_space<vmem>> -> memref<1x1024xf32, #tpu.memory_space<vmem>>
        %dma_wait3A_1636 = tpu.memref_squeeze %dma_wait3A_1635 : memref<1x1024xf32, #tpu.memory_space<vmem>> -> memref<1024xf32, #tpu.memory_space<vmem>>
        %dma_wait3A_1637 = arith.constant 0 : i32
        %dma_wait3A_1638 = tpu.memref_slice %arg4[%dma_wait3A_1631, %dma_wait3A_1632, %dma_wait3A_1633, %dma_wait3A_1637] : memref<200x4x32x1024xf32, #tpu.memory_space<hbm>> -> memref<1x1x1x1024xf32, #tpu.memory_space<hbm>>
        %dma_wait3A_1639 = tpu.memref_squeeze %dma_wait3A_1638 : memref<1x1x1x1024xf32, #tpu.memory_space<hbm>> -> memref<1024xf32, #tpu.memory_space<hbm>>
        %dma_wait3A_1640 = arith.constant 0 : i32
        %dma_wait3A_1641 = tpu.memref_slice %arg4[%dma_wait3A_1631, %dma_wait3A_1632, %dma_wait3A_1633, %dma_wait3A_1640] : memref<200x4x32x1024xf32, #tpu.memory_space<hbm>> -> memref<1x1x1x1024xf32, #tpu.memory_space<hbm>>
        %dma_wait3A_1642 = tpu.memref_squeeze %dma_wait3A_1641 : memref<1x1x1x1024xf32, #tpu.memory_space<hbm>> -> memref<1024xf32, #tpu.memory_space<hbm>>
        %dma_wait3A_1643 = arith.constant 0 : i32
        %dma_wait3A_1644 = tpu.memref_slice %arg7[%dma_wait3A_1630, %dma_wait3A_1643] : memref<10x4096xf32, #tpu.memory_space<vmem>> -> memref<1x1024xf32, #tpu.memory_space<vmem>>
        %dma_wait3A_1645 = tpu.memref_squeeze %dma_wait3A_1644 : memref<1x1024xf32, #tpu.memory_space<vmem>> -> memref<1024xf32, #tpu.memory_space<vmem>>
        tpu.wait_dma2 semaphore(%arg23 : memref<!tpu.dma_semaphore, #tpu.memory_space<semaphore_mem>>) src(%dma_wait3A_1645 : memref<1024xf32, #tpu.memory_space<vmem>>) dst(%dma_wait3A_1642 : memref<1024xf32, #tpu.memory_space<hbm>>)
        %dma_wait3A_1646 = arith.constant 5 : i32
        %dma_wait3A_1647 = arith.constant 0 : i32
        %dma_wait3A_1648 = arith.constant 0 : i32
        %dma_wait3A_1649 = arith.constant 0 : i32
        %dma_wait3A_1650 = arith.constant 0 : i32
        %dma_wait3A_1651 = tpu.memref_slice %arg7[%dma_wait3A_1646, %dma_wait3A_1650] : memref<10x4096xf32, #tpu.memory_space<vmem>> -> memref<1x1024xf32, #tpu.memory_space<vmem>>
        %dma_wait3A_1652 = tpu.memref_squeeze %dma_wait3A_1651 : memref<1x1024xf32, #tpu.memory_space<vmem>> -> memref<1024xf32, #tpu.memory_space<vmem>>
        %dma_wait3A_1653 = arith.constant 0 : i32
        %dma_wait3A_1654 = tpu.memref_slice %arg4[%dma_wait3A_1647, %dma_wait3A_1648, %dma_wait3A_1649, %dma_wait3A_1653] : memref<200x4x32x1024xf32, #tpu.memory_space<hbm>> -> memref<1x1x1x1024xf32, #tpu.memory_space<hbm>>
        %dma_wait3A_1655 = tpu.memref_squeeze %dma_wait3A_1654 : memref<1x1x1x1024xf32, #tpu.memory_space<hbm>> -> memref<1024xf32, #tpu.memory_space<hbm>>
        %dma_wait3A_1656 = arith.constant 0 : i32
        %dma_wait3A_1657 = tpu.memref_slice %arg4[%dma_wait3A_1647, %dma_wait3A_1648, %dma_wait3A_1649, %dma_wait3A_1656] : memref<200x4x32x1024xf32, #tpu.memory_space<hbm>> -> memref<1x1x1x1024xf32, #tpu.memory_space<hbm>>
        %dma_wait3A_1658 = tpu.memref_squeeze %dma_wait3A_1657 : memref<1x1x1x1024xf32, #tpu.memory_space<hbm>> -> memref<1024xf32, #tpu.memory_space<hbm>>
        %dma_wait3A_1659 = arith.constant 0 : i32
        %dma_wait3A_1660 = tpu.memref_slice %arg7[%dma_wait3A_1646, %dma_wait3A_1659] : memref<10x4096xf32, #tpu.memory_space<vmem>> -> memref<1x1024xf32, #tpu.memory_space<vmem>>
        %dma_wait3A_1661 = tpu.memref_squeeze %dma_wait3A_1660 : memref<1x1024xf32, #tpu.memory_space<vmem>> -> memref<1024xf32, #tpu.memory_space<vmem>>
        tpu.wait_dma2 semaphore(%arg23 : memref<!tpu.dma_semaphore, #tpu.memory_space<semaphore_mem>>) src(%dma_wait3A_1661 : memref<1024xf32, #tpu.memory_space<vmem>>) dst(%dma_wait3A_1658 : memref<1024xf32, #tpu.memory_space<hbm>>)
      } else {
      }
      %parallel_loop3A_1194 = arith.constant 0 : i32
      %parallel_loop3A_1195 = arith.constant 128 : i32
      %parallel_loop3A_1196 = arith.constant 1 : i32
      scf.for %parallel_loop3A_1598 = %parallel_loop3A_1194 to %parallel_loop3A_1195 step %parallel_loop3A_1196  : i32 {
        %parallel_loop3A_1599 = vector.broadcast %parallel_loop3A_1598 : i32 to vector<16xi32>
        %parallel_loop3A_1600 = arith.addi %iota3A, %parallel_loop3A_1599 : vector<16xi32>
        %parallel_loop3A_1601 = arith.constant 127 : i32
        %parallel_loop3A_1602 = vector.broadcast %parallel_loop3A_1601 : i32 to vector<16xi32>
        %parallel_loop3A_1603 = arith.andi %parallel_loop3A_1600, %parallel_loop3A_1602 : vector<16xi32>
        %parallel_loop3A_1604 = arith.constant 640 : i32
        %parallel_loop3A_1605 = vector.broadcast %parallel_loop3A_1604 : i32 to vector<16xi32>
        %parallel_loop3A_1606 = arith.addi %parallel_loop3A_1603, %parallel_loop3A_1605 : vector<16xi32>
        %parallel_loop3A_1607 = arith.addi %mul3A_8, %parallel_loop3A_1603 : vector<16xi32>
        %parallel_loop3A_1608 = tpu.vector_load_idx %arg6[%parallel_loop3A_1606, %iota3A] : memref<1280x32xf32, #tpu.memory_space<vmem>>[vector<16xi32>, vector<16xi32>], vector<16xf32>,
        %parallel_loop3A_1609 = arith.constant 5 : i32
        %parallel_loop3A_1610 = arith.constant 0 : i32
        %parallel_loop3A_1611 = tpu.memref_slice %arg7[%parallel_loop3A_1609, %parallel_loop3A_1610] : memref<10x4096xf32, #tpu.memory_space<vmem>> -> memref<1x4096xf32, #tpu.memory_space<vmem>>
        %parallel_loop3A_1612 = tpu.memref_squeeze %parallel_loop3A_1611 : memref<1x4096xf32, #tpu.memory_space<vmem>> -> memref<4096xf32, #tpu.memory_space<vmem>>
        tpu.vector_store_idx %parallel_loop3A_1612[%parallel_loop3A_1607], %parallel_loop3A_1608 : memref<4096xf32, #tpu.memory_space<vmem>>[vector<16xi32>], vector<16xf32>,
        %parallel_loop3A_1613 = tpu.vector_load_idx %arg6[%parallel_loop3A_1606, %add3A_5] : memref<1280x32xf32, #tpu.memory_space<vmem>>[vector<16xi32>, vector<16xi32>], vector<16xf32>,
        %parallel_loop3A_1614 = arith.constant 2048 : i32
        %parallel_loop3A_1615 = vector.broadcast %parallel_loop3A_1614 : i32 to vector<16xi32>
        %parallel_loop3A_1616 = arith.addi %parallel_loop3A_1607, %parallel_loop3A_1615 : vector<16xi32>
        %parallel_loop3A_1617 = arith.constant 5 : i32
        %parallel_loop3A_1618 = arith.constant 0 : i32
        %parallel_loop3A_1619 = tpu.memref_slice %arg7[%parallel_loop3A_1617, %parallel_loop3A_1618] : memref<10x4096xf32, #tpu.memory_space<vmem>> -> memref<1x4096xf32, #tpu.memory_space<vmem>>
        %parallel_loop3A_1620 = tpu.memref_squeeze %parallel_loop3A_1619 : memref<1x4096xf32, #tpu.memory_space<vmem>> -> memref<4096xf32, #tpu.memory_space<vmem>>
        tpu.vector_store_idx %parallel_loop3A_1620[%parallel_loop3A_1616], %parallel_loop3A_1613 : memref<4096xf32, #tpu.memory_space<vmem>>[vector<16xi32>], vector<16xf32>,
      } {sc.loop_unroll_factor = 8 : i64, sc.parallel_access}
      %dma_start3A_1197 = arith.constant 5 : i32
      %dma_start3A_1198 = arith.constant 0 : i32
      %dma_start3A_1199 = arith.constant 0 : i32
      %dma_start3A_1200 = tpu.memref_slice %arg7[%dma_start3A_1197, %dma_start3A_1199] : memref<10x4096xf32, #tpu.memory_space<vmem>> -> memref<1x1024xf32, #tpu.memory_space<vmem>>
      %dma_start3A_1201 = tpu.memref_squeeze %dma_start3A_1200 : memref<1x1024xf32, #tpu.memory_space<vmem>> -> memref<1024xf32, #tpu.memory_space<vmem>>
      %dma_start3A_1202 = arith.constant 0 : i32
      %dma_start3A_1203 = tpu.memref_slice %arg4[%add3A_1176, %dma_start3A_1198, %add3A, %dma_start3A_1202] : memref<200x4x32x1024xf32, #tpu.memory_space<hbm>> -> memref<1x1x1x1024xf32, #tpu.memory_space<hbm>>
      %dma_start3A_1204 = tpu.memref_squeeze %dma_start3A_1203 : memref<1x1x1x1024xf32, #tpu.memory_space<hbm>> -> memref<1024xf32, #tpu.memory_space<hbm>>
      %dma_start3A_1205 = arith.constant 0 : i32
      %dma_start3A_1206 = tpu.memref_slice %arg4[%add3A_1176, %dma_start3A_1198, %add3A, %dma_start3A_1205] : memref<200x4x32x1024xf32, #tpu.memory_space<hbm>> -> memref<1x1x1x1024xf32, #tpu.memory_space<hbm>>
      %dma_start3A_1207 = tpu.memref_squeeze %dma_start3A_1206 : memref<1x1x1x1024xf32, #tpu.memory_space<hbm>> -> memref<1024xf32, #tpu.memory_space<hbm>>
      %dma_start3A_1208 = arith.constant 0 : i32
      %dma_start3A_1209 = tpu.memref_slice %arg7[%dma_start3A_1197, %dma_start3A_1208] : memref<10x4096xf32, #tpu.memory_space<vmem>> -> memref<1x1024xf32, #tpu.memory_space<vmem>>
      %dma_start3A_1210 = tpu.memref_squeeze %dma_start3A_1209 : memref<1x1024xf32, #tpu.memory_space<vmem>> -> memref<1024xf32, #tpu.memory_space<vmem>>
      tpu.enqueue_dma source(%dma_start3A_1210 : memref<1024xf32, #tpu.memory_space<vmem>>) target(%dma_start3A_1207 : memref<1024xf32, #tpu.memory_space<hbm>>) target_semaphore(%arg23 : memref<!tpu.dma_semaphore, #tpu.memory_space<semaphore_mem>>)
      %dma_start3A_1211 = arith.constant 5 : i32
      %dma_start3A_1212 = arith.constant 1 : i32
      %dma_start3A_1213 = arith.constant 1024 : i32
      %dma_start3A_1214 = tpu.memref_slice %arg7[%dma_start3A_1211, %dma_start3A_1213] : memref<10x4096xf32, #tpu.memory_space<vmem>> -> memref<1x1024xf32, #tpu.memory_space<vmem>>
      %dma_start3A_1215 = tpu.memref_squeeze %dma_start3A_1214 : memref<1x1024xf32, #tpu.memory_space<vmem>> -> memref<1024xf32, #tpu.memory_space<vmem>>
      %dma_start3A_1216 = arith.constant 0 : i32
      %dma_start3A_1217 = tpu.memref_slice %arg4[%add3A_1176, %dma_start3A_1212, %add3A, %dma_start3A_1216] : memref<200x4x32x1024xf32, #tpu.memory_space<hbm>> -> memref<1x1x1x1024xf32, #tpu.memory_space<hbm>>
      %dma_start3A_1218 = tpu.memref_squeeze %dma_start3A_1217 : memref<1x1x1x1024xf32, #tpu.memory_space<hbm>> -> memref<1024xf32, #tpu.memory_space<hbm>>
      %dma_start3A_1219 = arith.constant 0 : i32
      %dma_start3A_1220 = tpu.memref_slice %arg4[%add3A_1176, %dma_start3A_1212, %add3A, %dma_start3A_1219] : memref<200x4x32x1024xf32, #tpu.memory_space<hbm>> -> memref<1x1x1x1024xf32, #tpu.memory_space<hbm>>
      %dma_start3A_1221 = tpu.memref_squeeze %dma_start3A_1220 : memref<1x1x1x1024xf32, #tpu.memory_space<hbm>> -> memref<1024xf32, #tpu.memory_space<hbm>>
      %dma_start3A_1222 = arith.constant 1024 : i32
      %dma_start3A_1223 = tpu.memref_slice %arg7[%dma_start3A_1211, %dma_start3A_1222] : memref<10x4096xf32, #tpu.memory_space<vmem>> -> memref<1x1024xf32, #tpu.memory_space<vmem>>
      %dma_start3A_1224 = tpu.memref_squeeze %dma_start3A_1223 : memref<1x1024xf32, #tpu.memory_space<vmem>> -> memref<1024xf32, #tpu.memory_space<vmem>>
      tpu.enqueue_dma source(%dma_start3A_1224 : memref<1024xf32, #tpu.memory_space<vmem>>) target(%dma_start3A_1221 : memref<1024xf32, #tpu.memory_space<hbm>>) target_semaphore(%arg23 : memref<!tpu.dma_semaphore, #tpu.memory_space<semaphore_mem>>)
      %dma_start3A_1225 = arith.constant 5 : i32
      %dma_start3A_1226 = arith.constant 2 : i32
      %dma_start3A_1227 = arith.constant 2048 : i32
      %dma_start3A_1228 = tpu.memref_slice %arg7[%dma_start3A_1225, %dma_start3A_1227] : memref<10x4096xf32, #tpu.memory_space<vmem>> -> memref<1x1024xf32, #tpu.memory_space<vmem>>
      %dma_start3A_1229 = tpu.memref_squeeze %dma_start3A_1228 : memref<1x1024xf32, #tpu.memory_space<vmem>> -> memref<1024xf32, #tpu.memory_space<vmem>>
      %dma_start3A_1230 = arith.constant 0 : i32
      %dma_start3A_1231 = tpu.memref_slice %arg4[%add3A_1176, %dma_start3A_1226, %add3A, %dma_start3A_1230] : memref<200x4x32x1024xf32, #tpu.memory_space<hbm>> -> memref<1x1x1x1024xf32, #tpu.memory_space<hbm>>
      %dma_start3A_1232 = tpu.memref_squeeze %dma_start3A_1231 : memref<1x1x1x1024xf32, #tpu.memory_space<hbm>> -> memref<1024xf32, #tpu.memory_space<hbm>>
      %dma_start3A_1233 = arith.constant 0 : i32
      %dma_start3A_1234 = tpu.memref_slice %arg4[%add3A_1176, %dma_start3A_1226, %add3A, %dma_start3A_1233] : memref<200x4x32x1024xf32, #tpu.memory_space<hbm>> -> memref<1x1x1x1024xf32, #tpu.memory_space<hbm>>
      %dma_start3A_1235 = tpu.memref_squeeze %dma_start3A_1234 : memref<1x1x1x1024xf32, #tpu.memory_space<hbm>> -> memref<1024xf32, #tpu.memory_space<hbm>>
      %dma_start3A_1236 = arith.constant 2048 : i32
      %dma_start3A_1237 = tpu.memref_slice %arg7[%dma_start3A_1225, %dma_start3A_1236] : memref<10x4096xf32, #tpu.memory_space<vmem>> -> memref<1x1024xf32, #tpu.memory_space<vmem>>
      %dma_start3A_1238 = tpu.memref_squeeze %dma_start3A_1237 : memref<1x1024xf32, #tpu.memory_space<vmem>> -> memref<1024xf32, #tpu.memory_space<vmem>>
      tpu.enqueue_dma source(%dma_start3A_1238 : memref<1024xf32, #tpu.memory_space<vmem>>) target(%dma_start3A_1235 : memref<1024xf32, #tpu.memory_space<hbm>>) target_semaphore(%arg23 : memref<!tpu.dma_semaphore, #tpu.memory_space<semaphore_mem>>)
      %dma_start3A_1239 = arith.constant 5 : i32
      %dma_start3A_1240 = arith.constant 3 : i32
      %dma_start3A_1241 = arith.constant 3072 : i32
      %dma_start3A_1242 = tpu.memref_slice %arg7[%dma_start3A_1239, %dma_start3A_1241] : memref<10x4096xf32, #tpu.memory_space<vmem>> -> memref<1x1024xf32, #tpu.memory_space<vmem>>
      %dma_start3A_1243 = tpu.memref_squeeze %dma_start3A_1242 : memref<1x1024xf32, #tpu.memory_space<vmem>> -> memref<1024xf32, #tpu.memory_space<vmem>>
      %dma_start3A_1244 = arith.constant 0 : i32
      %dma_start3A_1245 = tpu.memref_slice %arg4[%add3A_1176, %dma_start3A_1240, %add3A, %dma_start3A_1244] : memref<200x4x32x1024xf32, #tpu.memory_space<hbm>> -> memref<1x1x1x1024xf32, #tpu.memory_space<hbm>>
      %dma_start3A_1246 = tpu.memref_squeeze %dma_start3A_1245 : memref<1x1x1x1024xf32, #tpu.memory_space<hbm>> -> memref<1024xf32, #tpu.memory_space<hbm>>
      %dma_start3A_1247 = arith.constant 0 : i32
      %dma_start3A_1248 = tpu.memref_slice %arg4[%add3A_1176, %dma_start3A_1240, %add3A, %dma_start3A_1247] : memref<200x4x32x1024xf32, #tpu.memory_space<hbm>> -> memref<1x1x1x1024xf32, #tpu.memory_space<hbm>>
      %dma_start3A_1249 = tpu.memref_squeeze %dma_start3A_1248 : memref<1x1x1x1024xf32, #tpu.memory_space<hbm>> -> memref<1024xf32, #tpu.memory_space<hbm>>
      %dma_start3A_1250 = arith.constant 3072 : i32
      %dma_start3A_1251 = tpu.memref_slice %arg7[%dma_start3A_1239, %dma_start3A_1250] : memref<10x4096xf32, #tpu.memory_space<vmem>> -> memref<1x1024xf32, #tpu.memory_space<vmem>>
      %dma_start3A_1252 = tpu.memref_squeeze %dma_start3A_1251 : memref<1x1024xf32, #tpu.memory_space<vmem>> -> memref<1024xf32, #tpu.memory_space<vmem>>
      tpu.enqueue_dma source(%dma_start3A_1252 : memref<1024xf32, #tpu.memory_space<vmem>>) target(%dma_start3A_1249 : memref<1024xf32, #tpu.memory_space<hbm>>) target_semaphore(%arg23 : memref<!tpu.dma_semaphore, #tpu.memory_space<semaphore_mem>>)
      %lt3A_1253 = arith.constant 19 : i32
      %lt3A_1254 = arith.cmpi slt, %scan3A_752, %lt3A_1253 : i32
      %convert_element_type3A_1255 = arith.extui %lt3A_1254 : i1 to i32
      %cond3A_1256 = arith.constant 0 : i32
      %cond3A_1257 = arith.cmpi ne, %convert_element_type3A_1255, %cond3A_1256 : i32
      scf.if %cond3A_1257 {
        %add3A_1598 = arith.constant 10 : i32
        %add3A_1599 = arith.addi %add3A_1176, %add3A_1598 : i32
        %dma_start3A_1600 = arith.constant 640 : i32
        %dma_start3A_1601 = arith.constant 0 : i32
        %dma_start3A_1602 = tpu.memref_slice %arg6[%dma_start3A_1600, %dma_start3A_1601] : memref<1280x32xf32, #tpu.memory_space<vmem>> -> memref<128x32xf32, #tpu.memory_space<vmem>>
        %dma_start3A_1603 = arith.constant 0 : i32
        %dma_start3A_1604 = tpu.memref_slice %arg5[%add3A_1599, %dma_start3A_1603] : memref<200x128xi32, #tpu.memory_space<vmem>> -> memref<1x128xi32, #tpu.memory_space<vmem>>
        %dma_start3A_1605 = tpu.memref_squeeze %dma_start3A_1604 : memref<1x128xi32, #tpu.memory_space<vmem>> -> memref<128xi32, #tpu.memory_space<vmem>>
        %dma_start3A_1606 = arith.constant 0 : i32
        %dma_start3A_1607 = arith.constant 0 : i32
        %dma_start3A_1608 = tpu.memref_slice %arg3[%dma_start3A_1606, %dma_start3A_1607] : memref<100000x32xf32, #tpu.memory_space<hbm>> -> memref<100000x32xf32, #tpu.memory_space<hbm>>
        tpu.enqueue_indirect_dma source(%dma_start3A_1608 : memref<100000x32xf32, #tpu.memory_space<hbm>>) target(%dma_start3A_1602 : memref<128x32xf32, #tpu.memory_space<vmem>>) offsets(%dma_start3A_1605 : memref<128xi32, #tpu.memory_space<vmem>>) semaphore(%arg13 : memref<!tpu.dma_semaphore, #tpu.memory_space<semaphore_mem>>)
      } else {
      }
      %mul3A_1258 = arith.constant 10 : i32
      %mul3A_1259 = arith.muli %mul3A_1258, %scan3A_752 : i32
      %add3A_1260 = arith.constant 6 : i32
      %add3A_1261 = arith.addi %mul3A_1259, %add3A_1260 : i32
      %dma_wait3A_1262 = arith.constant 768 : i32
      %dma_wait3A_1263 = arith.constant 0 : i32
      %dma_wait3A_1264 = tpu.memref_slice %arg6[%dma_wait3A_1262, %dma_wait3A_1263] : memref<1280x32xf32, #tpu.memory_space<vmem>> -> memref<128x32xf32, #tpu.memory_space<vmem>>
      %dma_wait3A_1265 = arith.constant 0 : i32
      %dma_wait3A_1266 = arith.constant 0 : i32
      %dma_wait3A_1267 = tpu.memref_slice %arg3[%dma_wait3A_1265, %dma_wait3A_1266] : memref<100000x32xf32, #tpu.memory_space<hbm>> -> memref<128x32xf32, #tpu.memory_space<hbm>>
      %dma_wait3A_1268 = arith.constant 768 : i32
      %dma_wait3A_1269 = arith.constant 0 : i32
      %dma_wait3A_1270 = tpu.memref_slice %arg6[%dma_wait3A_1268, %dma_wait3A_1269] : memref<1280x32xf32, #tpu.memory_space<vmem>> -> memref<128x32xf32, #tpu.memory_space<vmem>>
      %dma_wait3A_1271 = arith.constant 0 : i32
      %dma_wait3A_1272 = arith.constant 0 : i32
      %dma_wait3A_1273 = tpu.memref_slice %arg3[%dma_wait3A_1271, %dma_wait3A_1272] : memref<100000x32xf32, #tpu.memory_space<hbm>> -> memref<128x32xf32, #tpu.memory_space<hbm>>
      tpu.wait_dma2 semaphore(%arg14 : memref<!tpu.dma_semaphore, #tpu.memory_space<semaphore_mem>>) src(%dma_wait3A_1273 : memref<128x32xf32, #tpu.memory_space<hbm>>) dst(%dma_wait3A_1270 : memref<128x32xf32, #tpu.memory_space<vmem>>)
      %gt3A_1274 = arith.constant 0 : i32
      %gt3A_1275 = arith.cmpi sgt, %scan3A_752, %gt3A_1274 : i32
      %convert_element_type3A_1276 = arith.extui %gt3A_1275 : i1 to i32
      %cond3A_1277 = arith.constant 0 : i32
      %cond3A_1278 = arith.cmpi ne, %convert_element_type3A_1276, %cond3A_1277 : i32
      scf.if %cond3A_1278 {
        %dma_wait3A_1598 = arith.constant 6 : i32
        %dma_wait3A_1599 = arith.constant 0 : i32
        %dma_wait3A_1600 = arith.constant 0 : i32
        %dma_wait3A_1601 = arith.constant 0 : i32
        %dma_wait3A_1602 = arith.constant 0 : i32
        %dma_wait3A_1603 = tpu.memref_slice %arg7[%dma_wait3A_1598, %dma_wait3A_1602] : memref<10x4096xf32, #tpu.memory_space<vmem>> -> memref<1x1024xf32, #tpu.memory_space<vmem>>
        %dma_wait3A_1604 = tpu.memref_squeeze %dma_wait3A_1603 : memref<1x1024xf32, #tpu.memory_space<vmem>> -> memref<1024xf32, #tpu.memory_space<vmem>>
        %dma_wait3A_1605 = arith.constant 0 : i32
        %dma_wait3A_1606 = tpu.memref_slice %arg4[%dma_wait3A_1599, %dma_wait3A_1600, %dma_wait3A_1601, %dma_wait3A_1605] : memref<200x4x32x1024xf32, #tpu.memory_space<hbm>> -> memref<1x1x1x1024xf32, #tpu.memory_space<hbm>>
        %dma_wait3A_1607 = tpu.memref_squeeze %dma_wait3A_1606 : memref<1x1x1x1024xf32, #tpu.memory_space<hbm>> -> memref<1024xf32, #tpu.memory_space<hbm>>
        %dma_wait3A_1608 = arith.constant 0 : i32
        %dma_wait3A_1609 = tpu.memref_slice %arg4[%dma_wait3A_1599, %dma_wait3A_1600, %dma_wait3A_1601, %dma_wait3A_1608] : memref<200x4x32x1024xf32, #tpu.memory_space<hbm>> -> memref<1x1x1x1024xf32, #tpu.memory_space<hbm>>
        %dma_wait3A_1610 = tpu.memref_squeeze %dma_wait3A_1609 : memref<1x1x1x1024xf32, #tpu.memory_space<hbm>> -> memref<1024xf32, #tpu.memory_space<hbm>>
        %dma_wait3A_1611 = arith.constant 0 : i32
        %dma_wait3A_1612 = tpu.memref_slice %arg7[%dma_wait3A_1598, %dma_wait3A_1611] : memref<10x4096xf32, #tpu.memory_space<vmem>> -> memref<1x1024xf32, #tpu.memory_space<vmem>>
        %dma_wait3A_1613 = tpu.memref_squeeze %dma_wait3A_1612 : memref<1x1024xf32, #tpu.memory_space<vmem>> -> memref<1024xf32, #tpu.memory_space<vmem>>
        tpu.wait_dma2 semaphore(%arg24 : memref<!tpu.dma_semaphore, #tpu.memory_space<semaphore_mem>>) src(%dma_wait3A_1613 : memref<1024xf32, #tpu.memory_space<vmem>>) dst(%dma_wait3A_1610 : memref<1024xf32, #tpu.memory_space<hbm>>)
        %dma_wait3A_1614 = arith.constant 6 : i32
        %dma_wait3A_1615 = arith.constant 0 : i32
        %dma_wait3A_1616 = arith.constant 0 : i32
        %dma_wait3A_1617 = arith.constant 0 : i32
        %dma_wait3A_1618 = arith.constant 0 : i32
        %dma_wait3A_1619 = tpu.memref_slice %arg7[%dma_wait3A_1614, %dma_wait3A_1618] : memref<10x4096xf32, #tpu.memory_space<vmem>> -> memref<1x1024xf32, #tpu.memory_space<vmem>>
        %dma_wait3A_1620 = tpu.memref_squeeze %dma_wait3A_1619 : memref<1x1024xf32, #tpu.memory_space<vmem>> -> memref<1024xf32, #tpu.memory_space<vmem>>
        %dma_wait3A_1621 = arith.constant 0 : i32
        %dma_wait3A_1622 = tpu.memref_slice %arg4[%dma_wait3A_1615, %dma_wait3A_1616, %dma_wait3A_1617, %dma_wait3A_1621] : memref<200x4x32x1024xf32, #tpu.memory_space<hbm>> -> memref<1x1x1x1024xf32, #tpu.memory_space<hbm>>
        %dma_wait3A_1623 = tpu.memref_squeeze %dma_wait3A_1622 : memref<1x1x1x1024xf32, #tpu.memory_space<hbm>> -> memref<1024xf32, #tpu.memory_space<hbm>>
        %dma_wait3A_1624 = arith.constant 0 : i32
        %dma_wait3A_1625 = tpu.memref_slice %arg4[%dma_wait3A_1615, %dma_wait3A_1616, %dma_wait3A_1617, %dma_wait3A_1624] : memref<200x4x32x1024xf32, #tpu.memory_space<hbm>> -> memref<1x1x1x1024xf32, #tpu.memory_space<hbm>>
        %dma_wait3A_1626 = tpu.memref_squeeze %dma_wait3A_1625 : memref<1x1x1x1024xf32, #tpu.memory_space<hbm>> -> memref<1024xf32, #tpu.memory_space<hbm>>
        %dma_wait3A_1627 = arith.constant 0 : i32
        %dma_wait3A_1628 = tpu.memref_slice %arg7[%dma_wait3A_1614, %dma_wait3A_1627] : memref<10x4096xf32, #tpu.memory_space<vmem>> -> memref<1x1024xf32, #tpu.memory_space<vmem>>
        %dma_wait3A_1629 = tpu.memref_squeeze %dma_wait3A_1628 : memref<1x1024xf32, #tpu.memory_space<vmem>> -> memref<1024xf32, #tpu.memory_space<vmem>>
        tpu.wait_dma2 semaphore(%arg24 : memref<!tpu.dma_semaphore, #tpu.memory_space<semaphore_mem>>) src(%dma_wait3A_1629 : memref<1024xf32, #tpu.memory_space<vmem>>) dst(%dma_wait3A_1626 : memref<1024xf32, #tpu.memory_space<hbm>>)
        %dma_wait3A_1630 = arith.constant 6 : i32
        %dma_wait3A_1631 = arith.constant 0 : i32
        %dma_wait3A_1632 = arith.constant 0 : i32
        %dma_wait3A_1633 = arith.constant 0 : i32
        %dma_wait3A_1634 = arith.constant 0 : i32
        %dma_wait3A_1635 = tpu.memref_slice %arg7[%dma_wait3A_1630, %dma_wait3A_1634] : memref<10x4096xf32, #tpu.memory_space<vmem>> -> memref<1x1024xf32, #tpu.memory_space<vmem>>
        %dma_wait3A_1636 = tpu.memref_squeeze %dma_wait3A_1635 : memref<1x1024xf32, #tpu.memory_space<vmem>> -> memref<1024xf32, #tpu.memory_space<vmem>>
        %dma_wait3A_1637 = arith.constant 0 : i32
        %dma_wait3A_1638 = tpu.memref_slice %arg4[%dma_wait3A_1631, %dma_wait3A_1632, %dma_wait3A_1633, %dma_wait3A_1637] : memref<200x4x32x1024xf32, #tpu.memory_space<hbm>> -> memref<1x1x1x1024xf32, #tpu.memory_space<hbm>>
        %dma_wait3A_1639 = tpu.memref_squeeze %dma_wait3A_1638 : memref<1x1x1x1024xf32, #tpu.memory_space<hbm>> -> memref<1024xf32, #tpu.memory_space<hbm>>
        %dma_wait3A_1640 = arith.constant 0 : i32
        %dma_wait3A_1641 = tpu.memref_slice %arg4[%dma_wait3A_1631, %dma_wait3A_1632, %dma_wait3A_1633, %dma_wait3A_1640] : memref<200x4x32x1024xf32, #tpu.memory_space<hbm>> -> memref<1x1x1x1024xf32, #tpu.memory_space<hbm>>
        %dma_wait3A_1642 = tpu.memref_squeeze %dma_wait3A_1641 : memref<1x1x1x1024xf32, #tpu.memory_space<hbm>> -> memref<1024xf32, #tpu.memory_space<hbm>>
        %dma_wait3A_1643 = arith.constant 0 : i32
        %dma_wait3A_1644 = tpu.memref_slice %arg7[%dma_wait3A_1630, %dma_wait3A_1643] : memref<10x4096xf32, #tpu.memory_space<vmem>> -> memref<1x1024xf32, #tpu.memory_space<vmem>>
        %dma_wait3A_1645 = tpu.memref_squeeze %dma_wait3A_1644 : memref<1x1024xf32, #tpu.memory_space<vmem>> -> memref<1024xf32, #tpu.memory_space<vmem>>
        tpu.wait_dma2 semaphore(%arg24 : memref<!tpu.dma_semaphore, #tpu.memory_space<semaphore_mem>>) src(%dma_wait3A_1645 : memref<1024xf32, #tpu.memory_space<vmem>>) dst(%dma_wait3A_1642 : memref<1024xf32, #tpu.memory_space<hbm>>)
        %dma_wait3A_1646 = arith.constant 6 : i32
        %dma_wait3A_1647 = arith.constant 0 : i32
        %dma_wait3A_1648 = arith.constant 0 : i32
        %dma_wait3A_1649 = arith.constant 0 : i32
        %dma_wait3A_1650 = arith.constant 0 : i32
        %dma_wait3A_1651 = tpu.memref_slice %arg7[%dma_wait3A_1646, %dma_wait3A_1650] : memref<10x4096xf32, #tpu.memory_space<vmem>> -> memref<1x1024xf32, #tpu.memory_space<vmem>>
        %dma_wait3A_1652 = tpu.memref_squeeze %dma_wait3A_1651 : memref<1x1024xf32, #tpu.memory_space<vmem>> -> memref<1024xf32, #tpu.memory_space<vmem>>
        %dma_wait3A_1653 = arith.constant 0 : i32
        %dma_wait3A_1654 = tpu.memref_slice %arg4[%dma_wait3A_1647, %dma_wait3A_1648, %dma_wait3A_1649, %dma_wait3A_1653] : memref<200x4x32x1024xf32, #tpu.memory_space<hbm>> -> memref<1x1x1x1024xf32, #tpu.memory_space<hbm>>
        %dma_wait3A_1655 = tpu.memref_squeeze %dma_wait3A_1654 : memref<1x1x1x1024xf32, #tpu.memory_space<hbm>> -> memref<1024xf32, #tpu.memory_space<hbm>>
        %dma_wait3A_1656 = arith.constant 0 : i32
        %dma_wait3A_1657 = tpu.memref_slice %arg4[%dma_wait3A_1647, %dma_wait3A_1648, %dma_wait3A_1649, %dma_wait3A_1656] : memref<200x4x32x1024xf32, #tpu.memory_space<hbm>> -> memref<1x1x1x1024xf32, #tpu.memory_space<hbm>>
        %dma_wait3A_1658 = tpu.memref_squeeze %dma_wait3A_1657 : memref<1x1x1x1024xf32, #tpu.memory_space<hbm>> -> memref<1024xf32, #tpu.memory_space<hbm>>
        %dma_wait3A_1659 = arith.constant 0 : i32
        %dma_wait3A_1660 = tpu.memref_slice %arg7[%dma_wait3A_1646, %dma_wait3A_1659] : memref<10x4096xf32, #tpu.memory_space<vmem>> -> memref<1x1024xf32, #tpu.memory_space<vmem>>
        %dma_wait3A_1661 = tpu.memref_squeeze %dma_wait3A_1660 : memref<1x1024xf32, #tpu.memory_space<vmem>> -> memref<1024xf32, #tpu.memory_space<vmem>>
        tpu.wait_dma2 semaphore(%arg24 : memref<!tpu.dma_semaphore, #tpu.memory_space<semaphore_mem>>) src(%dma_wait3A_1661 : memref<1024xf32, #tpu.memory_space<vmem>>) dst(%dma_wait3A_1658 : memref<1024xf32, #tpu.memory_space<hbm>>)
      } else {
      }
      %parallel_loop3A_1279 = arith.constant 0 : i32
      %parallel_loop3A_1280 = arith.constant 128 : i32
      %parallel_loop3A_1281 = arith.constant 1 : i32
      scf.for %parallel_loop3A_1598 = %parallel_loop3A_1279 to %parallel_loop3A_1280 step %parallel_loop3A_1281  : i32 {
        %parallel_loop3A_1599 = vector.broadcast %parallel_loop3A_1598 : i32 to vector<16xi32>
        %parallel_loop3A_1600 = arith.addi %iota3A, %parallel_loop3A_1599 : vector<16xi32>
        %parallel_loop3A_1601 = arith.constant 127 : i32
        %parallel_loop3A_1602 = vector.broadcast %parallel_loop3A_1601 : i32 to vector<16xi32>
        %parallel_loop3A_1603 = arith.andi %parallel_loop3A_1600, %parallel_loop3A_1602 : vector<16xi32>
        %parallel_loop3A_1604 = arith.constant 768 : i32
        %parallel_loop3A_1605 = vector.broadcast %parallel_loop3A_1604 : i32 to vector<16xi32>
        %parallel_loop3A_1606 = arith.addi %parallel_loop3A_1603, %parallel_loop3A_1605 : vector<16xi32>
        %parallel_loop3A_1607 = arith.addi %mul3A_8, %parallel_loop3A_1603 : vector<16xi32>
        %parallel_loop3A_1608 = tpu.vector_load_idx %arg6[%parallel_loop3A_1606, %iota3A] : memref<1280x32xf32, #tpu.memory_space<vmem>>[vector<16xi32>, vector<16xi32>], vector<16xf32>,
        %parallel_loop3A_1609 = arith.constant 6 : i32
        %parallel_loop3A_1610 = arith.constant 0 : i32
        %parallel_loop3A_1611 = tpu.memref_slice %arg7[%parallel_loop3A_1609, %parallel_loop3A_1610] : memref<10x4096xf32, #tpu.memory_space<vmem>> -> memref<1x4096xf32, #tpu.memory_space<vmem>>
        %parallel_loop3A_1612 = tpu.memref_squeeze %parallel_loop3A_1611 : memref<1x4096xf32, #tpu.memory_space<vmem>> -> memref<4096xf32, #tpu.memory_space<vmem>>
        tpu.vector_store_idx %parallel_loop3A_1612[%parallel_loop3A_1607], %parallel_loop3A_1608 : memref<4096xf32, #tpu.memory_space<vmem>>[vector<16xi32>], vector<16xf32>,
        %parallel_loop3A_1613 = tpu.vector_load_idx %arg6[%parallel_loop3A_1606, %add3A_5] : memref<1280x32xf32, #tpu.memory_space<vmem>>[vector<16xi32>, vector<16xi32>], vector<16xf32>,
        %parallel_loop3A_1614 = arith.constant 2048 : i32
        %parallel_loop3A_1615 = vector.broadcast %parallel_loop3A_1614 : i32 to vector<16xi32>
        %parallel_loop3A_1616 = arith.addi %parallel_loop3A_1607, %parallel_loop3A_1615 : vector<16xi32>
        %parallel_loop3A_1617 = arith.constant 6 : i32
        %parallel_loop3A_1618 = arith.constant 0 : i32
        %parallel_loop3A_1619 = tpu.memref_slice %arg7[%parallel_loop3A_1617, %parallel_loop3A_1618] : memref<10x4096xf32, #tpu.memory_space<vmem>> -> memref<1x4096xf32, #tpu.memory_space<vmem>>
        %parallel_loop3A_1620 = tpu.memref_squeeze %parallel_loop3A_1619 : memref<1x4096xf32, #tpu.memory_space<vmem>> -> memref<4096xf32, #tpu.memory_space<vmem>>
        tpu.vector_store_idx %parallel_loop3A_1620[%parallel_loop3A_1616], %parallel_loop3A_1613 : memref<4096xf32, #tpu.memory_space<vmem>>[vector<16xi32>], vector<16xf32>,
      } {sc.loop_unroll_factor = 8 : i64, sc.parallel_access}
      %dma_start3A_1282 = arith.constant 6 : i32
      %dma_start3A_1283 = arith.constant 0 : i32
      %dma_start3A_1284 = arith.constant 0 : i32
      %dma_start3A_1285 = tpu.memref_slice %arg7[%dma_start3A_1282, %dma_start3A_1284] : memref<10x4096xf32, #tpu.memory_space<vmem>> -> memref<1x1024xf32, #tpu.memory_space<vmem>>
      %dma_start3A_1286 = tpu.memref_squeeze %dma_start3A_1285 : memref<1x1024xf32, #tpu.memory_space<vmem>> -> memref<1024xf32, #tpu.memory_space<vmem>>
      %dma_start3A_1287 = arith.constant 0 : i32
      %dma_start3A_1288 = tpu.memref_slice %arg4[%add3A_1261, %dma_start3A_1283, %add3A, %dma_start3A_1287] : memref<200x4x32x1024xf32, #tpu.memory_space<hbm>> -> memref<1x1x1x1024xf32, #tpu.memory_space<hbm>>
      %dma_start3A_1289 = tpu.memref_squeeze %dma_start3A_1288 : memref<1x1x1x1024xf32, #tpu.memory_space<hbm>> -> memref<1024xf32, #tpu.memory_space<hbm>>
      %dma_start3A_1290 = arith.constant 0 : i32
      %dma_start3A_1291 = tpu.memref_slice %arg4[%add3A_1261, %dma_start3A_1283, %add3A, %dma_start3A_1290] : memref<200x4x32x1024xf32, #tpu.memory_space<hbm>> -> memref<1x1x1x1024xf32, #tpu.memory_space<hbm>>
      %dma_start3A_1292 = tpu.memref_squeeze %dma_start3A_1291 : memref<1x1x1x1024xf32, #tpu.memory_space<hbm>> -> memref<1024xf32, #tpu.memory_space<hbm>>
      %dma_start3A_1293 = arith.constant 0 : i32
      %dma_start3A_1294 = tpu.memref_slice %arg7[%dma_start3A_1282, %dma_start3A_1293] : memref<10x4096xf32, #tpu.memory_space<vmem>> -> memref<1x1024xf32, #tpu.memory_space<vmem>>
      %dma_start3A_1295 = tpu.memref_squeeze %dma_start3A_1294 : memref<1x1024xf32, #tpu.memory_space<vmem>> -> memref<1024xf32, #tpu.memory_space<vmem>>
      tpu.enqueue_dma source(%dma_start3A_1295 : memref<1024xf32, #tpu.memory_space<vmem>>) target(%dma_start3A_1292 : memref<1024xf32, #tpu.memory_space<hbm>>) target_semaphore(%arg24 : memref<!tpu.dma_semaphore, #tpu.memory_space<semaphore_mem>>)
      %dma_start3A_1296 = arith.constant 6 : i32
      %dma_start3A_1297 = arith.constant 1 : i32
      %dma_start3A_1298 = arith.constant 1024 : i32
      %dma_start3A_1299 = tpu.memref_slice %arg7[%dma_start3A_1296, %dma_start3A_1298] : memref<10x4096xf32, #tpu.memory_space<vmem>> -> memref<1x1024xf32, #tpu.memory_space<vmem>>
      %dma_start3A_1300 = tpu.memref_squeeze %dma_start3A_1299 : memref<1x1024xf32, #tpu.memory_space<vmem>> -> memref<1024xf32, #tpu.memory_space<vmem>>
      %dma_start3A_1301 = arith.constant 0 : i32
      %dma_start3A_1302 = tpu.memref_slice %arg4[%add3A_1261, %dma_start3A_1297, %add3A, %dma_start3A_1301] : memref<200x4x32x1024xf32, #tpu.memory_space<hbm>> -> memref<1x1x1x1024xf32, #tpu.memory_space<hbm>>
      %dma_start3A_1303 = tpu.memref_squeeze %dma_start3A_1302 : memref<1x1x1x1024xf32, #tpu.memory_space<hbm>> -> memref<1024xf32, #tpu.memory_space<hbm>>
      %dma_start3A_1304 = arith.constant 0 : i32
      %dma_start3A_1305 = tpu.memref_slice %arg4[%add3A_1261, %dma_start3A_1297, %add3A, %dma_start3A_1304] : memref<200x4x32x1024xf32, #tpu.memory_space<hbm>> -> memref<1x1x1x1024xf32, #tpu.memory_space<hbm>>
      %dma_start3A_1306 = tpu.memref_squeeze %dma_start3A_1305 : memref<1x1x1x1024xf32, #tpu.memory_space<hbm>> -> memref<1024xf32, #tpu.memory_space<hbm>>
      %dma_start3A_1307 = arith.constant 1024 : i32
      %dma_start3A_1308 = tpu.memref_slice %arg7[%dma_start3A_1296, %dma_start3A_1307] : memref<10x4096xf32, #tpu.memory_space<vmem>> -> memref<1x1024xf32, #tpu.memory_space<vmem>>
      %dma_start3A_1309 = tpu.memref_squeeze %dma_start3A_1308 : memref<1x1024xf32, #tpu.memory_space<vmem>> -> memref<1024xf32, #tpu.memory_space<vmem>>
      tpu.enqueue_dma source(%dma_start3A_1309 : memref<1024xf32, #tpu.memory_space<vmem>>) target(%dma_start3A_1306 : memref<1024xf32, #tpu.memory_space<hbm>>) target_semaphore(%arg24 : memref<!tpu.dma_semaphore, #tpu.memory_space<semaphore_mem>>)
      %dma_start3A_1310 = arith.constant 6 : i32
      %dma_start3A_1311 = arith.constant 2 : i32
      %dma_start3A_1312 = arith.constant 2048 : i32
      %dma_start3A_1313 = tpu.memref_slice %arg7[%dma_start3A_1310, %dma_start3A_1312] : memref<10x4096xf32, #tpu.memory_space<vmem>> -> memref<1x1024xf32, #tpu.memory_space<vmem>>
      %dma_start3A_1314 = tpu.memref_squeeze %dma_start3A_1313 : memref<1x1024xf32, #tpu.memory_space<vmem>> -> memref<1024xf32, #tpu.memory_space<vmem>>
      %dma_start3A_1315 = arith.constant 0 : i32
      %dma_start3A_1316 = tpu.memref_slice %arg4[%add3A_1261, %dma_start3A_1311, %add3A, %dma_start3A_1315] : memref<200x4x32x1024xf32, #tpu.memory_space<hbm>> -> memref<1x1x1x1024xf32, #tpu.memory_space<hbm>>
      %dma_start3A_1317 = tpu.memref_squeeze %dma_start3A_1316 : memref<1x1x1x1024xf32, #tpu.memory_space<hbm>> -> memref<1024xf32, #tpu.memory_space<hbm>>
      %dma_start3A_1318 = arith.constant 0 : i32
      %dma_start3A_1319 = tpu.memref_slice %arg4[%add3A_1261, %dma_start3A_1311, %add3A, %dma_start3A_1318] : memref<200x4x32x1024xf32, #tpu.memory_space<hbm>> -> memref<1x1x1x1024xf32, #tpu.memory_space<hbm>>
      %dma_start3A_1320 = tpu.memref_squeeze %dma_start3A_1319 : memref<1x1x1x1024xf32, #tpu.memory_space<hbm>> -> memref<1024xf32, #tpu.memory_space<hbm>>
      %dma_start3A_1321 = arith.constant 2048 : i32
      %dma_start3A_1322 = tpu.memref_slice %arg7[%dma_start3A_1310, %dma_start3A_1321] : memref<10x4096xf32, #tpu.memory_space<vmem>> -> memref<1x1024xf32, #tpu.memory_space<vmem>>
      %dma_start3A_1323 = tpu.memref_squeeze %dma_start3A_1322 : memref<1x1024xf32, #tpu.memory_space<vmem>> -> memref<1024xf32, #tpu.memory_space<vmem>>
      tpu.enqueue_dma source(%dma_start3A_1323 : memref<1024xf32, #tpu.memory_space<vmem>>) target(%dma_start3A_1320 : memref<1024xf32, #tpu.memory_space<hbm>>) target_semaphore(%arg24 : memref<!tpu.dma_semaphore, #tpu.memory_space<semaphore_mem>>)
      %dma_start3A_1324 = arith.constant 6 : i32
      %dma_start3A_1325 = arith.constant 3 : i32
      %dma_start3A_1326 = arith.constant 3072 : i32
      %dma_start3A_1327 = tpu.memref_slice %arg7[%dma_start3A_1324, %dma_start3A_1326] : memref<10x4096xf32, #tpu.memory_space<vmem>> -> memref<1x1024xf32, #tpu.memory_space<vmem>>
      %dma_start3A_1328 = tpu.memref_squeeze %dma_start3A_1327 : memref<1x1024xf32, #tpu.memory_space<vmem>> -> memref<1024xf32, #tpu.memory_space<vmem>>
      %dma_start3A_1329 = arith.constant 0 : i32
      %dma_start3A_1330 = tpu.memref_slice %arg4[%add3A_1261, %dma_start3A_1325, %add3A, %dma_start3A_1329] : memref<200x4x32x1024xf32, #tpu.memory_space<hbm>> -> memref<1x1x1x1024xf32, #tpu.memory_space<hbm>>
      %dma_start3A_1331 = tpu.memref_squeeze %dma_start3A_1330 : memref<1x1x1x1024xf32, #tpu.memory_space<hbm>> -> memref<1024xf32, #tpu.memory_space<hbm>>
      %dma_start3A_1332 = arith.constant 0 : i32
      %dma_start3A_1333 = tpu.memref_slice %arg4[%add3A_1261, %dma_start3A_1325, %add3A, %dma_start3A_1332] : memref<200x4x32x1024xf32, #tpu.memory_space<hbm>> -> memref<1x1x1x1024xf32, #tpu.memory_space<hbm>>
      %dma_start3A_1334 = tpu.memref_squeeze %dma_start3A_1333 : memref<1x1x1x1024xf32, #tpu.memory_space<hbm>> -> memref<1024xf32, #tpu.memory_space<hbm>>
      %dma_start3A_1335 = arith.constant 3072 : i32
      %dma_start3A_1336 = tpu.memref_slice %arg7[%dma_start3A_1324, %dma_start3A_1335] : memref<10x4096xf32, #tpu.memory_space<vmem>> -> memref<1x1024xf32, #tpu.memory_space<vmem>>
      %dma_start3A_1337 = tpu.memref_squeeze %dma_start3A_1336 : memref<1x1024xf32, #tpu.memory_space<vmem>> -> memref<1024xf32, #tpu.memory_space<vmem>>
      tpu.enqueue_dma source(%dma_start3A_1337 : memref<1024xf32, #tpu.memory_space<vmem>>) target(%dma_start3A_1334 : memref<1024xf32, #tpu.memory_space<hbm>>) target_semaphore(%arg24 : memref<!tpu.dma_semaphore, #tpu.memory_space<semaphore_mem>>)
      %lt3A_1338 = arith.constant 19 : i32
      %lt3A_1339 = arith.cmpi slt, %scan3A_752, %lt3A_1338 : i32
      %convert_element_type3A_1340 = arith.extui %lt3A_1339 : i1 to i32
      %cond3A_1341 = arith.constant 0 : i32
      %cond3A_1342 = arith.cmpi ne, %convert_element_type3A_1340, %cond3A_1341 : i32
      scf.if %cond3A_1342 {
        %add3A_1598 = arith.constant 10 : i32
        %add3A_1599 = arith.addi %add3A_1261, %add3A_1598 : i32
        %dma_start3A_1600 = arith.constant 768 : i32
        %dma_start3A_1601 = arith.constant 0 : i32
        %dma_start3A_1602 = tpu.memref_slice %arg6[%dma_start3A_1600, %dma_start3A_1601] : memref<1280x32xf32, #tpu.memory_space<vmem>> -> memref<128x32xf32, #tpu.memory_space<vmem>>
        %dma_start3A_1603 = arith.constant 0 : i32
        %dma_start3A_1604 = tpu.memref_slice %arg5[%add3A_1599, %dma_start3A_1603] : memref<200x128xi32, #tpu.memory_space<vmem>> -> memref<1x128xi32, #tpu.memory_space<vmem>>
        %dma_start3A_1605 = tpu.memref_squeeze %dma_start3A_1604 : memref<1x128xi32, #tpu.memory_space<vmem>> -> memref<128xi32, #tpu.memory_space<vmem>>
        %dma_start3A_1606 = arith.constant 0 : i32
        %dma_start3A_1607 = arith.constant 0 : i32
        %dma_start3A_1608 = tpu.memref_slice %arg3[%dma_start3A_1606, %dma_start3A_1607] : memref<100000x32xf32, #tpu.memory_space<hbm>> -> memref<100000x32xf32, #tpu.memory_space<hbm>>
        tpu.enqueue_indirect_dma source(%dma_start3A_1608 : memref<100000x32xf32, #tpu.memory_space<hbm>>) target(%dma_start3A_1602 : memref<128x32xf32, #tpu.memory_space<vmem>>) offsets(%dma_start3A_1605 : memref<128xi32, #tpu.memory_space<vmem>>) semaphore(%arg14 : memref<!tpu.dma_semaphore, #tpu.memory_space<semaphore_mem>>)
      } else {
      }
      %mul3A_1343 = arith.constant 10 : i32
      %mul3A_1344 = arith.muli %mul3A_1343, %scan3A_752 : i32
      %add3A_1345 = arith.constant 7 : i32
      %add3A_1346 = arith.addi %mul3A_1344, %add3A_1345 : i32
      %dma_wait3A_1347 = arith.constant 896 : i32
      %dma_wait3A_1348 = arith.constant 0 : i32
      %dma_wait3A_1349 = tpu.memref_slice %arg6[%dma_wait3A_1347, %dma_wait3A_1348] : memref<1280x32xf32, #tpu.memory_space<vmem>> -> memref<128x32xf32, #tpu.memory_space<vmem>>
      %dma_wait3A_1350 = arith.constant 0 : i32
      %dma_wait3A_1351 = arith.constant 0 : i32
      %dma_wait3A_1352 = tpu.memref_slice %arg3[%dma_wait3A_1350, %dma_wait3A_1351] : memref<100000x32xf32, #tpu.memory_space<hbm>> -> memref<128x32xf32, #tpu.memory_space<hbm>>
      %dma_wait3A_1353 = arith.constant 896 : i32
      %dma_wait3A_1354 = arith.constant 0 : i32
      %dma_wait3A_1355 = tpu.memref_slice %arg6[%dma_wait3A_1353, %dma_wait3A_1354] : memref<1280x32xf32, #tpu.memory_space<vmem>> -> memref<128x32xf32, #tpu.memory_space<vmem>>
      %dma_wait3A_1356 = arith.constant 0 : i32
      %dma_wait3A_1357 = arith.constant 0 : i32
      %dma_wait3A_1358 = tpu.memref_slice %arg3[%dma_wait3A_1356, %dma_wait3A_1357] : memref<100000x32xf32, #tpu.memory_space<hbm>> -> memref<128x32xf32, #tpu.memory_space<hbm>>
      tpu.wait_dma2 semaphore(%arg15 : memref<!tpu.dma_semaphore, #tpu.memory_space<semaphore_mem>>) src(%dma_wait3A_1358 : memref<128x32xf32, #tpu.memory_space<hbm>>) dst(%dma_wait3A_1355 : memref<128x32xf32, #tpu.memory_space<vmem>>)
      %gt3A_1359 = arith.constant 0 : i32
      %gt3A_1360 = arith.cmpi sgt, %scan3A_752, %gt3A_1359 : i32
      %convert_element_type3A_1361 = arith.extui %gt3A_1360 : i1 to i32
      %cond3A_1362 = arith.constant 0 : i32
      %cond3A_1363 = arith.cmpi ne, %convert_element_type3A_1361, %cond3A_1362 : i32
      scf.if %cond3A_1363 {
        %dma_wait3A_1598 = arith.constant 7 : i32
        %dma_wait3A_1599 = arith.constant 0 : i32
        %dma_wait3A_1600 = arith.constant 0 : i32
        %dma_wait3A_1601 = arith.constant 0 : i32
        %dma_wait3A_1602 = arith.constant 0 : i32
        %dma_wait3A_1603 = tpu.memref_slice %arg7[%dma_wait3A_1598, %dma_wait3A_1602] : memref<10x4096xf32, #tpu.memory_space<vmem>> -> memref<1x1024xf32, #tpu.memory_space<vmem>>
        %dma_wait3A_1604 = tpu.memref_squeeze %dma_wait3A_1603 : memref<1x1024xf32, #tpu.memory_space<vmem>> -> memref<1024xf32, #tpu.memory_space<vmem>>
        %dma_wait3A_1605 = arith.constant 0 : i32
        %dma_wait3A_1606 = tpu.memref_slice %arg4[%dma_wait3A_1599, %dma_wait3A_1600, %dma_wait3A_1601, %dma_wait3A_1605] : memref<200x4x32x1024xf32, #tpu.memory_space<hbm>> -> memref<1x1x1x1024xf32, #tpu.memory_space<hbm>>
        %dma_wait3A_1607 = tpu.memref_squeeze %dma_wait3A_1606 : memref<1x1x1x1024xf32, #tpu.memory_space<hbm>> -> memref<1024xf32, #tpu.memory_space<hbm>>
        %dma_wait3A_1608 = arith.constant 0 : i32
        %dma_wait3A_1609 = tpu.memref_slice %arg4[%dma_wait3A_1599, %dma_wait3A_1600, %dma_wait3A_1601, %dma_wait3A_1608] : memref<200x4x32x1024xf32, #tpu.memory_space<hbm>> -> memref<1x1x1x1024xf32, #tpu.memory_space<hbm>>
        %dma_wait3A_1610 = tpu.memref_squeeze %dma_wait3A_1609 : memref<1x1x1x1024xf32, #tpu.memory_space<hbm>> -> memref<1024xf32, #tpu.memory_space<hbm>>
        %dma_wait3A_1611 = arith.constant 0 : i32
        %dma_wait3A_1612 = tpu.memref_slice %arg7[%dma_wait3A_1598, %dma_wait3A_1611] : memref<10x4096xf32, #tpu.memory_space<vmem>> -> memref<1x1024xf32, #tpu.memory_space<vmem>>
        %dma_wait3A_1613 = tpu.memref_squeeze %dma_wait3A_1612 : memref<1x1024xf32, #tpu.memory_space<vmem>> -> memref<1024xf32, #tpu.memory_space<vmem>>
        tpu.wait_dma2 semaphore(%arg25 : memref<!tpu.dma_semaphore, #tpu.memory_space<semaphore_mem>>) src(%dma_wait3A_1613 : memref<1024xf32, #tpu.memory_space<vmem>>) dst(%dma_wait3A_1610 : memref<1024xf32, #tpu.memory_space<hbm>>)
        %dma_wait3A_1614 = arith.constant 7 : i32
        %dma_wait3A_1615 = arith.constant 0 : i32
        %dma_wait3A_1616 = arith.constant 0 : i32
        %dma_wait3A_1617 = arith.constant 0 : i32
        %dma_wait3A_1618 = arith.constant 0 : i32
        %dma_wait3A_1619 = tpu.memref_slice %arg7[%dma_wait3A_1614, %dma_wait3A_1618] : memref<10x4096xf32, #tpu.memory_space<vmem>> -> memref<1x1024xf32, #tpu.memory_space<vmem>>
        %dma_wait3A_1620 = tpu.memref_squeeze %dma_wait3A_1619 : memref<1x1024xf32, #tpu.memory_space<vmem>> -> memref<1024xf32, #tpu.memory_space<vmem>>
        %dma_wait3A_1621 = arith.constant 0 : i32
        %dma_wait3A_1622 = tpu.memref_slice %arg4[%dma_wait3A_1615, %dma_wait3A_1616, %dma_wait3A_1617, %dma_wait3A_1621] : memref<200x4x32x1024xf32, #tpu.memory_space<hbm>> -> memref<1x1x1x1024xf32, #tpu.memory_space<hbm>>
        %dma_wait3A_1623 = tpu.memref_squeeze %dma_wait3A_1622 : memref<1x1x1x1024xf32, #tpu.memory_space<hbm>> -> memref<1024xf32, #tpu.memory_space<hbm>>
        %dma_wait3A_1624 = arith.constant 0 : i32
        %dma_wait3A_1625 = tpu.memref_slice %arg4[%dma_wait3A_1615, %dma_wait3A_1616, %dma_wait3A_1617, %dma_wait3A_1624] : memref<200x4x32x1024xf32, #tpu.memory_space<hbm>> -> memref<1x1x1x1024xf32, #tpu.memory_space<hbm>>
        %dma_wait3A_1626 = tpu.memref_squeeze %dma_wait3A_1625 : memref<1x1x1x1024xf32, #tpu.memory_space<hbm>> -> memref<1024xf32, #tpu.memory_space<hbm>>
        %dma_wait3A_1627 = arith.constant 0 : i32
        %dma_wait3A_1628 = tpu.memref_slice %arg7[%dma_wait3A_1614, %dma_wait3A_1627] : memref<10x4096xf32, #tpu.memory_space<vmem>> -> memref<1x1024xf32, #tpu.memory_space<vmem>>
        %dma_wait3A_1629 = tpu.memref_squeeze %dma_wait3A_1628 : memref<1x1024xf32, #tpu.memory_space<vmem>> -> memref<1024xf32, #tpu.memory_space<vmem>>
        tpu.wait_dma2 semaphore(%arg25 : memref<!tpu.dma_semaphore, #tpu.memory_space<semaphore_mem>>) src(%dma_wait3A_1629 : memref<1024xf32, #tpu.memory_space<vmem>>) dst(%dma_wait3A_1626 : memref<1024xf32, #tpu.memory_space<hbm>>)
        %dma_wait3A_1630 = arith.constant 7 : i32
        %dma_wait3A_1631 = arith.constant 0 : i32
        %dma_wait3A_1632 = arith.constant 0 : i32
        %dma_wait3A_1633 = arith.constant 0 : i32
        %dma_wait3A_1634 = arith.constant 0 : i32
        %dma_wait3A_1635 = tpu.memref_slice %arg7[%dma_wait3A_1630, %dma_wait3A_1634] : memref<10x4096xf32, #tpu.memory_space<vmem>> -> memref<1x1024xf32, #tpu.memory_space<vmem>>
        %dma_wait3A_1636 = tpu.memref_squeeze %dma_wait3A_1635 : memref<1x1024xf32, #tpu.memory_space<vmem>> -> memref<1024xf32, #tpu.memory_space<vmem>>
        %dma_wait3A_1637 = arith.constant 0 : i32
        %dma_wait3A_1638 = tpu.memref_slice %arg4[%dma_wait3A_1631, %dma_wait3A_1632, %dma_wait3A_1633, %dma_wait3A_1637] : memref<200x4x32x1024xf32, #tpu.memory_space<hbm>> -> memref<1x1x1x1024xf32, #tpu.memory_space<hbm>>
        %dma_wait3A_1639 = tpu.memref_squeeze %dma_wait3A_1638 : memref<1x1x1x1024xf32, #tpu.memory_space<hbm>> -> memref<1024xf32, #tpu.memory_space<hbm>>
        %dma_wait3A_1640 = arith.constant 0 : i32
        %dma_wait3A_1641 = tpu.memref_slice %arg4[%dma_wait3A_1631, %dma_wait3A_1632, %dma_wait3A_1633, %dma_wait3A_1640] : memref<200x4x32x1024xf32, #tpu.memory_space<hbm>> -> memref<1x1x1x1024xf32, #tpu.memory_space<hbm>>
        %dma_wait3A_1642 = tpu.memref_squeeze %dma_wait3A_1641 : memref<1x1x1x1024xf32, #tpu.memory_space<hbm>> -> memref<1024xf32, #tpu.memory_space<hbm>>
        %dma_wait3A_1643 = arith.constant 0 : i32
        %dma_wait3A_1644 = tpu.memref_slice %arg7[%dma_wait3A_1630, %dma_wait3A_1643] : memref<10x4096xf32, #tpu.memory_space<vmem>> -> memref<1x1024xf32, #tpu.memory_space<vmem>>
        %dma_wait3A_1645 = tpu.memref_squeeze %dma_wait3A_1644 : memref<1x1024xf32, #tpu.memory_space<vmem>> -> memref<1024xf32, #tpu.memory_space<vmem>>
        tpu.wait_dma2 semaphore(%arg25 : memref<!tpu.dma_semaphore, #tpu.memory_space<semaphore_mem>>) src(%dma_wait3A_1645 : memref<1024xf32, #tpu.memory_space<vmem>>) dst(%dma_wait3A_1642 : memref<1024xf32, #tpu.memory_space<hbm>>)
        %dma_wait3A_1646 = arith.constant 7 : i32
        %dma_wait3A_1647 = arith.constant 0 : i32
        %dma_wait3A_1648 = arith.constant 0 : i32
        %dma_wait3A_1649 = arith.constant 0 : i32
        %dma_wait3A_1650 = arith.constant 0 : i32
        %dma_wait3A_1651 = tpu.memref_slice %arg7[%dma_wait3A_1646, %dma_wait3A_1650] : memref<10x4096xf32, #tpu.memory_space<vmem>> -> memref<1x1024xf32, #tpu.memory_space<vmem>>
        %dma_wait3A_1652 = tpu.memref_squeeze %dma_wait3A_1651 : memref<1x1024xf32, #tpu.memory_space<vmem>> -> memref<1024xf32, #tpu.memory_space<vmem>>
        %dma_wait3A_1653 = arith.constant 0 : i32
        %dma_wait3A_1654 = tpu.memref_slice %arg4[%dma_wait3A_1647, %dma_wait3A_1648, %dma_wait3A_1649, %dma_wait3A_1653] : memref<200x4x32x1024xf32, #tpu.memory_space<hbm>> -> memref<1x1x1x1024xf32, #tpu.memory_space<hbm>>
        %dma_wait3A_1655 = tpu.memref_squeeze %dma_wait3A_1654 : memref<1x1x1x1024xf32, #tpu.memory_space<hbm>> -> memref<1024xf32, #tpu.memory_space<hbm>>
        %dma_wait3A_1656 = arith.constant 0 : i32
        %dma_wait3A_1657 = tpu.memref_slice %arg4[%dma_wait3A_1647, %dma_wait3A_1648, %dma_wait3A_1649, %dma_wait3A_1656] : memref<200x4x32x1024xf32, #tpu.memory_space<hbm>> -> memref<1x1x1x1024xf32, #tpu.memory_space<hbm>>
        %dma_wait3A_1658 = tpu.memref_squeeze %dma_wait3A_1657 : memref<1x1x1x1024xf32, #tpu.memory_space<hbm>> -> memref<1024xf32, #tpu.memory_space<hbm>>
        %dma_wait3A_1659 = arith.constant 0 : i32
        %dma_wait3A_1660 = tpu.memref_slice %arg7[%dma_wait3A_1646, %dma_wait3A_1659] : memref<10x4096xf32, #tpu.memory_space<vmem>> -> memref<1x1024xf32, #tpu.memory_space<vmem>>
        %dma_wait3A_1661 = tpu.memref_squeeze %dma_wait3A_1660 : memref<1x1024xf32, #tpu.memory_space<vmem>> -> memref<1024xf32, #tpu.memory_space<vmem>>
        tpu.wait_dma2 semaphore(%arg25 : memref<!tpu.dma_semaphore, #tpu.memory_space<semaphore_mem>>) src(%dma_wait3A_1661 : memref<1024xf32, #tpu.memory_space<vmem>>) dst(%dma_wait3A_1658 : memref<1024xf32, #tpu.memory_space<hbm>>)
      } else {
      }
      %parallel_loop3A_1364 = arith.constant 0 : i32
      %parallel_loop3A_1365 = arith.constant 128 : i32
      %parallel_loop3A_1366 = arith.constant 1 : i32
      scf.for %parallel_loop3A_1598 = %parallel_loop3A_1364 to %parallel_loop3A_1365 step %parallel_loop3A_1366  : i32 {
        %parallel_loop3A_1599 = vector.broadcast %parallel_loop3A_1598 : i32 to vector<16xi32>
        %parallel_loop3A_1600 = arith.addi %iota3A, %parallel_loop3A_1599 : vector<16xi32>
        %parallel_loop3A_1601 = arith.constant 127 : i32
        %parallel_loop3A_1602 = vector.broadcast %parallel_loop3A_1601 : i32 to vector<16xi32>
        %parallel_loop3A_1603 = arith.andi %parallel_loop3A_1600, %parallel_loop3A_1602 : vector<16xi32>
        %parallel_loop3A_1604 = arith.constant 896 : i32
        %parallel_loop3A_1605 = vector.broadcast %parallel_loop3A_1604 : i32 to vector<16xi32>
        %parallel_loop3A_1606 = arith.addi %parallel_loop3A_1603, %parallel_loop3A_1605 : vector<16xi32>
        %parallel_loop3A_1607 = arith.addi %mul3A_8, %parallel_loop3A_1603 : vector<16xi32>
        %parallel_loop3A_1608 = tpu.vector_load_idx %arg6[%parallel_loop3A_1606, %iota3A] : memref<1280x32xf32, #tpu.memory_space<vmem>>[vector<16xi32>, vector<16xi32>], vector<16xf32>,
        %parallel_loop3A_1609 = arith.constant 7 : i32
        %parallel_loop3A_1610 = arith.constant 0 : i32
        %parallel_loop3A_1611 = tpu.memref_slice %arg7[%parallel_loop3A_1609, %parallel_loop3A_1610] : memref<10x4096xf32, #tpu.memory_space<vmem>> -> memref<1x4096xf32, #tpu.memory_space<vmem>>
        %parallel_loop3A_1612 = tpu.memref_squeeze %parallel_loop3A_1611 : memref<1x4096xf32, #tpu.memory_space<vmem>> -> memref<4096xf32, #tpu.memory_space<vmem>>
        tpu.vector_store_idx %parallel_loop3A_1612[%parallel_loop3A_1607], %parallel_loop3A_1608 : memref<4096xf32, #tpu.memory_space<vmem>>[vector<16xi32>], vector<16xf32>,
        %parallel_loop3A_1613 = tpu.vector_load_idx %arg6[%parallel_loop3A_1606, %add3A_5] : memref<1280x32xf32, #tpu.memory_space<vmem>>[vector<16xi32>, vector<16xi32>], vector<16xf32>,
        %parallel_loop3A_1614 = arith.constant 2048 : i32
        %parallel_loop3A_1615 = vector.broadcast %parallel_loop3A_1614 : i32 to vector<16xi32>
        %parallel_loop3A_1616 = arith.addi %parallel_loop3A_1607, %parallel_loop3A_1615 : vector<16xi32>
        %parallel_loop3A_1617 = arith.constant 7 : i32
        %parallel_loop3A_1618 = arith.constant 0 : i32
        %parallel_loop3A_1619 = tpu.memref_slice %arg7[%parallel_loop3A_1617, %parallel_loop3A_1618] : memref<10x4096xf32, #tpu.memory_space<vmem>> -> memref<1x4096xf32, #tpu.memory_space<vmem>>
        %parallel_loop3A_1620 = tpu.memref_squeeze %parallel_loop3A_1619 : memref<1x4096xf32, #tpu.memory_space<vmem>> -> memref<4096xf32, #tpu.memory_space<vmem>>
        tpu.vector_store_idx %parallel_loop3A_1620[%parallel_loop3A_1616], %parallel_loop3A_1613 : memref<4096xf32, #tpu.memory_space<vmem>>[vector<16xi32>], vector<16xf32>,
      } {sc.loop_unroll_factor = 8 : i64, sc.parallel_access}
      %dma_start3A_1367 = arith.constant 7 : i32
      %dma_start3A_1368 = arith.constant 0 : i32
      %dma_start3A_1369 = arith.constant 0 : i32
      %dma_start3A_1370 = tpu.memref_slice %arg7[%dma_start3A_1367, %dma_start3A_1369] : memref<10x4096xf32, #tpu.memory_space<vmem>> -> memref<1x1024xf32, #tpu.memory_space<vmem>>
      %dma_start3A_1371 = tpu.memref_squeeze %dma_start3A_1370 : memref<1x1024xf32, #tpu.memory_space<vmem>> -> memref<1024xf32, #tpu.memory_space<vmem>>
      %dma_start3A_1372 = arith.constant 0 : i32
      %dma_start3A_1373 = tpu.memref_slice %arg4[%add3A_1346, %dma_start3A_1368, %add3A, %dma_start3A_1372] : memref<200x4x32x1024xf32, #tpu.memory_space<hbm>> -> memref<1x1x1x1024xf32, #tpu.memory_space<hbm>>
      %dma_start3A_1374 = tpu.memref_squeeze %dma_start3A_1373 : memref<1x1x1x1024xf32, #tpu.memory_space<hbm>> -> memref<1024xf32, #tpu.memory_space<hbm>>
      %dma_start3A_1375 = arith.constant 0 : i32
      %dma_start3A_1376 = tpu.memref_slice %arg4[%add3A_1346, %dma_start3A_1368, %add3A, %dma_start3A_1375] : memref<200x4x32x1024xf32, #tpu.memory_space<hbm>> -> memref<1x1x1x1024xf32, #tpu.memory_space<hbm>>
      %dma_start3A_1377 = tpu.memref_squeeze %dma_start3A_1376 : memref<1x1x1x1024xf32, #tpu.memory_space<hbm>> -> memref<1024xf32, #tpu.memory_space<hbm>>
      %dma_start3A_1378 = arith.constant 0 : i32
      %dma_start3A_1379 = tpu.memref_slice %arg7[%dma_start3A_1367, %dma_start3A_1378] : memref<10x4096xf32, #tpu.memory_space<vmem>> -> memref<1x1024xf32, #tpu.memory_space<vmem>>
      %dma_start3A_1380 = tpu.memref_squeeze %dma_start3A_1379 : memref<1x1024xf32, #tpu.memory_space<vmem>> -> memref<1024xf32, #tpu.memory_space<vmem>>
      tpu.enqueue_dma source(%dma_start3A_1380 : memref<1024xf32, #tpu.memory_space<vmem>>) target(%dma_start3A_1377 : memref<1024xf32, #tpu.memory_space<hbm>>) target_semaphore(%arg25 : memref<!tpu.dma_semaphore, #tpu.memory_space<semaphore_mem>>)
      %dma_start3A_1381 = arith.constant 7 : i32
      %dma_start3A_1382 = arith.constant 1 : i32
      %dma_start3A_1383 = arith.constant 1024 : i32
      %dma_start3A_1384 = tpu.memref_slice %arg7[%dma_start3A_1381, %dma_start3A_1383] : memref<10x4096xf32, #tpu.memory_space<vmem>> -> memref<1x1024xf32, #tpu.memory_space<vmem>>
      %dma_start3A_1385 = tpu.memref_squeeze %dma_start3A_1384 : memref<1x1024xf32, #tpu.memory_space<vmem>> -> memref<1024xf32, #tpu.memory_space<vmem>>
      %dma_start3A_1386 = arith.constant 0 : i32
      %dma_start3A_1387 = tpu.memref_slice %arg4[%add3A_1346, %dma_start3A_1382, %add3A, %dma_start3A_1386] : memref<200x4x32x1024xf32, #tpu.memory_space<hbm>> -> memref<1x1x1x1024xf32, #tpu.memory_space<hbm>>
      %dma_start3A_1388 = tpu.memref_squeeze %dma_start3A_1387 : memref<1x1x1x1024xf32, #tpu.memory_space<hbm>> -> memref<1024xf32, #tpu.memory_space<hbm>>
      %dma_start3A_1389 = arith.constant 0 : i32
      %dma_start3A_1390 = tpu.memref_slice %arg4[%add3A_1346, %dma_start3A_1382, %add3A, %dma_start3A_1389] : memref<200x4x32x1024xf32, #tpu.memory_space<hbm>> -> memref<1x1x1x1024xf32, #tpu.memory_space<hbm>>
      %dma_start3A_1391 = tpu.memref_squeeze %dma_start3A_1390 : memref<1x1x1x1024xf32, #tpu.memory_space<hbm>> -> memref<1024xf32, #tpu.memory_space<hbm>>
      %dma_start3A_1392 = arith.constant 1024 : i32
      %dma_start3A_1393 = tpu.memref_slice %arg7[%dma_start3A_1381, %dma_start3A_1392] : memref<10x4096xf32, #tpu.memory_space<vmem>> -> memref<1x1024xf32, #tpu.memory_space<vmem>>
      %dma_start3A_1394 = tpu.memref_squeeze %dma_start3A_1393 : memref<1x1024xf32, #tpu.memory_space<vmem>> -> memref<1024xf32, #tpu.memory_space<vmem>>
      tpu.enqueue_dma source(%dma_start3A_1394 : memref<1024xf32, #tpu.memory_space<vmem>>) target(%dma_start3A_1391 : memref<1024xf32, #tpu.memory_space<hbm>>) target_semaphore(%arg25 : memref<!tpu.dma_semaphore, #tpu.memory_space<semaphore_mem>>)
      %dma_start3A_1395 = arith.constant 7 : i32
      %dma_start3A_1396 = arith.constant 2 : i32
      %dma_start3A_1397 = arith.constant 2048 : i32
      %dma_start3A_1398 = tpu.memref_slice %arg7[%dma_start3A_1395, %dma_start3A_1397] : memref<10x4096xf32, #tpu.memory_space<vmem>> -> memref<1x1024xf32, #tpu.memory_space<vmem>>
      %dma_start3A_1399 = tpu.memref_squeeze %dma_start3A_1398 : memref<1x1024xf32, #tpu.memory_space<vmem>> -> memref<1024xf32, #tpu.memory_space<vmem>>
      %dma_start3A_1400 = arith.constant 0 : i32
      %dma_start3A_1401 = tpu.memref_slice %arg4[%add3A_1346, %dma_start3A_1396, %add3A, %dma_start3A_1400] : memref<200x4x32x1024xf32, #tpu.memory_space<hbm>> -> memref<1x1x1x1024xf32, #tpu.memory_space<hbm>>
      %dma_start3A_1402 = tpu.memref_squeeze %dma_start3A_1401 : memref<1x1x1x1024xf32, #tpu.memory_space<hbm>> -> memref<1024xf32, #tpu.memory_space<hbm>>
      %dma_start3A_1403 = arith.constant 0 : i32
      %dma_start3A_1404 = tpu.memref_slice %arg4[%add3A_1346, %dma_start3A_1396, %add3A, %dma_start3A_1403] : memref<200x4x32x1024xf32, #tpu.memory_space<hbm>> -> memref<1x1x1x1024xf32, #tpu.memory_space<hbm>>
      %dma_start3A_1405 = tpu.memref_squeeze %dma_start3A_1404 : memref<1x1x1x1024xf32, #tpu.memory_space<hbm>> -> memref<1024xf32, #tpu.memory_space<hbm>>
      %dma_start3A_1406 = arith.constant 2048 : i32
      %dma_start3A_1407 = tpu.memref_slice %arg7[%dma_start3A_1395, %dma_start3A_1406] : memref<10x4096xf32, #tpu.memory_space<vmem>> -> memref<1x1024xf32, #tpu.memory_space<vmem>>
      %dma_start3A_1408 = tpu.memref_squeeze %dma_start3A_1407 : memref<1x1024xf32, #tpu.memory_space<vmem>> -> memref<1024xf32, #tpu.memory_space<vmem>>
      tpu.enqueue_dma source(%dma_start3A_1408 : memref<1024xf32, #tpu.memory_space<vmem>>) target(%dma_start3A_1405 : memref<1024xf32, #tpu.memory_space<hbm>>) target_semaphore(%arg25 : memref<!tpu.dma_semaphore, #tpu.memory_space<semaphore_mem>>)
      %dma_start3A_1409 = arith.constant 7 : i32
      %dma_start3A_1410 = arith.constant 3 : i32
      %dma_start3A_1411 = arith.constant 3072 : i32
      %dma_start3A_1412 = tpu.memref_slice %arg7[%dma_start3A_1409, %dma_start3A_1411] : memref<10x4096xf32, #tpu.memory_space<vmem>> -> memref<1x1024xf32, #tpu.memory_space<vmem>>
      %dma_start3A_1413 = tpu.memref_squeeze %dma_start3A_1412 : memref<1x1024xf32, #tpu.memory_space<vmem>> -> memref<1024xf32, #tpu.memory_space<vmem>>
      %dma_start3A_1414 = arith.constant 0 : i32
      %dma_start3A_1415 = tpu.memref_slice %arg4[%add3A_1346, %dma_start3A_1410, %add3A, %dma_start3A_1414] : memref<200x4x32x1024xf32, #tpu.memory_space<hbm>> -> memref<1x1x1x1024xf32, #tpu.memory_space<hbm>>
      %dma_start3A_1416 = tpu.memref_squeeze %dma_start3A_1415 : memref<1x1x1x1024xf32, #tpu.memory_space<hbm>> -> memref<1024xf32, #tpu.memory_space<hbm>>
      %dma_start3A_1417 = arith.constant 0 : i32
      %dma_start3A_1418 = tpu.memref_slice %arg4[%add3A_1346, %dma_start3A_1410, %add3A, %dma_start3A_1417] : memref<200x4x32x1024xf32, #tpu.memory_space<hbm>> -> memref<1x1x1x1024xf32, #tpu.memory_space<hbm>>
      %dma_start3A_1419 = tpu.memref_squeeze %dma_start3A_1418 : memref<1x1x1x1024xf32, #tpu.memory_space<hbm>> -> memref<1024xf32, #tpu.memory_space<hbm>>
      %dma_start3A_1420 = arith.constant 3072 : i32
      %dma_start3A_1421 = tpu.memref_slice %arg7[%dma_start3A_1409, %dma_start3A_1420] : memref<10x4096xf32, #tpu.memory_space<vmem>> -> memref<1x1024xf32, #tpu.memory_space<vmem>>
      %dma_start3A_1422 = tpu.memref_squeeze %dma_start3A_1421 : memref<1x1024xf32, #tpu.memory_space<vmem>> -> memref<1024xf32, #tpu.memory_space<vmem>>
      tpu.enqueue_dma source(%dma_start3A_1422 : memref<1024xf32, #tpu.memory_space<vmem>>) target(%dma_start3A_1419 : memref<1024xf32, #tpu.memory_space<hbm>>) target_semaphore(%arg25 : memref<!tpu.dma_semaphore, #tpu.memory_space<semaphore_mem>>)
      %lt3A_1423 = arith.constant 19 : i32
      %lt3A_1424 = arith.cmpi slt, %scan3A_752, %lt3A_1423 : i32
      %convert_element_type3A_1425 = arith.extui %lt3A_1424 : i1 to i32
      %cond3A_1426 = arith.constant 0 : i32
      %cond3A_1427 = arith.cmpi ne, %convert_element_type3A_1425, %cond3A_1426 : i32
      scf.if %cond3A_1427 {
        %add3A_1598 = arith.constant 10 : i32
        %add3A_1599 = arith.addi %add3A_1346, %add3A_1598 : i32
        %dma_start3A_1600 = arith.constant 896 : i32
        %dma_start3A_1601 = arith.constant 0 : i32
        %dma_start3A_1602 = tpu.memref_slice %arg6[%dma_start3A_1600, %dma_start3A_1601] : memref<1280x32xf32, #tpu.memory_space<vmem>> -> memref<128x32xf32, #tpu.memory_space<vmem>>
        %dma_start3A_1603 = arith.constant 0 : i32
        %dma_start3A_1604 = tpu.memref_slice %arg5[%add3A_1599, %dma_start3A_1603] : memref<200x128xi32, #tpu.memory_space<vmem>> -> memref<1x128xi32, #tpu.memory_space<vmem>>
        %dma_start3A_1605 = tpu.memref_squeeze %dma_start3A_1604 : memref<1x128xi32, #tpu.memory_space<vmem>> -> memref<128xi32, #tpu.memory_space<vmem>>
        %dma_start3A_1606 = arith.constant 0 : i32
        %dma_start3A_1607 = arith.constant 0 : i32
        %dma_start3A_1608 = tpu.memref_slice %arg3[%dma_start3A_1606, %dma_start3A_1607] : memref<100000x32xf32, #tpu.memory_space<hbm>> -> memref<100000x32xf32, #tpu.memory_space<hbm>>
        tpu.enqueue_indirect_dma source(%dma_start3A_1608 : memref<100000x32xf32, #tpu.memory_space<hbm>>) target(%dma_start3A_1602 : memref<128x32xf32, #tpu.memory_space<vmem>>) offsets(%dma_start3A_1605 : memref<128xi32, #tpu.memory_space<vmem>>) semaphore(%arg15 : memref<!tpu.dma_semaphore, #tpu.memory_space<semaphore_mem>>)
      } else {
      }
      %mul3A_1428 = arith.constant 10 : i32
      %mul3A_1429 = arith.muli %mul3A_1428, %scan3A_752 : i32
      %add3A_1430 = arith.constant 8 : i32
      %add3A_1431 = arith.addi %mul3A_1429, %add3A_1430 : i32
      %dma_wait3A_1432 = arith.constant 1024 : i32
      %dma_wait3A_1433 = arith.constant 0 : i32
      %dma_wait3A_1434 = tpu.memref_slice %arg6[%dma_wait3A_1432, %dma_wait3A_1433] : memref<1280x32xf32, #tpu.memory_space<vmem>> -> memref<128x32xf32, #tpu.memory_space<vmem>>
      %dma_wait3A_1435 = arith.constant 0 : i32
      %dma_wait3A_1436 = arith.constant 0 : i32
      %dma_wait3A_1437 = tpu.memref_slice %arg3[%dma_wait3A_1435, %dma_wait3A_1436] : memref<100000x32xf32, #tpu.memory_space<hbm>> -> memref<128x32xf32, #tpu.memory_space<hbm>>
      %dma_wait3A_1438 = arith.constant 1024 : i32
      %dma_wait3A_1439 = arith.constant 0 : i32
      %dma_wait3A_1440 = tpu.memref_slice %arg6[%dma_wait3A_1438, %dma_wait3A_1439] : memref<1280x32xf32, #tpu.memory_space<vmem>> -> memref<128x32xf32, #tpu.memory_space<vmem>>
      %dma_wait3A_1441 = arith.constant 0 : i32
      %dma_wait3A_1442 = arith.constant 0 : i32
      %dma_wait3A_1443 = tpu.memref_slice %arg3[%dma_wait3A_1441, %dma_wait3A_1442] : memref<100000x32xf32, #tpu.memory_space<hbm>> -> memref<128x32xf32, #tpu.memory_space<hbm>>
      tpu.wait_dma2 semaphore(%arg16 : memref<!tpu.dma_semaphore, #tpu.memory_space<semaphore_mem>>) src(%dma_wait3A_1443 : memref<128x32xf32, #tpu.memory_space<hbm>>) dst(%dma_wait3A_1440 : memref<128x32xf32, #tpu.memory_space<vmem>>)
      %gt3A_1444 = arith.constant 0 : i32
      %gt3A_1445 = arith.cmpi sgt, %scan3A_752, %gt3A_1444 : i32
      %convert_element_type3A_1446 = arith.extui %gt3A_1445 : i1 to i32
      %cond3A_1447 = arith.constant 0 : i32
      %cond3A_1448 = arith.cmpi ne, %convert_element_type3A_1446, %cond3A_1447 : i32
      scf.if %cond3A_1448 {
        %dma_wait3A_1598 = arith.constant 8 : i32
        %dma_wait3A_1599 = arith.constant 0 : i32
        %dma_wait3A_1600 = arith.constant 0 : i32
        %dma_wait3A_1601 = arith.constant 0 : i32
        %dma_wait3A_1602 = arith.constant 0 : i32
        %dma_wait3A_1603 = tpu.memref_slice %arg7[%dma_wait3A_1598, %dma_wait3A_1602] : memref<10x4096xf32, #tpu.memory_space<vmem>> -> memref<1x1024xf32, #tpu.memory_space<vmem>>
        %dma_wait3A_1604 = tpu.memref_squeeze %dma_wait3A_1603 : memref<1x1024xf32, #tpu.memory_space<vmem>> -> memref<1024xf32, #tpu.memory_space<vmem>>
        %dma_wait3A_1605 = arith.constant 0 : i32
        %dma_wait3A_1606 = tpu.memref_slice %arg4[%dma_wait3A_1599, %dma_wait3A_1600, %dma_wait3A_1601, %dma_wait3A_1605] : memref<200x4x32x1024xf32, #tpu.memory_space<hbm>> -> memref<1x1x1x1024xf32, #tpu.memory_space<hbm>>
        %dma_wait3A_1607 = tpu.memref_squeeze %dma_wait3A_1606 : memref<1x1x1x1024xf32, #tpu.memory_space<hbm>> -> memref<1024xf32, #tpu.memory_space<hbm>>
        %dma_wait3A_1608 = arith.constant 0 : i32
        %dma_wait3A_1609 = tpu.memref_slice %arg4[%dma_wait3A_1599, %dma_wait3A_1600, %dma_wait3A_1601, %dma_wait3A_1608] : memref<200x4x32x1024xf32, #tpu.memory_space<hbm>> -> memref<1x1x1x1024xf32, #tpu.memory_space<hbm>>
        %dma_wait3A_1610 = tpu.memref_squeeze %dma_wait3A_1609 : memref<1x1x1x1024xf32, #tpu.memory_space<hbm>> -> memref<1024xf32, #tpu.memory_space<hbm>>
        %dma_wait3A_1611 = arith.constant 0 : i32
        %dma_wait3A_1612 = tpu.memref_slice %arg7[%dma_wait3A_1598, %dma_wait3A_1611] : memref<10x4096xf32, #tpu.memory_space<vmem>> -> memref<1x1024xf32, #tpu.memory_space<vmem>>
        %dma_wait3A_1613 = tpu.memref_squeeze %dma_wait3A_1612 : memref<1x1024xf32, #tpu.memory_space<vmem>> -> memref<1024xf32, #tpu.memory_space<vmem>>
        tpu.wait_dma2 semaphore(%arg26 : memref<!tpu.dma_semaphore, #tpu.memory_space<semaphore_mem>>) src(%dma_wait3A_1613 : memref<1024xf32, #tpu.memory_space<vmem>>) dst(%dma_wait3A_1610 : memref<1024xf32, #tpu.memory_space<hbm>>)
        %dma_wait3A_1614 = arith.constant 8 : i32
        %dma_wait3A_1615 = arith.constant 0 : i32
        %dma_wait3A_1616 = arith.constant 0 : i32
        %dma_wait3A_1617 = arith.constant 0 : i32
        %dma_wait3A_1618 = arith.constant 0 : i32
        %dma_wait3A_1619 = tpu.memref_slice %arg7[%dma_wait3A_1614, %dma_wait3A_1618] : memref<10x4096xf32, #tpu.memory_space<vmem>> -> memref<1x1024xf32, #tpu.memory_space<vmem>>
        %dma_wait3A_1620 = tpu.memref_squeeze %dma_wait3A_1619 : memref<1x1024xf32, #tpu.memory_space<vmem>> -> memref<1024xf32, #tpu.memory_space<vmem>>
        %dma_wait3A_1621 = arith.constant 0 : i32
        %dma_wait3A_1622 = tpu.memref_slice %arg4[%dma_wait3A_1615, %dma_wait3A_1616, %dma_wait3A_1617, %dma_wait3A_1621] : memref<200x4x32x1024xf32, #tpu.memory_space<hbm>> -> memref<1x1x1x1024xf32, #tpu.memory_space<hbm>>
        %dma_wait3A_1623 = tpu.memref_squeeze %dma_wait3A_1622 : memref<1x1x1x1024xf32, #tpu.memory_space<hbm>> -> memref<1024xf32, #tpu.memory_space<hbm>>
        %dma_wait3A_1624 = arith.constant 0 : i32
        %dma_wait3A_1625 = tpu.memref_slice %arg4[%dma_wait3A_1615, %dma_wait3A_1616, %dma_wait3A_1617, %dma_wait3A_1624] : memref<200x4x32x1024xf32, #tpu.memory_space<hbm>> -> memref<1x1x1x1024xf32, #tpu.memory_space<hbm>>
        %dma_wait3A_1626 = tpu.memref_squeeze %dma_wait3A_1625 : memref<1x1x1x1024xf32, #tpu.memory_space<hbm>> -> memref<1024xf32, #tpu.memory_space<hbm>>
        %dma_wait3A_1627 = arith.constant 0 : i32
        %dma_wait3A_1628 = tpu.memref_slice %arg7[%dma_wait3A_1614, %dma_wait3A_1627] : memref<10x4096xf32, #tpu.memory_space<vmem>> -> memref<1x1024xf32, #tpu.memory_space<vmem>>
        %dma_wait3A_1629 = tpu.memref_squeeze %dma_wait3A_1628 : memref<1x1024xf32, #tpu.memory_space<vmem>> -> memref<1024xf32, #tpu.memory_space<vmem>>
        tpu.wait_dma2 semaphore(%arg26 : memref<!tpu.dma_semaphore, #tpu.memory_space<semaphore_mem>>) src(%dma_wait3A_1629 : memref<1024xf32, #tpu.memory_space<vmem>>) dst(%dma_wait3A_1626 : memref<1024xf32, #tpu.memory_space<hbm>>)
        %dma_wait3A_1630 = arith.constant 8 : i32
        %dma_wait3A_1631 = arith.constant 0 : i32
        %dma_wait3A_1632 = arith.constant 0 : i32
        %dma_wait3A_1633 = arith.constant 0 : i32
        %dma_wait3A_1634 = arith.constant 0 : i32
        %dma_wait3A_1635 = tpu.memref_slice %arg7[%dma_wait3A_1630, %dma_wait3A_1634] : memref<10x4096xf32, #tpu.memory_space<vmem>> -> memref<1x1024xf32, #tpu.memory_space<vmem>>
        %dma_wait3A_1636 = tpu.memref_squeeze %dma_wait3A_1635 : memref<1x1024xf32, #tpu.memory_space<vmem>> -> memref<1024xf32, #tpu.memory_space<vmem>>
        %dma_wait3A_1637 = arith.constant 0 : i32
        %dma_wait3A_1638 = tpu.memref_slice %arg4[%dma_wait3A_1631, %dma_wait3A_1632, %dma_wait3A_1633, %dma_wait3A_1637] : memref<200x4x32x1024xf32, #tpu.memory_space<hbm>> -> memref<1x1x1x1024xf32, #tpu.memory_space<hbm>>
        %dma_wait3A_1639 = tpu.memref_squeeze %dma_wait3A_1638 : memref<1x1x1x1024xf32, #tpu.memory_space<hbm>> -> memref<1024xf32, #tpu.memory_space<hbm>>
        %dma_wait3A_1640 = arith.constant 0 : i32
        %dma_wait3A_1641 = tpu.memref_slice %arg4[%dma_wait3A_1631, %dma_wait3A_1632, %dma_wait3A_1633, %dma_wait3A_1640] : memref<200x4x32x1024xf32, #tpu.memory_space<hbm>> -> memref<1x1x1x1024xf32, #tpu.memory_space<hbm>>
        %dma_wait3A_1642 = tpu.memref_squeeze %dma_wait3A_1641 : memref<1x1x1x1024xf32, #tpu.memory_space<hbm>> -> memref<1024xf32, #tpu.memory_space<hbm>>
        %dma_wait3A_1643 = arith.constant 0 : i32
        %dma_wait3A_1644 = tpu.memref_slice %arg7[%dma_wait3A_1630, %dma_wait3A_1643] : memref<10x4096xf32, #tpu.memory_space<vmem>> -> memref<1x1024xf32, #tpu.memory_space<vmem>>
        %dma_wait3A_1645 = tpu.memref_squeeze %dma_wait3A_1644 : memref<1x1024xf32, #tpu.memory_space<vmem>> -> memref<1024xf32, #tpu.memory_space<vmem>>
        tpu.wait_dma2 semaphore(%arg26 : memref<!tpu.dma_semaphore, #tpu.memory_space<semaphore_mem>>) src(%dma_wait3A_1645 : memref<1024xf32, #tpu.memory_space<vmem>>) dst(%dma_wait3A_1642 : memref<1024xf32, #tpu.memory_space<hbm>>)
        %dma_wait3A_1646 = arith.constant 8 : i32
        %dma_wait3A_1647 = arith.constant 0 : i32
        %dma_wait3A_1648 = arith.constant 0 : i32
        %dma_wait3A_1649 = arith.constant 0 : i32
        %dma_wait3A_1650 = arith.constant 0 : i32
        %dma_wait3A_1651 = tpu.memref_slice %arg7[%dma_wait3A_1646, %dma_wait3A_1650] : memref<10x4096xf32, #tpu.memory_space<vmem>> -> memref<1x1024xf32, #tpu.memory_space<vmem>>
        %dma_wait3A_1652 = tpu.memref_squeeze %dma_wait3A_1651 : memref<1x1024xf32, #tpu.memory_space<vmem>> -> memref<1024xf32, #tpu.memory_space<vmem>>
        %dma_wait3A_1653 = arith.constant 0 : i32
        %dma_wait3A_1654 = tpu.memref_slice %arg4[%dma_wait3A_1647, %dma_wait3A_1648, %dma_wait3A_1649, %dma_wait3A_1653] : memref<200x4x32x1024xf32, #tpu.memory_space<hbm>> -> memref<1x1x1x1024xf32, #tpu.memory_space<hbm>>
        %dma_wait3A_1655 = tpu.memref_squeeze %dma_wait3A_1654 : memref<1x1x1x1024xf32, #tpu.memory_space<hbm>> -> memref<1024xf32, #tpu.memory_space<hbm>>
        %dma_wait3A_1656 = arith.constant 0 : i32
        %dma_wait3A_1657 = tpu.memref_slice %arg4[%dma_wait3A_1647, %dma_wait3A_1648, %dma_wait3A_1649, %dma_wait3A_1656] : memref<200x4x32x1024xf32, #tpu.memory_space<hbm>> -> memref<1x1x1x1024xf32, #tpu.memory_space<hbm>>
        %dma_wait3A_1658 = tpu.memref_squeeze %dma_wait3A_1657 : memref<1x1x1x1024xf32, #tpu.memory_space<hbm>> -> memref<1024xf32, #tpu.memory_space<hbm>>
        %dma_wait3A_1659 = arith.constant 0 : i32
        %dma_wait3A_1660 = tpu.memref_slice %arg7[%dma_wait3A_1646, %dma_wait3A_1659] : memref<10x4096xf32, #tpu.memory_space<vmem>> -> memref<1x1024xf32, #tpu.memory_space<vmem>>
        %dma_wait3A_1661 = tpu.memref_squeeze %dma_wait3A_1660 : memref<1x1024xf32, #tpu.memory_space<vmem>> -> memref<1024xf32, #tpu.memory_space<vmem>>
        tpu.wait_dma2 semaphore(%arg26 : memref<!tpu.dma_semaphore, #tpu.memory_space<semaphore_mem>>) src(%dma_wait3A_1661 : memref<1024xf32, #tpu.memory_space<vmem>>) dst(%dma_wait3A_1658 : memref<1024xf32, #tpu.memory_space<hbm>>)
      } else {
      }
      %parallel_loop3A_1449 = arith.constant 0 : i32
      %parallel_loop3A_1450 = arith.constant 128 : i32
      %parallel_loop3A_1451 = arith.constant 1 : i32
      scf.for %parallel_loop3A_1598 = %parallel_loop3A_1449 to %parallel_loop3A_1450 step %parallel_loop3A_1451  : i32 {
        %parallel_loop3A_1599 = vector.broadcast %parallel_loop3A_1598 : i32 to vector<16xi32>
        %parallel_loop3A_1600 = arith.addi %iota3A, %parallel_loop3A_1599 : vector<16xi32>
        %parallel_loop3A_1601 = arith.constant 127 : i32
        %parallel_loop3A_1602 = vector.broadcast %parallel_loop3A_1601 : i32 to vector<16xi32>
        %parallel_loop3A_1603 = arith.andi %parallel_loop3A_1600, %parallel_loop3A_1602 : vector<16xi32>
        %parallel_loop3A_1604 = arith.constant 1024 : i32
        %parallel_loop3A_1605 = vector.broadcast %parallel_loop3A_1604 : i32 to vector<16xi32>
        %parallel_loop3A_1606 = arith.addi %parallel_loop3A_1603, %parallel_loop3A_1605 : vector<16xi32>
        %parallel_loop3A_1607 = arith.addi %mul3A_8, %parallel_loop3A_1603 : vector<16xi32>
        %parallel_loop3A_1608 = tpu.vector_load_idx %arg6[%parallel_loop3A_1606, %iota3A] : memref<1280x32xf32, #tpu.memory_space<vmem>>[vector<16xi32>, vector<16xi32>], vector<16xf32>,
        %parallel_loop3A_1609 = arith.constant 8 : i32
        %parallel_loop3A_1610 = arith.constant 0 : i32
        %parallel_loop3A_1611 = tpu.memref_slice %arg7[%parallel_loop3A_1609, %parallel_loop3A_1610] : memref<10x4096xf32, #tpu.memory_space<vmem>> -> memref<1x4096xf32, #tpu.memory_space<vmem>>
        %parallel_loop3A_1612 = tpu.memref_squeeze %parallel_loop3A_1611 : memref<1x4096xf32, #tpu.memory_space<vmem>> -> memref<4096xf32, #tpu.memory_space<vmem>>
        tpu.vector_store_idx %parallel_loop3A_1612[%parallel_loop3A_1607], %parallel_loop3A_1608 : memref<4096xf32, #tpu.memory_space<vmem>>[vector<16xi32>], vector<16xf32>,
        %parallel_loop3A_1613 = tpu.vector_load_idx %arg6[%parallel_loop3A_1606, %add3A_5] : memref<1280x32xf32, #tpu.memory_space<vmem>>[vector<16xi32>, vector<16xi32>], vector<16xf32>,
        %parallel_loop3A_1614 = arith.constant 2048 : i32
        %parallel_loop3A_1615 = vector.broadcast %parallel_loop3A_1614 : i32 to vector<16xi32>
        %parallel_loop3A_1616 = arith.addi %parallel_loop3A_1607, %parallel_loop3A_1615 : vector<16xi32>
        %parallel_loop3A_1617 = arith.constant 8 : i32
        %parallel_loop3A_1618 = arith.constant 0 : i32
        %parallel_loop3A_1619 = tpu.memref_slice %arg7[%parallel_loop3A_1617, %parallel_loop3A_1618] : memref<10x4096xf32, #tpu.memory_space<vmem>> -> memref<1x4096xf32, #tpu.memory_space<vmem>>
        %parallel_loop3A_1620 = tpu.memref_squeeze %parallel_loop3A_1619 : memref<1x4096xf32, #tpu.memory_space<vmem>> -> memref<4096xf32, #tpu.memory_space<vmem>>
        tpu.vector_store_idx %parallel_loop3A_1620[%parallel_loop3A_1616], %parallel_loop3A_1613 : memref<4096xf32, #tpu.memory_space<vmem>>[vector<16xi32>], vector<16xf32>,
      } {sc.loop_unroll_factor = 8 : i64, sc.parallel_access}
      %dma_start3A_1452 = arith.constant 8 : i32
      %dma_start3A_1453 = arith.constant 0 : i32
      %dma_start3A_1454 = arith.constant 0 : i32
      %dma_start3A_1455 = tpu.memref_slice %arg7[%dma_start3A_1452, %dma_start3A_1454] : memref<10x4096xf32, #tpu.memory_space<vmem>> -> memref<1x1024xf32, #tpu.memory_space<vmem>>
      %dma_start3A_1456 = tpu.memref_squeeze %dma_start3A_1455 : memref<1x1024xf32, #tpu.memory_space<vmem>> -> memref<1024xf32, #tpu.memory_space<vmem>>
      %dma_start3A_1457 = arith.constant 0 : i32
      %dma_start3A_1458 = tpu.memref_slice %arg4[%add3A_1431, %dma_start3A_1453, %add3A, %dma_start3A_1457] : memref<200x4x32x1024xf32, #tpu.memory_space<hbm>> -> memref<1x1x1x1024xf32, #tpu.memory_space<hbm>>
      %dma_start3A_1459 = tpu.memref_squeeze %dma_start3A_1458 : memref<1x1x1x1024xf32, #tpu.memory_space<hbm>> -> memref<1024xf32, #tpu.memory_space<hbm>>
      %dma_start3A_1460 = arith.constant 0 : i32
      %dma_start3A_1461 = tpu.memref_slice %arg4[%add3A_1431, %dma_start3A_1453, %add3A, %dma_start3A_1460] : memref<200x4x32x1024xf32, #tpu.memory_space<hbm>> -> memref<1x1x1x1024xf32, #tpu.memory_space<hbm>>
      %dma_start3A_1462 = tpu.memref_squeeze %dma_start3A_1461 : memref<1x1x1x1024xf32, #tpu.memory_space<hbm>> -> memref<1024xf32, #tpu.memory_space<hbm>>
      %dma_start3A_1463 = arith.constant 0 : i32
      %dma_start3A_1464 = tpu.memref_slice %arg7[%dma_start3A_1452, %dma_start3A_1463] : memref<10x4096xf32, #tpu.memory_space<vmem>> -> memref<1x1024xf32, #tpu.memory_space<vmem>>
      %dma_start3A_1465 = tpu.memref_squeeze %dma_start3A_1464 : memref<1x1024xf32, #tpu.memory_space<vmem>> -> memref<1024xf32, #tpu.memory_space<vmem>>
      tpu.enqueue_dma source(%dma_start3A_1465 : memref<1024xf32, #tpu.memory_space<vmem>>) target(%dma_start3A_1462 : memref<1024xf32, #tpu.memory_space<hbm>>) target_semaphore(%arg26 : memref<!tpu.dma_semaphore, #tpu.memory_space<semaphore_mem>>)
      %dma_start3A_1466 = arith.constant 8 : i32
      %dma_start3A_1467 = arith.constant 1 : i32
      %dma_start3A_1468 = arith.constant 1024 : i32
      %dma_start3A_1469 = tpu.memref_slice %arg7[%dma_start3A_1466, %dma_start3A_1468] : memref<10x4096xf32, #tpu.memory_space<vmem>> -> memref<1x1024xf32, #tpu.memory_space<vmem>>
      %dma_start3A_1470 = tpu.memref_squeeze %dma_start3A_1469 : memref<1x1024xf32, #tpu.memory_space<vmem>> -> memref<1024xf32, #tpu.memory_space<vmem>>
      %dma_start3A_1471 = arith.constant 0 : i32
      %dma_start3A_1472 = tpu.memref_slice %arg4[%add3A_1431, %dma_start3A_1467, %add3A, %dma_start3A_1471] : memref<200x4x32x1024xf32, #tpu.memory_space<hbm>> -> memref<1x1x1x1024xf32, #tpu.memory_space<hbm>>
      %dma_start3A_1473 = tpu.memref_squeeze %dma_start3A_1472 : memref<1x1x1x1024xf32, #tpu.memory_space<hbm>> -> memref<1024xf32, #tpu.memory_space<hbm>>
      %dma_start3A_1474 = arith.constant 0 : i32
      %dma_start3A_1475 = tpu.memref_slice %arg4[%add3A_1431, %dma_start3A_1467, %add3A, %dma_start3A_1474] : memref<200x4x32x1024xf32, #tpu.memory_space<hbm>> -> memref<1x1x1x1024xf32, #tpu.memory_space<hbm>>
      %dma_start3A_1476 = tpu.memref_squeeze %dma_start3A_1475 : memref<1x1x1x1024xf32, #tpu.memory_space<hbm>> -> memref<1024xf32, #tpu.memory_space<hbm>>
      %dma_start3A_1477 = arith.constant 1024 : i32
      %dma_start3A_1478 = tpu.memref_slice %arg7[%dma_start3A_1466, %dma_start3A_1477] : memref<10x4096xf32, #tpu.memory_space<vmem>> -> memref<1x1024xf32, #tpu.memory_space<vmem>>
      %dma_start3A_1479 = tpu.memref_squeeze %dma_start3A_1478 : memref<1x1024xf32, #tpu.memory_space<vmem>> -> memref<1024xf32, #tpu.memory_space<vmem>>
      tpu.enqueue_dma source(%dma_start3A_1479 : memref<1024xf32, #tpu.memory_space<vmem>>) target(%dma_start3A_1476 : memref<1024xf32, #tpu.memory_space<hbm>>) target_semaphore(%arg26 : memref<!tpu.dma_semaphore, #tpu.memory_space<semaphore_mem>>)
      %dma_start3A_1480 = arith.constant 8 : i32
      %dma_start3A_1481 = arith.constant 2 : i32
      %dma_start3A_1482 = arith.constant 2048 : i32
      %dma_start3A_1483 = tpu.memref_slice %arg7[%dma_start3A_1480, %dma_start3A_1482] : memref<10x4096xf32, #tpu.memory_space<vmem>> -> memref<1x1024xf32, #tpu.memory_space<vmem>>
      %dma_start3A_1484 = tpu.memref_squeeze %dma_start3A_1483 : memref<1x1024xf32, #tpu.memory_space<vmem>> -> memref<1024xf32, #tpu.memory_space<vmem>>
      %dma_start3A_1485 = arith.constant 0 : i32
      %dma_start3A_1486 = tpu.memref_slice %arg4[%add3A_1431, %dma_start3A_1481, %add3A, %dma_start3A_1485] : memref<200x4x32x1024xf32, #tpu.memory_space<hbm>> -> memref<1x1x1x1024xf32, #tpu.memory_space<hbm>>
      %dma_start3A_1487 = tpu.memref_squeeze %dma_start3A_1486 : memref<1x1x1x1024xf32, #tpu.memory_space<hbm>> -> memref<1024xf32, #tpu.memory_space<hbm>>
      %dma_start3A_1488 = arith.constant 0 : i32
      %dma_start3A_1489 = tpu.memref_slice %arg4[%add3A_1431, %dma_start3A_1481, %add3A, %dma_start3A_1488] : memref<200x4x32x1024xf32, #tpu.memory_space<hbm>> -> memref<1x1x1x1024xf32, #tpu.memory_space<hbm>>
      %dma_start3A_1490 = tpu.memref_squeeze %dma_start3A_1489 : memref<1x1x1x1024xf32, #tpu.memory_space<hbm>> -> memref<1024xf32, #tpu.memory_space<hbm>>
      %dma_start3A_1491 = arith.constant 2048 : i32
      %dma_start3A_1492 = tpu.memref_slice %arg7[%dma_start3A_1480, %dma_start3A_1491] : memref<10x4096xf32, #tpu.memory_space<vmem>> -> memref<1x1024xf32, #tpu.memory_space<vmem>>
      %dma_start3A_1493 = tpu.memref_squeeze %dma_start3A_1492 : memref<1x1024xf32, #tpu.memory_space<vmem>> -> memref<1024xf32, #tpu.memory_space<vmem>>
      tpu.enqueue_dma source(%dma_start3A_1493 : memref<1024xf32, #tpu.memory_space<vmem>>) target(%dma_start3A_1490 : memref<1024xf32, #tpu.memory_space<hbm>>) target_semaphore(%arg26 : memref<!tpu.dma_semaphore, #tpu.memory_space<semaphore_mem>>)
      %dma_start3A_1494 = arith.constant 8 : i32
      %dma_start3A_1495 = arith.constant 3 : i32
      %dma_start3A_1496 = arith.constant 3072 : i32
      %dma_start3A_1497 = tpu.memref_slice %arg7[%dma_start3A_1494, %dma_start3A_1496] : memref<10x4096xf32, #tpu.memory_space<vmem>> -> memref<1x1024xf32, #tpu.memory_space<vmem>>
      %dma_start3A_1498 = tpu.memref_squeeze %dma_start3A_1497 : memref<1x1024xf32, #tpu.memory_space<vmem>> -> memref<1024xf32, #tpu.memory_space<vmem>>
      %dma_start3A_1499 = arith.constant 0 : i32
      %dma_start3A_1500 = tpu.memref_slice %arg4[%add3A_1431, %dma_start3A_1495, %add3A, %dma_start3A_1499] : memref<200x4x32x1024xf32, #tpu.memory_space<hbm>> -> memref<1x1x1x1024xf32, #tpu.memory_space<hbm>>
      %dma_start3A_1501 = tpu.memref_squeeze %dma_start3A_1500 : memref<1x1x1x1024xf32, #tpu.memory_space<hbm>> -> memref<1024xf32, #tpu.memory_space<hbm>>
      %dma_start3A_1502 = arith.constant 0 : i32
      %dma_start3A_1503 = tpu.memref_slice %arg4[%add3A_1431, %dma_start3A_1495, %add3A, %dma_start3A_1502] : memref<200x4x32x1024xf32, #tpu.memory_space<hbm>> -> memref<1x1x1x1024xf32, #tpu.memory_space<hbm>>
      %dma_start3A_1504 = tpu.memref_squeeze %dma_start3A_1503 : memref<1x1x1x1024xf32, #tpu.memory_space<hbm>> -> memref<1024xf32, #tpu.memory_space<hbm>>
      %dma_start3A_1505 = arith.constant 3072 : i32
      %dma_start3A_1506 = tpu.memref_slice %arg7[%dma_start3A_1494, %dma_start3A_1505] : memref<10x4096xf32, #tpu.memory_space<vmem>> -> memref<1x1024xf32, #tpu.memory_space<vmem>>
      %dma_start3A_1507 = tpu.memref_squeeze %dma_start3A_1506 : memref<1x1024xf32, #tpu.memory_space<vmem>> -> memref<1024xf32, #tpu.memory_space<vmem>>
      tpu.enqueue_dma source(%dma_start3A_1507 : memref<1024xf32, #tpu.memory_space<vmem>>) target(%dma_start3A_1504 : memref<1024xf32, #tpu.memory_space<hbm>>) target_semaphore(%arg26 : memref<!tpu.dma_semaphore, #tpu.memory_space<semaphore_mem>>)
      %lt3A_1508 = arith.constant 19 : i32
      %lt3A_1509 = arith.cmpi slt, %scan3A_752, %lt3A_1508 : i32
      %convert_element_type3A_1510 = arith.extui %lt3A_1509 : i1 to i32
      %cond3A_1511 = arith.constant 0 : i32
      %cond3A_1512 = arith.cmpi ne, %convert_element_type3A_1510, %cond3A_1511 : i32
      scf.if %cond3A_1512 {
        %add3A_1598 = arith.constant 10 : i32
        %add3A_1599 = arith.addi %add3A_1431, %add3A_1598 : i32
        %dma_start3A_1600 = arith.constant 1024 : i32
        %dma_start3A_1601 = arith.constant 0 : i32
        %dma_start3A_1602 = tpu.memref_slice %arg6[%dma_start3A_1600, %dma_start3A_1601] : memref<1280x32xf32, #tpu.memory_space<vmem>> -> memref<128x32xf32, #tpu.memory_space<vmem>>
        %dma_start3A_1603 = arith.constant 0 : i32
        %dma_start3A_1604 = tpu.memref_slice %arg5[%add3A_1599, %dma_start3A_1603] : memref<200x128xi32, #tpu.memory_space<vmem>> -> memref<1x128xi32, #tpu.memory_space<vmem>>
        %dma_start3A_1605 = tpu.memref_squeeze %dma_start3A_1604 : memref<1x128xi32, #tpu.memory_space<vmem>> -> memref<128xi32, #tpu.memory_space<vmem>>
        %dma_start3A_1606 = arith.constant 0 : i32
        %dma_start3A_1607 = arith.constant 0 : i32
        %dma_start3A_1608 = tpu.memref_slice %arg3[%dma_start3A_1606, %dma_start3A_1607] : memref<100000x32xf32, #tpu.memory_space<hbm>> -> memref<100000x32xf32, #tpu.memory_space<hbm>>
        tpu.enqueue_indirect_dma source(%dma_start3A_1608 : memref<100000x32xf32, #tpu.memory_space<hbm>>) target(%dma_start3A_1602 : memref<128x32xf32, #tpu.memory_space<vmem>>) offsets(%dma_start3A_1605 : memref<128xi32, #tpu.memory_space<vmem>>) semaphore(%arg16 : memref<!tpu.dma_semaphore, #tpu.memory_space<semaphore_mem>>)
      } else {
      }
      %mul3A_1513 = arith.constant 10 : i32
      %mul3A_1514 = arith.muli %mul3A_1513, %scan3A_752 : i32
      %add3A_1515 = arith.constant 9 : i32
      %add3A_1516 = arith.addi %mul3A_1514, %add3A_1515 : i32
      %dma_wait3A_1517 = arith.constant 1152 : i32
      %dma_wait3A_1518 = arith.constant 0 : i32
      %dma_wait3A_1519 = tpu.memref_slice %arg6[%dma_wait3A_1517, %dma_wait3A_1518] : memref<1280x32xf32, #tpu.memory_space<vmem>> -> memref<128x32xf32, #tpu.memory_space<vmem>>
      %dma_wait3A_1520 = arith.constant 0 : i32
      %dma_wait3A_1521 = arith.constant 0 : i32
      %dma_wait3A_1522 = tpu.memref_slice %arg3[%dma_wait3A_1520, %dma_wait3A_1521] : memref<100000x32xf32, #tpu.memory_space<hbm>> -> memref<128x32xf32, #tpu.memory_space<hbm>>
      %dma_wait3A_1523 = arith.constant 1152 : i32
      %dma_wait3A_1524 = arith.constant 0 : i32
      %dma_wait3A_1525 = tpu.memref_slice %arg6[%dma_wait3A_1523, %dma_wait3A_1524] : memref<1280x32xf32, #tpu.memory_space<vmem>> -> memref<128x32xf32, #tpu.memory_space<vmem>>
      %dma_wait3A_1526 = arith.constant 0 : i32
      %dma_wait3A_1527 = arith.constant 0 : i32
      %dma_wait3A_1528 = tpu.memref_slice %arg3[%dma_wait3A_1526, %dma_wait3A_1527] : memref<100000x32xf32, #tpu.memory_space<hbm>> -> memref<128x32xf32, #tpu.memory_space<hbm>>
      tpu.wait_dma2 semaphore(%arg17 : memref<!tpu.dma_semaphore, #tpu.memory_space<semaphore_mem>>) src(%dma_wait3A_1528 : memref<128x32xf32, #tpu.memory_space<hbm>>) dst(%dma_wait3A_1525 : memref<128x32xf32, #tpu.memory_space<vmem>>)
      %gt3A_1529 = arith.constant 0 : i32
      %gt3A_1530 = arith.cmpi sgt, %scan3A_752, %gt3A_1529 : i32
      %convert_element_type3A_1531 = arith.extui %gt3A_1530 : i1 to i32
      %cond3A_1532 = arith.constant 0 : i32
      %cond3A_1533 = arith.cmpi ne, %convert_element_type3A_1531, %cond3A_1532 : i32
      scf.if %cond3A_1533 {
        %dma_wait3A_1598 = arith.constant 9 : i32
        %dma_wait3A_1599 = arith.constant 0 : i32
        %dma_wait3A_1600 = arith.constant 0 : i32
        %dma_wait3A_1601 = arith.constant 0 : i32
        %dma_wait3A_1602 = arith.constant 0 : i32
        %dma_wait3A_1603 = tpu.memref_slice %arg7[%dma_wait3A_1598, %dma_wait3A_1602] : memref<10x4096xf32, #tpu.memory_space<vmem>> -> memref<1x1024xf32, #tpu.memory_space<vmem>>
        %dma_wait3A_1604 = tpu.memref_squeeze %dma_wait3A_1603 : memref<1x1024xf32, #tpu.memory_space<vmem>> -> memref<1024xf32, #tpu.memory_space<vmem>>
        %dma_wait3A_1605 = arith.constant 0 : i32
        %dma_wait3A_1606 = tpu.memref_slice %arg4[%dma_wait3A_1599, %dma_wait3A_1600, %dma_wait3A_1601, %dma_wait3A_1605] : memref<200x4x32x1024xf32, #tpu.memory_space<hbm>> -> memref<1x1x1x1024xf32, #tpu.memory_space<hbm>>
        %dma_wait3A_1607 = tpu.memref_squeeze %dma_wait3A_1606 : memref<1x1x1x1024xf32, #tpu.memory_space<hbm>> -> memref<1024xf32, #tpu.memory_space<hbm>>
        %dma_wait3A_1608 = arith.constant 0 : i32
        %dma_wait3A_1609 = tpu.memref_slice %arg4[%dma_wait3A_1599, %dma_wait3A_1600, %dma_wait3A_1601, %dma_wait3A_1608] : memref<200x4x32x1024xf32, #tpu.memory_space<hbm>> -> memref<1x1x1x1024xf32, #tpu.memory_space<hbm>>
        %dma_wait3A_1610 = tpu.memref_squeeze %dma_wait3A_1609 : memref<1x1x1x1024xf32, #tpu.memory_space<hbm>> -> memref<1024xf32, #tpu.memory_space<hbm>>
        %dma_wait3A_1611 = arith.constant 0 : i32
        %dma_wait3A_1612 = tpu.memref_slice %arg7[%dma_wait3A_1598, %dma_wait3A_1611] : memref<10x4096xf32, #tpu.memory_space<vmem>> -> memref<1x1024xf32, #tpu.memory_space<vmem>>
        %dma_wait3A_1613 = tpu.memref_squeeze %dma_wait3A_1612 : memref<1x1024xf32, #tpu.memory_space<vmem>> -> memref<1024xf32, #tpu.memory_space<vmem>>
        tpu.wait_dma2 semaphore(%arg27 : memref<!tpu.dma_semaphore, #tpu.memory_space<semaphore_mem>>) src(%dma_wait3A_1613 : memref<1024xf32, #tpu.memory_space<vmem>>) dst(%dma_wait3A_1610 : memref<1024xf32, #tpu.memory_space<hbm>>)
        %dma_wait3A_1614 = arith.constant 9 : i32
        %dma_wait3A_1615 = arith.constant 0 : i32
        %dma_wait3A_1616 = arith.constant 0 : i32
        %dma_wait3A_1617 = arith.constant 0 : i32
        %dma_wait3A_1618 = arith.constant 0 : i32
        %dma_wait3A_1619 = tpu.memref_slice %arg7[%dma_wait3A_1614, %dma_wait3A_1618] : memref<10x4096xf32, #tpu.memory_space<vmem>> -> memref<1x1024xf32, #tpu.memory_space<vmem>>
        %dma_wait3A_1620 = tpu.memref_squeeze %dma_wait3A_1619 : memref<1x1024xf32, #tpu.memory_space<vmem>> -> memref<1024xf32, #tpu.memory_space<vmem>>
        %dma_wait3A_1621 = arith.constant 0 : i32
        %dma_wait3A_1622 = tpu.memref_slice %arg4[%dma_wait3A_1615, %dma_wait3A_1616, %dma_wait3A_1617, %dma_wait3A_1621] : memref<200x4x32x1024xf32, #tpu.memory_space<hbm>> -> memref<1x1x1x1024xf32, #tpu.memory_space<hbm>>
        %dma_wait3A_1623 = tpu.memref_squeeze %dma_wait3A_1622 : memref<1x1x1x1024xf32, #tpu.memory_space<hbm>> -> memref<1024xf32, #tpu.memory_space<hbm>>
        %dma_wait3A_1624 = arith.constant 0 : i32
        %dma_wait3A_1625 = tpu.memref_slice %arg4[%dma_wait3A_1615, %dma_wait3A_1616, %dma_wait3A_1617, %dma_wait3A_1624] : memref<200x4x32x1024xf32, #tpu.memory_space<hbm>> -> memref<1x1x1x1024xf32, #tpu.memory_space<hbm>>
        %dma_wait3A_1626 = tpu.memref_squeeze %dma_wait3A_1625 : memref<1x1x1x1024xf32, #tpu.memory_space<hbm>> -> memref<1024xf32, #tpu.memory_space<hbm>>
        %dma_wait3A_1627 = arith.constant 0 : i32
        %dma_wait3A_1628 = tpu.memref_slice %arg7[%dma_wait3A_1614, %dma_wait3A_1627] : memref<10x4096xf32, #tpu.memory_space<vmem>> -> memref<1x1024xf32, #tpu.memory_space<vmem>>
        %dma_wait3A_1629 = tpu.memref_squeeze %dma_wait3A_1628 : memref<1x1024xf32, #tpu.memory_space<vmem>> -> memref<1024xf32, #tpu.memory_space<vmem>>
        tpu.wait_dma2 semaphore(%arg27 : memref<!tpu.dma_semaphore, #tpu.memory_space<semaphore_mem>>) src(%dma_wait3A_1629 : memref<1024xf32, #tpu.memory_space<vmem>>) dst(%dma_wait3A_1626 : memref<1024xf32, #tpu.memory_space<hbm>>)
        %dma_wait3A_1630 = arith.constant 9 : i32
        %dma_wait3A_1631 = arith.constant 0 : i32
        %dma_wait3A_1632 = arith.constant 0 : i32
        %dma_wait3A_1633 = arith.constant 0 : i32
        %dma_wait3A_1634 = arith.constant 0 : i32
        %dma_wait3A_1635 = tpu.memref_slice %arg7[%dma_wait3A_1630, %dma_wait3A_1634] : memref<10x4096xf32, #tpu.memory_space<vmem>> -> memref<1x1024xf32, #tpu.memory_space<vmem>>
        %dma_wait3A_1636 = tpu.memref_squeeze %dma_wait3A_1635 : memref<1x1024xf32, #tpu.memory_space<vmem>> -> memref<1024xf32, #tpu.memory_space<vmem>>
        %dma_wait3A_1637 = arith.constant 0 : i32
        %dma_wait3A_1638 = tpu.memref_slice %arg4[%dma_wait3A_1631, %dma_wait3A_1632, %dma_wait3A_1633, %dma_wait3A_1637] : memref<200x4x32x1024xf32, #tpu.memory_space<hbm>> -> memref<1x1x1x1024xf32, #tpu.memory_space<hbm>>
        %dma_wait3A_1639 = tpu.memref_squeeze %dma_wait3A_1638 : memref<1x1x1x1024xf32, #tpu.memory_space<hbm>> -> memref<1024xf32, #tpu.memory_space<hbm>>
        %dma_wait3A_1640 = arith.constant 0 : i32
        %dma_wait3A_1641 = tpu.memref_slice %arg4[%dma_wait3A_1631, %dma_wait3A_1632, %dma_wait3A_1633, %dma_wait3A_1640] : memref<200x4x32x1024xf32, #tpu.memory_space<hbm>> -> memref<1x1x1x1024xf32, #tpu.memory_space<hbm>>
        %dma_wait3A_1642 = tpu.memref_squeeze %dma_wait3A_1641 : memref<1x1x1x1024xf32, #tpu.memory_space<hbm>> -> memref<1024xf32, #tpu.memory_space<hbm>>
        %dma_wait3A_1643 = arith.constant 0 : i32
        %dma_wait3A_1644 = tpu.memref_slice %arg7[%dma_wait3A_1630, %dma_wait3A_1643] : memref<10x4096xf32, #tpu.memory_space<vmem>> -> memref<1x1024xf32, #tpu.memory_space<vmem>>
        %dma_wait3A_1645 = tpu.memref_squeeze %dma_wait3A_1644 : memref<1x1024xf32, #tpu.memory_space<vmem>> -> memref<1024xf32, #tpu.memory_space<vmem>>
        tpu.wait_dma2 semaphore(%arg27 : memref<!tpu.dma_semaphore, #tpu.memory_space<semaphore_mem>>) src(%dma_wait3A_1645 : memref<1024xf32, #tpu.memory_space<vmem>>) dst(%dma_wait3A_1642 : memref<1024xf32, #tpu.memory_space<hbm>>)
        %dma_wait3A_1646 = arith.constant 9 : i32
        %dma_wait3A_1647 = arith.constant 0 : i32
        %dma_wait3A_1648 = arith.constant 0 : i32
        %dma_wait3A_1649 = arith.constant 0 : i32
        %dma_wait3A_1650 = arith.constant 0 : i32
        %dma_wait3A_1651 = tpu.memref_slice %arg7[%dma_wait3A_1646, %dma_wait3A_1650] : memref<10x4096xf32, #tpu.memory_space<vmem>> -> memref<1x1024xf32, #tpu.memory_space<vmem>>
        %dma_wait3A_1652 = tpu.memref_squeeze %dma_wait3A_1651 : memref<1x1024xf32, #tpu.memory_space<vmem>> -> memref<1024xf32, #tpu.memory_space<vmem>>
        %dma_wait3A_1653 = arith.constant 0 : i32
        %dma_wait3A_1654 = tpu.memref_slice %arg4[%dma_wait3A_1647, %dma_wait3A_1648, %dma_wait3A_1649, %dma_wait3A_1653] : memref<200x4x32x1024xf32, #tpu.memory_space<hbm>> -> memref<1x1x1x1024xf32, #tpu.memory_space<hbm>>
        %dma_wait3A_1655 = tpu.memref_squeeze %dma_wait3A_1654 : memref<1x1x1x1024xf32, #tpu.memory_space<hbm>> -> memref<1024xf32, #tpu.memory_space<hbm>>
        %dma_wait3A_1656 = arith.constant 0 : i32
        %dma_wait3A_1657 = tpu.memref_slice %arg4[%dma_wait3A_1647, %dma_wait3A_1648, %dma_wait3A_1649, %dma_wait3A_1656] : memref<200x4x32x1024xf32, #tpu.memory_space<hbm>> -> memref<1x1x1x1024xf32, #tpu.memory_space<hbm>>
        %dma_wait3A_1658 = tpu.memref_squeeze %dma_wait3A_1657 : memref<1x1x1x1024xf32, #tpu.memory_space<hbm>> -> memref<1024xf32, #tpu.memory_space<hbm>>
        %dma_wait3A_1659 = arith.constant 0 : i32
        %dma_wait3A_1660 = tpu.memref_slice %arg7[%dma_wait3A_1646, %dma_wait3A_1659] : memref<10x4096xf32, #tpu.memory_space<vmem>> -> memref<1x1024xf32, #tpu.memory_space<vmem>>
        %dma_wait3A_1661 = tpu.memref_squeeze %dma_wait3A_1660 : memref<1x1024xf32, #tpu.memory_space<vmem>> -> memref<1024xf32, #tpu.memory_space<vmem>>
        tpu.wait_dma2 semaphore(%arg27 : memref<!tpu.dma_semaphore, #tpu.memory_space<semaphore_mem>>) src(%dma_wait3A_1661 : memref<1024xf32, #tpu.memory_space<vmem>>) dst(%dma_wait3A_1658 : memref<1024xf32, #tpu.memory_space<hbm>>)
      } else {
      }
      %parallel_loop3A_1534 = arith.constant 0 : i32
      %parallel_loop3A_1535 = arith.constant 128 : i32
      %parallel_loop3A_1536 = arith.constant 1 : i32
      scf.for %parallel_loop3A_1598 = %parallel_loop3A_1534 to %parallel_loop3A_1535 step %parallel_loop3A_1536  : i32 {
        %parallel_loop3A_1599 = vector.broadcast %parallel_loop3A_1598 : i32 to vector<16xi32>
        %parallel_loop3A_1600 = arith.addi %iota3A, %parallel_loop3A_1599 : vector<16xi32>
        %parallel_loop3A_1601 = arith.constant 127 : i32
        %parallel_loop3A_1602 = vector.broadcast %parallel_loop3A_1601 : i32 to vector<16xi32>
        %parallel_loop3A_1603 = arith.andi %parallel_loop3A_1600, %parallel_loop3A_1602 : vector<16xi32>
        %parallel_loop3A_1604 = arith.constant 1152 : i32
        %parallel_loop3A_1605 = vector.broadcast %parallel_loop3A_1604 : i32 to vector<16xi32>
        %parallel_loop3A_1606 = arith.addi %parallel_loop3A_1603, %parallel_loop3A_1605 : vector<16xi32>
        %parallel_loop3A_1607 = arith.addi %mul3A_8, %parallel_loop3A_1603 : vector<16xi32>
        %parallel_loop3A_1608 = tpu.vector_load_idx %arg6[%parallel_loop3A_1606, %iota3A] : memref<1280x32xf32, #tpu.memory_space<vmem>>[vector<16xi32>, vector<16xi32>], vector<16xf32>,
        %parallel_loop3A_1609 = arith.constant 9 : i32
        %parallel_loop3A_1610 = arith.constant 0 : i32
        %parallel_loop3A_1611 = tpu.memref_slice %arg7[%parallel_loop3A_1609, %parallel_loop3A_1610] : memref<10x4096xf32, #tpu.memory_space<vmem>> -> memref<1x4096xf32, #tpu.memory_space<vmem>>
        %parallel_loop3A_1612 = tpu.memref_squeeze %parallel_loop3A_1611 : memref<1x4096xf32, #tpu.memory_space<vmem>> -> memref<4096xf32, #tpu.memory_space<vmem>>
        tpu.vector_store_idx %parallel_loop3A_1612[%parallel_loop3A_1607], %parallel_loop3A_1608 : memref<4096xf32, #tpu.memory_space<vmem>>[vector<16xi32>], vector<16xf32>,
        %parallel_loop3A_1613 = tpu.vector_load_idx %arg6[%parallel_loop3A_1606, %add3A_5] : memref<1280x32xf32, #tpu.memory_space<vmem>>[vector<16xi32>, vector<16xi32>], vector<16xf32>,
        %parallel_loop3A_1614 = arith.constant 2048 : i32
        %parallel_loop3A_1615 = vector.broadcast %parallel_loop3A_1614 : i32 to vector<16xi32>
        %parallel_loop3A_1616 = arith.addi %parallel_loop3A_1607, %parallel_loop3A_1615 : vector<16xi32>
        %parallel_loop3A_1617 = arith.constant 9 : i32
        %parallel_loop3A_1618 = arith.constant 0 : i32
        %parallel_loop3A_1619 = tpu.memref_slice %arg7[%parallel_loop3A_1617, %parallel_loop3A_1618] : memref<10x4096xf32, #tpu.memory_space<vmem>> -> memref<1x4096xf32, #tpu.memory_space<vmem>>
        %parallel_loop3A_1620 = tpu.memref_squeeze %parallel_loop3A_1619 : memref<1x4096xf32, #tpu.memory_space<vmem>> -> memref<4096xf32, #tpu.memory_space<vmem>>
        tpu.vector_store_idx %parallel_loop3A_1620[%parallel_loop3A_1616], %parallel_loop3A_1613 : memref<4096xf32, #tpu.memory_space<vmem>>[vector<16xi32>], vector<16xf32>,
      } {sc.loop_unroll_factor = 8 : i64, sc.parallel_access}
      %dma_start3A_1537 = arith.constant 9 : i32
      %dma_start3A_1538 = arith.constant 0 : i32
      %dma_start3A_1539 = arith.constant 0 : i32
      %dma_start3A_1540 = tpu.memref_slice %arg7[%dma_start3A_1537, %dma_start3A_1539] : memref<10x4096xf32, #tpu.memory_space<vmem>> -> memref<1x1024xf32, #tpu.memory_space<vmem>>
      %dma_start3A_1541 = tpu.memref_squeeze %dma_start3A_1540 : memref<1x1024xf32, #tpu.memory_space<vmem>> -> memref<1024xf32, #tpu.memory_space<vmem>>
      %dma_start3A_1542 = arith.constant 0 : i32
      %dma_start3A_1543 = tpu.memref_slice %arg4[%add3A_1516, %dma_start3A_1538, %add3A, %dma_start3A_1542] : memref<200x4x32x1024xf32, #tpu.memory_space<hbm>> -> memref<1x1x1x1024xf32, #tpu.memory_space<hbm>>
      %dma_start3A_1544 = tpu.memref_squeeze %dma_start3A_1543 : memref<1x1x1x1024xf32, #tpu.memory_space<hbm>> -> memref<1024xf32, #tpu.memory_space<hbm>>
      %dma_start3A_1545 = arith.constant 0 : i32
      %dma_start3A_1546 = tpu.memref_slice %arg4[%add3A_1516, %dma_start3A_1538, %add3A, %dma_start3A_1545] : memref<200x4x32x1024xf32, #tpu.memory_space<hbm>> -> memref<1x1x1x1024xf32, #tpu.memory_space<hbm>>
      %dma_start3A_1547 = tpu.memref_squeeze %dma_start3A_1546 : memref<1x1x1x1024xf32, #tpu.memory_space<hbm>> -> memref<1024xf32, #tpu.memory_space<hbm>>
      %dma_start3A_1548 = arith.constant 0 : i32
      %dma_start3A_1549 = tpu.memref_slice %arg7[%dma_start3A_1537, %dma_start3A_1548] : memref<10x4096xf32, #tpu.memory_space<vmem>> -> memref<1x1024xf32, #tpu.memory_space<vmem>>
      %dma_start3A_1550 = tpu.memref_squeeze %dma_start3A_1549 : memref<1x1024xf32, #tpu.memory_space<vmem>> -> memref<1024xf32, #tpu.memory_space<vmem>>
      tpu.enqueue_dma source(%dma_start3A_1550 : memref<1024xf32, #tpu.memory_space<vmem>>) target(%dma_start3A_1547 : memref<1024xf32, #tpu.memory_space<hbm>>) target_semaphore(%arg27 : memref<!tpu.dma_semaphore, #tpu.memory_space<semaphore_mem>>)
      %dma_start3A_1551 = arith.constant 9 : i32
      %dma_start3A_1552 = arith.constant 1 : i32
      %dma_start3A_1553 = arith.constant 1024 : i32
      %dma_start3A_1554 = tpu.memref_slice %arg7[%dma_start3A_1551, %dma_start3A_1553] : memref<10x4096xf32, #tpu.memory_space<vmem>> -> memref<1x1024xf32, #tpu.memory_space<vmem>>
      %dma_start3A_1555 = tpu.memref_squeeze %dma_start3A_1554 : memref<1x1024xf32, #tpu.memory_space<vmem>> -> memref<1024xf32, #tpu.memory_space<vmem>>
      %dma_start3A_1556 = arith.constant 0 : i32
      %dma_start3A_1557 = tpu.memref_slice %arg4[%add3A_1516, %dma_start3A_1552, %add3A, %dma_start3A_1556] : memref<200x4x32x1024xf32, #tpu.memory_space<hbm>> -> memref<1x1x1x1024xf32, #tpu.memory_space<hbm>>
      %dma_start3A_1558 = tpu.memref_squeeze %dma_start3A_1557 : memref<1x1x1x1024xf32, #tpu.memory_space<hbm>> -> memref<1024xf32, #tpu.memory_space<hbm>>
      %dma_start3A_1559 = arith.constant 0 : i32
      %dma_start3A_1560 = tpu.memref_slice %arg4[%add3A_1516, %dma_start3A_1552, %add3A, %dma_start3A_1559] : memref<200x4x32x1024xf32, #tpu.memory_space<hbm>> -> memref<1x1x1x1024xf32, #tpu.memory_space<hbm>>
      %dma_start3A_1561 = tpu.memref_squeeze %dma_start3A_1560 : memref<1x1x1x1024xf32, #tpu.memory_space<hbm>> -> memref<1024xf32, #tpu.memory_space<hbm>>
      %dma_start3A_1562 = arith.constant 1024 : i32
      %dma_start3A_1563 = tpu.memref_slice %arg7[%dma_start3A_1551, %dma_start3A_1562] : memref<10x4096xf32, #tpu.memory_space<vmem>> -> memref<1x1024xf32, #tpu.memory_space<vmem>>
      %dma_start3A_1564 = tpu.memref_squeeze %dma_start3A_1563 : memref<1x1024xf32, #tpu.memory_space<vmem>> -> memref<1024xf32, #tpu.memory_space<vmem>>
      tpu.enqueue_dma source(%dma_start3A_1564 : memref<1024xf32, #tpu.memory_space<vmem>>) target(%dma_start3A_1561 : memref<1024xf32, #tpu.memory_space<hbm>>) target_semaphore(%arg27 : memref<!tpu.dma_semaphore, #tpu.memory_space<semaphore_mem>>)
      %dma_start3A_1565 = arith.constant 9 : i32
      %dma_start3A_1566 = arith.constant 2 : i32
      %dma_start3A_1567 = arith.constant 2048 : i32
      %dma_start3A_1568 = tpu.memref_slice %arg7[%dma_start3A_1565, %dma_start3A_1567] : memref<10x4096xf32, #tpu.memory_space<vmem>> -> memref<1x1024xf32, #tpu.memory_space<vmem>>
      %dma_start3A_1569 = tpu.memref_squeeze %dma_start3A_1568 : memref<1x1024xf32, #tpu.memory_space<vmem>> -> memref<1024xf32, #tpu.memory_space<vmem>>
      %dma_start3A_1570 = arith.constant 0 : i32
      %dma_start3A_1571 = tpu.memref_slice %arg4[%add3A_1516, %dma_start3A_1566, %add3A, %dma_start3A_1570] : memref<200x4x32x1024xf32, #tpu.memory_space<hbm>> -> memref<1x1x1x1024xf32, #tpu.memory_space<hbm>>
      %dma_start3A_1572 = tpu.memref_squeeze %dma_start3A_1571 : memref<1x1x1x1024xf32, #tpu.memory_space<hbm>> -> memref<1024xf32, #tpu.memory_space<hbm>>
      %dma_start3A_1573 = arith.constant 0 : i32
      %dma_start3A_1574 = tpu.memref_slice %arg4[%add3A_1516, %dma_start3A_1566, %add3A, %dma_start3A_1573] : memref<200x4x32x1024xf32, #tpu.memory_space<hbm>> -> memref<1x1x1x1024xf32, #tpu.memory_space<hbm>>
      %dma_start3A_1575 = tpu.memref_squeeze %dma_start3A_1574 : memref<1x1x1x1024xf32, #tpu.memory_space<hbm>> -> memref<1024xf32, #tpu.memory_space<hbm>>
      %dma_start3A_1576 = arith.constant 2048 : i32
      %dma_start3A_1577 = tpu.memref_slice %arg7[%dma_start3A_1565, %dma_start3A_1576] : memref<10x4096xf32, #tpu.memory_space<vmem>> -> memref<1x1024xf32, #tpu.memory_space<vmem>>
      %dma_start3A_1578 = tpu.memref_squeeze %dma_start3A_1577 : memref<1x1024xf32, #tpu.memory_space<vmem>> -> memref<1024xf32, #tpu.memory_space<vmem>>
      tpu.enqueue_dma source(%dma_start3A_1578 : memref<1024xf32, #tpu.memory_space<vmem>>) target(%dma_start3A_1575 : memref<1024xf32, #tpu.memory_space<hbm>>) target_semaphore(%arg27 : memref<!tpu.dma_semaphore, #tpu.memory_space<semaphore_mem>>)
      %dma_start3A_1579 = arith.constant 9 : i32
      %dma_start3A_1580 = arith.constant 3 : i32
      %dma_start3A_1581 = arith.constant 3072 : i32
      %dma_start3A_1582 = tpu.memref_slice %arg7[%dma_start3A_1579, %dma_start3A_1581] : memref<10x4096xf32, #tpu.memory_space<vmem>> -> memref<1x1024xf32, #tpu.memory_space<vmem>>
      %dma_start3A_1583 = tpu.memref_squeeze %dma_start3A_1582 : memref<1x1024xf32, #tpu.memory_space<vmem>> -> memref<1024xf32, #tpu.memory_space<vmem>>
      %dma_start3A_1584 = arith.constant 0 : i32
      %dma_start3A_1585 = tpu.memref_slice %arg4[%add3A_1516, %dma_start3A_1580, %add3A, %dma_start3A_1584] : memref<200x4x32x1024xf32, #tpu.memory_space<hbm>> -> memref<1x1x1x1024xf32, #tpu.memory_space<hbm>>
      %dma_start3A_1586 = tpu.memref_squeeze %dma_start3A_1585 : memref<1x1x1x1024xf32, #tpu.memory_space<hbm>> -> memref<1024xf32, #tpu.memory_space<hbm>>
      %dma_start3A_1587 = arith.constant 0 : i32
      %dma_start3A_1588 = tpu.memref_slice %arg4[%add3A_1516, %dma_start3A_1580, %add3A, %dma_start3A_1587] : memref<200x4x32x1024xf32, #tpu.memory_space<hbm>> -> memref<1x1x1x1024xf32, #tpu.memory_space<hbm>>
      %dma_start3A_1589 = tpu.memref_squeeze %dma_start3A_1588 : memref<1x1x1x1024xf32, #tpu.memory_space<hbm>> -> memref<1024xf32, #tpu.memory_space<hbm>>
      %dma_start3A_1590 = arith.constant 3072 : i32
      %dma_start3A_1591 = tpu.memref_slice %arg7[%dma_start3A_1579, %dma_start3A_1590] : memref<10x4096xf32, #tpu.memory_space<vmem>> -> memref<1x1024xf32, #tpu.memory_space<vmem>>
      %dma_start3A_1592 = tpu.memref_squeeze %dma_start3A_1591 : memref<1x1024xf32, #tpu.memory_space<vmem>> -> memref<1024xf32, #tpu.memory_space<vmem>>
      tpu.enqueue_dma source(%dma_start3A_1592 : memref<1024xf32, #tpu.memory_space<vmem>>) target(%dma_start3A_1589 : memref<1024xf32, #tpu.memory_space<hbm>>) target_semaphore(%arg27 : memref<!tpu.dma_semaphore, #tpu.memory_space<semaphore_mem>>)
      %lt3A_1593 = arith.constant 19 : i32
      %lt3A_1594 = arith.cmpi slt, %scan3A_752, %lt3A_1593 : i32
      %convert_element_type3A_1595 = arith.extui %lt3A_1594 : i1 to i32
      %cond3A_1596 = arith.constant 0 : i32
      %cond3A_1597 = arith.cmpi ne, %convert_element_type3A_1595, %cond3A_1596 : i32
      scf.if %cond3A_1597 {
        %add3A_1598 = arith.constant 10 : i32
        %add3A_1599 = arith.addi %add3A_1516, %add3A_1598 : i32
        %dma_start3A_1600 = arith.constant 1152 : i32
        %dma_start3A_1601 = arith.constant 0 : i32
        %dma_start3A_1602 = tpu.memref_slice %arg6[%dma_start3A_1600, %dma_start3A_1601] : memref<1280x32xf32, #tpu.memory_space<vmem>> -> memref<128x32xf32, #tpu.memory_space<vmem>>
        %dma_start3A_1603 = arith.constant 0 : i32
        %dma_start3A_1604 = tpu.memref_slice %arg5[%add3A_1599, %dma_start3A_1603] : memref<200x128xi32, #tpu.memory_space<vmem>> -> memref<1x128xi32, #tpu.memory_space<vmem>>
        %dma_start3A_1605 = tpu.memref_squeeze %dma_start3A_1604 : memref<1x128xi32, #tpu.memory_space<vmem>> -> memref<128xi32, #tpu.memory_space<vmem>>
        %dma_start3A_1606 = arith.constant 0 : i32
        %dma_start3A_1607 = arith.constant 0 : i32
        %dma_start3A_1608 = tpu.memref_slice %arg3[%dma_start3A_1606, %dma_start3A_1607] : memref<100000x32xf32, #tpu.memory_space<hbm>> -> memref<100000x32xf32, #tpu.memory_space<hbm>>
        tpu.enqueue_indirect_dma source(%dma_start3A_1608 : memref<100000x32xf32, #tpu.memory_space<hbm>>) target(%dma_start3A_1602 : memref<128x32xf32, #tpu.memory_space<vmem>>) offsets(%dma_start3A_1605 : memref<128xi32, #tpu.memory_space<vmem>>) semaphore(%arg17 : memref<!tpu.dma_semaphore, #tpu.memory_space<semaphore_mem>>)
      } else {
      }
    }
    %scan3A_112 = arith.constant 20 : i32
    %dma_wait3A = arith.constant 0 : i32
    %dma_wait3A_113 = arith.constant 0 : i32
    %dma_wait3A_114 = arith.constant 0 : i32
    %dma_wait3A_115 = arith.constant 0 : i32
    %dma_wait3A_116 = arith.constant 0 : i32
    %dma_wait3A_117 = tpu.memref_slice %arg7[%dma_wait3A, %dma_wait3A_116] : memref<10x4096xf32, #tpu.memory_space<vmem>> -> memref<1x1024xf32, #tpu.memory_space<vmem>>
    %dma_wait3A_118 = tpu.memref_squeeze %dma_wait3A_117 : memref<1x1024xf32, #tpu.memory_space<vmem>> -> memref<1024xf32, #tpu.memory_space<vmem>>
    %dma_wait3A_119 = arith.constant 0 : i32
    %dma_wait3A_120 = tpu.memref_slice %arg4[%dma_wait3A_113, %dma_wait3A_114, %dma_wait3A_115, %dma_wait3A_119] : memref<200x4x32x1024xf32, #tpu.memory_space<hbm>> -> memref<1x1x1x1024xf32, #tpu.memory_space<hbm>>
    %dma_wait3A_121 = tpu.memref_squeeze %dma_wait3A_120 : memref<1x1x1x1024xf32, #tpu.memory_space<hbm>> -> memref<1024xf32, #tpu.memory_space<hbm>>
    %dma_wait3A_122 = arith.constant 0 : i32
    %dma_wait3A_123 = tpu.memref_slice %arg4[%dma_wait3A_113, %dma_wait3A_114, %dma_wait3A_115, %dma_wait3A_122] : memref<200x4x32x1024xf32, #tpu.memory_space<hbm>> -> memref<1x1x1x1024xf32, #tpu.memory_space<hbm>>
    %dma_wait3A_124 = tpu.memref_squeeze %dma_wait3A_123 : memref<1x1x1x1024xf32, #tpu.memory_space<hbm>> -> memref<1024xf32, #tpu.memory_space<hbm>>
    %dma_wait3A_125 = arith.constant 0 : i32
    %dma_wait3A_126 = tpu.memref_slice %arg7[%dma_wait3A, %dma_wait3A_125] : memref<10x4096xf32, #tpu.memory_space<vmem>> -> memref<1x1024xf32, #tpu.memory_space<vmem>>
    %dma_wait3A_127 = tpu.memref_squeeze %dma_wait3A_126 : memref<1x1024xf32, #tpu.memory_space<vmem>> -> memref<1024xf32, #tpu.memory_space<vmem>>
    tpu.wait_dma2 semaphore(%arg18 : memref<!tpu.dma_semaphore, #tpu.memory_space<semaphore_mem>>) src(%dma_wait3A_127 : memref<1024xf32, #tpu.memory_space<vmem>>) dst(%dma_wait3A_124 : memref<1024xf32, #tpu.memory_space<hbm>>)
    %dma_wait3A_128 = arith.constant 0 : i32
    %dma_wait3A_129 = arith.constant 0 : i32
    %dma_wait3A_130 = arith.constant 0 : i32
    %dma_wait3A_131 = arith.constant 0 : i32
    %dma_wait3A_132 = arith.constant 0 : i32
    %dma_wait3A_133 = tpu.memref_slice %arg7[%dma_wait3A_128, %dma_wait3A_132] : memref<10x4096xf32, #tpu.memory_space<vmem>> -> memref<1x1024xf32, #tpu.memory_space<vmem>>
    %dma_wait3A_134 = tpu.memref_squeeze %dma_wait3A_133 : memref<1x1024xf32, #tpu.memory_space<vmem>> -> memref<1024xf32, #tpu.memory_space<vmem>>
    %dma_wait3A_135 = arith.constant 0 : i32
    %dma_wait3A_136 = tpu.memref_slice %arg4[%dma_wait3A_129, %dma_wait3A_130, %dma_wait3A_131, %dma_wait3A_135] : memref<200x4x32x1024xf32, #tpu.memory_space<hbm>> -> memref<1x1x1x1024xf32, #tpu.memory_space<hbm>>
    %dma_wait3A_137 = tpu.memref_squeeze %dma_wait3A_136 : memref<1x1x1x1024xf32, #tpu.memory_space<hbm>> -> memref<1024xf32, #tpu.memory_space<hbm>>
    %dma_wait3A_138 = arith.constant 0 : i32
    %dma_wait3A_139 = tpu.memref_slice %arg4[%dma_wait3A_129, %dma_wait3A_130, %dma_wait3A_131, %dma_wait3A_138] : memref<200x4x32x1024xf32, #tpu.memory_space<hbm>> -> memref<1x1x1x1024xf32, #tpu.memory_space<hbm>>
    %dma_wait3A_140 = tpu.memref_squeeze %dma_wait3A_139 : memref<1x1x1x1024xf32, #tpu.memory_space<hbm>> -> memref<1024xf32, #tpu.memory_space<hbm>>
    %dma_wait3A_141 = arith.constant 0 : i32
    %dma_wait3A_142 = tpu.memref_slice %arg7[%dma_wait3A_128, %dma_wait3A_141] : memref<10x4096xf32, #tpu.memory_space<vmem>> -> memref<1x1024xf32, #tpu.memory_space<vmem>>
    %dma_wait3A_143 = tpu.memref_squeeze %dma_wait3A_142 : memref<1x1024xf32, #tpu.memory_space<vmem>> -> memref<1024xf32, #tpu.memory_space<vmem>>
    tpu.wait_dma2 semaphore(%arg18 : memref<!tpu.dma_semaphore, #tpu.memory_space<semaphore_mem>>) src(%dma_wait3A_143 : memref<1024xf32, #tpu.memory_space<vmem>>) dst(%dma_wait3A_140 : memref<1024xf32, #tpu.memory_space<hbm>>)
    %dma_wait3A_144 = arith.constant 0 : i32
    %dma_wait3A_145 = arith.constant 0 : i32
    %dma_wait3A_146 = arith.constant 0 : i32
    %dma_wait3A_147 = arith.constant 0 : i32
    %dma_wait3A_148 = arith.constant 0 : i32
    %dma_wait3A_149 = tpu.memref_slice %arg7[%dma_wait3A_144, %dma_wait3A_148] : memref<10x4096xf32, #tpu.memory_space<vmem>> -> memref<1x1024xf32, #tpu.memory_space<vmem>>
    %dma_wait3A_150 = tpu.memref_squeeze %dma_wait3A_149 : memref<1x1024xf32, #tpu.memory_space<vmem>> -> memref<1024xf32, #tpu.memory_space<vmem>>
    %dma_wait3A_151 = arith.constant 0 : i32
    %dma_wait3A_152 = tpu.memref_slice %arg4[%dma_wait3A_145, %dma_wait3A_146, %dma_wait3A_147, %dma_wait3A_151] : memref<200x4x32x1024xf32, #tpu.memory_space<hbm>> -> memref<1x1x1x1024xf32, #tpu.memory_space<hbm>>
    %dma_wait3A_153 = tpu.memref_squeeze %dma_wait3A_152 : memref<1x1x1x1024xf32, #tpu.memory_space<hbm>> -> memref<1024xf32, #tpu.memory_space<hbm>>
    %dma_wait3A_154 = arith.constant 0 : i32
    %dma_wait3A_155 = tpu.memref_slice %arg4[%dma_wait3A_145, %dma_wait3A_146, %dma_wait3A_147, %dma_wait3A_154] : memref<200x4x32x1024xf32, #tpu.memory_space<hbm>> -> memref<1x1x1x1024xf32, #tpu.memory_space<hbm>>
    %dma_wait3A_156 = tpu.memref_squeeze %dma_wait3A_155 : memref<1x1x1x1024xf32, #tpu.memory_space<hbm>> -> memref<1024xf32, #tpu.memory_space<hbm>>
    %dma_wait3A_157 = arith.constant 0 : i32
    %dma_wait3A_158 = tpu.memref_slice %arg7[%dma_wait3A_144, %dma_wait3A_157] : memref<10x4096xf32, #tpu.memory_space<vmem>> -> memref<1x1024xf32, #tpu.memory_space<vmem>>
    %dma_wait3A_159 = tpu.memref_squeeze %dma_wait3A_158 : memref<1x1024xf32, #tpu.memory_space<vmem>> -> memref<1024xf32, #tpu.memory_space<vmem>>
    tpu.wait_dma2 semaphore(%arg18 : memref<!tpu.dma_semaphore, #tpu.memory_space<semaphore_mem>>) src(%dma_wait3A_159 : memref<1024xf32, #tpu.memory_space<vmem>>) dst(%dma_wait3A_156 : memref<1024xf32, #tpu.memory_space<hbm>>)
    %dma_wait3A_160 = arith.constant 0 : i32
    %dma_wait3A_161 = arith.constant 0 : i32
    %dma_wait3A_162 = arith.constant 0 : i32
    %dma_wait3A_163 = arith.constant 0 : i32
    %dma_wait3A_164 = arith.constant 0 : i32
    %dma_wait3A_165 = tpu.memref_slice %arg7[%dma_wait3A_160, %dma_wait3A_164] : memref<10x4096xf32, #tpu.memory_space<vmem>> -> memref<1x1024xf32, #tpu.memory_space<vmem>>
    %dma_wait3A_166 = tpu.memref_squeeze %dma_wait3A_165 : memref<1x1024xf32, #tpu.memory_space<vmem>> -> memref<1024xf32, #tpu.memory_space<vmem>>
    %dma_wait3A_167 = arith.constant 0 : i32
    %dma_wait3A_168 = tpu.memref_slice %arg4[%dma_wait3A_161, %dma_wait3A_162, %dma_wait3A_163, %dma_wait3A_167] : memref<200x4x32x1024xf32, #tpu.memory_space<hbm>> -> memref<1x1x1x1024xf32, #tpu.memory_space<hbm>>
    %dma_wait3A_169 = tpu.memref_squeeze %dma_wait3A_168 : memref<1x1x1x1024xf32, #tpu.memory_space<hbm>> -> memref<1024xf32, #tpu.memory_space<hbm>>
    %dma_wait3A_170 = arith.constant 0 : i32
    %dma_wait3A_171 = tpu.memref_slice %arg4[%dma_wait3A_161, %dma_wait3A_162, %dma_wait3A_163, %dma_wait3A_170] : memref<200x4x32x1024xf32, #tpu.memory_space<hbm>> -> memref<1x1x1x1024xf32, #tpu.memory_space<hbm>>
    %dma_wait3A_172 = tpu.memref_squeeze %dma_wait3A_171 : memref<1x1x1x1024xf32, #tpu.memory_space<hbm>> -> memref<1024xf32, #tpu.memory_space<hbm>>
    %dma_wait3A_173 = arith.constant 0 : i32
    %dma_wait3A_174 = tpu.memref_slice %arg7[%dma_wait3A_160, %dma_wait3A_173] : memref<10x4096xf32, #tpu.memory_space<vmem>> -> memref<1x1024xf32, #tpu.memory_space<vmem>>
    %dma_wait3A_175 = tpu.memref_squeeze %dma_wait3A_174 : memref<1x1024xf32, #tpu.memory_space<vmem>> -> memref<1024xf32, #tpu.memory_space<vmem>>
    tpu.wait_dma2 semaphore(%arg18 : memref<!tpu.dma_semaphore, #tpu.memory_space<semaphore_mem>>) src(%dma_wait3A_175 : memref<1024xf32, #tpu.memory_space<vmem>>) dst(%dma_wait3A_172 : memref<1024xf32, #tpu.memory_space<hbm>>)
    %dma_wait3A_176 = arith.constant 1 : i32
    %dma_wait3A_177 = arith.constant 0 : i32
    %dma_wait3A_178 = arith.constant 0 : i32
    %dma_wait3A_179 = arith.constant 0 : i32
    %dma_wait3A_180 = arith.constant 0 : i32
    %dma_wait3A_181 = tpu.memref_slice %arg7[%dma_wait3A_176, %dma_wait3A_180] : memref<10x4096xf32, #tpu.memory_space<vmem>> -> memref<1x1024xf32, #tpu.memory_space<vmem>>
    %dma_wait3A_182 = tpu.memref_squeeze %dma_wait3A_181 : memref<1x1024xf32, #tpu.memory_space<vmem>> -> memref<1024xf32, #tpu.memory_space<vmem>>
    %dma_wait3A_183 = arith.constant 0 : i32
    %dma_wait3A_184 = tpu.memref_slice %arg4[%dma_wait3A_177, %dma_wait3A_178, %dma_wait3A_179, %dma_wait3A_183] : memref<200x4x32x1024xf32, #tpu.memory_space<hbm>> -> memref<1x1x1x1024xf32, #tpu.memory_space<hbm>>
    %dma_wait3A_185 = tpu.memref_squeeze %dma_wait3A_184 : memref<1x1x1x1024xf32, #tpu.memory_space<hbm>> -> memref<1024xf32, #tpu.memory_space<hbm>>
    %dma_wait3A_186 = arith.constant 0 : i32
    %dma_wait3A_187 = tpu.memref_slice %arg4[%dma_wait3A_177, %dma_wait3A_178, %dma_wait3A_179, %dma_wait3A_186] : memref<200x4x32x1024xf32, #tpu.memory_space<hbm>> -> memref<1x1x1x1024xf32, #tpu.memory_space<hbm>>
    %dma_wait3A_188 = tpu.memref_squeeze %dma_wait3A_187 : memref<1x1x1x1024xf32, #tpu.memory_space<hbm>> -> memref<1024xf32, #tpu.memory_space<hbm>>
    %dma_wait3A_189 = arith.constant 0 : i32
    %dma_wait3A_190 = tpu.memref_slice %arg7[%dma_wait3A_176, %dma_wait3A_189] : memref<10x4096xf32, #tpu.memory_space<vmem>> -> memref<1x1024xf32, #tpu.memory_space<vmem>>
    %dma_wait3A_191 = tpu.memref_squeeze %dma_wait3A_190 : memref<1x1024xf32, #tpu.memory_space<vmem>> -> memref<1024xf32, #tpu.memory_space<vmem>>
    tpu.wait_dma2 semaphore(%arg19 : memref<!tpu.dma_semaphore, #tpu.memory_space<semaphore_mem>>) src(%dma_wait3A_191 : memref<1024xf32, #tpu.memory_space<vmem>>) dst(%dma_wait3A_188 : memref<1024xf32, #tpu.memory_space<hbm>>)
    %dma_wait3A_192 = arith.constant 1 : i32
    %dma_wait3A_193 = arith.constant 0 : i32
    %dma_wait3A_194 = arith.constant 0 : i32
    %dma_wait3A_195 = arith.constant 0 : i32
    %dma_wait3A_196 = arith.constant 0 : i32
    %dma_wait3A_197 = tpu.memref_slice %arg7[%dma_wait3A_192, %dma_wait3A_196] : memref<10x4096xf32, #tpu.memory_space<vmem>> -> memref<1x1024xf32, #tpu.memory_space<vmem>>
    %dma_wait3A_198 = tpu.memref_squeeze %dma_wait3A_197 : memref<1x1024xf32, #tpu.memory_space<vmem>> -> memref<1024xf32, #tpu.memory_space<vmem>>
    %dma_wait3A_199 = arith.constant 0 : i32
    %dma_wait3A_200 = tpu.memref_slice %arg4[%dma_wait3A_193, %dma_wait3A_194, %dma_wait3A_195, %dma_wait3A_199] : memref<200x4x32x1024xf32, #tpu.memory_space<hbm>> -> memref<1x1x1x1024xf32, #tpu.memory_space<hbm>>
    %dma_wait3A_201 = tpu.memref_squeeze %dma_wait3A_200 : memref<1x1x1x1024xf32, #tpu.memory_space<hbm>> -> memref<1024xf32, #tpu.memory_space<hbm>>
    %dma_wait3A_202 = arith.constant 0 : i32
    %dma_wait3A_203 = tpu.memref_slice %arg4[%dma_wait3A_193, %dma_wait3A_194, %dma_wait3A_195, %dma_wait3A_202] : memref<200x4x32x1024xf32, #tpu.memory_space<hbm>> -> memref<1x1x1x1024xf32, #tpu.memory_space<hbm>>
    %dma_wait3A_204 = tpu.memref_squeeze %dma_wait3A_203 : memref<1x1x1x1024xf32, #tpu.memory_space<hbm>> -> memref<1024xf32, #tpu.memory_space<hbm>>
    %dma_wait3A_205 = arith.constant 0 : i32
    %dma_wait3A_206 = tpu.memref_slice %arg7[%dma_wait3A_192, %dma_wait3A_205] : memref<10x4096xf32, #tpu.memory_space<vmem>> -> memref<1x1024xf32, #tpu.memory_space<vmem>>
    %dma_wait3A_207 = tpu.memref_squeeze %dma_wait3A_206 : memref<1x1024xf32, #tpu.memory_space<vmem>> -> memref<1024xf32, #tpu.memory_space<vmem>>
    tpu.wait_dma2 semaphore(%arg19 : memref<!tpu.dma_semaphore, #tpu.memory_space<semaphore_mem>>) src(%dma_wait3A_207 : memref<1024xf32, #tpu.memory_space<vmem>>) dst(%dma_wait3A_204 : memref<1024xf32, #tpu.memory_space<hbm>>)
    %dma_wait3A_208 = arith.constant 1 : i32
    %dma_wait3A_209 = arith.constant 0 : i32
    %dma_wait3A_210 = arith.constant 0 : i32
    %dma_wait3A_211 = arith.constant 0 : i32
    %dma_wait3A_212 = arith.constant 0 : i32
    %dma_wait3A_213 = tpu.memref_slice %arg7[%dma_wait3A_208, %dma_wait3A_212] : memref<10x4096xf32, #tpu.memory_space<vmem>> -> memref<1x1024xf32, #tpu.memory_space<vmem>>
    %dma_wait3A_214 = tpu.memref_squeeze %dma_wait3A_213 : memref<1x1024xf32, #tpu.memory_space<vmem>> -> memref<1024xf32, #tpu.memory_space<vmem>>
    %dma_wait3A_215 = arith.constant 0 : i32
    %dma_wait3A_216 = tpu.memref_slice %arg4[%dma_wait3A_209, %dma_wait3A_210, %dma_wait3A_211, %dma_wait3A_215] : memref<200x4x32x1024xf32, #tpu.memory_space<hbm>> -> memref<1x1x1x1024xf32, #tpu.memory_space<hbm>>
    %dma_wait3A_217 = tpu.memref_squeeze %dma_wait3A_216 : memref<1x1x1x1024xf32, #tpu.memory_space<hbm>> -> memref<1024xf32, #tpu.memory_space<hbm>>
    %dma_wait3A_218 = arith.constant 0 : i32
    %dma_wait3A_219 = tpu.memref_slice %arg4[%dma_wait3A_209, %dma_wait3A_210, %dma_wait3A_211, %dma_wait3A_218] : memref<200x4x32x1024xf32, #tpu.memory_space<hbm>> -> memref<1x1x1x1024xf32, #tpu.memory_space<hbm>>
    %dma_wait3A_220 = tpu.memref_squeeze %dma_wait3A_219 : memref<1x1x1x1024xf32, #tpu.memory_space<hbm>> -> memref<1024xf32, #tpu.memory_space<hbm>>
    %dma_wait3A_221 = arith.constant 0 : i32
    %dma_wait3A_222 = tpu.memref_slice %arg7[%dma_wait3A_208, %dma_wait3A_221] : memref<10x4096xf32, #tpu.memory_space<vmem>> -> memref<1x1024xf32, #tpu.memory_space<vmem>>
    %dma_wait3A_223 = tpu.memref_squeeze %dma_wait3A_222 : memref<1x1024xf32, #tpu.memory_space<vmem>> -> memref<1024xf32, #tpu.memory_space<vmem>>
    tpu.wait_dma2 semaphore(%arg19 : memref<!tpu.dma_semaphore, #tpu.memory_space<semaphore_mem>>) src(%dma_wait3A_223 : memref<1024xf32, #tpu.memory_space<vmem>>) dst(%dma_wait3A_220 : memref<1024xf32, #tpu.memory_space<hbm>>)
    %dma_wait3A_224 = arith.constant 1 : i32
    %dma_wait3A_225 = arith.constant 0 : i32
    %dma_wait3A_226 = arith.constant 0 : i32
    %dma_wait3A_227 = arith.constant 0 : i32
    %dma_wait3A_228 = arith.constant 0 : i32
    %dma_wait3A_229 = tpu.memref_slice %arg7[%dma_wait3A_224, %dma_wait3A_228] : memref<10x4096xf32, #tpu.memory_space<vmem>> -> memref<1x1024xf32, #tpu.memory_space<vmem>>
    %dma_wait3A_230 = tpu.memref_squeeze %dma_wait3A_229 : memref<1x1024xf32, #tpu.memory_space<vmem>> -> memref<1024xf32, #tpu.memory_space<vmem>>
    %dma_wait3A_231 = arith.constant 0 : i32
    %dma_wait3A_232 = tpu.memref_slice %arg4[%dma_wait3A_225, %dma_wait3A_226, %dma_wait3A_227, %dma_wait3A_231] : memref<200x4x32x1024xf32, #tpu.memory_space<hbm>> -> memref<1x1x1x1024xf32, #tpu.memory_space<hbm>>
    %dma_wait3A_233 = tpu.memref_squeeze %dma_wait3A_232 : memref<1x1x1x1024xf32, #tpu.memory_space<hbm>> -> memref<1024xf32, #tpu.memory_space<hbm>>
    %dma_wait3A_234 = arith.constant 0 : i32
    %dma_wait3A_235 = tpu.memref_slice %arg4[%dma_wait3A_225, %dma_wait3A_226, %dma_wait3A_227, %dma_wait3A_234] : memref<200x4x32x1024xf32, #tpu.memory_space<hbm>> -> memref<1x1x1x1024xf32, #tpu.memory_space<hbm>>
    %dma_wait3A_236 = tpu.memref_squeeze %dma_wait3A_235 : memref<1x1x1x1024xf32, #tpu.memory_space<hbm>> -> memref<1024xf32, #tpu.memory_space<hbm>>
    %dma_wait3A_237 = arith.constant 0 : i32
    %dma_wait3A_238 = tpu.memref_slice %arg7[%dma_wait3A_224, %dma_wait3A_237] : memref<10x4096xf32, #tpu.memory_space<vmem>> -> memref<1x1024xf32, #tpu.memory_space<vmem>>
    %dma_wait3A_239 = tpu.memref_squeeze %dma_wait3A_238 : memref<1x1024xf32, #tpu.memory_space<vmem>> -> memref<1024xf32, #tpu.memory_space<vmem>>
    tpu.wait_dma2 semaphore(%arg19 : memref<!tpu.dma_semaphore, #tpu.memory_space<semaphore_mem>>) src(%dma_wait3A_239 : memref<1024xf32, #tpu.memory_space<vmem>>) dst(%dma_wait3A_236 : memref<1024xf32, #tpu.memory_space<hbm>>)
    %dma_wait3A_240 = arith.constant 2 : i32
    %dma_wait3A_241 = arith.constant 0 : i32
    %dma_wait3A_242 = arith.constant 0 : i32
    %dma_wait3A_243 = arith.constant 0 : i32
    %dma_wait3A_244 = arith.constant 0 : i32
    %dma_wait3A_245 = tpu.memref_slice %arg7[%dma_wait3A_240, %dma_wait3A_244] : memref<10x4096xf32, #tpu.memory_space<vmem>> -> memref<1x1024xf32, #tpu.memory_space<vmem>>
    %dma_wait3A_246 = tpu.memref_squeeze %dma_wait3A_245 : memref<1x1024xf32, #tpu.memory_space<vmem>> -> memref<1024xf32, #tpu.memory_space<vmem>>
    %dma_wait3A_247 = arith.constant 0 : i32
    %dma_wait3A_248 = tpu.memref_slice %arg4[%dma_wait3A_241, %dma_wait3A_242, %dma_wait3A_243, %dma_wait3A_247] : memref<200x4x32x1024xf32, #tpu.memory_space<hbm>> -> memref<1x1x1x1024xf32, #tpu.memory_space<hbm>>
    %dma_wait3A_249 = tpu.memref_squeeze %dma_wait3A_248 : memref<1x1x1x1024xf32, #tpu.memory_space<hbm>> -> memref<1024xf32, #tpu.memory_space<hbm>>
    %dma_wait3A_250 = arith.constant 0 : i32
    %dma_wait3A_251 = tpu.memref_slice %arg4[%dma_wait3A_241, %dma_wait3A_242, %dma_wait3A_243, %dma_wait3A_250] : memref<200x4x32x1024xf32, #tpu.memory_space<hbm>> -> memref<1x1x1x1024xf32, #tpu.memory_space<hbm>>
    %dma_wait3A_252 = tpu.memref_squeeze %dma_wait3A_251 : memref<1x1x1x1024xf32, #tpu.memory_space<hbm>> -> memref<1024xf32, #tpu.memory_space<hbm>>
    %dma_wait3A_253 = arith.constant 0 : i32
    %dma_wait3A_254 = tpu.memref_slice %arg7[%dma_wait3A_240, %dma_wait3A_253] : memref<10x4096xf32, #tpu.memory_space<vmem>> -> memref<1x1024xf32, #tpu.memory_space<vmem>>
    %dma_wait3A_255 = tpu.memref_squeeze %dma_wait3A_254 : memref<1x1024xf32, #tpu.memory_space<vmem>> -> memref<1024xf32, #tpu.memory_space<vmem>>
    tpu.wait_dma2 semaphore(%arg20 : memref<!tpu.dma_semaphore, #tpu.memory_space<semaphore_mem>>) src(%dma_wait3A_255 : memref<1024xf32, #tpu.memory_space<vmem>>) dst(%dma_wait3A_252 : memref<1024xf32, #tpu.memory_space<hbm>>)
    %dma_wait3A_256 = arith.constant 2 : i32
    %dma_wait3A_257 = arith.constant 0 : i32
    %dma_wait3A_258 = arith.constant 0 : i32
    %dma_wait3A_259 = arith.constant 0 : i32
    %dma_wait3A_260 = arith.constant 0 : i32
    %dma_wait3A_261 = tpu.memref_slice %arg7[%dma_wait3A_256, %dma_wait3A_260] : memref<10x4096xf32, #tpu.memory_space<vmem>> -> memref<1x1024xf32, #tpu.memory_space<vmem>>
    %dma_wait3A_262 = tpu.memref_squeeze %dma_wait3A_261 : memref<1x1024xf32, #tpu.memory_space<vmem>> -> memref<1024xf32, #tpu.memory_space<vmem>>
    %dma_wait3A_263 = arith.constant 0 : i32
    %dma_wait3A_264 = tpu.memref_slice %arg4[%dma_wait3A_257, %dma_wait3A_258, %dma_wait3A_259, %dma_wait3A_263] : memref<200x4x32x1024xf32, #tpu.memory_space<hbm>> -> memref<1x1x1x1024xf32, #tpu.memory_space<hbm>>
    %dma_wait3A_265 = tpu.memref_squeeze %dma_wait3A_264 : memref<1x1x1x1024xf32, #tpu.memory_space<hbm>> -> memref<1024xf32, #tpu.memory_space<hbm>>
    %dma_wait3A_266 = arith.constant 0 : i32
    %dma_wait3A_267 = tpu.memref_slice %arg4[%dma_wait3A_257, %dma_wait3A_258, %dma_wait3A_259, %dma_wait3A_266] : memref<200x4x32x1024xf32, #tpu.memory_space<hbm>> -> memref<1x1x1x1024xf32, #tpu.memory_space<hbm>>
    %dma_wait3A_268 = tpu.memref_squeeze %dma_wait3A_267 : memref<1x1x1x1024xf32, #tpu.memory_space<hbm>> -> memref<1024xf32, #tpu.memory_space<hbm>>
    %dma_wait3A_269 = arith.constant 0 : i32
    %dma_wait3A_270 = tpu.memref_slice %arg7[%dma_wait3A_256, %dma_wait3A_269] : memref<10x4096xf32, #tpu.memory_space<vmem>> -> memref<1x1024xf32, #tpu.memory_space<vmem>>
    %dma_wait3A_271 = tpu.memref_squeeze %dma_wait3A_270 : memref<1x1024xf32, #tpu.memory_space<vmem>> -> memref<1024xf32, #tpu.memory_space<vmem>>
    tpu.wait_dma2 semaphore(%arg20 : memref<!tpu.dma_semaphore, #tpu.memory_space<semaphore_mem>>) src(%dma_wait3A_271 : memref<1024xf32, #tpu.memory_space<vmem>>) dst(%dma_wait3A_268 : memref<1024xf32, #tpu.memory_space<hbm>>)
    %dma_wait3A_272 = arith.constant 2 : i32
    %dma_wait3A_273 = arith.constant 0 : i32
    %dma_wait3A_274 = arith.constant 0 : i32
    %dma_wait3A_275 = arith.constant 0 : i32
    %dma_wait3A_276 = arith.constant 0 : i32
    %dma_wait3A_277 = tpu.memref_slice %arg7[%dma_wait3A_272, %dma_wait3A_276] : memref<10x4096xf32, #tpu.memory_space<vmem>> -> memref<1x1024xf32, #tpu.memory_space<vmem>>
    %dma_wait3A_278 = tpu.memref_squeeze %dma_wait3A_277 : memref<1x1024xf32, #tpu.memory_space<vmem>> -> memref<1024xf32, #tpu.memory_space<vmem>>
    %dma_wait3A_279 = arith.constant 0 : i32
    %dma_wait3A_280 = tpu.memref_slice %arg4[%dma_wait3A_273, %dma_wait3A_274, %dma_wait3A_275, %dma_wait3A_279] : memref<200x4x32x1024xf32, #tpu.memory_space<hbm>> -> memref<1x1x1x1024xf32, #tpu.memory_space<hbm>>
    %dma_wait3A_281 = tpu.memref_squeeze %dma_wait3A_280 : memref<1x1x1x1024xf32, #tpu.memory_space<hbm>> -> memref<1024xf32, #tpu.memory_space<hbm>>
    %dma_wait3A_282 = arith.constant 0 : i32
    %dma_wait3A_283 = tpu.memref_slice %arg4[%dma_wait3A_273, %dma_wait3A_274, %dma_wait3A_275, %dma_wait3A_282] : memref<200x4x32x1024xf32, #tpu.memory_space<hbm>> -> memref<1x1x1x1024xf32, #tpu.memory_space<hbm>>
    %dma_wait3A_284 = tpu.memref_squeeze %dma_wait3A_283 : memref<1x1x1x1024xf32, #tpu.memory_space<hbm>> -> memref<1024xf32, #tpu.memory_space<hbm>>
    %dma_wait3A_285 = arith.constant 0 : i32
    %dma_wait3A_286 = tpu.memref_slice %arg7[%dma_wait3A_272, %dma_wait3A_285] : memref<10x4096xf32, #tpu.memory_space<vmem>> -> memref<1x1024xf32, #tpu.memory_space<vmem>>
    %dma_wait3A_287 = tpu.memref_squeeze %dma_wait3A_286 : memref<1x1024xf32, #tpu.memory_space<vmem>> -> memref<1024xf32, #tpu.memory_space<vmem>>
    tpu.wait_dma2 semaphore(%arg20 : memref<!tpu.dma_semaphore, #tpu.memory_space<semaphore_mem>>) src(%dma_wait3A_287 : memref<1024xf32, #tpu.memory_space<vmem>>) dst(%dma_wait3A_284 : memref<1024xf32, #tpu.memory_space<hbm>>)
    %dma_wait3A_288 = arith.constant 2 : i32
    %dma_wait3A_289 = arith.constant 0 : i32
    %dma_wait3A_290 = arith.constant 0 : i32
    %dma_wait3A_291 = arith.constant 0 : i32
    %dma_wait3A_292 = arith.constant 0 : i32
    %dma_wait3A_293 = tpu.memref_slice %arg7[%dma_wait3A_288, %dma_wait3A_292] : memref<10x4096xf32, #tpu.memory_space<vmem>> -> memref<1x1024xf32, #tpu.memory_space<vmem>>
    %dma_wait3A_294 = tpu.memref_squeeze %dma_wait3A_293 : memref<1x1024xf32, #tpu.memory_space<vmem>> -> memref<1024xf32, #tpu.memory_space<vmem>>
    %dma_wait3A_295 = arith.constant 0 : i32
    %dma_wait3A_296 = tpu.memref_slice %arg4[%dma_wait3A_289, %dma_wait3A_290, %dma_wait3A_291, %dma_wait3A_295] : memref<200x4x32x1024xf32, #tpu.memory_space<hbm>> -> memref<1x1x1x1024xf32, #tpu.memory_space<hbm>>
    %dma_wait3A_297 = tpu.memref_squeeze %dma_wait3A_296 : memref<1x1x1x1024xf32, #tpu.memory_space<hbm>> -> memref<1024xf32, #tpu.memory_space<hbm>>
    %dma_wait3A_298 = arith.constant 0 : i32
    %dma_wait3A_299 = tpu.memref_slice %arg4[%dma_wait3A_289, %dma_wait3A_290, %dma_wait3A_291, %dma_wait3A_298] : memref<200x4x32x1024xf32, #tpu.memory_space<hbm>> -> memref<1x1x1x1024xf32, #tpu.memory_space<hbm>>
    %dma_wait3A_300 = tpu.memref_squeeze %dma_wait3A_299 : memref<1x1x1x1024xf32, #tpu.memory_space<hbm>> -> memref<1024xf32, #tpu.memory_space<hbm>>
    %dma_wait3A_301 = arith.constant 0 : i32
    %dma_wait3A_302 = tpu.memref_slice %arg7[%dma_wait3A_288, %dma_wait3A_301] : memref<10x4096xf32, #tpu.memory_space<vmem>> -> memref<1x1024xf32, #tpu.memory_space<vmem>>
    %dma_wait3A_303 = tpu.memref_squeeze %dma_wait3A_302 : memref<1x1024xf32, #tpu.memory_space<vmem>> -> memref<1024xf32, #tpu.memory_space<vmem>>
    tpu.wait_dma2 semaphore(%arg20 : memref<!tpu.dma_semaphore, #tpu.memory_space<semaphore_mem>>) src(%dma_wait3A_303 : memref<1024xf32, #tpu.memory_space<vmem>>) dst(%dma_wait3A_300 : memref<1024xf32, #tpu.memory_space<hbm>>)
    %dma_wait3A_304 = arith.constant 3 : i32
    %dma_wait3A_305 = arith.constant 0 : i32
    %dma_wait3A_306 = arith.constant 0 : i32
    %dma_wait3A_307 = arith.constant 0 : i32
    %dma_wait3A_308 = arith.constant 0 : i32
    %dma_wait3A_309 = tpu.memref_slice %arg7[%dma_wait3A_304, %dma_wait3A_308] : memref<10x4096xf32, #tpu.memory_space<vmem>> -> memref<1x1024xf32, #tpu.memory_space<vmem>>
    %dma_wait3A_310 = tpu.memref_squeeze %dma_wait3A_309 : memref<1x1024xf32, #tpu.memory_space<vmem>> -> memref<1024xf32, #tpu.memory_space<vmem>>
    %dma_wait3A_311 = arith.constant 0 : i32
    %dma_wait3A_312 = tpu.memref_slice %arg4[%dma_wait3A_305, %dma_wait3A_306, %dma_wait3A_307, %dma_wait3A_311] : memref<200x4x32x1024xf32, #tpu.memory_space<hbm>> -> memref<1x1x1x1024xf32, #tpu.memory_space<hbm>>
    %dma_wait3A_313 = tpu.memref_squeeze %dma_wait3A_312 : memref<1x1x1x1024xf32, #tpu.memory_space<hbm>> -> memref<1024xf32, #tpu.memory_space<hbm>>
    %dma_wait3A_314 = arith.constant 0 : i32
    %dma_wait3A_315 = tpu.memref_slice %arg4[%dma_wait3A_305, %dma_wait3A_306, %dma_wait3A_307, %dma_wait3A_314] : memref<200x4x32x1024xf32, #tpu.memory_space<hbm>> -> memref<1x1x1x1024xf32, #tpu.memory_space<hbm>>
    %dma_wait3A_316 = tpu.memref_squeeze %dma_wait3A_315 : memref<1x1x1x1024xf32, #tpu.memory_space<hbm>> -> memref<1024xf32, #tpu.memory_space<hbm>>
    %dma_wait3A_317 = arith.constant 0 : i32
    %dma_wait3A_318 = tpu.memref_slice %arg7[%dma_wait3A_304, %dma_wait3A_317] : memref<10x4096xf32, #tpu.memory_space<vmem>> -> memref<1x1024xf32, #tpu.memory_space<vmem>>
    %dma_wait3A_319 = tpu.memref_squeeze %dma_wait3A_318 : memref<1x1024xf32, #tpu.memory_space<vmem>> -> memref<1024xf32, #tpu.memory_space<vmem>>
    tpu.wait_dma2 semaphore(%arg21 : memref<!tpu.dma_semaphore, #tpu.memory_space<semaphore_mem>>) src(%dma_wait3A_319 : memref<1024xf32, #tpu.memory_space<vmem>>) dst(%dma_wait3A_316 : memref<1024xf32, #tpu.memory_space<hbm>>)
    %dma_wait3A_320 = arith.constant 3 : i32
    %dma_wait3A_321 = arith.constant 0 : i32
    %dma_wait3A_322 = arith.constant 0 : i32
    %dma_wait3A_323 = arith.constant 0 : i32
    %dma_wait3A_324 = arith.constant 0 : i32
    %dma_wait3A_325 = tpu.memref_slice %arg7[%dma_wait3A_320, %dma_wait3A_324] : memref<10x4096xf32, #tpu.memory_space<vmem>> -> memref<1x1024xf32, #tpu.memory_space<vmem>>
    %dma_wait3A_326 = tpu.memref_squeeze %dma_wait3A_325 : memref<1x1024xf32, #tpu.memory_space<vmem>> -> memref<1024xf32, #tpu.memory_space<vmem>>
    %dma_wait3A_327 = arith.constant 0 : i32
    %dma_wait3A_328 = tpu.memref_slice %arg4[%dma_wait3A_321, %dma_wait3A_322, %dma_wait3A_323, %dma_wait3A_327] : memref<200x4x32x1024xf32, #tpu.memory_space<hbm>> -> memref<1x1x1x1024xf32, #tpu.memory_space<hbm>>
    %dma_wait3A_329 = tpu.memref_squeeze %dma_wait3A_328 : memref<1x1x1x1024xf32, #tpu.memory_space<hbm>> -> memref<1024xf32, #tpu.memory_space<hbm>>
    %dma_wait3A_330 = arith.constant 0 : i32
    %dma_wait3A_331 = tpu.memref_slice %arg4[%dma_wait3A_321, %dma_wait3A_322, %dma_wait3A_323, %dma_wait3A_330] : memref<200x4x32x1024xf32, #tpu.memory_space<hbm>> -> memref<1x1x1x1024xf32, #tpu.memory_space<hbm>>
    %dma_wait3A_332 = tpu.memref_squeeze %dma_wait3A_331 : memref<1x1x1x1024xf32, #tpu.memory_space<hbm>> -> memref<1024xf32, #tpu.memory_space<hbm>>
    %dma_wait3A_333 = arith.constant 0 : i32
    %dma_wait3A_334 = tpu.memref_slice %arg7[%dma_wait3A_320, %dma_wait3A_333] : memref<10x4096xf32, #tpu.memory_space<vmem>> -> memref<1x1024xf32, #tpu.memory_space<vmem>>
    %dma_wait3A_335 = tpu.memref_squeeze %dma_wait3A_334 : memref<1x1024xf32, #tpu.memory_space<vmem>> -> memref<1024xf32, #tpu.memory_space<vmem>>
    tpu.wait_dma2 semaphore(%arg21 : memref<!tpu.dma_semaphore, #tpu.memory_space<semaphore_mem>>) src(%dma_wait3A_335 : memref<1024xf32, #tpu.memory_space<vmem>>) dst(%dma_wait3A_332 : memref<1024xf32, #tpu.memory_space<hbm>>)
    %dma_wait3A_336 = arith.constant 3 : i32
    %dma_wait3A_337 = arith.constant 0 : i32
    %dma_wait3A_338 = arith.constant 0 : i32
    %dma_wait3A_339 = arith.constant 0 : i32
    %dma_wait3A_340 = arith.constant 0 : i32
    %dma_wait3A_341 = tpu.memref_slice %arg7[%dma_wait3A_336, %dma_wait3A_340] : memref<10x4096xf32, #tpu.memory_space<vmem>> -> memref<1x1024xf32, #tpu.memory_space<vmem>>
    %dma_wait3A_342 = tpu.memref_squeeze %dma_wait3A_341 : memref<1x1024xf32, #tpu.memory_space<vmem>> -> memref<1024xf32, #tpu.memory_space<vmem>>
    %dma_wait3A_343 = arith.constant 0 : i32
    %dma_wait3A_344 = tpu.memref_slice %arg4[%dma_wait3A_337, %dma_wait3A_338, %dma_wait3A_339, %dma_wait3A_343] : memref<200x4x32x1024xf32, #tpu.memory_space<hbm>> -> memref<1x1x1x1024xf32, #tpu.memory_space<hbm>>
    %dma_wait3A_345 = tpu.memref_squeeze %dma_wait3A_344 : memref<1x1x1x1024xf32, #tpu.memory_space<hbm>> -> memref<1024xf32, #tpu.memory_space<hbm>>
    %dma_wait3A_346 = arith.constant 0 : i32
    %dma_wait3A_347 = tpu.memref_slice %arg4[%dma_wait3A_337, %dma_wait3A_338, %dma_wait3A_339, %dma_wait3A_346] : memref<200x4x32x1024xf32, #tpu.memory_space<hbm>> -> memref<1x1x1x1024xf32, #tpu.memory_space<hbm>>
    %dma_wait3A_348 = tpu.memref_squeeze %dma_wait3A_347 : memref<1x1x1x1024xf32, #tpu.memory_space<hbm>> -> memref<1024xf32, #tpu.memory_space<hbm>>
    %dma_wait3A_349 = arith.constant 0 : i32
    %dma_wait3A_350 = tpu.memref_slice %arg7[%dma_wait3A_336, %dma_wait3A_349] : memref<10x4096xf32, #tpu.memory_space<vmem>> -> memref<1x1024xf32, #tpu.memory_space<vmem>>
    %dma_wait3A_351 = tpu.memref_squeeze %dma_wait3A_350 : memref<1x1024xf32, #tpu.memory_space<vmem>> -> memref<1024xf32, #tpu.memory_space<vmem>>
    tpu.wait_dma2 semaphore(%arg21 : memref<!tpu.dma_semaphore, #tpu.memory_space<semaphore_mem>>) src(%dma_wait3A_351 : memref<1024xf32, #tpu.memory_space<vmem>>) dst(%dma_wait3A_348 : memref<1024xf32, #tpu.memory_space<hbm>>)
    %dma_wait3A_352 = arith.constant 3 : i32
    %dma_wait3A_353 = arith.constant 0 : i32
    %dma_wait3A_354 = arith.constant 0 : i32
    %dma_wait3A_355 = arith.constant 0 : i32
    %dma_wait3A_356 = arith.constant 0 : i32
    %dma_wait3A_357 = tpu.memref_slice %arg7[%dma_wait3A_352, %dma_wait3A_356] : memref<10x4096xf32, #tpu.memory_space<vmem>> -> memref<1x1024xf32, #tpu.memory_space<vmem>>
    %dma_wait3A_358 = tpu.memref_squeeze %dma_wait3A_357 : memref<1x1024xf32, #tpu.memory_space<vmem>> -> memref<1024xf32, #tpu.memory_space<vmem>>
    %dma_wait3A_359 = arith.constant 0 : i32
    %dma_wait3A_360 = tpu.memref_slice %arg4[%dma_wait3A_353, %dma_wait3A_354, %dma_wait3A_355, %dma_wait3A_359] : memref<200x4x32x1024xf32, #tpu.memory_space<hbm>> -> memref<1x1x1x1024xf32, #tpu.memory_space<hbm>>
    %dma_wait3A_361 = tpu.memref_squeeze %dma_wait3A_360 : memref<1x1x1x1024xf32, #tpu.memory_space<hbm>> -> memref<1024xf32, #tpu.memory_space<hbm>>
    %dma_wait3A_362 = arith.constant 0 : i32
    %dma_wait3A_363 = tpu.memref_slice %arg4[%dma_wait3A_353, %dma_wait3A_354, %dma_wait3A_355, %dma_wait3A_362] : memref<200x4x32x1024xf32, #tpu.memory_space<hbm>> -> memref<1x1x1x1024xf32, #tpu.memory_space<hbm>>
    %dma_wait3A_364 = tpu.memref_squeeze %dma_wait3A_363 : memref<1x1x1x1024xf32, #tpu.memory_space<hbm>> -> memref<1024xf32, #tpu.memory_space<hbm>>
    %dma_wait3A_365 = arith.constant 0 : i32
    %dma_wait3A_366 = tpu.memref_slice %arg7[%dma_wait3A_352, %dma_wait3A_365] : memref<10x4096xf32, #tpu.memory_space<vmem>> -> memref<1x1024xf32, #tpu.memory_space<vmem>>
    %dma_wait3A_367 = tpu.memref_squeeze %dma_wait3A_366 : memref<1x1024xf32, #tpu.memory_space<vmem>> -> memref<1024xf32, #tpu.memory_space<vmem>>
    tpu.wait_dma2 semaphore(%arg21 : memref<!tpu.dma_semaphore, #tpu.memory_space<semaphore_mem>>) src(%dma_wait3A_367 : memref<1024xf32, #tpu.memory_space<vmem>>) dst(%dma_wait3A_364 : memref<1024xf32, #tpu.memory_space<hbm>>)
    %dma_wait3A_368 = arith.constant 4 : i32
    %dma_wait3A_369 = arith.constant 0 : i32
    %dma_wait3A_370 = arith.constant 0 : i32
    %dma_wait3A_371 = arith.constant 0 : i32
    %dma_wait3A_372 = arith.constant 0 : i32
    %dma_wait3A_373 = tpu.memref_slice %arg7[%dma_wait3A_368, %dma_wait3A_372] : memref<10x4096xf32, #tpu.memory_space<vmem>> -> memref<1x1024xf32, #tpu.memory_space<vmem>>
    %dma_wait3A_374 = tpu.memref_squeeze %dma_wait3A_373 : memref<1x1024xf32, #tpu.memory_space<vmem>> -> memref<1024xf32, #tpu.memory_space<vmem>>
    %dma_wait3A_375 = arith.constant 0 : i32
    %dma_wait3A_376 = tpu.memref_slice %arg4[%dma_wait3A_369, %dma_wait3A_370, %dma_wait3A_371, %dma_wait3A_375] : memref<200x4x32x1024xf32, #tpu.memory_space<hbm>> -> memref<1x1x1x1024xf32, #tpu.memory_space<hbm>>
    %dma_wait3A_377 = tpu.memref_squeeze %dma_wait3A_376 : memref<1x1x1x1024xf32, #tpu.memory_space<hbm>> -> memref<1024xf32, #tpu.memory_space<hbm>>
    %dma_wait3A_378 = arith.constant 0 : i32
    %dma_wait3A_379 = tpu.memref_slice %arg4[%dma_wait3A_369, %dma_wait3A_370, %dma_wait3A_371, %dma_wait3A_378] : memref<200x4x32x1024xf32, #tpu.memory_space<hbm>> -> memref<1x1x1x1024xf32, #tpu.memory_space<hbm>>
    %dma_wait3A_380 = tpu.memref_squeeze %dma_wait3A_379 : memref<1x1x1x1024xf32, #tpu.memory_space<hbm>> -> memref<1024xf32, #tpu.memory_space<hbm>>
    %dma_wait3A_381 = arith.constant 0 : i32
    %dma_wait3A_382 = tpu.memref_slice %arg7[%dma_wait3A_368, %dma_wait3A_381] : memref<10x4096xf32, #tpu.memory_space<vmem>> -> memref<1x1024xf32, #tpu.memory_space<vmem>>
    %dma_wait3A_383 = tpu.memref_squeeze %dma_wait3A_382 : memref<1x1024xf32, #tpu.memory_space<vmem>> -> memref<1024xf32, #tpu.memory_space<vmem>>
    tpu.wait_dma2 semaphore(%arg22 : memref<!tpu.dma_semaphore, #tpu.memory_space<semaphore_mem>>) src(%dma_wait3A_383 : memref<1024xf32, #tpu.memory_space<vmem>>) dst(%dma_wait3A_380 : memref<1024xf32, #tpu.memory_space<hbm>>)
    %dma_wait3A_384 = arith.constant 4 : i32
    %dma_wait3A_385 = arith.constant 0 : i32
    %dma_wait3A_386 = arith.constant 0 : i32
    %dma_wait3A_387 = arith.constant 0 : i32
    %dma_wait3A_388 = arith.constant 0 : i32
    %dma_wait3A_389 = tpu.memref_slice %arg7[%dma_wait3A_384, %dma_wait3A_388] : memref<10x4096xf32, #tpu.memory_space<vmem>> -> memref<1x1024xf32, #tpu.memory_space<vmem>>
    %dma_wait3A_390 = tpu.memref_squeeze %dma_wait3A_389 : memref<1x1024xf32, #tpu.memory_space<vmem>> -> memref<1024xf32, #tpu.memory_space<vmem>>
    %dma_wait3A_391 = arith.constant 0 : i32
    %dma_wait3A_392 = tpu.memref_slice %arg4[%dma_wait3A_385, %dma_wait3A_386, %dma_wait3A_387, %dma_wait3A_391] : memref<200x4x32x1024xf32, #tpu.memory_space<hbm>> -> memref<1x1x1x1024xf32, #tpu.memory_space<hbm>>
    %dma_wait3A_393 = tpu.memref_squeeze %dma_wait3A_392 : memref<1x1x1x1024xf32, #tpu.memory_space<hbm>> -> memref<1024xf32, #tpu.memory_space<hbm>>
    %dma_wait3A_394 = arith.constant 0 : i32
    %dma_wait3A_395 = tpu.memref_slice %arg4[%dma_wait3A_385, %dma_wait3A_386, %dma_wait3A_387, %dma_wait3A_394] : memref<200x4x32x1024xf32, #tpu.memory_space<hbm>> -> memref<1x1x1x1024xf32, #tpu.memory_space<hbm>>
    %dma_wait3A_396 = tpu.memref_squeeze %dma_wait3A_395 : memref<1x1x1x1024xf32, #tpu.memory_space<hbm>> -> memref<1024xf32, #tpu.memory_space<hbm>>
    %dma_wait3A_397 = arith.constant 0 : i32
    %dma_wait3A_398 = tpu.memref_slice %arg7[%dma_wait3A_384, %dma_wait3A_397] : memref<10x4096xf32, #tpu.memory_space<vmem>> -> memref<1x1024xf32, #tpu.memory_space<vmem>>
    %dma_wait3A_399 = tpu.memref_squeeze %dma_wait3A_398 : memref<1x1024xf32, #tpu.memory_space<vmem>> -> memref<1024xf32, #tpu.memory_space<vmem>>
    tpu.wait_dma2 semaphore(%arg22 : memref<!tpu.dma_semaphore, #tpu.memory_space<semaphore_mem>>) src(%dma_wait3A_399 : memref<1024xf32, #tpu.memory_space<vmem>>) dst(%dma_wait3A_396 : memref<1024xf32, #tpu.memory_space<hbm>>)
    %dma_wait3A_400 = arith.constant 4 : i32
    %dma_wait3A_401 = arith.constant 0 : i32
    %dma_wait3A_402 = arith.constant 0 : i32
    %dma_wait3A_403 = arith.constant 0 : i32
    %dma_wait3A_404 = arith.constant 0 : i32
    %dma_wait3A_405 = tpu.memref_slice %arg7[%dma_wait3A_400, %dma_wait3A_404] : memref<10x4096xf32, #tpu.memory_space<vmem>> -> memref<1x1024xf32, #tpu.memory_space<vmem>>
    %dma_wait3A_406 = tpu.memref_squeeze %dma_wait3A_405 : memref<1x1024xf32, #tpu.memory_space<vmem>> -> memref<1024xf32, #tpu.memory_space<vmem>>
    %dma_wait3A_407 = arith.constant 0 : i32
    %dma_wait3A_408 = tpu.memref_slice %arg4[%dma_wait3A_401, %dma_wait3A_402, %dma_wait3A_403, %dma_wait3A_407] : memref<200x4x32x1024xf32, #tpu.memory_space<hbm>> -> memref<1x1x1x1024xf32, #tpu.memory_space<hbm>>
    %dma_wait3A_409 = tpu.memref_squeeze %dma_wait3A_408 : memref<1x1x1x1024xf32, #tpu.memory_space<hbm>> -> memref<1024xf32, #tpu.memory_space<hbm>>
    %dma_wait3A_410 = arith.constant 0 : i32
    %dma_wait3A_411 = tpu.memref_slice %arg4[%dma_wait3A_401, %dma_wait3A_402, %dma_wait3A_403, %dma_wait3A_410] : memref<200x4x32x1024xf32, #tpu.memory_space<hbm>> -> memref<1x1x1x1024xf32, #tpu.memory_space<hbm>>
    %dma_wait3A_412 = tpu.memref_squeeze %dma_wait3A_411 : memref<1x1x1x1024xf32, #tpu.memory_space<hbm>> -> memref<1024xf32, #tpu.memory_space<hbm>>
    %dma_wait3A_413 = arith.constant 0 : i32
    %dma_wait3A_414 = tpu.memref_slice %arg7[%dma_wait3A_400, %dma_wait3A_413] : memref<10x4096xf32, #tpu.memory_space<vmem>> -> memref<1x1024xf32, #tpu.memory_space<vmem>>
    %dma_wait3A_415 = tpu.memref_squeeze %dma_wait3A_414 : memref<1x1024xf32, #tpu.memory_space<vmem>> -> memref<1024xf32, #tpu.memory_space<vmem>>
    tpu.wait_dma2 semaphore(%arg22 : memref<!tpu.dma_semaphore, #tpu.memory_space<semaphore_mem>>) src(%dma_wait3A_415 : memref<1024xf32, #tpu.memory_space<vmem>>) dst(%dma_wait3A_412 : memref<1024xf32, #tpu.memory_space<hbm>>)
    %dma_wait3A_416 = arith.constant 4 : i32
    %dma_wait3A_417 = arith.constant 0 : i32
    %dma_wait3A_418 = arith.constant 0 : i32
    %dma_wait3A_419 = arith.constant 0 : i32
    %dma_wait3A_420 = arith.constant 0 : i32
    %dma_wait3A_421 = tpu.memref_slice %arg7[%dma_wait3A_416, %dma_wait3A_420] : memref<10x4096xf32, #tpu.memory_space<vmem>> -> memref<1x1024xf32, #tpu.memory_space<vmem>>
    %dma_wait3A_422 = tpu.memref_squeeze %dma_wait3A_421 : memref<1x1024xf32, #tpu.memory_space<vmem>> -> memref<1024xf32, #tpu.memory_space<vmem>>
    %dma_wait3A_423 = arith.constant 0 : i32
    %dma_wait3A_424 = tpu.memref_slice %arg4[%dma_wait3A_417, %dma_wait3A_418, %dma_wait3A_419, %dma_wait3A_423] : memref<200x4x32x1024xf32, #tpu.memory_space<hbm>> -> memref<1x1x1x1024xf32, #tpu.memory_space<hbm>>
    %dma_wait3A_425 = tpu.memref_squeeze %dma_wait3A_424 : memref<1x1x1x1024xf32, #tpu.memory_space<hbm>> -> memref<1024xf32, #tpu.memory_space<hbm>>
    %dma_wait3A_426 = arith.constant 0 : i32
    %dma_wait3A_427 = tpu.memref_slice %arg4[%dma_wait3A_417, %dma_wait3A_418, %dma_wait3A_419, %dma_wait3A_426] : memref<200x4x32x1024xf32, #tpu.memory_space<hbm>> -> memref<1x1x1x1024xf32, #tpu.memory_space<hbm>>
    %dma_wait3A_428 = tpu.memref_squeeze %dma_wait3A_427 : memref<1x1x1x1024xf32, #tpu.memory_space<hbm>> -> memref<1024xf32, #tpu.memory_space<hbm>>
    %dma_wait3A_429 = arith.constant 0 : i32
    %dma_wait3A_430 = tpu.memref_slice %arg7[%dma_wait3A_416, %dma_wait3A_429] : memref<10x4096xf32, #tpu.memory_space<vmem>> -> memref<1x1024xf32, #tpu.memory_space<vmem>>
    %dma_wait3A_431 = tpu.memref_squeeze %dma_wait3A_430 : memref<1x1024xf32, #tpu.memory_space<vmem>> -> memref<1024xf32, #tpu.memory_space<vmem>>
    tpu.wait_dma2 semaphore(%arg22 : memref<!tpu.dma_semaphore, #tpu.memory_space<semaphore_mem>>) src(%dma_wait3A_431 : memref<1024xf32, #tpu.memory_space<vmem>>) dst(%dma_wait3A_428 : memref<1024xf32, #tpu.memory_space<hbm>>)
    %dma_wait3A_432 = arith.constant 5 : i32
    %dma_wait3A_433 = arith.constant 0 : i32
    %dma_wait3A_434 = arith.constant 0 : i32
    %dma_wait3A_435 = arith.constant 0 : i32
    %dma_wait3A_436 = arith.constant 0 : i32
    %dma_wait3A_437 = tpu.memref_slice %arg7[%dma_wait3A_432, %dma_wait3A_436] : memref<10x4096xf32, #tpu.memory_space<vmem>> -> memref<1x1024xf32, #tpu.memory_space<vmem>>
    %dma_wait3A_438 = tpu.memref_squeeze %dma_wait3A_437 : memref<1x1024xf32, #tpu.memory_space<vmem>> -> memref<1024xf32, #tpu.memory_space<vmem>>
    %dma_wait3A_439 = arith.constant 0 : i32
    %dma_wait3A_440 = tpu.memref_slice %arg4[%dma_wait3A_433, %dma_wait3A_434, %dma_wait3A_435, %dma_wait3A_439] : memref<200x4x32x1024xf32, #tpu.memory_space<hbm>> -> memref<1x1x1x1024xf32, #tpu.memory_space<hbm>>
    %dma_wait3A_441 = tpu.memref_squeeze %dma_wait3A_440 : memref<1x1x1x1024xf32, #tpu.memory_space<hbm>> -> memref<1024xf32, #tpu.memory_space<hbm>>
    %dma_wait3A_442 = arith.constant 0 : i32
    %dma_wait3A_443 = tpu.memref_slice %arg4[%dma_wait3A_433, %dma_wait3A_434, %dma_wait3A_435, %dma_wait3A_442] : memref<200x4x32x1024xf32, #tpu.memory_space<hbm>> -> memref<1x1x1x1024xf32, #tpu.memory_space<hbm>>
    %dma_wait3A_444 = tpu.memref_squeeze %dma_wait3A_443 : memref<1x1x1x1024xf32, #tpu.memory_space<hbm>> -> memref<1024xf32, #tpu.memory_space<hbm>>
    %dma_wait3A_445 = arith.constant 0 : i32
    %dma_wait3A_446 = tpu.memref_slice %arg7[%dma_wait3A_432, %dma_wait3A_445] : memref<10x4096xf32, #tpu.memory_space<vmem>> -> memref<1x1024xf32, #tpu.memory_space<vmem>>
    %dma_wait3A_447 = tpu.memref_squeeze %dma_wait3A_446 : memref<1x1024xf32, #tpu.memory_space<vmem>> -> memref<1024xf32, #tpu.memory_space<vmem>>
    tpu.wait_dma2 semaphore(%arg23 : memref<!tpu.dma_semaphore, #tpu.memory_space<semaphore_mem>>) src(%dma_wait3A_447 : memref<1024xf32, #tpu.memory_space<vmem>>) dst(%dma_wait3A_444 : memref<1024xf32, #tpu.memory_space<hbm>>)
    %dma_wait3A_448 = arith.constant 5 : i32
    %dma_wait3A_449 = arith.constant 0 : i32
    %dma_wait3A_450 = arith.constant 0 : i32
    %dma_wait3A_451 = arith.constant 0 : i32
    %dma_wait3A_452 = arith.constant 0 : i32
    %dma_wait3A_453 = tpu.memref_slice %arg7[%dma_wait3A_448, %dma_wait3A_452] : memref<10x4096xf32, #tpu.memory_space<vmem>> -> memref<1x1024xf32, #tpu.memory_space<vmem>>
    %dma_wait3A_454 = tpu.memref_squeeze %dma_wait3A_453 : memref<1x1024xf32, #tpu.memory_space<vmem>> -> memref<1024xf32, #tpu.memory_space<vmem>>
    %dma_wait3A_455 = arith.constant 0 : i32
    %dma_wait3A_456 = tpu.memref_slice %arg4[%dma_wait3A_449, %dma_wait3A_450, %dma_wait3A_451, %dma_wait3A_455] : memref<200x4x32x1024xf32, #tpu.memory_space<hbm>> -> memref<1x1x1x1024xf32, #tpu.memory_space<hbm>>
    %dma_wait3A_457 = tpu.memref_squeeze %dma_wait3A_456 : memref<1x1x1x1024xf32, #tpu.memory_space<hbm>> -> memref<1024xf32, #tpu.memory_space<hbm>>
    %dma_wait3A_458 = arith.constant 0 : i32
    %dma_wait3A_459 = tpu.memref_slice %arg4[%dma_wait3A_449, %dma_wait3A_450, %dma_wait3A_451, %dma_wait3A_458] : memref<200x4x32x1024xf32, #tpu.memory_space<hbm>> -> memref<1x1x1x1024xf32, #tpu.memory_space<hbm>>
    %dma_wait3A_460 = tpu.memref_squeeze %dma_wait3A_459 : memref<1x1x1x1024xf32, #tpu.memory_space<hbm>> -> memref<1024xf32, #tpu.memory_space<hbm>>
    %dma_wait3A_461 = arith.constant 0 : i32
    %dma_wait3A_462 = tpu.memref_slice %arg7[%dma_wait3A_448, %dma_wait3A_461] : memref<10x4096xf32, #tpu.memory_space<vmem>> -> memref<1x1024xf32, #tpu.memory_space<vmem>>
    %dma_wait3A_463 = tpu.memref_squeeze %dma_wait3A_462 : memref<1x1024xf32, #tpu.memory_space<vmem>> -> memref<1024xf32, #tpu.memory_space<vmem>>
    tpu.wait_dma2 semaphore(%arg23 : memref<!tpu.dma_semaphore, #tpu.memory_space<semaphore_mem>>) src(%dma_wait3A_463 : memref<1024xf32, #tpu.memory_space<vmem>>) dst(%dma_wait3A_460 : memref<1024xf32, #tpu.memory_space<hbm>>)
    %dma_wait3A_464 = arith.constant 5 : i32
    %dma_wait3A_465 = arith.constant 0 : i32
    %dma_wait3A_466 = arith.constant 0 : i32
    %dma_wait3A_467 = arith.constant 0 : i32
    %dma_wait3A_468 = arith.constant 0 : i32
    %dma_wait3A_469 = tpu.memref_slice %arg7[%dma_wait3A_464, %dma_wait3A_468] : memref<10x4096xf32, #tpu.memory_space<vmem>> -> memref<1x1024xf32, #tpu.memory_space<vmem>>
    %dma_wait3A_470 = tpu.memref_squeeze %dma_wait3A_469 : memref<1x1024xf32, #tpu.memory_space<vmem>> -> memref<1024xf32, #tpu.memory_space<vmem>>
    %dma_wait3A_471 = arith.constant 0 : i32
    %dma_wait3A_472 = tpu.memref_slice %arg4[%dma_wait3A_465, %dma_wait3A_466, %dma_wait3A_467, %dma_wait3A_471] : memref<200x4x32x1024xf32, #tpu.memory_space<hbm>> -> memref<1x1x1x1024xf32, #tpu.memory_space<hbm>>
    %dma_wait3A_473 = tpu.memref_squeeze %dma_wait3A_472 : memref<1x1x1x1024xf32, #tpu.memory_space<hbm>> -> memref<1024xf32, #tpu.memory_space<hbm>>
    %dma_wait3A_474 = arith.constant 0 : i32
    %dma_wait3A_475 = tpu.memref_slice %arg4[%dma_wait3A_465, %dma_wait3A_466, %dma_wait3A_467, %dma_wait3A_474] : memref<200x4x32x1024xf32, #tpu.memory_space<hbm>> -> memref<1x1x1x1024xf32, #tpu.memory_space<hbm>>
    %dma_wait3A_476 = tpu.memref_squeeze %dma_wait3A_475 : memref<1x1x1x1024xf32, #tpu.memory_space<hbm>> -> memref<1024xf32, #tpu.memory_space<hbm>>
    %dma_wait3A_477 = arith.constant 0 : i32
    %dma_wait3A_478 = tpu.memref_slice %arg7[%dma_wait3A_464, %dma_wait3A_477] : memref<10x4096xf32, #tpu.memory_space<vmem>> -> memref<1x1024xf32, #tpu.memory_space<vmem>>
    %dma_wait3A_479 = tpu.memref_squeeze %dma_wait3A_478 : memref<1x1024xf32, #tpu.memory_space<vmem>> -> memref<1024xf32, #tpu.memory_space<vmem>>
    tpu.wait_dma2 semaphore(%arg23 : memref<!tpu.dma_semaphore, #tpu.memory_space<semaphore_mem>>) src(%dma_wait3A_479 : memref<1024xf32, #tpu.memory_space<vmem>>) dst(%dma_wait3A_476 : memref<1024xf32, #tpu.memory_space<hbm>>)
    %dma_wait3A_480 = arith.constant 5 : i32
    %dma_wait3A_481 = arith.constant 0 : i32
    %dma_wait3A_482 = arith.constant 0 : i32
    %dma_wait3A_483 = arith.constant 0 : i32
    %dma_wait3A_484 = arith.constant 0 : i32
    %dma_wait3A_485 = tpu.memref_slice %arg7[%dma_wait3A_480, %dma_wait3A_484] : memref<10x4096xf32, #tpu.memory_space<vmem>> -> memref<1x1024xf32, #tpu.memory_space<vmem>>
    %dma_wait3A_486 = tpu.memref_squeeze %dma_wait3A_485 : memref<1x1024xf32, #tpu.memory_space<vmem>> -> memref<1024xf32, #tpu.memory_space<vmem>>
    %dma_wait3A_487 = arith.constant 0 : i32
    %dma_wait3A_488 = tpu.memref_slice %arg4[%dma_wait3A_481, %dma_wait3A_482, %dma_wait3A_483, %dma_wait3A_487] : memref<200x4x32x1024xf32, #tpu.memory_space<hbm>> -> memref<1x1x1x1024xf32, #tpu.memory_space<hbm>>
    %dma_wait3A_489 = tpu.memref_squeeze %dma_wait3A_488 : memref<1x1x1x1024xf32, #tpu.memory_space<hbm>> -> memref<1024xf32, #tpu.memory_space<hbm>>
    %dma_wait3A_490 = arith.constant 0 : i32
    %dma_wait3A_491 = tpu.memref_slice %arg4[%dma_wait3A_481, %dma_wait3A_482, %dma_wait3A_483, %dma_wait3A_490] : memref<200x4x32x1024xf32, #tpu.memory_space<hbm>> -> memref<1x1x1x1024xf32, #tpu.memory_space<hbm>>
    %dma_wait3A_492 = tpu.memref_squeeze %dma_wait3A_491 : memref<1x1x1x1024xf32, #tpu.memory_space<hbm>> -> memref<1024xf32, #tpu.memory_space<hbm>>
    %dma_wait3A_493 = arith.constant 0 : i32
    %dma_wait3A_494 = tpu.memref_slice %arg7[%dma_wait3A_480, %dma_wait3A_493] : memref<10x4096xf32, #tpu.memory_space<vmem>> -> memref<1x1024xf32, #tpu.memory_space<vmem>>
    %dma_wait3A_495 = tpu.memref_squeeze %dma_wait3A_494 : memref<1x1024xf32, #tpu.memory_space<vmem>> -> memref<1024xf32, #tpu.memory_space<vmem>>
    tpu.wait_dma2 semaphore(%arg23 : memref<!tpu.dma_semaphore, #tpu.memory_space<semaphore_mem>>) src(%dma_wait3A_495 : memref<1024xf32, #tpu.memory_space<vmem>>) dst(%dma_wait3A_492 : memref<1024xf32, #tpu.memory_space<hbm>>)
    %dma_wait3A_496 = arith.constant 6 : i32
    %dma_wait3A_497 = arith.constant 0 : i32
    %dma_wait3A_498 = arith.constant 0 : i32
    %dma_wait3A_499 = arith.constant 0 : i32
    %dma_wait3A_500 = arith.constant 0 : i32
    %dma_wait3A_501 = tpu.memref_slice %arg7[%dma_wait3A_496, %dma_wait3A_500] : memref<10x4096xf32, #tpu.memory_space<vmem>> -> memref<1x1024xf32, #tpu.memory_space<vmem>>
    %dma_wait3A_502 = tpu.memref_squeeze %dma_wait3A_501 : memref<1x1024xf32, #tpu.memory_space<vmem>> -> memref<1024xf32, #tpu.memory_space<vmem>>
    %dma_wait3A_503 = arith.constant 0 : i32
    %dma_wait3A_504 = tpu.memref_slice %arg4[%dma_wait3A_497, %dma_wait3A_498, %dma_wait3A_499, %dma_wait3A_503] : memref<200x4x32x1024xf32, #tpu.memory_space<hbm>> -> memref<1x1x1x1024xf32, #tpu.memory_space<hbm>>
    %dma_wait3A_505 = tpu.memref_squeeze %dma_wait3A_504 : memref<1x1x1x1024xf32, #tpu.memory_space<hbm>> -> memref<1024xf32, #tpu.memory_space<hbm>>
    %dma_wait3A_506 = arith.constant 0 : i32
    %dma_wait3A_507 = tpu.memref_slice %arg4[%dma_wait3A_497, %dma_wait3A_498, %dma_wait3A_499, %dma_wait3A_506] : memref<200x4x32x1024xf32, #tpu.memory_space<hbm>> -> memref<1x1x1x1024xf32, #tpu.memory_space<hbm>>
    %dma_wait3A_508 = tpu.memref_squeeze %dma_wait3A_507 : memref<1x1x1x1024xf32, #tpu.memory_space<hbm>> -> memref<1024xf32, #tpu.memory_space<hbm>>
    %dma_wait3A_509 = arith.constant 0 : i32
    %dma_wait3A_510 = tpu.memref_slice %arg7[%dma_wait3A_496, %dma_wait3A_509] : memref<10x4096xf32, #tpu.memory_space<vmem>> -> memref<1x1024xf32, #tpu.memory_space<vmem>>
    %dma_wait3A_511 = tpu.memref_squeeze %dma_wait3A_510 : memref<1x1024xf32, #tpu.memory_space<vmem>> -> memref<1024xf32, #tpu.memory_space<vmem>>
    tpu.wait_dma2 semaphore(%arg24 : memref<!tpu.dma_semaphore, #tpu.memory_space<semaphore_mem>>) src(%dma_wait3A_511 : memref<1024xf32, #tpu.memory_space<vmem>>) dst(%dma_wait3A_508 : memref<1024xf32, #tpu.memory_space<hbm>>)
    %dma_wait3A_512 = arith.constant 6 : i32
    %dma_wait3A_513 = arith.constant 0 : i32
    %dma_wait3A_514 = arith.constant 0 : i32
    %dma_wait3A_515 = arith.constant 0 : i32
    %dma_wait3A_516 = arith.constant 0 : i32
    %dma_wait3A_517 = tpu.memref_slice %arg7[%dma_wait3A_512, %dma_wait3A_516] : memref<10x4096xf32, #tpu.memory_space<vmem>> -> memref<1x1024xf32, #tpu.memory_space<vmem>>
    %dma_wait3A_518 = tpu.memref_squeeze %dma_wait3A_517 : memref<1x1024xf32, #tpu.memory_space<vmem>> -> memref<1024xf32, #tpu.memory_space<vmem>>
    %dma_wait3A_519 = arith.constant 0 : i32
    %dma_wait3A_520 = tpu.memref_slice %arg4[%dma_wait3A_513, %dma_wait3A_514, %dma_wait3A_515, %dma_wait3A_519] : memref<200x4x32x1024xf32, #tpu.memory_space<hbm>> -> memref<1x1x1x1024xf32, #tpu.memory_space<hbm>>
    %dma_wait3A_521 = tpu.memref_squeeze %dma_wait3A_520 : memref<1x1x1x1024xf32, #tpu.memory_space<hbm>> -> memref<1024xf32, #tpu.memory_space<hbm>>
    %dma_wait3A_522 = arith.constant 0 : i32
    %dma_wait3A_523 = tpu.memref_slice %arg4[%dma_wait3A_513, %dma_wait3A_514, %dma_wait3A_515, %dma_wait3A_522] : memref<200x4x32x1024xf32, #tpu.memory_space<hbm>> -> memref<1x1x1x1024xf32, #tpu.memory_space<hbm>>
    %dma_wait3A_524 = tpu.memref_squeeze %dma_wait3A_523 : memref<1x1x1x1024xf32, #tpu.memory_space<hbm>> -> memref<1024xf32, #tpu.memory_space<hbm>>
    %dma_wait3A_525 = arith.constant 0 : i32
    %dma_wait3A_526 = tpu.memref_slice %arg7[%dma_wait3A_512, %dma_wait3A_525] : memref<10x4096xf32, #tpu.memory_space<vmem>> -> memref<1x1024xf32, #tpu.memory_space<vmem>>
    %dma_wait3A_527 = tpu.memref_squeeze %dma_wait3A_526 : memref<1x1024xf32, #tpu.memory_space<vmem>> -> memref<1024xf32, #tpu.memory_space<vmem>>
    tpu.wait_dma2 semaphore(%arg24 : memref<!tpu.dma_semaphore, #tpu.memory_space<semaphore_mem>>) src(%dma_wait3A_527 : memref<1024xf32, #tpu.memory_space<vmem>>) dst(%dma_wait3A_524 : memref<1024xf32, #tpu.memory_space<hbm>>)
    %dma_wait3A_528 = arith.constant 6 : i32
    %dma_wait3A_529 = arith.constant 0 : i32
    %dma_wait3A_530 = arith.constant 0 : i32
    %dma_wait3A_531 = arith.constant 0 : i32
    %dma_wait3A_532 = arith.constant 0 : i32
    %dma_wait3A_533 = tpu.memref_slice %arg7[%dma_wait3A_528, %dma_wait3A_532] : memref<10x4096xf32, #tpu.memory_space<vmem>> -> memref<1x1024xf32, #tpu.memory_space<vmem>>
    %dma_wait3A_534 = tpu.memref_squeeze %dma_wait3A_533 : memref<1x1024xf32, #tpu.memory_space<vmem>> -> memref<1024xf32, #tpu.memory_space<vmem>>
    %dma_wait3A_535 = arith.constant 0 : i32
    %dma_wait3A_536 = tpu.memref_slice %arg4[%dma_wait3A_529, %dma_wait3A_530, %dma_wait3A_531, %dma_wait3A_535] : memref<200x4x32x1024xf32, #tpu.memory_space<hbm>> -> memref<1x1x1x1024xf32, #tpu.memory_space<hbm>>
    %dma_wait3A_537 = tpu.memref_squeeze %dma_wait3A_536 : memref<1x1x1x1024xf32, #tpu.memory_space<hbm>> -> memref<1024xf32, #tpu.memory_space<hbm>>
    %dma_wait3A_538 = arith.constant 0 : i32
    %dma_wait3A_539 = tpu.memref_slice %arg4[%dma_wait3A_529, %dma_wait3A_530, %dma_wait3A_531, %dma_wait3A_538] : memref<200x4x32x1024xf32, #tpu.memory_space<hbm>> -> memref<1x1x1x1024xf32, #tpu.memory_space<hbm>>
    %dma_wait3A_540 = tpu.memref_squeeze %dma_wait3A_539 : memref<1x1x1x1024xf32, #tpu.memory_space<hbm>> -> memref<1024xf32, #tpu.memory_space<hbm>>
    %dma_wait3A_541 = arith.constant 0 : i32
    %dma_wait3A_542 = tpu.memref_slice %arg7[%dma_wait3A_528, %dma_wait3A_541] : memref<10x4096xf32, #tpu.memory_space<vmem>> -> memref<1x1024xf32, #tpu.memory_space<vmem>>
    %dma_wait3A_543 = tpu.memref_squeeze %dma_wait3A_542 : memref<1x1024xf32, #tpu.memory_space<vmem>> -> memref<1024xf32, #tpu.memory_space<vmem>>
    tpu.wait_dma2 semaphore(%arg24 : memref<!tpu.dma_semaphore, #tpu.memory_space<semaphore_mem>>) src(%dma_wait3A_543 : memref<1024xf32, #tpu.memory_space<vmem>>) dst(%dma_wait3A_540 : memref<1024xf32, #tpu.memory_space<hbm>>)
    %dma_wait3A_544 = arith.constant 6 : i32
    %dma_wait3A_545 = arith.constant 0 : i32
    %dma_wait3A_546 = arith.constant 0 : i32
    %dma_wait3A_547 = arith.constant 0 : i32
    %dma_wait3A_548 = arith.constant 0 : i32
    %dma_wait3A_549 = tpu.memref_slice %arg7[%dma_wait3A_544, %dma_wait3A_548] : memref<10x4096xf32, #tpu.memory_space<vmem>> -> memref<1x1024xf32, #tpu.memory_space<vmem>>
    %dma_wait3A_550 = tpu.memref_squeeze %dma_wait3A_549 : memref<1x1024xf32, #tpu.memory_space<vmem>> -> memref<1024xf32, #tpu.memory_space<vmem>>
    %dma_wait3A_551 = arith.constant 0 : i32
    %dma_wait3A_552 = tpu.memref_slice %arg4[%dma_wait3A_545, %dma_wait3A_546, %dma_wait3A_547, %dma_wait3A_551] : memref<200x4x32x1024xf32, #tpu.memory_space<hbm>> -> memref<1x1x1x1024xf32, #tpu.memory_space<hbm>>
    %dma_wait3A_553 = tpu.memref_squeeze %dma_wait3A_552 : memref<1x1x1x1024xf32, #tpu.memory_space<hbm>> -> memref<1024xf32, #tpu.memory_space<hbm>>
    %dma_wait3A_554 = arith.constant 0 : i32
    %dma_wait3A_555 = tpu.memref_slice %arg4[%dma_wait3A_545, %dma_wait3A_546, %dma_wait3A_547, %dma_wait3A_554] : memref<200x4x32x1024xf32, #tpu.memory_space<hbm>> -> memref<1x1x1x1024xf32, #tpu.memory_space<hbm>>
    %dma_wait3A_556 = tpu.memref_squeeze %dma_wait3A_555 : memref<1x1x1x1024xf32, #tpu.memory_space<hbm>> -> memref<1024xf32, #tpu.memory_space<hbm>>
    %dma_wait3A_557 = arith.constant 0 : i32
    %dma_wait3A_558 = tpu.memref_slice %arg7[%dma_wait3A_544, %dma_wait3A_557] : memref<10x4096xf32, #tpu.memory_space<vmem>> -> memref<1x1024xf32, #tpu.memory_space<vmem>>
    %dma_wait3A_559 = tpu.memref_squeeze %dma_wait3A_558 : memref<1x1024xf32, #tpu.memory_space<vmem>> -> memref<1024xf32, #tpu.memory_space<vmem>>
    tpu.wait_dma2 semaphore(%arg24 : memref<!tpu.dma_semaphore, #tpu.memory_space<semaphore_mem>>) src(%dma_wait3A_559 : memref<1024xf32, #tpu.memory_space<vmem>>) dst(%dma_wait3A_556 : memref<1024xf32, #tpu.memory_space<hbm>>)
    %dma_wait3A_560 = arith.constant 7 : i32
    %dma_wait3A_561 = arith.constant 0 : i32
    %dma_wait3A_562 = arith.constant 0 : i32
    %dma_wait3A_563 = arith.constant 0 : i32
    %dma_wait3A_564 = arith.constant 0 : i32
    %dma_wait3A_565 = tpu.memref_slice %arg7[%dma_wait3A_560, %dma_wait3A_564] : memref<10x4096xf32, #tpu.memory_space<vmem>> -> memref<1x1024xf32, #tpu.memory_space<vmem>>
    %dma_wait3A_566 = tpu.memref_squeeze %dma_wait3A_565 : memref<1x1024xf32, #tpu.memory_space<vmem>> -> memref<1024xf32, #tpu.memory_space<vmem>>
    %dma_wait3A_567 = arith.constant 0 : i32
    %dma_wait3A_568 = tpu.memref_slice %arg4[%dma_wait3A_561, %dma_wait3A_562, %dma_wait3A_563, %dma_wait3A_567] : memref<200x4x32x1024xf32, #tpu.memory_space<hbm>> -> memref<1x1x1x1024xf32, #tpu.memory_space<hbm>>
    %dma_wait3A_569 = tpu.memref_squeeze %dma_wait3A_568 : memref<1x1x1x1024xf32, #tpu.memory_space<hbm>> -> memref<1024xf32, #tpu.memory_space<hbm>>
    %dma_wait3A_570 = arith.constant 0 : i32
    %dma_wait3A_571 = tpu.memref_slice %arg4[%dma_wait3A_561, %dma_wait3A_562, %dma_wait3A_563, %dma_wait3A_570] : memref<200x4x32x1024xf32, #tpu.memory_space<hbm>> -> memref<1x1x1x1024xf32, #tpu.memory_space<hbm>>
    %dma_wait3A_572 = tpu.memref_squeeze %dma_wait3A_571 : memref<1x1x1x1024xf32, #tpu.memory_space<hbm>> -> memref<1024xf32, #tpu.memory_space<hbm>>
    %dma_wait3A_573 = arith.constant 0 : i32
    %dma_wait3A_574 = tpu.memref_slice %arg7[%dma_wait3A_560, %dma_wait3A_573] : memref<10x4096xf32, #tpu.memory_space<vmem>> -> memref<1x1024xf32, #tpu.memory_space<vmem>>
    %dma_wait3A_575 = tpu.memref_squeeze %dma_wait3A_574 : memref<1x1024xf32, #tpu.memory_space<vmem>> -> memref<1024xf32, #tpu.memory_space<vmem>>
    tpu.wait_dma2 semaphore(%arg25 : memref<!tpu.dma_semaphore, #tpu.memory_space<semaphore_mem>>) src(%dma_wait3A_575 : memref<1024xf32, #tpu.memory_space<vmem>>) dst(%dma_wait3A_572 : memref<1024xf32, #tpu.memory_space<hbm>>)
    %dma_wait3A_576 = arith.constant 7 : i32
    %dma_wait3A_577 = arith.constant 0 : i32
    %dma_wait3A_578 = arith.constant 0 : i32
    %dma_wait3A_579 = arith.constant 0 : i32
    %dma_wait3A_580 = arith.constant 0 : i32
    %dma_wait3A_581 = tpu.memref_slice %arg7[%dma_wait3A_576, %dma_wait3A_580] : memref<10x4096xf32, #tpu.memory_space<vmem>> -> memref<1x1024xf32, #tpu.memory_space<vmem>>
    %dma_wait3A_582 = tpu.memref_squeeze %dma_wait3A_581 : memref<1x1024xf32, #tpu.memory_space<vmem>> -> memref<1024xf32, #tpu.memory_space<vmem>>
    %dma_wait3A_583 = arith.constant 0 : i32
    %dma_wait3A_584 = tpu.memref_slice %arg4[%dma_wait3A_577, %dma_wait3A_578, %dma_wait3A_579, %dma_wait3A_583] : memref<200x4x32x1024xf32, #tpu.memory_space<hbm>> -> memref<1x1x1x1024xf32, #tpu.memory_space<hbm>>
    %dma_wait3A_585 = tpu.memref_squeeze %dma_wait3A_584 : memref<1x1x1x1024xf32, #tpu.memory_space<hbm>> -> memref<1024xf32, #tpu.memory_space<hbm>>
    %dma_wait3A_586 = arith.constant 0 : i32
    %dma_wait3A_587 = tpu.memref_slice %arg4[%dma_wait3A_577, %dma_wait3A_578, %dma_wait3A_579, %dma_wait3A_586] : memref<200x4x32x1024xf32, #tpu.memory_space<hbm>> -> memref<1x1x1x1024xf32, #tpu.memory_space<hbm>>
    %dma_wait3A_588 = tpu.memref_squeeze %dma_wait3A_587 : memref<1x1x1x1024xf32, #tpu.memory_space<hbm>> -> memref<1024xf32, #tpu.memory_space<hbm>>
    %dma_wait3A_589 = arith.constant 0 : i32
    %dma_wait3A_590 = tpu.memref_slice %arg7[%dma_wait3A_576, %dma_wait3A_589] : memref<10x4096xf32, #tpu.memory_space<vmem>> -> memref<1x1024xf32, #tpu.memory_space<vmem>>
    %dma_wait3A_591 = tpu.memref_squeeze %dma_wait3A_590 : memref<1x1024xf32, #tpu.memory_space<vmem>> -> memref<1024xf32, #tpu.memory_space<vmem>>
    tpu.wait_dma2 semaphore(%arg25 : memref<!tpu.dma_semaphore, #tpu.memory_space<semaphore_mem>>) src(%dma_wait3A_591 : memref<1024xf32, #tpu.memory_space<vmem>>) dst(%dma_wait3A_588 : memref<1024xf32, #tpu.memory_space<hbm>>)
    %dma_wait3A_592 = arith.constant 7 : i32
    %dma_wait3A_593 = arith.constant 0 : i32
    %dma_wait3A_594 = arith.constant 0 : i32
    %dma_wait3A_595 = arith.constant 0 : i32
    %dma_wait3A_596 = arith.constant 0 : i32
    %dma_wait3A_597 = tpu.memref_slice %arg7[%dma_wait3A_592, %dma_wait3A_596] : memref<10x4096xf32, #tpu.memory_space<vmem>> -> memref<1x1024xf32, #tpu.memory_space<vmem>>
    %dma_wait3A_598 = tpu.memref_squeeze %dma_wait3A_597 : memref<1x1024xf32, #tpu.memory_space<vmem>> -> memref<1024xf32, #tpu.memory_space<vmem>>
    %dma_wait3A_599 = arith.constant 0 : i32
    %dma_wait3A_600 = tpu.memref_slice %arg4[%dma_wait3A_593, %dma_wait3A_594, %dma_wait3A_595, %dma_wait3A_599] : memref<200x4x32x1024xf32, #tpu.memory_space<hbm>> -> memref<1x1x1x1024xf32, #tpu.memory_space<hbm>>
    %dma_wait3A_601 = tpu.memref_squeeze %dma_wait3A_600 : memref<1x1x1x1024xf32, #tpu.memory_space<hbm>> -> memref<1024xf32, #tpu.memory_space<hbm>>
    %dma_wait3A_602 = arith.constant 0 : i32
    %dma_wait3A_603 = tpu.memref_slice %arg4[%dma_wait3A_593, %dma_wait3A_594, %dma_wait3A_595, %dma_wait3A_602] : memref<200x4x32x1024xf32, #tpu.memory_space<hbm>> -> memref<1x1x1x1024xf32, #tpu.memory_space<hbm>>
    %dma_wait3A_604 = tpu.memref_squeeze %dma_wait3A_603 : memref<1x1x1x1024xf32, #tpu.memory_space<hbm>> -> memref<1024xf32, #tpu.memory_space<hbm>>
    %dma_wait3A_605 = arith.constant 0 : i32
    %dma_wait3A_606 = tpu.memref_slice %arg7[%dma_wait3A_592, %dma_wait3A_605] : memref<10x4096xf32, #tpu.memory_space<vmem>> -> memref<1x1024xf32, #tpu.memory_space<vmem>>
    %dma_wait3A_607 = tpu.memref_squeeze %dma_wait3A_606 : memref<1x1024xf32, #tpu.memory_space<vmem>> -> memref<1024xf32, #tpu.memory_space<vmem>>
    tpu.wait_dma2 semaphore(%arg25 : memref<!tpu.dma_semaphore, #tpu.memory_space<semaphore_mem>>) src(%dma_wait3A_607 : memref<1024xf32, #tpu.memory_space<vmem>>) dst(%dma_wait3A_604 : memref<1024xf32, #tpu.memory_space<hbm>>)
    %dma_wait3A_608 = arith.constant 7 : i32
    %dma_wait3A_609 = arith.constant 0 : i32
    %dma_wait3A_610 = arith.constant 0 : i32
    %dma_wait3A_611 = arith.constant 0 : i32
    %dma_wait3A_612 = arith.constant 0 : i32
    %dma_wait3A_613 = tpu.memref_slice %arg7[%dma_wait3A_608, %dma_wait3A_612] : memref<10x4096xf32, #tpu.memory_space<vmem>> -> memref<1x1024xf32, #tpu.memory_space<vmem>>
    %dma_wait3A_614 = tpu.memref_squeeze %dma_wait3A_613 : memref<1x1024xf32, #tpu.memory_space<vmem>> -> memref<1024xf32, #tpu.memory_space<vmem>>
    %dma_wait3A_615 = arith.constant 0 : i32
    %dma_wait3A_616 = tpu.memref_slice %arg4[%dma_wait3A_609, %dma_wait3A_610, %dma_wait3A_611, %dma_wait3A_615] : memref<200x4x32x1024xf32, #tpu.memory_space<hbm>> -> memref<1x1x1x1024xf32, #tpu.memory_space<hbm>>
    %dma_wait3A_617 = tpu.memref_squeeze %dma_wait3A_616 : memref<1x1x1x1024xf32, #tpu.memory_space<hbm>> -> memref<1024xf32, #tpu.memory_space<hbm>>
    %dma_wait3A_618 = arith.constant 0 : i32
    %dma_wait3A_619 = tpu.memref_slice %arg4[%dma_wait3A_609, %dma_wait3A_610, %dma_wait3A_611, %dma_wait3A_618] : memref<200x4x32x1024xf32, #tpu.memory_space<hbm>> -> memref<1x1x1x1024xf32, #tpu.memory_space<hbm>>
    %dma_wait3A_620 = tpu.memref_squeeze %dma_wait3A_619 : memref<1x1x1x1024xf32, #tpu.memory_space<hbm>> -> memref<1024xf32, #tpu.memory_space<hbm>>
    %dma_wait3A_621 = arith.constant 0 : i32
    %dma_wait3A_622 = tpu.memref_slice %arg7[%dma_wait3A_608, %dma_wait3A_621] : memref<10x4096xf32, #tpu.memory_space<vmem>> -> memref<1x1024xf32, #tpu.memory_space<vmem>>
    %dma_wait3A_623 = tpu.memref_squeeze %dma_wait3A_622 : memref<1x1024xf32, #tpu.memory_space<vmem>> -> memref<1024xf32, #tpu.memory_space<vmem>>
    tpu.wait_dma2 semaphore(%arg25 : memref<!tpu.dma_semaphore, #tpu.memory_space<semaphore_mem>>) src(%dma_wait3A_623 : memref<1024xf32, #tpu.memory_space<vmem>>) dst(%dma_wait3A_620 : memref<1024xf32, #tpu.memory_space<hbm>>)
    %dma_wait3A_624 = arith.constant 8 : i32
    %dma_wait3A_625 = arith.constant 0 : i32
    %dma_wait3A_626 = arith.constant 0 : i32
    %dma_wait3A_627 = arith.constant 0 : i32
    %dma_wait3A_628 = arith.constant 0 : i32
    %dma_wait3A_629 = tpu.memref_slice %arg7[%dma_wait3A_624, %dma_wait3A_628] : memref<10x4096xf32, #tpu.memory_space<vmem>> -> memref<1x1024xf32, #tpu.memory_space<vmem>>
    %dma_wait3A_630 = tpu.memref_squeeze %dma_wait3A_629 : memref<1x1024xf32, #tpu.memory_space<vmem>> -> memref<1024xf32, #tpu.memory_space<vmem>>
    %dma_wait3A_631 = arith.constant 0 : i32
    %dma_wait3A_632 = tpu.memref_slice %arg4[%dma_wait3A_625, %dma_wait3A_626, %dma_wait3A_627, %dma_wait3A_631] : memref<200x4x32x1024xf32, #tpu.memory_space<hbm>> -> memref<1x1x1x1024xf32, #tpu.memory_space<hbm>>
    %dma_wait3A_633 = tpu.memref_squeeze %dma_wait3A_632 : memref<1x1x1x1024xf32, #tpu.memory_space<hbm>> -> memref<1024xf32, #tpu.memory_space<hbm>>
    %dma_wait3A_634 = arith.constant 0 : i32
    %dma_wait3A_635 = tpu.memref_slice %arg4[%dma_wait3A_625, %dma_wait3A_626, %dma_wait3A_627, %dma_wait3A_634] : memref<200x4x32x1024xf32, #tpu.memory_space<hbm>> -> memref<1x1x1x1024xf32, #tpu.memory_space<hbm>>
    %dma_wait3A_636 = tpu.memref_squeeze %dma_wait3A_635 : memref<1x1x1x1024xf32, #tpu.memory_space<hbm>> -> memref<1024xf32, #tpu.memory_space<hbm>>
    %dma_wait3A_637 = arith.constant 0 : i32
    %dma_wait3A_638 = tpu.memref_slice %arg7[%dma_wait3A_624, %dma_wait3A_637] : memref<10x4096xf32, #tpu.memory_space<vmem>> -> memref<1x1024xf32, #tpu.memory_space<vmem>>
    %dma_wait3A_639 = tpu.memref_squeeze %dma_wait3A_638 : memref<1x1024xf32, #tpu.memory_space<vmem>> -> memref<1024xf32, #tpu.memory_space<vmem>>
    tpu.wait_dma2 semaphore(%arg26 : memref<!tpu.dma_semaphore, #tpu.memory_space<semaphore_mem>>) src(%dma_wait3A_639 : memref<1024xf32, #tpu.memory_space<vmem>>) dst(%dma_wait3A_636 : memref<1024xf32, #tpu.memory_space<hbm>>)
    %dma_wait3A_640 = arith.constant 8 : i32
    %dma_wait3A_641 = arith.constant 0 : i32
    %dma_wait3A_642 = arith.constant 0 : i32
    %dma_wait3A_643 = arith.constant 0 : i32
    %dma_wait3A_644 = arith.constant 0 : i32
    %dma_wait3A_645 = tpu.memref_slice %arg7[%dma_wait3A_640, %dma_wait3A_644] : memref<10x4096xf32, #tpu.memory_space<vmem>> -> memref<1x1024xf32, #tpu.memory_space<vmem>>
    %dma_wait3A_646 = tpu.memref_squeeze %dma_wait3A_645 : memref<1x1024xf32, #tpu.memory_space<vmem>> -> memref<1024xf32, #tpu.memory_space<vmem>>
    %dma_wait3A_647 = arith.constant 0 : i32
    %dma_wait3A_648 = tpu.memref_slice %arg4[%dma_wait3A_641, %dma_wait3A_642, %dma_wait3A_643, %dma_wait3A_647] : memref<200x4x32x1024xf32, #tpu.memory_space<hbm>> -> memref<1x1x1x1024xf32, #tpu.memory_space<hbm>>
    %dma_wait3A_649 = tpu.memref_squeeze %dma_wait3A_648 : memref<1x1x1x1024xf32, #tpu.memory_space<hbm>> -> memref<1024xf32, #tpu.memory_space<hbm>>
    %dma_wait3A_650 = arith.constant 0 : i32
    %dma_wait3A_651 = tpu.memref_slice %arg4[%dma_wait3A_641, %dma_wait3A_642, %dma_wait3A_643, %dma_wait3A_650] : memref<200x4x32x1024xf32, #tpu.memory_space<hbm>> -> memref<1x1x1x1024xf32, #tpu.memory_space<hbm>>
    %dma_wait3A_652 = tpu.memref_squeeze %dma_wait3A_651 : memref<1x1x1x1024xf32, #tpu.memory_space<hbm>> -> memref<1024xf32, #tpu.memory_space<hbm>>
    %dma_wait3A_653 = arith.constant 0 : i32
    %dma_wait3A_654 = tpu.memref_slice %arg7[%dma_wait3A_640, %dma_wait3A_653] : memref<10x4096xf32, #tpu.memory_space<vmem>> -> memref<1x1024xf32, #tpu.memory_space<vmem>>
    %dma_wait3A_655 = tpu.memref_squeeze %dma_wait3A_654 : memref<1x1024xf32, #tpu.memory_space<vmem>> -> memref<1024xf32, #tpu.memory_space<vmem>>
    tpu.wait_dma2 semaphore(%arg26 : memref<!tpu.dma_semaphore, #tpu.memory_space<semaphore_mem>>) src(%dma_wait3A_655 : memref<1024xf32, #tpu.memory_space<vmem>>) dst(%dma_wait3A_652 : memref<1024xf32, #tpu.memory_space<hbm>>)
    %dma_wait3A_656 = arith.constant 8 : i32
    %dma_wait3A_657 = arith.constant 0 : i32
    %dma_wait3A_658 = arith.constant 0 : i32
    %dma_wait3A_659 = arith.constant 0 : i32
    %dma_wait3A_660 = arith.constant 0 : i32
    %dma_wait3A_661 = tpu.memref_slice %arg7[%dma_wait3A_656, %dma_wait3A_660] : memref<10x4096xf32, #tpu.memory_space<vmem>> -> memref<1x1024xf32, #tpu.memory_space<vmem>>
    %dma_wait3A_662 = tpu.memref_squeeze %dma_wait3A_661 : memref<1x1024xf32, #tpu.memory_space<vmem>> -> memref<1024xf32, #tpu.memory_space<vmem>>
    %dma_wait3A_663 = arith.constant 0 : i32
    %dma_wait3A_664 = tpu.memref_slice %arg4[%dma_wait3A_657, %dma_wait3A_658, %dma_wait3A_659, %dma_wait3A_663] : memref<200x4x32x1024xf32, #tpu.memory_space<hbm>> -> memref<1x1x1x1024xf32, #tpu.memory_space<hbm>>
    %dma_wait3A_665 = tpu.memref_squeeze %dma_wait3A_664 : memref<1x1x1x1024xf32, #tpu.memory_space<hbm>> -> memref<1024xf32, #tpu.memory_space<hbm>>
    %dma_wait3A_666 = arith.constant 0 : i32
    %dma_wait3A_667 = tpu.memref_slice %arg4[%dma_wait3A_657, %dma_wait3A_658, %dma_wait3A_659, %dma_wait3A_666] : memref<200x4x32x1024xf32, #tpu.memory_space<hbm>> -> memref<1x1x1x1024xf32, #tpu.memory_space<hbm>>
    %dma_wait3A_668 = tpu.memref_squeeze %dma_wait3A_667 : memref<1x1x1x1024xf32, #tpu.memory_space<hbm>> -> memref<1024xf32, #tpu.memory_space<hbm>>
    %dma_wait3A_669 = arith.constant 0 : i32
    %dma_wait3A_670 = tpu.memref_slice %arg7[%dma_wait3A_656, %dma_wait3A_669] : memref<10x4096xf32, #tpu.memory_space<vmem>> -> memref<1x1024xf32, #tpu.memory_space<vmem>>
    %dma_wait3A_671 = tpu.memref_squeeze %dma_wait3A_670 : memref<1x1024xf32, #tpu.memory_space<vmem>> -> memref<1024xf32, #tpu.memory_space<vmem>>
    tpu.wait_dma2 semaphore(%arg26 : memref<!tpu.dma_semaphore, #tpu.memory_space<semaphore_mem>>) src(%dma_wait3A_671 : memref<1024xf32, #tpu.memory_space<vmem>>) dst(%dma_wait3A_668 : memref<1024xf32, #tpu.memory_space<hbm>>)
    %dma_wait3A_672 = arith.constant 8 : i32
    %dma_wait3A_673 = arith.constant 0 : i32
    %dma_wait3A_674 = arith.constant 0 : i32
    %dma_wait3A_675 = arith.constant 0 : i32
    %dma_wait3A_676 = arith.constant 0 : i32
    %dma_wait3A_677 = tpu.memref_slice %arg7[%dma_wait3A_672, %dma_wait3A_676] : memref<10x4096xf32, #tpu.memory_space<vmem>> -> memref<1x1024xf32, #tpu.memory_space<vmem>>
    %dma_wait3A_678 = tpu.memref_squeeze %dma_wait3A_677 : memref<1x1024xf32, #tpu.memory_space<vmem>> -> memref<1024xf32, #tpu.memory_space<vmem>>
    %dma_wait3A_679 = arith.constant 0 : i32
    %dma_wait3A_680 = tpu.memref_slice %arg4[%dma_wait3A_673, %dma_wait3A_674, %dma_wait3A_675, %dma_wait3A_679] : memref<200x4x32x1024xf32, #tpu.memory_space<hbm>> -> memref<1x1x1x1024xf32, #tpu.memory_space<hbm>>
    %dma_wait3A_681 = tpu.memref_squeeze %dma_wait3A_680 : memref<1x1x1x1024xf32, #tpu.memory_space<hbm>> -> memref<1024xf32, #tpu.memory_space<hbm>>
    %dma_wait3A_682 = arith.constant 0 : i32
    %dma_wait3A_683 = tpu.memref_slice %arg4[%dma_wait3A_673, %dma_wait3A_674, %dma_wait3A_675, %dma_wait3A_682] : memref<200x4x32x1024xf32, #tpu.memory_space<hbm>> -> memref<1x1x1x1024xf32, #tpu.memory_space<hbm>>
    %dma_wait3A_684 = tpu.memref_squeeze %dma_wait3A_683 : memref<1x1x1x1024xf32, #tpu.memory_space<hbm>> -> memref<1024xf32, #tpu.memory_space<hbm>>
    %dma_wait3A_685 = arith.constant 0 : i32
    %dma_wait3A_686 = tpu.memref_slice %arg7[%dma_wait3A_672, %dma_wait3A_685] : memref<10x4096xf32, #tpu.memory_space<vmem>> -> memref<1x1024xf32, #tpu.memory_space<vmem>>
    %dma_wait3A_687 = tpu.memref_squeeze %dma_wait3A_686 : memref<1x1024xf32, #tpu.memory_space<vmem>> -> memref<1024xf32, #tpu.memory_space<vmem>>
    tpu.wait_dma2 semaphore(%arg26 : memref<!tpu.dma_semaphore, #tpu.memory_space<semaphore_mem>>) src(%dma_wait3A_687 : memref<1024xf32, #tpu.memory_space<vmem>>) dst(%dma_wait3A_684 : memref<1024xf32, #tpu.memory_space<hbm>>)
    %dma_wait3A_688 = arith.constant 9 : i32
    %dma_wait3A_689 = arith.constant 0 : i32
    %dma_wait3A_690 = arith.constant 0 : i32
    %dma_wait3A_691 = arith.constant 0 : i32
    %dma_wait3A_692 = arith.constant 0 : i32
    %dma_wait3A_693 = tpu.memref_slice %arg7[%dma_wait3A_688, %dma_wait3A_692] : memref<10x4096xf32, #tpu.memory_space<vmem>> -> memref<1x1024xf32, #tpu.memory_space<vmem>>
    %dma_wait3A_694 = tpu.memref_squeeze %dma_wait3A_693 : memref<1x1024xf32, #tpu.memory_space<vmem>> -> memref<1024xf32, #tpu.memory_space<vmem>>
    %dma_wait3A_695 = arith.constant 0 : i32
    %dma_wait3A_696 = tpu.memref_slice %arg4[%dma_wait3A_689, %dma_wait3A_690, %dma_wait3A_691, %dma_wait3A_695] : memref<200x4x32x1024xf32, #tpu.memory_space<hbm>> -> memref<1x1x1x1024xf32, #tpu.memory_space<hbm>>
    %dma_wait3A_697 = tpu.memref_squeeze %dma_wait3A_696 : memref<1x1x1x1024xf32, #tpu.memory_space<hbm>> -> memref<1024xf32, #tpu.memory_space<hbm>>
    %dma_wait3A_698 = arith.constant 0 : i32
    %dma_wait3A_699 = tpu.memref_slice %arg4[%dma_wait3A_689, %dma_wait3A_690, %dma_wait3A_691, %dma_wait3A_698] : memref<200x4x32x1024xf32, #tpu.memory_space<hbm>> -> memref<1x1x1x1024xf32, #tpu.memory_space<hbm>>
    %dma_wait3A_700 = tpu.memref_squeeze %dma_wait3A_699 : memref<1x1x1x1024xf32, #tpu.memory_space<hbm>> -> memref<1024xf32, #tpu.memory_space<hbm>>
    %dma_wait3A_701 = arith.constant 0 : i32
    %dma_wait3A_702 = tpu.memref_slice %arg7[%dma_wait3A_688, %dma_wait3A_701] : memref<10x4096xf32, #tpu.memory_space<vmem>> -> memref<1x1024xf32, #tpu.memory_space<vmem>>
    %dma_wait3A_703 = tpu.memref_squeeze %dma_wait3A_702 : memref<1x1024xf32, #tpu.memory_space<vmem>> -> memref<1024xf32, #tpu.memory_space<vmem>>
    tpu.wait_dma2 semaphore(%arg27 : memref<!tpu.dma_semaphore, #tpu.memory_space<semaphore_mem>>) src(%dma_wait3A_703 : memref<1024xf32, #tpu.memory_space<vmem>>) dst(%dma_wait3A_700 : memref<1024xf32, #tpu.memory_space<hbm>>)
    %dma_wait3A_704 = arith.constant 9 : i32
    %dma_wait3A_705 = arith.constant 0 : i32
    %dma_wait3A_706 = arith.constant 0 : i32
    %dma_wait3A_707 = arith.constant 0 : i32
    %dma_wait3A_708 = arith.constant 0 : i32
    %dma_wait3A_709 = tpu.memref_slice %arg7[%dma_wait3A_704, %dma_wait3A_708] : memref<10x4096xf32, #tpu.memory_space<vmem>> -> memref<1x1024xf32, #tpu.memory_space<vmem>>
    %dma_wait3A_710 = tpu.memref_squeeze %dma_wait3A_709 : memref<1x1024xf32, #tpu.memory_space<vmem>> -> memref<1024xf32, #tpu.memory_space<vmem>>
    %dma_wait3A_711 = arith.constant 0 : i32
    %dma_wait3A_712 = tpu.memref_slice %arg4[%dma_wait3A_705, %dma_wait3A_706, %dma_wait3A_707, %dma_wait3A_711] : memref<200x4x32x1024xf32, #tpu.memory_space<hbm>> -> memref<1x1x1x1024xf32, #tpu.memory_space<hbm>>
    %dma_wait3A_713 = tpu.memref_squeeze %dma_wait3A_712 : memref<1x1x1x1024xf32, #tpu.memory_space<hbm>> -> memref<1024xf32, #tpu.memory_space<hbm>>
    %dma_wait3A_714 = arith.constant 0 : i32
    %dma_wait3A_715 = tpu.memref_slice %arg4[%dma_wait3A_705, %dma_wait3A_706, %dma_wait3A_707, %dma_wait3A_714] : memref<200x4x32x1024xf32, #tpu.memory_space<hbm>> -> memref<1x1x1x1024xf32, #tpu.memory_space<hbm>>
    %dma_wait3A_716 = tpu.memref_squeeze %dma_wait3A_715 : memref<1x1x1x1024xf32, #tpu.memory_space<hbm>> -> memref<1024xf32, #tpu.memory_space<hbm>>
    %dma_wait3A_717 = arith.constant 0 : i32
    %dma_wait3A_718 = tpu.memref_slice %arg7[%dma_wait3A_704, %dma_wait3A_717] : memref<10x4096xf32, #tpu.memory_space<vmem>> -> memref<1x1024xf32, #tpu.memory_space<vmem>>
    %dma_wait3A_719 = tpu.memref_squeeze %dma_wait3A_718 : memref<1x1024xf32, #tpu.memory_space<vmem>> -> memref<1024xf32, #tpu.memory_space<vmem>>
    tpu.wait_dma2 semaphore(%arg27 : memref<!tpu.dma_semaphore, #tpu.memory_space<semaphore_mem>>) src(%dma_wait3A_719 : memref<1024xf32, #tpu.memory_space<vmem>>) dst(%dma_wait3A_716 : memref<1024xf32, #tpu.memory_space<hbm>>)
    %dma_wait3A_720 = arith.constant 9 : i32
    %dma_wait3A_721 = arith.constant 0 : i32
    %dma_wait3A_722 = arith.constant 0 : i32
    %dma_wait3A_723 = arith.constant 0 : i32
    %dma_wait3A_724 = arith.constant 0 : i32
    %dma_wait3A_725 = tpu.memref_slice %arg7[%dma_wait3A_720, %dma_wait3A_724] : memref<10x4096xf32, #tpu.memory_space<vmem>> -> memref<1x1024xf32, #tpu.memory_space<vmem>>
    %dma_wait3A_726 = tpu.memref_squeeze %dma_wait3A_725 : memref<1x1024xf32, #tpu.memory_space<vmem>> -> memref<1024xf32, #tpu.memory_space<vmem>>
    %dma_wait3A_727 = arith.constant 0 : i32
    %dma_wait3A_728 = tpu.memref_slice %arg4[%dma_wait3A_721, %dma_wait3A_722, %dma_wait3A_723, %dma_wait3A_727] : memref<200x4x32x1024xf32, #tpu.memory_space<hbm>> -> memref<1x1x1x1024xf32, #tpu.memory_space<hbm>>
    %dma_wait3A_729 = tpu.memref_squeeze %dma_wait3A_728 : memref<1x1x1x1024xf32, #tpu.memory_space<hbm>> -> memref<1024xf32, #tpu.memory_space<hbm>>
    %dma_wait3A_730 = arith.constant 0 : i32
    %dma_wait3A_731 = tpu.memref_slice %arg4[%dma_wait3A_721, %dma_wait3A_722, %dma_wait3A_723, %dma_wait3A_730] : memref<200x4x32x1024xf32, #tpu.memory_space<hbm>> -> memref<1x1x1x1024xf32, #tpu.memory_space<hbm>>
    %dma_wait3A_732 = tpu.memref_squeeze %dma_wait3A_731 : memref<1x1x1x1024xf32, #tpu.memory_space<hbm>> -> memref<1024xf32, #tpu.memory_space<hbm>>
    %dma_wait3A_733 = arith.constant 0 : i32
    %dma_wait3A_734 = tpu.memref_slice %arg7[%dma_wait3A_720, %dma_wait3A_733] : memref<10x4096xf32, #tpu.memory_space<vmem>> -> memref<1x1024xf32, #tpu.memory_space<vmem>>
    %dma_wait3A_735 = tpu.memref_squeeze %dma_wait3A_734 : memref<1x1024xf32, #tpu.memory_space<vmem>> -> memref<1024xf32, #tpu.memory_space<vmem>>
    tpu.wait_dma2 semaphore(%arg27 : memref<!tpu.dma_semaphore, #tpu.memory_space<semaphore_mem>>) src(%dma_wait3A_735 : memref<1024xf32, #tpu.memory_space<vmem>>) dst(%dma_wait3A_732 : memref<1024xf32, #tpu.memory_space<hbm>>)
    %dma_wait3A_736 = arith.constant 9 : i32
    %dma_wait3A_737 = arith.constant 0 : i32
    %dma_wait3A_738 = arith.constant 0 : i32
    %dma_wait3A_739 = arith.constant 0 : i32
    %dma_wait3A_740 = arith.constant 0 : i32
    %dma_wait3A_741 = tpu.memref_slice %arg7[%dma_wait3A_736, %dma_wait3A_740] : memref<10x4096xf32, #tpu.memory_space<vmem>> -> memref<1x1024xf32, #tpu.memory_space<vmem>>
    %dma_wait3A_742 = tpu.memref_squeeze %dma_wait3A_741 : memref<1x1024xf32, #tpu.memory_space<vmem>> -> memref<1024xf32, #tpu.memory_space<vmem>>
    %dma_wait3A_743 = arith.constant 0 : i32
    %dma_wait3A_744 = tpu.memref_slice %arg4[%dma_wait3A_737, %dma_wait3A_738, %dma_wait3A_739, %dma_wait3A_743] : memref<200x4x32x1024xf32, #tpu.memory_space<hbm>> -> memref<1x1x1x1024xf32, #tpu.memory_space<hbm>>
    %dma_wait3A_745 = tpu.memref_squeeze %dma_wait3A_744 : memref<1x1x1x1024xf32, #tpu.memory_space<hbm>> -> memref<1024xf32, #tpu.memory_space<hbm>>
    %dma_wait3A_746 = arith.constant 0 : i32
    %dma_wait3A_747 = tpu.memref_slice %arg4[%dma_wait3A_737, %dma_wait3A_738, %dma_wait3A_739, %dma_wait3A_746] : memref<200x4x32x1024xf32, #tpu.memory_space<hbm>> -> memref<1x1x1x1024xf32, #tpu.memory_space<hbm>>
    %dma_wait3A_748 = tpu.memref_squeeze %dma_wait3A_747 : memref<1x1x1x1024xf32, #tpu.memory_space<hbm>> -> memref<1024xf32, #tpu.memory_space<hbm>>
    %dma_wait3A_749 = arith.constant 0 : i32
    %dma_wait3A_750 = tpu.memref_slice %arg7[%dma_wait3A_736, %dma_wait3A_749] : memref<10x4096xf32, #tpu.memory_space<vmem>> -> memref<1x1024xf32, #tpu.memory_space<vmem>>
    %dma_wait3A_751 = tpu.memref_squeeze %dma_wait3A_750 : memref<1x1024xf32, #tpu.memory_space<vmem>> -> memref<1024xf32, #tpu.memory_space<vmem>>
    tpu.wait_dma2 semaphore(%arg27 : memref<!tpu.dma_semaphore, #tpu.memory_space<semaphore_mem>>) src(%dma_wait3A_751 : memref<1024xf32, #tpu.memory_space<vmem>>) dst(%dma_wait3A_748 : memref<1024xf32, #tpu.memory_space<hbm>>)
    return
  }
}

</mosaic_0001>

<sc_bundles>
// kernel: _sc_gather_t.3.cloned.1.call-start
scs
__scs_entry_jumppad:
0x0: {  	(pc) =	sbr.rel $0x88, $3  }
0x1: {  	(tag) =	ssettag $0x0;
	lr =	simm.s32 $0x1  }
0x2: {  	[smem:$0x3F9F] =	sst lr;
	_ =	strace $0xD0000000  }
0x3: {  	_ = 	snop  }
0x4: {  	_ = 	snop  }
0x5: {  	_ = 	snop  }
0x6: {  	_ = 	snop  }
0x7: {  	_ = 	snop  }
__scs_overlays_trampoline_lowered:
0x8: {  	[smem:$0x3FAE] =	sst s0  }
0x9: {  	[smem:$0x3FAF] =	sst s1  }
0xa: {  	[smem:$0x3FB0] =	sst s2  }
0xb: {  	[smem:$0x3FB1] =	sst s3  }
0xc: {  	[smem:$0x3FB2] =	sst s4  }
0xd: {  	[smem:$0x3FB3] =	sst s5  }
0xe: {  	[smem:$0x3FB4] =	sst s6  }
0xf: {  	[smem:$0x3FB5] =	sst s7  }
0x10: {  	[smem:$0x3FB6] =	sst s8  }
0x11: {  	[smem:$0x3FB7] =	sst s9;
	s0 =	simm.s32 @!p0 $0x0  }
0x12: {  	s1 =	sld [smem:$0x3F9D];
	s0 =	simm.s32 @p0 $0x1  }
0x13: {  	[smem:$0x3FB8] =	sst s0;
	s0 =	simm.s32 @!p1 $0x0  }
0x14: {  	s2 =	sld [smem:$0x3F9C];
	s0 =	simm.s32 @p1 $0x1  }
0x15: {  	[smem:$0x3FB9] =	sst s0;
	s0 =	simm.s32 @!p2 $0x0  }
0x16: {  	s3 =	sld [smem:$0x3FDB];
	s0 =	simm.s32 @p2 $0x1  }
0x17: {  	s4 =	simm.s32 $0x1BF5;
	[smem:$0x3FBB] =	sst s0  }
0x18: {  	s0 =	sld [smem:$0x3F9E];
	_ =	swait.ge [sflag:s4], $0x0  }
0x19: {  	s7 =	sld [smem:$0x3F9F]  }
0x1a: {  	s8 =	sadd.s32 $0xFFFFE003, lr  }
0x1b: {  	s9 =	sadd.s32 $0xFFFFFEF7, lr;
	s5 =	simm.s32 $0xFFFFFFFF;
	p2 =	slt.u32 s8, $0xFFFFF086  }
0x1c: {  	p1 =	slt.u32 s9, $0xF7A;
	s5 =	simm.s32 @!p2 $0x0  }
0x1d: {  	s5 =	simm.s32 @p1 $0x1;
	p0 =	seq.s32 s7, s2  }
0x1e: {  	s7 =	smul.u32 @!p0 $0xF7A, s2;
	p2 =	seq.s32 @!p0 s5, $0x0  }
0x1f: {  	s9 =	smul.u32 $0xF7A, s1;
	s8 =	simm.s32 @!p0 $0x1BF5;
	p2 =	por !p2, p0  }
0x20: {  	[sflag:s8] =	ssyncset.s32 @!p0 $0xFFFFF086;
	s6 =	sadd.s32 @!p0 s3, s7;
	s7 =	simm.s32 @!p0 $0x108  }
0x21: {  	s3 =	sadd.s32 s3, s9;
	s6 =	sadd.s32 @!p0 $0x88, s6;
	s7 =	simm.s32 @p2 $0x1082  }
0x22: {  	[simem:s7], [sflag:s8] =	dma.local @!p0 [hbm:s6], $0xF7A  }
0x23: {  	s9 =	sor.u32 $0xD0000000, s2;
	s6 =	simm.s32 $0x108;
	_ =	swait.ge @!p0 [sflag:s8], $0x0  }
0x24: {  	s3 =	sadd.s32 $0x88, s3;
	s6 =	simm.s32 @!p1 $0x1082;
	[sflag:s4] =	ssyncset.s32 $0xFFFFF086  }
0x25: {  	[simem:s6], [sflag:s4] =	dma.local [hbm:s3], $0xF7A  }
0x26: {  	[smem:$0x3F9F] =	sst s1;
	(tag) =	ssettag s2;
	_ =	strace s9  }
0x27: {  	s1 =	sld [smem:$0x3FAF]  }
0x28: {  	s2 =	sld [smem:$0x3FB0]  }
0x29: {  	s4 =	sld [smem:$0x3FB2]  }
0x2a: {  	p0 =	seq.s32 s5, $0x0;
	s5 =	sld [smem:$0x3FB3]  }
0x2b: {  	s6 =	sld [smem:$0x3FB4]  }
0x2c: {  	s7 =	sld [smem:$0x3FB5]  }
0x2d: {  	s3 =	simm.s32 $0x108;
	s8 =	sld [smem:$0x3FB6]  }
0x2e: {  	s3 =	simm.s32 @!p0 $0x1082;
	s9 =	sld [smem:$0x3FB7]  }
0x2f: {  	lr =	sadd.s32 s0, s3;
	s0 =	sld [smem:$0x3FAE]  }
0x30: {  	s3 =	sld [smem:$0x3FB1]  }
0x31: {  	[smem:$0x3FBA] =	sst s10  }
0x32: {  	s10 =	sld [smem:$0x3FB8];
	_ =	sdelay $0x3  }
0x33: {  	p0 =	seq.s32 s10, $0x1;
	s10 =	sld [smem:$0x3FBA];
	_ =	sdelay $0x3  }
0x34: {  	[smem:$0x3FBA] =	sst s10  }
0x35: {  	s10 =	sld [smem:$0x3FB9];
	_ =	sdelay $0x3  }
0x36: {  	p1 =	seq.s32 s10, $0x1;
	s10 =	sld [smem:$0x3FBA];
	_ =	sdelay $0x3  }
0x37: {  	[smem:$0x3FBA] =	sst s10  }
0x38: {  	s10 =	sld [smem:$0x3FBB]  }
0x39: {  	_ = 	snop;
	(pc) =	sbr.ind lr, $3  }
0x3a: {  	_ = 	snop  }
0x3b: {  	_ = 	snop  }
0x3c: {  	p2 =	seq.s32 s10, $0x1;
	s10 =	sld [smem:$0x3FBA]  }
0x3d: {  	_ =	shalt  }
0x3e: {  	_ =	shalt  }
0x3f: {  	_ =	shalt  }
0x40: {  	_ =	shalt  }
0x41: {  	_ =	shalt  }
0x42: {  	_ =	shalt  }
0x43: {  	_ =	shalt  }
0x44: {  	_ =	shalt  }
0x45: {  	_ =	shalt  }
0x46: {  	_ =	shalt  }
0x47: {  	_ =	shalt  }
0x48: {  	_ =	shalt  }
0x49: {  	_ =	shalt  }
0x4a: {  	_ =	shalt  }
0x4b: {  	_ =	shalt  }
0x4c: {  	_ =	shalt  }
0x4d: {  	_ =	shalt  }
0x4e: {  	_ =	shalt  }
0x4f: {  	_ =	shalt  }
0x50: {  	_ =	shalt  }
0x51: {  	_ =	shalt  }
0x52: {  	_ =	shalt  }
0x53: {  	_ =	shalt  }
0x54: {  	_ =	shalt  }
0x55: {  	_ =	shalt  }
0x56: {  	_ =	shalt  }
0x57: {  	_ =	shalt  }
0x58: {  	_ =	shalt  }
0x59: {  	_ =	shalt  }
0x5a: {  	_ =	shalt  }
0x5b: {  	_ =	shalt  }
0x5c: {  	_ =	shalt  }
0x5d: {  	_ =	shalt  }
0x5e: {  	_ =	shalt  }
0x5f: {  	_ =	shalt  }
0x60: {  	_ =	shalt  }
0x61: {  	_ =	shalt  }
0x62: {  	_ =	shalt  }
0x63: {  	_ =	shalt  }
0x64: {  	_ =	shalt  }
0x65: {  	_ =	shalt  }
0x66: {  	_ =	shalt  }
0x67: {  	_ =	shalt  }
0x68: {  	_ =	shalt  }
0x69: {  	_ =	shalt  }
0x6a: {  	_ =	shalt  }
0x6b: {  	_ =	shalt  }
0x6c: {  	_ =	shalt  }
0x6d: {  	_ =	shalt  }
0x6e: {  	_ =	shalt  }
0x6f: {  	_ =	shalt  }
0x70: {  	_ =	shalt  }
0x71: {  	_ =	shalt  }
0x72: {  	_ =	shalt  }
0x73: {  	_ =	shalt  }
0x74: {  	_ =	shalt  }
0x75: {  	_ =	shalt  }
0x76: {  	_ =	shalt  }
0x77: {  	_ =	shalt  }
0x78: {  	_ =	shalt  }
0x79: {  	_ =	shalt  }
0x7a: {  	_ =	shalt  }
0x7b: {  	_ =	shalt  }
0x7c: {  	_ =	shalt  }
0x7d: {  	_ =	shalt  }
0x7e: {  	_ =	shalt  }
0x7f: {  	_ =	shalt  }
0x80: {  	_ =	shalt  }
0x81: {  	_ =	shalt  }
0x82: {  	_ =	shalt  }
0x83: {  	_ =	shalt  }
0x84: {  	_ =	shalt  }
0x85: {  	_ =	shalt  }
0x86: {  	_ =	shalt  }
0x87: {  	_ =	shalt  }
.Lfunc_end0:
.L_simem_size_0:
called_computation_lowered:
.L_overlay_start_0:
0x88: {  	s2 =	sld [smem:$0x3FD9]  }
0x89: {  	s3 =	sld [smem:$0x3FFE];
	_ =	sdelay $0x1  }
0x8a: {  	s1 =	srdreg.scid  }
0x8b: {  	s0 =	sand.u32 $0x1, s1  }
0x8c: {  	s16 =	sshll.u32 s0, $0xA;
	s2 =	sadd.s32 s3, s2  }
0x8d: {  	s2 =	sadd.s32 s2, s16  }
0x8e: {  	[smem:$0x3FC6] =	sst s2  }
0x8f: {  	_ = 	snop  }
0x90: {  	(tm) =	ssettm $0x1  }
0x91: {  	s17 =	sld [smem:$0x3FFB];
	_ =	sdelay $0x3  }
0x92: {  	_ =	strace s17  }
0x93: {  	s2 =	sld [smem:$0x3FFC];
	_ =	sdelay $0x3  }
0x94: {  	_ =	strace s2  }
0x95: {  	s2 =	sld [smem:$0x3FFD];
	_ =	sdelay $0x3  }
0x96: {  	_ =	strace s2  }
0x97: {  	_ =	strace $0x8FFFFFFF  }
0x98: {  	s18 =	sld [smem:$0x3FDB];
	_ =	sdelay $0x1  }
0x99: {  	s19 =	simm.s32 $_scs_section_size  }
0x9a: {  	s4 =	simm.s32 $_size__tile_overlayer_lowered;
	s5 =	simm.s32 $_tile_overlayer_lowered  }
0x9b: {  	s22 =	simm.s32 $0x1BFF;
	s21 =	sshll.u32 s5, $0x1;
	s2 =	sadd.s32 s19, s18  }
0x9c: {  	s6 =	simm.s32 $0x0;
	s20 =	sshll.u32 s4, $0x1;
	s4 =	sadd.s32 s21, s2  }
0x9d: {  	[timem:s6], [sflag:s22] =	dma.local [hbm:s4], s20  }
0x9e: {  	_ =	swait.ge [sflag:s22], s20  }
0x9f: {  	s3 =	ssub.s32 $0x0, s20;
	[sflag:s22] =	ssyncset.done $0x0  }
0xa0: {  	[sflag:s22] =	ssyncadd.s32 s3;
	_ =	sdelay $0x1  }
0xa1: {  	s23 =	simm.s32 $0x1B8B  }
0xa2: {  	_ =	swait.ge [sflag:s23], $0x1  }
0xa3: {  	[sflag:s23] =	ssyncset.done $0x0  }
0xa4: {  	s25 =	simm.s32 $0x1B8E;
	s24 =	sld [smem:$0x3FFE];
	[sflag:s23] =	ssyncadd.s32 $0xFFFFFFFF  }
0xa5: {  	s26 =	simm.s32 $execute0_lowered;
	[smem:$0x3FD2] =	sst s25  }
0xa6: {  	s4 =	sshll.u32 s26, $0x1;
	_ =	strace $0x80000046;
	[dreg:$0x1] =	wrdreg $0xFFFFFFFF  }
0xa7: {  	s28 =	simm.s32 $_size_execute0_lowered;
	s2 =	sadd.s32 s2, s4;
	[dreg:$0x0] =	wrdreg $0x0  }
0xa8: {  	s4 =	sshll.u32 s28, $0x1;
	[dreg:$0x2] =	wrdreg s2  }
0xa9: {  	[dreg:$0x3] =	wrdreg s4  }
0xaa: {  	[dreg:$0x4] =	wrdreg $0xC0  }
0xab: {  	_ =	task [dreg:s6], $0x5FFFF  }
0xac: {  	[dreg:$0x1] =	wrdreg $0xFFFFFFFF  }
0xad: {  	[dreg:$0x0] =	wrdreg $0x60  }
0xae: {  	[dreg:$0x2] =	wrdreg s24  }
0xaf: {  	[dreg:$0x3] =	wrdreg $0x9  }
0xb0: {  	_ =	task.clear_ibuf [dreg:s6], $0x4FFFF;
	_ =	strace $0x90000046  }
0xb1: {  	s29 =	simm.s32 $0x9;
	_ =	strace $0x80000048  }
0xb2: {  	_ =	swait.ge [sflag:s29], $0x1  }
0xb3: {  	[sflag:s29] =	ssyncadd.s32 $0xFFFFFFFF  }
0xb4: {  	_ =	strace $0x90000048  }
0xb5: {  	_ =	sfence  }
0xb6: {  	s30 =	sld [smem:$0x0];
	_ =	sdelay $0x2  }
0xb7: {  	s31 =	sshll.u32 s1, $0xD;
	s1 =	sshrl.u32 s1, $0x2  }
0xb8: {  	s3 =	sand.u32 $0x4000, s31;
	s1 =	sadd.s32 s1, s30  }
0xb9: {  	s0 =	sor.u32 s3, s0;
	s1 =	sshll.u32 s1, $0x11  }
0xba: {  	s0 =	sor.u32 s1, s0  }
0xbb: {  	s0 =	sadd.s32 $0x8F2B, s0  }
0xbc: {  	[sflag:s0] =	ssyncadd.remote.s32 $0x1  }
0xbd: {  	_ =	sfence.sel $0xFFFF  }
0xbe: {  	[dreg:$0x0] =	wrdreg $0xFFFFFFFF;
	(pc) =	sbr.abs _section_cstart, $3  }
0xbf: {  	[dreg:$0x1] =	wrdreg $0xFFFFFFFF  }
0xc0: {  	_ =	task.clear_ibuf [dreg:s6], $0x2FFFF;
	_ =	strace $0x9FFFFFFF  }
0xc1: {  	(tm) =	ssettm $0x7FFFFFFF  }
tec
execute0_lowered:
.L_overlay_start_1:
0x0: {  	(tag) =	ssettag $0x1  }
0x1: {  	s0 =	rddreg [dreg:$0x0];
	s1 =	srdreg.scid  }
0x2: {  	s3 =	stileid.u32;
	s2 =	simm.s32 $0x0;
	s28 =	simm.s32 $0x10400  }
0x3: {  	s10 =	simm.s32 $0x13400;
	s13 =	simm.s32 $0x14400;
	s15 =	simm.s32 $0x10  }
0x4: {  	s1 =	sand.u32 $0x1, s1;
	s3 =	sshll.u32 s3, $0x1;
	[smem:$0x7FF] =	sst s2  }
0x5: {  	s4 =	sadd.s32 $0x7B000, s0;
	s8 =	sadd.s32 $0x7D000, s0;
	s17 =	sadd.s32 $0x7F000, s0  }
0x6: {  	s18 =	sadd.s32 $0x80000, s0;
	_ =	strace $0x80000047;
	[dreg:$0x4] =	wrdreg s17  }
0x7: {  	s9 =	sadd.s32 $0x7E000, s0;
	s19 =	sadd.s32 $0x81000, s0;
	[dreg:$0x5] =	wrdreg s18  }
0x8: {  	s5 =	sor.u32 s1, s3;
	s1 =	ssub.s32 $0x2, s1;
	[dreg:$0x6] =	wrdreg s19  }
0x9: {  	s3 =	sshll.u32 s5, $0x4;
	s7 =	sshrl.u32 s1, $0x1;
	s5 =	sshll.u32 s5, $0xA  }
0xa: {  	s6 =	sadd.s32 s3, s0;
	s3 =	sadd.s32 $0x19400, s0;
	s1 =	ssub.s32 s1, s7  }
0xb: {  	s7 =	sadd.s32 $0x7C000, s0;
	s0 =	sadd.s32 $0x82000, s0;
	[dreg:$0x3] =	wrdreg s5  }
0xc: {  	s16 =	simm.s32 $0x15400;
	s20 =	sor.u32 $0x40000, s5;
	[dreg:$0x7] =	wrdreg s0  }
0xd: {  	s31 =	simm.s32 $0x13;
	s21 =	sor.u32 $0x60000, s5;
	[dreg:$0x8] =	wrdreg s20  }
0xe: {  	s11 =	simm.s32 $0x14;
	s22 =	sor.u32 $0x80000, s5;
	[dreg:$0x9] =	wrdreg s21  }
0xf: {  	s14 =	simm.s32 $0x19400;
	s23 =	sor.u32 $0xA0000, s5;
	[dreg:$0xa] =	wrdreg s22  }
0x10: {  	s18 =	simm.s32 $0x11;
	s24 =	sor.u32 $0xC0000, s5;
	[dreg:$0xb] =	wrdreg s23  }
0x11: {  	s19 =	simm.s32 $0x16400;
	s25 =	sor.u32 $0xE0000, s5;
	[dreg:$0xc] =	wrdreg s24  }
0x12: {  	s17 =	simm.s32 $0x0;
	s26 =	sor.u32 $0x100000, s5;
	[dreg:$0xd] =	wrdreg s25  }
.Ltmp0:
0x13: {  	s29 =	sor.u32 $0x120000, s5;
	[dreg:$0xe] =	wrdreg s26;
	(pc) =	sbr.rel .LBB2_1-.Ltmp0, $4  }
0x14: {  	v0 =	vlaneseq.u32;
	s5 =	simm.s32 $0x12400;
	s6 =	sadd.s32 $0x400, s6;
	[dreg:$0xf] =	wrdreg s29  }
0x15: {  	v1 =	vmul.u32 $0x80, v0;
	s30 =	smax.u32 s1, $0x1;
	s24 =	simm.s32 $0x80;
	s26 =	simm.s32 $0x6400  }
0x16: {  	v2 =	vand.u32 $0x7, v0;
	v3 =	vor.u32 $0x10, v0;
	s1 =	simm.s32 $0x11400;
	s21 =	simm.s32 $0x12;
	[dreg:$0x2] =	wrdreg s6  }
0x17: {  	v5 =	vor.u32 $0x1000, v0;
	v6 =	vor.u32 $0x1010, v0;
	v4 =	vor.u32 $0x800, v1;
	s0 =	simm.s32 $0x18400;
	[dreg:$0x10] =	wrdreg s30;
	s6 =	simm.s32 $0x17400  }
.LBB2_60:
0x18: {  	s12 =	simm.s32 $0xB  }
0x19: {  	_ =	swait.ge [sflag:s12], $0x400  }
0x1a: {  	[sflag:s12] =	ssyncset.done $0x0  }
0x1b: {  	[sflag:s12] =	ssyncadd.s32 $0xFFFFFC00  }
0x1c: {  	_ =	swait.ge [sflag:s12], $0x400  }
0x1d: {  	[sflag:s12] =	ssyncset.done $0x0  }
0x1e: {  	[sflag:s12] =	ssyncadd.s32 $0xFFFFFC00  }
0x1f: {  	_ =	swait.ge [sflag:s12], $0x400  }
0x20: {  	[sflag:s12] =	ssyncset.done $0x0  }
0x21: {  	[sflag:s12] =	ssyncadd.s32 $0xFFFFFC00  }
0x22: {  	_ =	swait.ge [sflag:s12], $0x400  }
0x23: {  	[sflag:s12] =	ssyncset.done $0x0  }
0x24: {  	s22 =	simm.s32 $0xC;
	[sflag:s12] =	ssyncadd.s32 $0xFFFFFC00  }
0x25: {  	_ =	swait.ge [sflag:s22], $0x400  }
0x26: {  	[sflag:s22] =	ssyncset.done $0x0  }
0x27: {  	[sflag:s22] =	ssyncadd.s32 $0xFFFFFC00  }
0x28: {  	_ =	swait.ge [sflag:s22], $0x400  }
0x29: {  	[sflag:s22] =	ssyncset.done $0x0  }
0x2a: {  	[sflag:s22] =	ssyncadd.s32 $0xFFFFFC00  }
0x2b: {  	_ =	swait.ge [sflag:s22], $0x400  }
0x2c: {  	[sflag:s22] =	ssyncset.done $0x0  }
0x2d: {  	[sflag:s22] =	ssyncadd.s32 $0xFFFFFC00  }
0x2e: {  	_ =	swait.ge [sflag:s22], $0x400  }
0x2f: {  	[sflag:s22] =	ssyncset.done $0x0  }
0x30: {  	s23 =	simm.s32 $0xD;
	[sflag:s22] =	ssyncadd.s32 $0xFFFFFC00  }
0x31: {  	_ =	swait.ge [sflag:s23], $0x400  }
0x32: {  	[sflag:s23] =	ssyncset.done $0x0  }
0x33: {  	[sflag:s23] =	ssyncadd.s32 $0xFFFFFC00  }
0x34: {  	_ =	swait.ge [sflag:s23], $0x400  }
0x35: {  	[sflag:s23] =	ssyncset.done $0x0  }
0x36: {  	[sflag:s23] =	ssyncadd.s32 $0xFFFFFC00  }
0x37: {  	_ =	swait.ge [sflag:s23], $0x400  }
0x38: {  	[sflag:s23] =	ssyncset.done $0x0  }
0x39: {  	[sflag:s23] =	ssyncadd.s32 $0xFFFFFC00  }
0x3a: {  	_ =	swait.ge [sflag:s23], $0x400  }
0x3b: {  	[sflag:s23] =	ssyncset.done $0x0  }
0x3c: {  	s25 =	simm.s32 $0xE;
	[sflag:s23] =	ssyncadd.s32 $0xFFFFFC00  }
0x3d: {  	_ =	swait.ge [sflag:s25], $0x400  }
0x3e: {  	[sflag:s25] =	ssyncset.done $0x0  }
0x3f: {  	[sflag:s25] =	ssyncadd.s32 $0xFFFFFC00  }
0x40: {  	_ =	swait.ge [sflag:s25], $0x400  }
0x41: {  	[sflag:s25] =	ssyncset.done $0x0  }
0x42: {  	[sflag:s25] =	ssyncadd.s32 $0xFFFFFC00  }
0x43: {  	_ =	swait.ge [sflag:s25], $0x400  }
0x44: {  	[sflag:s25] =	ssyncset.done $0x0  }
0x45: {  	[sflag:s25] =	ssyncadd.s32 $0xFFFFFC00  }
0x46: {  	_ =	swait.ge [sflag:s25], $0x400  }
0x47: {  	[sflag:s25] =	ssyncset.done $0x0  }
0x48: {  	s29 =	simm.s32 $0xF;
	[sflag:s25] =	ssyncadd.s32 $0xFFFFFC00  }
0x49: {  	_ =	swait.ge [sflag:s29], $0x400  }
0x4a: {  	[sflag:s29] =	ssyncset.done $0x0  }
0x4b: {  	[sflag:s29] =	ssyncadd.s32 $0xFFFFFC00  }
0x4c: {  	_ =	swait.ge [sflag:s29], $0x400  }
0x4d: {  	[sflag:s29] =	ssyncset.done $0x0  }
0x4e: {  	[sflag:s29] =	ssyncadd.s32 $0xFFFFFC00  }
0x4f: {  	_ =	swait.ge [sflag:s29], $0x400  }
0x50: {  	[sflag:s29] =	ssyncset.done $0x0  }
0x51: {  	[sflag:s29] =	ssyncadd.s32 $0xFFFFFC00  }
0x52: {  	_ =	swait.ge [sflag:s29], $0x400  }
0x53: {  	[sflag:s29] =	ssyncset.done $0x0  }
0x54: {  	[sflag:s29] =	ssyncadd.s32 $0xFFFFFC00  }
0x55: {  	_ =	swait.ge [sflag:s15], $0x400  }
0x56: {  	[sflag:s15] =	ssyncset.done $0x0  }
0x57: {  	[sflag:s15] =	ssyncadd.s32 $0xFFFFFC00  }
0x58: {  	_ =	swait.ge [sflag:s15], $0x400  }
0x59: {  	[sflag:s15] =	ssyncset.done $0x0  }
0x5a: {  	[sflag:s15] =	ssyncadd.s32 $0xFFFFFC00  }
0x5b: {  	_ =	swait.ge [sflag:s15], $0x400  }
0x5c: {  	[sflag:s15] =	ssyncset.done $0x0  }
0x5d: {  	[sflag:s15] =	ssyncadd.s32 $0xFFFFFC00  }
0x5e: {  	_ =	swait.ge [sflag:s15], $0x400  }
0x5f: {  	[sflag:s15] =	ssyncset.done $0x0  }
0x60: {  	[sflag:s15] =	ssyncadd.s32 $0xFFFFFC00  }
0x61: {  	_ =	swait.ge [sflag:s18], $0x400  }
0x62: {  	[sflag:s18] =	ssyncset.done $0x0  }
0x63: {  	[sflag:s18] =	ssyncadd.s32 $0xFFFFFC00  }
0x64: {  	_ =	swait.ge [sflag:s18], $0x400  }
0x65: {  	[sflag:s18] =	ssyncset.done $0x0  }
0x66: {  	[sflag:s18] =	ssyncadd.s32 $0xFFFFFC00  }
0x67: {  	_ =	swait.ge [sflag:s18], $0x400  }
0x68: {  	[sflag:s18] =	ssyncset.done $0x0  }
0x69: {  	[sflag:s18] =	ssyncadd.s32 $0xFFFFFC00  }
0x6a: {  	_ =	swait.ge [sflag:s18], $0x400  }
0x6b: {  	[sflag:s18] =	ssyncset.done $0x0  }
0x6c: {  	[sflag:s18] =	ssyncadd.s32 $0xFFFFFC00  }
0x6d: {  	_ =	swait.ge [sflag:s21], $0x400  }
0x6e: {  	[sflag:s21] =	ssyncset.done $0x0  }
0x6f: {  	[sflag:s21] =	ssyncadd.s32 $0xFFFFFC00  }
0x70: {  	_ =	swait.ge [sflag:s21], $0x400  }
0x71: {  	[sflag:s21] =	ssyncset.done $0x0  }
0x72: {  	[sflag:s21] =	ssyncadd.s32 $0xFFFFFC00  }
0x73: {  	_ =	swait.ge [sflag:s21], $0x400  }
0x74: {  	[sflag:s21] =	ssyncset.done $0x0  }
0x75: {  	[sflag:s21] =	ssyncadd.s32 $0xFFFFFC00  }
0x76: {  	_ =	swait.ge [sflag:s21], $0x400  }
0x77: {  	[sflag:s21] =	ssyncset.done $0x0  }
0x78: {  	[sflag:s21] =	ssyncadd.s32 $0xFFFFFC00  }
0x79: {  	_ =	swait.ge [sflag:s31], $0x400  }
0x7a: {  	[sflag:s31] =	ssyncset.done $0x0  }
0x7b: {  	[sflag:s31] =	ssyncadd.s32 $0xFFFFFC00  }
0x7c: {  	_ =	swait.ge [sflag:s31], $0x400  }
0x7d: {  	[sflag:s31] =	ssyncset.done $0x0  }
0x7e: {  	[sflag:s31] =	ssyncadd.s32 $0xFFFFFC00  }
0x7f: {  	_ =	swait.ge [sflag:s31], $0x400  }
0x80: {  	[sflag:s31] =	ssyncset.done $0x0  }
0x81: {  	[sflag:s31] =	ssyncadd.s32 $0xFFFFFC00  }
0x82: {  	_ =	swait.ge [sflag:s31], $0x400  }
0x83: {  	[sflag:s31] =	ssyncset.done $0x0  }
0x84: {  	[sflag:s31] =	ssyncadd.s32 $0xFFFFFC00  }
0x85: {  	_ =	swait.ge [sflag:s11], $0x400  }
0x86: {  	[sflag:s11] =	ssyncset.done $0x0  }
0x87: {  	[sflag:s11] =	ssyncadd.s32 $0xFFFFFC00  }
0x88: {  	_ =	swait.ge [sflag:s11], $0x400  }
0x89: {  	[sflag:s11] =	ssyncset.done $0x0  }
0x8a: {  	[sflag:s11] =	ssyncadd.s32 $0xFFFFFC00  }
0x8b: {  	_ =	swait.ge [sflag:s11], $0x400  }
0x8c: {  	[sflag:s11] =	ssyncset.done $0x0  }
0x8d: {  	[sflag:s11] =	ssyncadd.s32 $0xFFFFFC00  }
0x8e: {  	_ =	swait.ge [sflag:s11], $0x400  }
0x8f: {  	s17 =	rddreg [dreg:$0x11]  }
0x90: {  	s30 =	rddreg [dreg:$0x10];
	s17 =	sadd.s32 $0x1, s17  }
0x91: {  	p0 =	sne.s32 s17, s30  }
.Ltmp1:
0x92: {  	_ = 	snop;
	(pc) =	sbr.rel @!p0 .LBB2_61-.Ltmp1, $3  }
0x93: {  	_ =	sdelay $0x1  }
0x94: {  	[sflag:s11] =	ssyncset.done $0x0  }
0x95: {  	[sflag:s11] =	ssyncadd.s32 $0xFFFFFC00  }
.LBB2_1:
0x96: {  	[dreg:$0x11] =	wrdreg s17  }
0x97: {  	s12 =	rddreg [dreg:$0x2];
	s30 =	simm.s32 $0x1000;
	s20 =	simm.s32 $0x15  }
0x98: {  	[tilespmem:s2], [sflag:$0x15] =	stream.strided.gather [hbm4b:s12+s24], $0x6400, s30, s24, $0x38;
	[tilespmem:$0x1A400] =	vst v63  }
0x99: {  	_ =	swait.ge [sflag:s20], $0x6400  }
0x9a: {  	[sflag:s20] =	ssyncset.done $0x0  }
0x9b: {  	[sflag:s20] =	ssyncadd.s32 $0xFFFF9C00  }
0x9c: {  	[tilespmem:s26], [sflag:$0x1] =	stream.indirect.gather [hbm4b:s3+s24], $0x20, s2, s24, $0xb8;
	[tilespmem:$0x1A400] =	vst v63  }
0x9d: {  	s22 =	simm.s32 $0x7400  }
0x9e: {  	[tilespmem:s22], [sflag:$0x2] =	stream.indirect.gather [hbm4b:s3+s24], $0x20, s24, s24, $0xb8;
	[tilespmem:$0x1A400] =	vst v63  }
0x9f: {  	s23 =	simm.s32 $0x100;
	s25 =	simm.s32 $0x8400  }
0xa0: {  	[tilespmem:s25], [sflag:$0x3] =	stream.indirect.gather [hbm4b:s3+s24], $0x20, s23, s24, $0xb8;
	[tilespmem:$0x1A400] =	vst v63  }
0xa1: {  	s29 =	simm.s32 $0x180;
	s30 =	simm.s32 $0x9400  }
0xa2: {  	[tilespmem:s30], [sflag:$0x4] =	stream.indirect.gather [hbm4b:s3+s24], $0x20, s29, s24, $0xb8;
	[tilespmem:$0x1A400] =	vst v63  }
0xa3: {  	s20 =	simm.s32 $0x200;
	s22 =	simm.s32 $0xA400  }
0xa4: {  	[tilespmem:s22], [sflag:$0x5] =	stream.indirect.gather [hbm4b:s3+s24], $0x20, s20, s24, $0xb8;
	[tilespmem:$0x1A400] =	vst v63  }
0xa5: {  	s23 =	simm.s32 $0x280;
	s25 =	simm.s32 $0xB400  }
0xa6: {  	[tilespmem:s25], [sflag:$0x6] =	stream.indirect.gather [hbm4b:s3+s24], $0x20, s23, s24, $0xb8;
	[tilespmem:$0x1A400] =	vst v63  }
0xa7: {  	s29 =	simm.s32 $0x300;
	s30 =	simm.s32 $0xC400  }
0xa8: {  	[tilespmem:s30], [sflag:$0x7] =	stream.indirect.gather [hbm4b:s3+s24], $0x20, s29, s24, $0xb8;
	[tilespmem:$0x1A400] =	vst v63  }
0xa9: {  	s20 =	simm.s32 $0x380;
	s22 =	simm.s32 $0xD400  }
0xaa: {  	[tilespmem:s22], [sflag:$0x8] =	stream.indirect.gather [hbm4b:s3+s24], $0x20, s20, s24, $0xb8;
	[tilespmem:$0x1A400] =	vst v63  }
0xab: {  	s17 =	simm.s32 $0x0;
	s23 =	simm.s32 $0x400;
	s25 =	simm.s32 $0xE400  }
0xac: {  	[tilespmem:s25], [sflag:$0x9] =	stream.indirect.gather [hbm4b:s3+s24], $0x20, s23, s24, $0xb8;
	[tilespmem:$0x1A400] =	vst v63  }
0xad: {  	s29 =	simm.s32 $0x480;
	s30 =	simm.s32 $0xF400;
	s22 =	simm.s32 $0x80  }
0xae: {  	[tilespmem:s30], [sflag:$0xA] =	stream.indirect.gather [hbm4b:s3+s24], $0x20, s29, s24, $0xb8;
	[tilespmem:$0x1A400] =	vst v63  }
.LBB2_2:
0xaf: {  	s20 =	simm.s32 $0x1  }
0xb0: {  	s25 =	simm.s32 $0x2;
	s30 =	simm.s32 $0x3;
	s29 =	simm.s32 $0x5;
	v9 =	vadd.s32 s20, v0  }
0xb1: {  	s23 =	simm.s32 $0x4;
	s24 =	simm.s32 $0x7;
	v7 =	vadd.s32 s25, v0;
	v10 =	vadd.s32 s30, v0;
	v14 =	vadd.s32 s29, v0  }
0xb2: {  	v11 =	vadd.s32 s23, v0;
	v12 =	vadd.s32 s24, v0;
	v15 =	vand.u32 $0x7F, v14  }
0xb3: {  	s12 =	simm.s32 $0x1;
	v30 =	vand.u32 $0x7F, v7;
	v7 =	vand.u32 $0x7, v7;
	v8 =	vand.u32 $0x7, v9  }
0xb4: {  	_ =	swait.ge [sflag:s12], $0x1000;
	v16 =	vand.u32 $0x7, v10;
	v22 =	vand.u32 $0x7F, v9;
	v18 =	vand.u32 $0x7F, v11  }
0xb5: {  	p0 =	seq.s32 s17, $0x0;
	s29 =	simm.s32 $0x6;
	[sflag:s12] =	ssyncset.done $0x0;
	v10 =	vand.u32 $0x7F, v10;
	v29 =	vand.u32 $0x7F, v12;
	v32 =	vand.u32 $0x7, v11  }
0xb6: {  	s30 =	simm.s32 @!p0 $0xB;
	v33 =	vadd.s32 s29, v0;
	v34 =	vand.u32 $0x7, v12;
	[sflag:s12] =	ssyncadd.s32 $0xFFFFF000;
	v13 =	vshll.u32 v15, $0x5  }
0xb7: {  	v20 =	vor.u32 v1, v15;
	v25 =	vshll.u32 v22, $0x5;
	v19 =	vshll.u32 v30, $0x5;
	_ =	swait.ge @!p0 [sflag:s30], $0x400  }
0xb8: {  	v31 =	vor.u32 v4, v22;
	v21 =	vor.u32 v1, v30;
	v23 =	vshll.u32 v10, $0x5;
	[sflag:s30] =	ssyncset.done @!p0 $0x0  }
0xb9: {  	v27 =	vshll.u32 v18, $0x5;
	v28 =	vor.u32 v1, v10;
	v35 =	vshll.u32 v29, $0x5;
	[sflag:s30] =	ssyncadd.s32 @!p0 $0xFFFFFC00  }
0xba: {  	v37 =	vor.u32 v1, v29;
	v41 =	vand.u32 $0x7F, v33;
	v10 =	vor.u32 v4, v10;
	_ =	swait.ge @!p0 [sflag:s30], $0x400  }
0xbb: {  	s25 =	simm.s32 $0x0;
	v63 =	vor.u32 v4, v15;
	v17 =	vor.u32 v0, v13;
	v24 =	vor.u32 v0, v25;
	[sflag:s30] =	ssyncset.done @!p0 $0x0  }
0xbc: {  	v26 =	vor.u32 v0, v23;
	v9 =	vor.u32 v3, v13;
	v13 =	vadd.s32 s25, v0;
	[sflag:s30] =	ssyncadd.s32 @!p0 $0xFFFFFC00  }
0xbd: {  	v28 =	vand.u32 $0x7F8, v28;
	v40 =	vor.u32 v0, v35;
	v11 =	vand.u32 $0x7F, v13;
	_ =	swait.ge @!p0 [sflag:s30], $0x400  }
0xbe: {  	v23 =	vor.u32 v3, v23;
	v60 =	vor.u32 v0, v19;
	v13 =	vshll.u32 v11, $0x5;
	[sflag:s30] =	ssyncset.done @!p0 $0x0  }
0xbf: {  	v42 =	vand.u32 $0xFF8, v10;
	v10 =	vor.u32 v3, v19;
	v36 =	vor.u32 v0, v13;
	[sflag:s30] =	ssyncadd.s32 @!p0 $0xFFFFFC00  }
0xc0: {  	v43 =	vor.u32 v0, v27;
	v19 =	vand.u32 $0x7, v14;
	v20 =	vand.u32 $0x7F8, v20;
	_ =	swait.ge @!p0 [sflag:s30], $0x400  }
0xc1: {  	v35 =	vor.u32 v3, v35;
	v28 =	vor.u32 v16, v28;
	v42 =	vor.u32 v16, v42;
	[sflag:s30] =	ssyncset.done @!p0 $0x0  }
0xc2: {  	v16 =	vor.u32 v3, v27;
	v62 =	vor.u32 v19, v20;
	v27 =	vor.u32 v4, v18;
	[sflag:s30] =	ssyncadd.s32 @!p0 $0xFFFFFC00  }
0xc3: {  	v12 =	vor.u32 v1, v11;
	v39 =	vor.u32 v4, v11;
	v11 =	vor.u32 v1, v18;
	v26 =	vld.idx.msk [tilespmem:v26+s26+$0x0], $0xffff  }
0xc4: {  	v12 =	vand.u32 $0x7F8, v12;
	v11 =	vand.u32 $0x7F8, v11;
	v44 =	vor.u32 v3, v13;
	v36 =	vld.idx.msk [tilespmem:v36+s26+$0x0], $0xffff  }
0xc5: {  	v38 =	vor.u32 v2, v12;
	v12 =	vand.u32 $0x7F8, v21;
	v21 =	vand.u32 $0x7F8, v37;
	v61 =	vld.idx.msk [tilespmem:v17+s26+$0x0], $0xffff  }
0xc6: {  	v11 =	vor.u32 v32, v11;
	v46 =	vor.u32 v34, v21;
	v17 =	vor.u32 v1, v41;
	v40 =	vld.idx.msk [tilespmem:v40+s26+$0x0], $0xffff  }
0xc7: {  	v12 =	vor.u32 v7, v12;
	v47 =	vand.u32 $0x7F8, v17;
	v17 =	vor.u32 v4, v29  }
0xc8: {  	v14 =	vshll.u32 v41, $0x5;
	v13 =	vld.idx.msk [tilespmem:v24+s26+$0x0], $0xffff;
	v41 =	vor.u32 v4, v41;
	v17 =	vand.u32 $0xFF8, v17;
	[tilespmem:v28+s28+$0x0] =	vst.idx.msk $0xffff, v26  }
0xc9: {  	v21 =	vor.u32 v34, v17;
	v17 =	vor.u32 v1, v22;
	v28 =	vor.u32 v0, v14;
	v45 =	vld.idx.msk [tilespmem:v23+s26+$0x0], $0xffff  }
0xca: {  	v22 =	vor.u32 v3, v25;
	v29 =	vand.u32 $0x7F8, v17;
	[tilespmem:v38+s28+$0x0] =	vst.idx.msk $0xffff, v36;
	v23 =	vld.idx.msk [tilespmem:v43+s26+$0x0], $0xffff  }
0xcb: {  	v31 =	vand.u32 $0xFF8, v31;
	v26 =	vand.u32 $0xFF8, v39;
	v25 =	vor.u32 v8, v29;
	[tilespmem:v46+s28+$0x0] =	vst.idx.msk $0xffff, v40;
	v18 =	vld.idx.msk [tilespmem:v44+s26+$0x0], $0xffff  }
0xcc: {  	v24 =	vand.u32 $0x7, v33;
	[tilespmem:v62+s28+$0x0] =	vst.idx.msk $0xffff, v61;
	v20 =	vor.u32 v2, v26;
	v26 =	vand.u32 $0xFF8, v27;
	v27 =	vld.idx.msk [tilespmem:v60+s26+$0x0], $0xffff  }
0xcd: {  	v17 =	vor.u32 v32, v26;
	v26 =	vor.u32 v3, v14;
	v14 =	vor.u32 v4, v30;
	v30 =	vld.idx.msk [tilespmem:v35+s26+$0x0], $0xffff  }
0xce: {  	s20 =	simm.s32 $0x8;
	v15 =	vand.u32 $0xFF8, v41;
	v29 =	vor.u32 v24, v47;
	v32 =	vand.u32 $0xFF8, v63;
	v28 =	vld.idx.msk [tilespmem:v28+s26+$0x0], $0xffff;
	[tilespmem:v42+s28+$0x0] =	vst.idx.msk $0xffff, v45  }
.LBB2_3:
0xcf: {  	s25 =	sadd.s32 $0x1, s20  }
0xd0: {  	s30 =	sadd.s32 $0x2, s20;
	s23 =	sadd.s32 $0x3, s20;
	v31 =	vor.u32 v8, v31;
	v8 =	vand.u32 $0xFF8, v14;
	v9 =	vld.idx.msk [tilespmem:v9+s26+$0x0], $0xffff;
	v19 =	vor.u32 v19, v32;
	s29 =	smov.u32 s20  }
0xd1: {  	s24 =	sadd.s32 $0x6, s20;
	v32 =	vadd.s32 s25, v0;
	v33 =	vadd.s32 s30, v0;
	s25 =	sadd.s32 $0x4, s20;
	s30 =	sadd.s32 $0x5, s20;
	[tilespmem:v11+s28+$0x0] =	vst.idx.msk $0xffff, v23;
	v11 =	vor.u32 v24, v15  }
0xd2: {  	p1 =	slt.u32 s20, $0x78;
	v23 =	vadd.s32 s23, v0;
	s23 =	sadd.s32 $0x7, s29;
	s20 =	sadd.s32 $0x8, s20;
	v24 =	vadd.s32 s25, v0;
	v34 =	vadd.s32 s30, v0;
	[tilespmem:v12+s28+$0x0] =	vst.idx.msk $0xffff, v27  }
0xd3: {  	v12 =	vadd.s32 s23, v0;
	v27 =	vor.u32 v7, v8;
	v15 =	vand.u32 $0x7F, v34;
	v16 =	vld.idx.msk [tilespmem:v16+s26+$0x0], $0xffff;
	[tilespmem:v29+s28+$0x0] =	vst.idx.msk $0xffff, v28  }
0xd4: {  	v14 =	vand.u32 $0x7F, v33;
	v7 =	vand.u32 $0x7, v33;
	v28 =	vshll.u32 v15, $0x5;
	[tilespmem:v25+s28+$0x0] =	vst.idx.msk $0xffff, v13;
	v13 =	vld.idx.msk [tilespmem:v26+s26+$0x0], $0xffff  }
0xd5: {  	v8 =	vand.u32 $0x7, v32;
	v25 =	vand.u32 $0x7, v23;
	v26 =	vor.u32 v0, v28;
	v22 =	vld.idx.msk [tilespmem:v22+s26+$0x0], $0xffff;
	[tilespmem:v21+s28+$0x0] =	vst.idx.msk $0xffff, v30  }
0xd6: {  	v29 =	vand.u32 $0x7F, v32;
	v21 =	vand.u32 $0x7F, v24;
	v30 =	vor.u32 v1, v15;
	[tilespmem:v20+s28+$0x0] =	vst.idx.msk $0xffff, v18;
	v10 =	vld.idx.msk [tilespmem:v10+s26+$0x0], $0xffff  }
0xd7: {  	v32 =	vshll.u32 v29, $0x5;
	v18 =	vshll.u32 v14, $0x5;
	v20 =	vand.u32 $0x7F, v23;
	[tilespmem:v19+s28+$0x0] =	vst.idx.msk $0xffff, v9  }
0xd8: {  	v33 =	vor.u32 v4, v29;
	v19 =	vor.u32 v1, v14;
	v23 =	vshll.u32 v20, $0x5  }
0xd9: {  	v35 =	vor.u32 v0, v32;
	v37 =	vshll.u32 v21, $0x5;
	v36 =	vor.u32 v0, v23;
	[tilespmem:v17+s28+$0x0] =	vst.idx.msk $0xffff, v16  }
0xda: {  	v9 =	vor.u32 v3, v28;
	v16 =	vor.u32 v1, v20;
	v17 =	vand.u32 $0x7F, v12;
	[tilespmem:v11+s28+$0x0] =	vst.idx.msk $0xffff, v13  }
0xdb: {  	v28 =	vand.u32 $0x7, v24;
	v11 =	vadd.s32 s29, v0;
	v13 =	vand.u32 $0x7F8, v16;
	[tilespmem:v31+s28+$0x0] =	vst.idx.msk $0xffff, v22  }
0xdc: {  	v11 =	vand.u32 $0x7F, v11;
	v22 =	vadd.s32 s24, v0;
	v31 =	vand.u32 $0x7, v12;
	[tilespmem:v27+s28+$0x0] =	vst.idx.msk $0xffff, v10  }
0xdd: {  	v24 =	vshll.u32 v17, $0x5;
	v10 =	vor.u32 v1, v11;
	v16 =	vshll.u32 v11, $0x5  }
0xde: {  	v12 =	vor.u32 v0, v16;
	v10 =	vand.u32 $0x7F8, v10;
	v27 =	vld.idx.msk [tilespmem:v36+s26+$0x0], $0xffff;
	v36 =	vor.u32 v1, v17  }
0xdf: {  	v39 =	vor.u32 v4, v11;
	v38 =	vor.u32 v2, v10;
	v10 =	vor.u32 v1, v21  }
0xe0: {  	v40 =	vor.u32 v25, v13;
	v41 =	vor.u32 v0, v24;
	v10 =	vand.u32 $0x7F8, v10  }
0xe1: {  	v23 =	vor.u32 v3, v23;
	v42 =	vand.u32 $0x7F, v22;
	v11 =	vor.u32 v28, v10  }
0xe2: {  	v13 =	vor.u32 v4, v20;
	v20 =	vand.u32 $0x7F8, v36;
	v10 =	vand.u32 $0x7F8, v19  }
0xe3: {  	v43 =	vor.u32 v0, v18;
	v13 =	vand.u32 $0xFF8, v13;
	v36 =	vld.idx.msk [tilespmem:v12+s26+$0x0], $0xffff;
	v12 =	vor.u32 v7, v10  }
0xe4: {  	v44 =	vor.u32 v25, v13;
	v10 =	vor.u32 v3, v18;
	v18 =	vor.u32 v0, v37  }
0xe5: {  	v25 =	vor.u32 v3, v16;
	v19 =	vand.u32 $0x7, v34;
	v34 =	vshll.u32 v42, $0x5;
	v13 =	vld.idx.msk [tilespmem:v35+s26+$0x0], $0xffff;
	[tilespmem:v40+s28+$0x0] =	vst.idx.msk $0xffff, v27  }
0xe6: {  	v16 =	vor.u32 v3, v37;
	v27 =	vand.u32 $0xFF8, v39;
	v35 =	vld.idx.msk [tilespmem:v26+s26+$0x0], $0xffff;
	v26 =	vor.u32 v0, v34  }
0xe7: {  	v39 =	vor.u32 v4, v42;
	v40 =	vor.u32 v31, v20;
	v37 =	vld.idx.msk [tilespmem:v23+s26+$0x0], $0xffff;
	v23 =	vor.u32 v1, v42  }
0xe8: {  	v17 =	vor.u32 v4, v17;
	v20 =	vand.u32 $0x7F8, v30;
	v30 =	vand.u32 $0x7F8, v23;
	v41 =	vld.idx.msk [tilespmem:v41+s26+$0x0], $0xffff  }
0xe9: {  	v45 =	vor.u32 v3, v24;
	v17 =	vand.u32 $0xFF8, v17;
	v42 =	vor.u32 v19, v20;
	v23 =	vld.idx.msk [tilespmem:v18+s26+$0x0], $0xffff  }
0xea: {  	v24 =	vand.u32 $0x7, v22;
	[tilespmem:v38+s28+$0x0] =	vst.idx.msk $0xffff, v36;
	v36 =	vor.u32 v4, v21;
	v21 =	vor.u32 v31, v17  }
.Ltmp2:
0xeb: {  	v20 =	vor.u32 v2, v27;
	v17 =	vor.u32 v1, v29;
	v18 =	vld.idx.msk [tilespmem:v25+s26+$0x0], $0xffff;
	v25 =	vand.u32 $0xFF8, v36;
	(pc) =	sbr.rel @p1 .LBB2_3-.Ltmp2, $4  }
0xec: {  	v22 =	vor.u32 v3, v32;
	v29 =	vand.u32 $0x7F8, v17;
	v27 =	vld.idx.msk [tilespmem:v43+s26+$0x0], $0xffff;
	v17 =	vor.u32 v28, v25  }
0xed: {  	v25 =	vor.u32 v8, v29;
	v29 =	vor.u32 v24, v30;
	[tilespmem:v44+s28+$0x0] =	vst.idx.msk $0xffff, v37;
	v28 =	vld.idx.msk [tilespmem:v26+s26+$0x0], $0xffff  }
0xee: {  	v30 =	vor.u32 v4, v15;
	v15 =	vand.u32 $0xFF8, v39;
	v26 =	vor.u32 v3, v34;
	[tilespmem:v40+s28+$0x0] =	vst.idx.msk $0xffff, v41  }
0xef: {  	v14 =	vor.u32 v4, v14;
	v31 =	vand.u32 $0xFF8, v33;
	v32 =	vand.u32 $0xFF8, v30;
	[tilespmem:v42+s28+$0x0] =	vst.idx.msk $0xffff, v35;
	v30 =	vld.idx.msk [tilespmem:v45+s26+$0x0], $0xffff  }
0xf0: {  	_ =	sdelay $0x3  }
0xf1: {  	[tilespmem:v11+s28+$0x0] =	vst.idx.msk $0xffff, v23  }
0xf2: {  	v9 =	vld.idx.msk [tilespmem:v9+s26+$0x0], $0xffff;
	v60 =	vor.u32 v19, v32;
	[tilespmem:v25+s28+$0x0] =	vst.idx.msk $0xffff, v13  }
0xf3: {  	v61 =	vld.idx.msk [tilespmem:v16+s26+$0x0], $0xffff;
	[tilespmem:v29+s28+$0x0] =	vst.idx.msk $0xffff, v28  }
0xf4: {  	v15 =	vor.u32 v24, v15;
	[tilespmem:v20+s28+$0x0] =	vst.idx.msk $0xffff, v18;
	v62 =	vld.idx.msk [tilespmem:v26+s26+$0x0], $0xffff  }
0xf5: {  	[tilespmem:v12+s28+$0x0] =	vst.idx.msk $0xffff, v27  }
0xf6: {  	[tilespmem:v21+s28+$0x0] =	vst.idx.msk $0xffff, v30  }
0xf7: {  	v8 =	vor.u32 v8, v31;
	v14 =	vand.u32 $0xFF8, v14;
	v63 =	vld.idx.msk [tilespmem:v22+s26+$0x0], $0xffff;
	[tilespmem:v60+s28+$0x0] =	vst.idx.msk $0xffff, v9  }
0xf8: {  	v7 =	vor.u32 v7, v14;
	v10 =	vld.idx.msk [tilespmem:v10+s26+$0x0], $0xffff;
	[tilespmem:v17+s28+$0x0] =	vst.idx.msk $0xffff, v61  }
0xf9: {  	s20 =	smul.u32 $0x140000, s17;
	[tilespmem:v15+s28+$0x0] =	vst.idx.msk $0xffff, v62  }
0xfa: {  	s12 =	rddreg [dreg:$0x3]  }
0xfb: {  	s23 =	sor.u32 s12, s20  }
0xfc: {  	[tilespmem:v8+s28+$0x0] =	vst.idx.msk $0xffff, v63;
	s25 =	sshrl.u32 s23, $0x3  }
0xfd: {  	[tilespmem:v7+s28+$0x0] =	vst.idx.msk $0xffff, v10;
	s23 =	sadd.s32 s4, s25  }
0xfe: {  	[hbm4b:s23+s2] =	stream.linear.scatter [tilespmem:s28], [sflag:$0xB], $0x400, $0x38;
	[tilespmem:$0x1A400] =	vst v63  }
0xff: {  	s30 =	simm.s32 $0x10800;
	p1 =	sne.s32 s17, $0x13;
	s29 =	sadd.s32 s25, s7  }
0x100: {  	[hbm4b:s29+s2] =	stream.linear.scatter [tilespmem:s30], [sflag:$0xB], $0x400, $0x38;
	[tilespmem:$0x1A400] =	vst v63  }
.Ltmp3:
0x101: {  	_ = 	snop;
	(pc) =	sbr.rel @p1 .LBB2_6-.Ltmp3, $4  }
0x102: {  	s24 =	simm.s32 $0x10C00;
	s12 =	sadd.s32 s25, s8  }
0x103: {  	[hbm4b:s12+s2] =	stream.linear.scatter [tilespmem:s24], [sflag:$0xB], $0x400, $0x38;
	[tilespmem:$0x1A400] =	vst v63  }
0x104: {  	s29 =	sadd.s32 s25, s9;
	s30 =	simm.s32 $0x11000  }
0x105: {  	[hbm4b:s29+s2] =	stream.linear.scatter [tilespmem:s30], [sflag:$0xB], $0x400, $0x38;
	[tilespmem:$0x1A400] =	vst v63  }
.Ltmp4:
0x106: {  	(pc) =	sbr.rel .LBB2_7-.Ltmp4, $4  }
0x107: {  	s12 =	simm.s32 $0x2  }
0x108: {  	_ =	swait.ge [sflag:s12], $0x1000  }
0x109: {  	[sflag:s12] =	ssyncset.done $0x0  }
0x10a: {  	[sflag:s12] =	ssyncadd.s32 $0xFFFFF000  }
.LBB2_6:
0x10b: {  	s23 =	smul.u32 $0x1400, s17;
	_ =	sdelay $0x1  }
0x10c: {  	s23 =	sshra.s32 s23, $0x2  }
.Ltmp5:
0x10d: {  	s12 =	simm.s32 $0x2;
	s23 =	sadd.s32 $0x500, s23;
	(pc) =	sbr.rel @p0 .LBB2_8-.Ltmp5, $4  }
0x10e: {  	[tilespmem:s26], [sflag:$0x1] =	stream.indirect.gather [hbm4b:s3+s22], $0x20, s23, s22, $0xb8;
	[tilespmem:$0x1A400] =	vst v63  }
0x10f: {  	_ =	swait.ge [sflag:s12], $0x1000  }
0x110: {  	[sflag:s12] =	ssyncset.done $0x0  }
0x111: {  	[sflag:s12] =	ssyncadd.s32 $0xFFFFF000  }
.LBB2_7:
0x112: {  	s12 =	simm.s32 $0xC  }
0x113: {  	_ =	swait.ge [sflag:s12], $0x400  }
0x114: {  	[sflag:s12] =	ssyncset.done $0x0  }
0x115: {  	[sflag:s12] =	ssyncadd.s32 $0xFFFFFC00  }
0x116: {  	_ =	swait.ge [sflag:s12], $0x400  }
0x117: {  	[sflag:s12] =	ssyncset.done $0x0  }
0x118: {  	[sflag:s12] =	ssyncadd.s32 $0xFFFFFC00  }
0x119: {  	_ =	swait.ge [sflag:s12], $0x400  }
0x11a: {  	[sflag:s12] =	ssyncset.done $0x0  }
0x11b: {  	[sflag:s12] =	ssyncadd.s32 $0xFFFFFC00  }
0x11c: {  	_ =	swait.ge [sflag:s12], $0x400  }
0x11d: {  	[sflag:s12] =	ssyncset.done $0x0  }
0x11e: {  	[sflag:s12] =	ssyncadd.s32 $0xFFFFFC00  }
.LBB2_8:
0x11f: {  	s23 =	simm.s32 $0x1;
	s24 =	simm.s32 $0x2  }
0x120: {  	s29 =	simm.s32 $0x3;
	s22 =	simm.s32 $0x5;
	s12 =	simm.s32 $0x4;
	v9 =	vadd.s32 s23, v0;
	v7 =	vadd.s32 s24, v0  }
0x121: {  	v10 =	vadd.s32 s29, v0;
	v14 =	vadd.s32 s22, v0;
	s22 =	simm.s32 $0x7;
	v11 =	vadd.s32 s12, v0  }
0x122: {  	v15 =	vand.u32 $0x7F, v14;
	v12 =	vadd.s32 s22, v0;
	v30 =	vand.u32 $0x7F, v7  }
0x123: {  	v7 =	vand.u32 $0x7, v7;
	v8 =	vand.u32 $0x7, v9;
	v16 =	vand.u32 $0x7, v10  }
0x124: {  	s29 =	simm.s32 $0x6;
	v22 =	vand.u32 $0x7F, v9;
	v18 =	vand.u32 $0x7F, v11;
	v10 =	vand.u32 $0x7F, v10  }
0x125: {  	v32 =	vand.u32 $0x7, v11;
	v33 =	vadd.s32 s29, v0;
	v13 =	vshll.u32 v15, $0x5  }
0x126: {  	v20 =	vor.u32 v1, v15;
	v25 =	vshll.u32 v22, $0x5;
	v19 =	vshll.u32 v30, $0x5  }
0x127: {  	v31 =	vor.u32 v4, v22;
	v21 =	vor.u32 v1, v30;
	v23 =	vshll.u32 v10, $0x5  }
0x128: {  	v27 =	vshll.u32 v18, $0x5;
	v28 =	vor.u32 v1, v10;
	v29 =	vand.u32 $0x7F, v12  }
0x129: {  	v34 =	vand.u32 $0x7, v12;
	v41 =	vand.u32 $0x7F, v33;
	v10 =	vor.u32 v4, v10  }
0x12a: {  	s24 =	simm.s32 $0x0;
	v63 =	vor.u32 v4, v15;
	v17 =	vor.u32 v5, v13;
	v24 =	vor.u32 v5, v25  }
0x12b: {  	v26 =	vor.u32 v5, v23;
	v9 =	vor.u32 v6, v13;
	v13 =	vadd.s32 s24, v0  }
0x12c: {  	v28 =	vand.u32 $0x7F8, v28;
	v35 =	vshll.u32 v29, $0x5;
	v37 =	vor.u32 v1, v29  }
0x12d: {  	v23 =	vor.u32 v6, v23;
	v60 =	vor.u32 v5, v19;
	v42 =	vand.u32 $0xFF8, v10  }
0x12e: {  	v10 =	vor.u32 v6, v19;
	v43 =	vor.u32 v5, v27;
	v19 =	vand.u32 $0x7, v14  }
0x12f: {  	v14 =	vshll.u32 v41, $0x5;
	v20 =	vand.u32 $0x7F8, v20;
	v11 =	vand.u32 $0x7F, v13  }
0x130: {  	v28 =	vor.u32 v16, v28;
	v40 =	vor.u32 v5, v35;
	v42 =	vor.u32 v16, v42  }
0x131: {  	v16 =	vor.u32 v6, v27;
	v62 =	vor.u32 v19, v20;
	v13 =	vshll.u32 v11, $0x5  }
0x132: {  	v35 =	vor.u32 v6, v35;
	v27 =	vor.u32 v4, v18;
	v36 =	vor.u32 v5, v13  }
0x133: {  	v12 =	vor.u32 v1, v11;
	v39 =	vor.u32 v4, v11;
	v11 =	vor.u32 v1, v18;
	v26 =	vld.idx.msk [tilespmem:v26+s26+$0x0], $0xffff  }
0x134: {  	v12 =	vand.u32 $0x7F8, v12;
	v11 =	vand.u32 $0x7F8, v11;
	v44 =	vor.u32 v6, v13  }
0x135: {  	v38 =	vor.u32 v2, v12;
	v12 =	vand.u32 $0x7F8, v21;
	v21 =	vand.u32 $0x7F8, v37;
	v61 =	vld.idx.msk [tilespmem:v17+s26+$0x0], $0xffff  }
0x136: {  	v11 =	vor.u32 v32, v11;
	v17 =	vor.u32 v1, v41;
	v46 =	vor.u32 v34, v21;
	v40 =	vld.idx.msk [tilespmem:v40+s26+$0x0], $0xffff  }
0x137: {  	v12 =	vor.u32 v7, v12;
	v47 =	vand.u32 $0x7F8, v17;
	v17 =	vor.u32 v4, v29;
	v36 =	vld.idx.msk [tilespmem:v36+s26+$0x0], $0xffff  }
0x138: {  	v31 =	vand.u32 $0xFF8, v31;
	v13 =	vld.idx.msk [tilespmem:v24+s26+$0x0], $0xffff;
	v41 =	vor.u32 v4, v41;
	v17 =	vand.u32 $0xFF8, v17;
	[tilespmem:v28+s1+$0x0] =	vst.idx.msk $0xffff, v26  }
0x139: {  	v21 =	vor.u32 v34, v17;
	v26 =	vand.u32 $0xFF8, v39;
	v28 =	vor.u32 v5, v14;
	v45 =	vld.idx.msk [tilespmem:v23+s26+$0x0], $0xffff  }
0x13a: {  	v17 =	vor.u32 v1, v22;
	v23 =	vld.idx.msk [tilespmem:v43+s26+$0x0], $0xffff;
	v20 =	vor.u32 v2, v26;
	v26 =	vand.u32 $0xFF8, v27  }
0x13b: {  	v24 =	vand.u32 $0x7, v33;
	v29 =	vand.u32 $0x7F8, v17;
	v27 =	vld.idx.msk [tilespmem:v60+s26+$0x0], $0xffff;
	[tilespmem:v46+s1+$0x0] =	vst.idx.msk $0xffff, v40;
	v17 =	vor.u32 v32, v26  }
0x13c: {  	v26 =	vor.u32 v6, v14;
	v14 =	vor.u32 v4, v30;
	v30 =	vld.idx.msk [tilespmem:v35+s26+$0x0], $0xffff;
	[tilespmem:v38+s1+$0x0] =	vst.idx.msk $0xffff, v36  }
0x13d: {  	v22 =	vor.u32 v6, v25;
	v25 =	vor.u32 v8, v29;
	[tilespmem:v62+s1+$0x0] =	vst.idx.msk $0xffff, v61;
	v18 =	vld.idx.msk [tilespmem:v44+s26+$0x0], $0xffff  }
0x13e: {  	s30 =	simm.s32 $0x8;
	v15 =	vand.u32 $0xFF8, v41;
	v29 =	vor.u32 v24, v47;
	v32 =	vand.u32 $0xFF8, v63;
	v28 =	vld.idx.msk [tilespmem:v28+s26+$0x0], $0xffff;
	[tilespmem:v42+s1+$0x0] =	vst.idx.msk $0xffff, v45  }
.LBB2_9:
0x13f: {  	s23 =	sadd.s32 $0x1, s30  }
0x140: {  	s24 =	sadd.s32 $0x2, s30;
	s29 =	sadd.s32 $0x3, s30;
	v31 =	vor.u32 v8, v31;
	v8 =	vand.u32 $0xFF8, v14;
	v9 =	vld.idx.msk [tilespmem:v9+s26+$0x0], $0xffff;
	v19 =	vor.u32 v19, v32;
	s22 =	smov.u32 s30  }
0x141: {  	s12 =	sadd.s32 $0x6, s30;
	v32 =	vadd.s32 s23, v0;
	v33 =	vadd.s32 s24, v0;
	s23 =	sadd.s32 $0x4, s30;
	s24 =	sadd.s32 $0x5, s30;
	[tilespmem:v11+s1+$0x0] =	vst.idx.msk $0xffff, v23;
	v11 =	vor.u32 v24, v15  }
0x142: {  	p2 =	slt.u32 s30, $0x78;
	v23 =	vadd.s32 s29, v0;
	s30 =	sadd.s32 $0x8, s30;
	v24 =	vadd.s32 s23, v0;
	v34 =	vadd.s32 s24, v0;
	s23 =	sadd.s32 $0x7, s22;
	[tilespmem:v12+s1+$0x0] =	vst.idx.msk $0xffff, v27  }
0x143: {  	v27 =	vor.u32 v7, v8;
	v15 =	vand.u32 $0x7F, v34;
	v12 =	vadd.s32 s23, v0;
	v16 =	vld.idx.msk [tilespmem:v16+s26+$0x0], $0xffff;
	[tilespmem:v29+s1+$0x0] =	vst.idx.msk $0xffff, v28  }
0x144: {  	v14 =	vand.u32 $0x7F, v33;
	v7 =	vand.u32 $0x7, v33;
	v28 =	vshll.u32 v15, $0x5;
	[tilespmem:v25+s1+$0x0] =	vst.idx.msk $0xffff, v13;
	v13 =	vld.idx.msk [tilespmem:v26+s26+$0x0], $0xffff  }
0x145: {  	v8 =	vand.u32 $0x7, v32;
	v25 =	vand.u32 $0x7, v23;
	v26 =	vor.u32 v5, v28;
	v22 =	vld.idx.msk [tilespmem:v22+s26+$0x0], $0xffff;
	[tilespmem:v21+s1+$0x0] =	vst.idx.msk $0xffff, v30  }
0x146: {  	v29 =	vand.u32 $0x7F, v32;
	v21 =	vand.u32 $0x7F, v24;
	v30 =	vor.u32 v1, v15;
	[tilespmem:v20+s1+$0x0] =	vst.idx.msk $0xffff, v18;
	v10 =	vld.idx.msk [tilespmem:v10+s26+$0x0], $0xffff  }
0x147: {  	v32 =	vshll.u32 v29, $0x5;
	v18 =	vshll.u32 v14, $0x5;
	v20 =	vand.u32 $0x7F, v23;
	[tilespmem:v19+s1+$0x0] =	vst.idx.msk $0xffff, v9  }
0x148: {  	v33 =	vor.u32 v4, v29;
	v19 =	vor.u32 v1, v14;
	v23 =	vshll.u32 v20, $0x5  }
0x149: {  	v35 =	vor.u32 v5, v32;
	v37 =	vshll.u32 v21, $0x5;
	v36 =	vor.u32 v5, v23;
	[tilespmem:v17+s1+$0x0] =	vst.idx.msk $0xffff, v16  }
0x14a: {  	v9 =	vor.u32 v6, v28;
	v16 =	vor.u32 v1, v20;
	v17 =	vand.u32 $0x7F, v12;
	[tilespmem:v11+s1+$0x0] =	vst.idx.msk $0xffff, v13  }
0x14b: {  	v28 =	vand.u32 $0x7, v24;
	v11 =	vadd.s32 s22, v0;
	v13 =	vand.u32 $0x7F8, v16;
	[tilespmem:v31+s1+$0x0] =	vst.idx.msk $0xffff, v22  }
0x14c: {  	v11 =	vand.u32 $0x7F, v11;
	v22 =	vadd.s32 s12, v0;
	v31 =	vand.u32 $0x7, v12;
	[tilespmem:v27+s1+$0x0] =	vst.idx.msk $0xffff, v10  }
0x14d: {  	v24 =	vshll.u32 v17, $0x5;
	v10 =	vor.u32 v1, v11;
	v16 =	vshll.u32 v11, $0x5  }
0x14e: {  	v12 =	vor.u32 v5, v16;
	v10 =	vand.u32 $0x7F8, v10;
	v27 =	vld.idx.msk [tilespmem:v36+s26+$0x0], $0xffff;
	v36 =	vor.u32 v1, v17  }
0x14f: {  	v39 =	vor.u32 v4, v11;
	v38 =	vor.u32 v2, v10;
	v10 =	vor.u32 v1, v21  }
0x150: {  	v40 =	vor.u32 v25, v13;
	v41 =	vor.u32 v5, v24;
	v10 =	vand.u32 $0x7F8, v10  }
0x151: {  	v23 =	vor.u32 v6, v23;
	v42 =	vand.u32 $0x7F, v22;
	v11 =	vor.u32 v28, v10  }
0x152: {  	v13 =	vor.u32 v4, v20;
	v20 =	vand.u32 $0x7F8, v36;
	v10 =	vand.u32 $0x7F8, v19  }
0x153: {  	v43 =	vor.u32 v5, v18;
	v13 =	vand.u32 $0xFF8, v13;
	v36 =	vld.idx.msk [tilespmem:v12+s26+$0x0], $0xffff;
	v12 =	vor.u32 v7, v10  }
0x154: {  	v44 =	vor.u32 v25, v13;
	v10 =	vor.u32 v6, v18;
	v18 =	vor.u32 v5, v37  }
0x155: {  	v25 =	vor.u32 v6, v16;
	v19 =	vand.u32 $0x7, v34;
	v34 =	vshll.u32 v42, $0x5;
	v13 =	vld.idx.msk [tilespmem:v35+s26+$0x0], $0xffff;
	[tilespmem:v40+s1+$0x0] =	vst.idx.msk $0xffff, v27  }
0x156: {  	v16 =	vor.u32 v6, v37;
	v27 =	vand.u32 $0xFF8, v39;
	v35 =	vld.idx.msk [tilespmem:v26+s26+$0x0], $0xffff;
	v26 =	vor.u32 v5, v34  }
0x157: {  	v39 =	vor.u32 v4, v42;
	v40 =	vor.u32 v31, v20;
	v37 =	vld.idx.msk [tilespmem:v23+s26+$0x0], $0xffff;
	v23 =	vor.u32 v1, v42  }
0x158: {  	v17 =	vor.u32 v4, v17;
	v20 =	vand.u32 $0x7F8, v30;
	v30 =	vand.u32 $0x7F8, v23;
	v41 =	vld.idx.msk [tilespmem:v41+s26+$0x0], $0xffff  }
0x159: {  	v45 =	vor.u32 v6, v24;
	v17 =	vand.u32 $0xFF8, v17;
	v42 =	vor.u32 v19, v20;
	v23 =	vld.idx.msk [tilespmem:v18+s26+$0x0], $0xffff  }
0x15a: {  	v24 =	vand.u32 $0x7, v22;
	[tilespmem:v38+s1+$0x0] =	vst.idx.msk $0xffff, v36;
	v36 =	vor.u32 v4, v21;
	v21 =	vor.u32 v31, v17  }
.Ltmp6:
0x15b: {  	v20 =	vor.u32 v2, v27;
	v17 =	vor.u32 v1, v29;
	v18 =	vld.idx.msk [tilespmem:v25+s26+$0x0], $0xffff;
	v25 =	vand.u32 $0xFF8, v36;
	(pc) =	sbr.rel @p2 .LBB2_9-.Ltmp6, $4  }
0x15c: {  	v22 =	vor.u32 v6, v32;
	v29 =	vand.u32 $0x7F8, v17;
	v27 =	vld.idx.msk [tilespmem:v43+s26+$0x0], $0xffff;
	v17 =	vor.u32 v28, v25  }
0x15d: {  	v25 =	vor.u32 v8, v29;
	v29 =	vor.u32 v24, v30;
	[tilespmem:v44+s1+$0x0] =	vst.idx.msk $0xffff, v37;
	v28 =	vld.idx.msk [tilespmem:v26+s26+$0x0], $0xffff  }
0x15e: {  	v30 =	vor.u32 v4, v15;
	v15 =	vand.u32 $0xFF8, v39;
	v26 =	vor.u32 v6, v34;
	[tilespmem:v40+s1+$0x0] =	vst.idx.msk $0xffff, v41  }
0x15f: {  	v14 =	vor.u32 v4, v14;
	v31 =	vand.u32 $0xFF8, v33;
	v32 =	vand.u32 $0xFF8, v30;
	[tilespmem:v42+s1+$0x0] =	vst.idx.msk $0xffff, v35;
	v30 =	vld.idx.msk [tilespmem:v45+s26+$0x0], $0xffff  }
0x160: {  	_ =	sdelay $0x3  }
0x161: {  	[tilespmem:v11+s1+$0x0] =	vst.idx.msk $0xffff, v23  }
0x162: {  	v9 =	vld.idx.msk [tilespmem:v9+s26+$0x0], $0xffff;
	v60 =	vor.u32 v19, v32;
	[tilespmem:v25+s1+$0x0] =	vst.idx.msk $0xffff, v13  }
0x163: {  	[tilespmem:v20+s1+$0x0] =	vst.idx.msk $0xffff, v18;
	v61 =	vld.idx.msk [tilespmem:v16+s26+$0x0], $0xffff  }
0x164: {  	v8 =	vor.u32 v8, v31;
	v14 =	vand.u32 $0xFF8, v14;
	[tilespmem:v12+s1+$0x0] =	vst.idx.msk $0xffff, v27;
	v63 =	vld.idx.msk [tilespmem:v22+s26+$0x0], $0xffff  }
0x165: {  	v7 =	vor.u32 v7, v14;
	[tilespmem:v29+s1+$0x0] =	vst.idx.msk $0xffff, v28;
	v10 =	vld.idx.msk [tilespmem:v10+s26+$0x0], $0xffff  }
0x166: {  	v15 =	vor.u32 v24, v15;
	v62 =	vld.idx.msk [tilespmem:v26+s26+$0x0], $0xffff;
	[tilespmem:v21+s1+$0x0] =	vst.idx.msk $0xffff, v30  }
0x167: {  	[tilespmem:v60+s1+$0x0] =	vst.idx.msk $0xffff, v9  }
0x168: {  	[tilespmem:v17+s1+$0x0] =	vst.idx.msk $0xffff, v61  }
0x169: {  	[tilespmem:v8+s1+$0x0] =	vst.idx.msk $0xffff, v63  }
0x16a: {  	[tilespmem:v7+s1+$0x0] =	vst.idx.msk $0xffff, v10  }
0x16b: {  	[tilespmem:v15+s1+$0x0] =	vst.idx.msk $0xffff, v62  }
0x16c: {  	s12 =	rddreg [dreg:$0x4]  }
0x16d: {  	s22 =	rddreg [dreg:$0x5];
	s12 =	sadd.s32 s25, s12  }
0x16e: {  	[hbm4b:s12+s2] =	stream.linear.scatter [tilespmem:s1], [sflag:$0xC], $0x400, $0x38;
	[tilespmem:$0x1A400] =	vst v63  }
0x16f: {  	s12 =	sadd.s32 s25, s22;
	s22 =	simm.s32 $0x11800  }
0x170: {  	[hbm4b:s12+s2] =	stream.linear.scatter [tilespmem:s22], [sflag:$0xC], $0x400, $0x38;
	[tilespmem:$0x1A400] =	vst v63  }
.Ltmp7:
0x171: {  	s23 =	rddreg [dreg:$0x6];
	(pc) =	sbr.rel @p1 .LBB2_12-.Ltmp7, $4  }
0x172: {  	s24 =	simm.s32 $0x11C00;
	s29 =	rddreg [dreg:$0x7];
	s12 =	sadd.s32 s25, s23  }
0x173: {  	[hbm4b:s12+s2] =	stream.linear.scatter [tilespmem:s24], [sflag:$0xC], $0x400, $0x38;
	[tilespmem:$0x1A400] =	vst v63  }
0x174: {  	s30 =	simm.s32 $0x12000;
	s12 =	sadd.s32 s25, s29;
	s24 =	simm.s32 $0x80  }
0x175: {  	[hbm4b:s12+s2] =	stream.linear.scatter [tilespmem:s30], [sflag:$0xC], $0x400, $0x38;
	[tilespmem:$0x1A400] =	vst v63  }
.Ltmp8:
0x176: {  	(pc) =	sbr.rel .LBB2_13-.Ltmp8, $4  }
0x177: {  	s12 =	simm.s32 $0x3  }
0x178: {  	_ =	swait.ge [sflag:s12], $0x1000  }
0x179: {  	[sflag:s12] =	ssyncset.done $0x0  }
0x17a: {  	[sflag:s12] =	ssyncadd.s32 $0xFFFFF000  }
.LBB2_12:
0x17b: {  	s12 =	smul.u32 $0x1400, s17;
	_ =	sdelay $0x1  }
0x17c: {  	s22 =	simm.s32 $0x7400;
	s12 =	sshra.s32 s12, $0x2  }
.Ltmp9:
0x17d: {  	s30 =	simm.s32 $0x3;
	s12 =	sadd.s32 $0x580, s12;
	(pc) =	sbr.rel @p0 .LBB2_14-.Ltmp9, $4  }
0x17e: {  	[tilespmem:s22], [sflag:$0x2] =	stream.indirect.gather [hbm4b:s3+s24], $0x20, s12, s24, $0xb8;
	[tilespmem:$0x1A400] =	vst v63  }
0x17f: {  	_ =	swait.ge [sflag:s30], $0x1000  }
0x180: {  	[sflag:s30] =	ssyncset.done $0x0  }
0x181: {  	[sflag:s30] =	ssyncadd.s32 $0xFFFFF000  }
.LBB2_13:
0x182: {  	s12 =	simm.s32 $0xD  }
0x183: {  	_ =	swait.ge [sflag:s12], $0x400  }
0x184: {  	[sflag:s12] =	ssyncset.done $0x0  }
0x185: {  	[sflag:s12] =	ssyncadd.s32 $0xFFFFFC00  }
0x186: {  	_ =	swait.ge [sflag:s12], $0x400  }
0x187: {  	[sflag:s12] =	ssyncset.done $0x0  }
0x188: {  	[sflag:s12] =	ssyncadd.s32 $0xFFFFFC00  }
0x189: {  	_ =	swait.ge [sflag:s12], $0x400  }
0x18a: {  	[sflag:s12] =	ssyncset.done $0x0  }
0x18b: {  	[sflag:s12] =	ssyncadd.s32 $0xFFFFFC00  }
0x18c: {  	_ =	swait.ge [sflag:s12], $0x400  }
0x18d: {  	[sflag:s12] =	ssyncset.done $0x0  }
0x18e: {  	[sflag:s12] =	ssyncadd.s32 $0xFFFFFC00  }
.LBB2_14:
0x18f: {  	s12 =	simm.s32 $0x0  }
0x190: {  	s29 =	simm.s32 $0x1;
	s22 =	simm.s32 $0x2;
	s23 =	simm.s32 $0x3;
	v7 =	vadd.s32 s12, v0  }
0x191: {  	s25 =	simm.s32 $0x5;
	v14 =	vadd.s32 s29, v0;
	v15 =	vadd.s32 s22, v0;
	v16 =	vadd.s32 s23, v0;
	s23 =	simm.s32 $0x4  }
0x192: {  	v20 =	vadd.s32 s25, v0;
	s29 =	simm.s32 $0x6;
	v17 =	vand.u32 $0x7F, v7;
	v19 =	vadd.s32 s23, v0  }
0x193: {  	v22 =	vadd.s32 s29, v0;
	v13 =	vand.u32 $0x7, v14;
	v12 =	vand.u32 $0x7, v15  }
0x194: {  	v11 =	vand.u32 $0x7, v16;
	v9 =	vand.u32 $0x7, v20;
	v24 =	vand.u32 $0x7F, v14  }
0x195: {  	v32 =	vand.u32 $0x7F, v15;
	v33 =	vand.u32 $0x7F, v16;
	v26 =	vand.u32 $0x7F, v20  }
0x196: {  	v7 =	vor.u32 v4, v17;
	v10 =	vand.u32 $0x7, v19;
	v18 =	vor.u32 v1, v17  }
0x197: {  	v8 =	vand.u32 $0x7, v22;
	v23 =	vshll.u32 v17, $0x5;
	v31 =	vand.u32 $0x7F, v19  }
0x198: {  	v21 =	vor.u32 v4, v24;
	v19 =	vor.u32 v4, v32;
	v25 =	vand.u32 $0x7F, v22  }
0x199: {  	v17 =	vor.u32 v4, v33;
	v15 =	vor.u32 v4, v26;
	v28 =	vor.u32 v1, v24  }
0x19a: {  	v29 =	vor.u32 v1, v32;
	v24 =	vshll.u32 v24, $0x5;
	v30 =	vor.u32 v1, v33  }
0x19b: {  	s30 =	simm.s32 $0x7;
	s25 =	simm.s32 $0x8;
	v16 =	vor.u32 v4, v31;
	v14 =	vor.u32 v4, v25;
	v27 =	vor.u32 v1, v31  }
.LBB2_15:
0x19c: {  	p2 =	slt.u32 s25, $0x78;
	v32 =	vshll.u32 v32, $0x5;
	v33 =	vshll.u32 v33, $0x5;
	v22 =	vadd.s32 s30, v0  }
0x19d: {  	v31 =	vshll.u32 v31, $0x5;
	v34 =	vshll.u32 v26, $0x5;
	v35 =	vand.u32 $0x7F, v22  }
0x19e: {  	v20 =	vor.u32 $0x2000, v0;
	v36 =	vshll.u32 v25, $0x5;
	v37 =	vshll.u32 v35, $0x5  }
0x19f: {  	v38 =	vor.u32 v20, v24;
	v39 =	vor.u32 v20, v32;
	v40 =	vor.u32 v20, v37  }
0x1a0: {  	v41 =	vor.u32 v20, v33;
	v42 =	vor.u32 v20, v31;
	v43 =	vor.u32 v20, v34  }
0x1a1: {  	v26 =	vor.u32 v1, v26;
	v44 =	vor.u32 v20, v23;
	v45 =	vor.u32 v20, v36  }
0x1a2: {  	v28 =	vand.u32 $0x7F8, v28;
	v29 =	vand.u32 $0x7F8, v29;
	v25 =	vor.u32 v1, v25  }
0x1a3: {  	v30 =	vand.u32 $0x7F8, v30;
	v27 =	vand.u32 $0x7F8, v27;
	v46 =	vor.u32 v1, v35  }
0x1a4: {  	v28 =	vor.u32 v13, v28;
	v47 =	vand.u32 $0x7, v22;
	v46 =	vand.u32 $0x7F8, v46;
	v40 =	vld.idx.msk [tilespmem:v40+s26+$0x0], $0xffff  }
0x1a5: {  	v22 =	vor.u32 $0x2010, v0;
	v29 =	vor.u32 v12, v29;
	v46 =	vor.u32 v47, v46;
	v38 =	vld.idx.msk [tilespmem:v38+s26+$0x0], $0xffff  }
0x1a6: {  	v24 =	vor.u32 v22, v24;
	v32 =	vor.u32 v22, v32;
	v37 =	vor.u32 v22, v37;
	v39 =	vld.idx.msk [tilespmem:v39+s26+$0x0], $0xffff  }
0x1a7: {  	v33 =	vor.u32 v22, v33;
	v31 =	vor.u32 v22, v31;
	v34 =	vor.u32 v22, v34;
	v41 =	vld.idx.msk [tilespmem:v41+s26+$0x0], $0xffff  }
0x1a8: {  	v30 =	vor.u32 v11, v30;
	v23 =	vor.u32 v22, v23;
	v36 =	vor.u32 v22, v36;
	v42 =	vld.idx.msk [tilespmem:v42+s26+$0x0], $0xffff  }
0x1a9: {  	v27 =	vor.u32 v10, v27;
	v26 =	vand.u32 $0x7F8, v26;
	v25 =	vand.u32 $0x7F8, v25;
	v43 =	vld.idx.msk [tilespmem:v43+s26+$0x0], $0xffff  }
0x1aa: {  	v26 =	vor.u32 v9, v26;
	v35 =	vor.u32 v4, v35;
	v45 =	vld.idx.msk [tilespmem:v45+s26+$0x0], $0xffff;
	[tilespmem:v46+s5+$0x0] =	vst.idx.msk $0xffff, v40  }
0x1ab: {  	v25 =	vor.u32 v8, v25;
	v35 =	vand.u32 $0xFF8, v35;
	[tilespmem:v28+s5+$0x0] =	vst.idx.msk $0xffff, v38;
	v28 =	vld.idx.msk [tilespmem:v37+s26+$0x0], $0xffff  }
0x1ac: {  	v18 =	vand.u32 $0x7F8, v18;
	v37 =	vadd.s32 s25, v0;
	v38 =	vld.idx.msk [tilespmem:v44+s26+$0x0], $0xffff;
	[tilespmem:v29+s5+$0x0] =	vst.idx.msk $0xffff, v39;
	v29 =	vor.u32 v47, v35  }
0x1ad: {  	s12 =	sadd.s32 $0x1, s25;
	v21 =	vand.u32 $0xFF8, v21;
	v18 =	vor.u32 v2, v18;
	v35 =	vand.u32 $0x7F, v37;
	v24 =	vld.idx.msk [tilespmem:v24+s26+$0x0], $0xffff;
	[tilespmem:v30+s5+$0x0] =	vst.idx.msk $0xffff, v41  }
0x1ae: {  	v19 =	vand.u32 $0xFF8, v19;
	v13 =	vor.u32 v13, v21;
	v30 =	vadd.s32 s12, v0;
	s12 =	sadd.s32 $0x2, s25;
	v21 =	vld.idx.msk [tilespmem:v32+s26+$0x0], $0xffff;
	[tilespmem:v27+s5+$0x0] =	vst.idx.msk $0xffff, v42  }
0x1af: {  	v17 =	vand.u32 $0xFF8, v17;
	v12 =	vor.u32 v12, v19;
	v27 =	vadd.s32 s12, v0;
	s12 =	sadd.s32 $0x3, s25;
	v19 =	vld.idx.msk [tilespmem:v33+s26+$0x0], $0xffff;
	[tilespmem:v26+s5+$0x0] =	vst.idx.msk $0xffff, v43  }
0x1b0: {  	v17 =	vor.u32 v11, v17;
	v11 =	vand.u32 $0xFF8, v16;
	v26 =	vadd.s32 s12, v0;
	s12 =	sadd.s32 $0x4, s25;
	v31 =	vld.idx.msk [tilespmem:v31+s26+$0x0], $0xffff;
	[tilespmem:v25+s5+$0x0] =	vst.idx.msk $0xffff, v45  }
0x1b1: {  	v16 =	vadd.s32 s12, v0;
	s12 =	sadd.s32 $0x5, s25;
	v25 =	vor.u32 v10, v11;
	v10 =	vand.u32 $0xFF8, v15;
	v33 =	vld.idx.msk [tilespmem:v34+s26+$0x0], $0xffff;
	[tilespmem:v29+s5+$0x0] =	vst.idx.msk $0xffff, v28  }
0x1b2: {  	v15 =	vadd.s32 s12, v0;
	s12 =	sadd.s32 $0x6, s25;
	v28 =	vor.u32 v9, v10;
	v9 =	vand.u32 $0xFF8, v14;
	[tilespmem:v18+s5+$0x0] =	vst.idx.msk $0xffff, v38;
	v29 =	vld.idx.msk [tilespmem:v36+s26+$0x0], $0xffff  }
0x1b3: {  	v10 =	vand.u32 $0xFF8, v7;
	v14 =	vadd.s32 s12, v0;
	v34 =	vld.idx.msk [tilespmem:v23+s26+$0x0], $0xffff;
	[tilespmem:v13+s5+$0x0] =	vst.idx.msk $0xffff, v24;
	v24 =	vor.u32 v8, v9  }
0x1b4: {  	v7 =	vor.u32 v4, v35;
	v36 =	vor.u32 v2, v10;
	v13 =	vand.u32 $0x7, v30;
	[tilespmem:v12+s5+$0x0] =	vst.idx.msk $0xffff, v21  }
0x1b5: {  	v11 =	vand.u32 $0x7, v26;
	v10 =	vand.u32 $0x7, v16;
	v12 =	vand.u32 $0x7, v27;
	[tilespmem:v17+s5+$0x0] =	vst.idx.msk $0xffff, v19  }
0x1b6: {  	v18 =	vor.u32 v1, v35;
	v9 =	vand.u32 $0x7, v15;
	v8 =	vand.u32 $0x7, v14;
	[tilespmem:v25+s5+$0x0] =	vst.idx.msk $0xffff, v31  }
0x1b7: {  	v32 =	vand.u32 $0x7F, v27;
	v23 =	vshll.u32 v35, $0x5;
	v30 =	vand.u32 $0x7F, v30;
	[tilespmem:v28+s5+$0x0] =	vst.idx.msk $0xffff, v33  }
.Ltmp10:
0x1b8: {  	v31 =	vand.u32 $0x7F, v16;
	v33 =	vand.u32 $0x7F, v26;
	v26 =	vand.u32 $0x7F, v15;
	[tilespmem:v24+s5+$0x0] =	vst.idx.msk $0xffff, v29;
	(pc) =	sbr.rel @p2 .LBB2_15-.Ltmp10, $4  }
0x1b9: {  	v21 =	vor.u32 v4, v30;
	v19 =	vor.u32 v4, v32;
	v25 =	vand.u32 $0x7F, v14;
	[tilespmem:v36+s5+$0x0] =	vst.idx.msk $0xffff, v34  }
0x1ba: {  	v16 =	vor.u32 v4, v31;
	v17 =	vor.u32 v4, v33;
	v15 =	vor.u32 v4, v26  }
0x1bb: {  	v28 =	vor.u32 v1, v30;
	v14 =	vor.u32 v4, v25;
	v29 =	vor.u32 v1, v32  }
0x1bc: {  	s30 =	sadd.s32 $0x7, s25;
	s25 =	sadd.s32 $0x8, s25;
	v27 =	vor.u32 v1, v31;
	v24 =	vshll.u32 v30, $0x5;
	v30 =	vor.u32 v1, v33  }
0x1bd: {  	v34 =	vadd.s32 s30, v0;
	v32 =	vshll.u32 v32, $0x5  }
0x1be: {  	v33 =	vshll.u32 v33, $0x5;
	v31 =	vshll.u32 v31, $0x5;
	v37 =	vshll.u32 v26, $0x5  }
0x1bf: {  	v38 =	vshll.u32 v25, $0x5;
	v40 =	vor.u32 v20, v24;
	v45 =	vor.u32 v20, v23  }
0x1c0: {  	v60 =	vor.u32 v1, v26;
	v28 =	vand.u32 $0x7F8, v28;
	v29 =	vand.u32 $0x7F8, v29  }
0x1c1: {  	v62 =	vor.u32 v1, v25;
	v30 =	vand.u32 $0x7F8, v30;
	v27 =	vand.u32 $0x7F8, v27  }
0x1c2: {  	v63 =	vor.u32 v22, v24;
	v47 =	vor.u32 v22, v23;
	v41 =	vor.u32 v20, v32  }
0x1c3: {  	v18 =	vand.u32 $0x7F8, v18;
	v21 =	vand.u32 $0xFF8, v21;
	v42 =	vor.u32 v20, v33  }
0x1c4: {  	v19 =	vand.u32 $0xFF8, v19;
	v17 =	vand.u32 $0xFF8, v17;
	v43 =	vor.u32 v20, v31  }
0x1c5: {  	v35 =	vand.u32 $0x7F, v34;
	v44 =	vor.u32 v20, v37;
	v28 =	vor.u32 v13, v28;
	v40 =	vld.idx.msk [tilespmem:v40+s26+$0x0], $0xffff  }
0x1c6: {  	v61 =	vor.u32 v20, v38;
	v18 =	vor.u32 v2, v18;
	v36 =	vshll.u32 v35, $0x5;
	v52 =	vld.idx.msk [tilespmem:v45+s26+$0x0], $0xffff  }
0x1c7: {  	v29 =	vor.u32 v12, v29;
	v32 =	vor.u32 v22, v32;
	v39 =	vor.u32 v20, v36;
	v41 =	vld.idx.msk [tilespmem:v41+s26+$0x0], $0xffff  }
0x1c8: {  	v33 =	vor.u32 v22, v33;
	v31 =	vor.u32 v22, v31;
	v30 =	vor.u32 v11, v30;
	v42 =	vld.idx.msk [tilespmem:v42+s26+$0x0], $0xffff  }
0x1c9: {  	v27 =	vor.u32 v10, v27;
	v26 =	vand.u32 $0x7F8, v60;
	v25 =	vand.u32 $0x7F8, v62;
	v43 =	vld.idx.msk [tilespmem:v43+s26+$0x0], $0xffff  }
0x1ca: {  	v46 =	vor.u32 v1, v35;
	v26 =	vor.u32 v9, v26;
	v49 =	vld.idx.msk [tilespmem:v44+s26+$0x0], $0xffff;
	[tilespmem:v28+s5+$0x0] =	vst.idx.msk $0xffff, v40  }
0x1cb: {  	v34 =	vand.u32 $0x7, v34;
	v25 =	vor.u32 v8, v25;
	v46 =	vand.u32 $0x7F8, v46;
	v20 =	vld.idx.msk [tilespmem:v61+s26+$0x0], $0xffff;
	[tilespmem:v18+s5+$0x0] =	vst.idx.msk $0xffff, v52  }
0x1cc: {  	v37 =	vor.u32 v22, v37;
	v46 =	vor.u32 v34, v46;
	v39 =	vld.idx.msk [tilespmem:v39+s26+$0x0], $0xffff;
	[tilespmem:v29+s5+$0x0] =	vst.idx.msk $0xffff, v41  }
0x1cd: {  	v53 =	vor.u32 v13, v21;
	v36 =	vor.u32 v22, v36;
	[tilespmem:v30+s5+$0x0] =	vst.idx.msk $0xffff, v42;
	v24 =	vld.idx.msk [tilespmem:v63+s26+$0x0], $0xffff  }
0x1ce: {  	v16 =	vand.u32 $0xFF8, v16;
	v15 =	vand.u32 $0xFF8, v15;
	v55 =	vor.u32 v12, v19;
	[tilespmem:v27+s5+$0x0] =	vst.idx.msk $0xffff, v43;
	v54 =	vld.idx.msk [tilespmem:v32+s26+$0x0], $0xffff  }
0x1cf: {  	v48 =	vor.u32 v22, v38;
	v57 =	vor.u32 v11, v17;
	[tilespmem:v26+s5+$0x0] =	vst.idx.msk $0xffff, v49;
	v56 =	vld.idx.msk [tilespmem:v33+s26+$0x0], $0xffff  }
0x1d0: {  	v59 =	vor.u32 v10, v16;
	v35 =	vor.u32 v4, v35;
	[tilespmem:v25+s5+$0x0] =	vst.idx.msk $0xffff, v20;
	v58 =	vld.idx.msk [tilespmem:v31+s26+$0x0], $0xffff  }
0x1d1: {  	v50 =	vand.u32 $0xFF8, v35;
	v61 =	vor.u32 v9, v15;
	v60 =	vld.idx.msk [tilespmem:v37+s26+$0x0], $0xffff;
	[tilespmem:v46+s5+$0x0] =	vst.idx.msk $0xffff, v39  }
0x1d2: {  	v28 =	vor.u32 v34, v50;
	v51 =	vld.idx.msk [tilespmem:v36+s26+$0x0], $0xffff;
	[tilespmem:v53+s5+$0x0] =	vst.idx.msk $0xffff, v24  }
0x1d3: {  	[tilespmem:v55+s5+$0x0] =	vst.idx.msk $0xffff, v54  }
0x1d4: {  	v14 =	vand.u32 $0xFF8, v14;
	[tilespmem:v57+s5+$0x0] =	vst.idx.msk $0xffff, v56  }
0x1d5: {  	v7 =	vand.u32 $0xFF8, v7;
	v8 =	vor.u32 v8, v14;
	v62 =	vld.idx.msk [tilespmem:v48+s26+$0x0], $0xffff;
	[tilespmem:v59+s5+$0x0] =	vst.idx.msk $0xffff, v58  }
0x1d6: {  	v7 =	vor.u32 v2, v7;
	v63 =	vld.idx.msk [tilespmem:v47+s26+$0x0], $0xffff;
	[tilespmem:v61+s5+$0x0] =	vst.idx.msk $0xffff, v60  }
0x1d7: {  	[tilespmem:v28+s5+$0x0] =	vst.idx.msk $0xffff, v51  }
0x1d8: {  	s12 =	rddreg [dreg:$0x8]  }
0x1d9: {  	s12 =	sadd.s32 s12, s20  }
0x1da: {  	[tilespmem:v8+s5+$0x0] =	vst.idx.msk $0xffff, v62;
	s12 =	sshrl.u32 s12, $0x3  }
0x1db: {  	[tilespmem:v7+s5+$0x0] =	vst.idx.msk $0xffff, v63;
	s22 =	sadd.s32 s4, s12  }
0x1dc: {  	[hbm4b:s22+s2] =	stream.linear.scatter [tilespmem:s5], [sflag:$0xD], $0x400, $0x38;
	[tilespmem:$0x1A400] =	vst v63  }
0x1dd: {  	s23 =	simm.s32 $0x12800;
	s30 =	sadd.s32 s12, s7  }
0x1de: {  	[hbm4b:s30+s2] =	stream.linear.scatter [tilespmem:s23], [sflag:$0xD], $0x400, $0x38;
	[tilespmem:$0x1A400] =	vst v63  }
.Ltmp11:
0x1df: {  	_ = 	snop;
	(pc) =	sbr.rel @p1 .LBB2_18-.Ltmp11, $4  }
0x1e0: {  	s29 =	simm.s32 $0x12C00;
	s25 =	sadd.s32 s12, s8  }
0x1e1: {  	[hbm4b:s25+s2] =	stream.linear.scatter [tilespmem:s29], [sflag:$0xD], $0x400, $0x38;
	[tilespmem:$0x1A400] =	vst v63  }
0x1e2: {  	s12 =	sadd.s32 s12, s9;
	s30 =	simm.s32 $0x13000  }
0x1e3: {  	[hbm4b:s12+s2] =	stream.linear.scatter [tilespmem:s30], [sflag:$0xD], $0x400, $0x38;
	[tilespmem:$0x1A400] =	vst v63  }
.Ltmp12:
0x1e4: {  	(pc) =	sbr.rel .LBB2_19-.Ltmp12, $4  }
0x1e5: {  	s12 =	simm.s32 $0x4  }
0x1e6: {  	_ =	swait.ge [sflag:s12], $0x1000  }
0x1e7: {  	[sflag:s12] =	ssyncset.done $0x0  }
0x1e8: {  	[sflag:s12] =	ssyncadd.s32 $0xFFFFF000  }
.LBB2_18:
0x1e9: {  	s12 =	smul.u32 $0x1400, s17;
	_ =	sdelay $0x1  }
0x1ea: {  	s22 =	simm.s32 $0x8400;
	s12 =	sshra.s32 s12, $0x2  }
.Ltmp13:
0x1eb: {  	s30 =	simm.s32 $0x4;
	s12 =	sadd.s32 $0x600, s12;
	(pc) =	sbr.rel @p0 .LBB2_20-.Ltmp13, $4  }
0x1ec: {  	[tilespmem:s22], [sflag:$0x3] =	stream.indirect.gather [hbm4b:s3+s24], $0x20, s12, s24, $0xb8;
	[tilespmem:$0x1A400] =	vst v63  }
0x1ed: {  	_ =	swait.ge [sflag:s30], $0x1000  }
0x1ee: {  	[sflag:s30] =	ssyncset.done $0x0  }
0x1ef: {  	[sflag:s30] =	ssyncadd.s32 $0xFFFFF000  }
.LBB2_19:
0x1f0: {  	s12 =	simm.s32 $0xE  }
0x1f1: {  	_ =	swait.ge [sflag:s12], $0x400  }
0x1f2: {  	[sflag:s12] =	ssyncset.done $0x0  }
0x1f3: {  	[sflag:s12] =	ssyncadd.s32 $0xFFFFFC00  }
0x1f4: {  	_ =	swait.ge [sflag:s12], $0x400  }
0x1f5: {  	[sflag:s12] =	ssyncset.done $0x0  }
0x1f6: {  	[sflag:s12] =	ssyncadd.s32 $0xFFFFFC00  }
0x1f7: {  	_ =	swait.ge [sflag:s12], $0x400  }
0x1f8: {  	[sflag:s12] =	ssyncset.done $0x0  }
0x1f9: {  	[sflag:s12] =	ssyncadd.s32 $0xFFFFFC00  }
0x1fa: {  	_ =	swait.ge [sflag:s12], $0x400  }
0x1fb: {  	[sflag:s12] =	ssyncset.done $0x0  }
0x1fc: {  	[sflag:s12] =	ssyncadd.s32 $0xFFFFFC00  }
.LBB2_20:
0x1fd: {  	s12 =	simm.s32 $0x0  }
0x1fe: {  	s29 =	simm.s32 $0x1;
	s22 =	simm.s32 $0x2;
	s23 =	simm.s32 $0x3;
	v7 =	vadd.s32 s12, v0  }
0x1ff: {  	s25 =	simm.s32 $0x5;
	v14 =	vadd.s32 s29, v0;
	v15 =	vadd.s32 s22, v0;
	v16 =	vadd.s32 s23, v0;
	s23 =	simm.s32 $0x4  }
0x200: {  	v20 =	vadd.s32 s25, v0;
	s29 =	simm.s32 $0x6;
	v17 =	vand.u32 $0x7F, v7;
	v19 =	vadd.s32 s23, v0  }
0x201: {  	v22 =	vadd.s32 s29, v0;
	v13 =	vand.u32 $0x7, v14;
	v12 =	vand.u32 $0x7, v15  }
0x202: {  	v11 =	vand.u32 $0x7, v16;
	v9 =	vand.u32 $0x7, v20;
	v24 =	vand.u32 $0x7F, v14  }
0x203: {  	v32 =	vand.u32 $0x7F, v15;
	v33 =	vand.u32 $0x7F, v16;
	v26 =	vand.u32 $0x7F, v20  }
0x204: {  	v7 =	vor.u32 v4, v17;
	v10 =	vand.u32 $0x7, v19;
	v18 =	vor.u32 v1, v17  }
0x205: {  	v8 =	vand.u32 $0x7, v22;
	v23 =	vshll.u32 v17, $0x5;
	v31 =	vand.u32 $0x7F, v19  }
0x206: {  	v21 =	vor.u32 v4, v24;
	v19 =	vor.u32 v4, v32;
	v25 =	vand.u32 $0x7F, v22  }
0x207: {  	v17 =	vor.u32 v4, v33;
	v15 =	vor.u32 v4, v26;
	v28 =	vor.u32 v1, v24  }
0x208: {  	v29 =	vor.u32 v1, v32;
	v24 =	vshll.u32 v24, $0x5;
	v30 =	vor.u32 v1, v33  }
0x209: {  	s30 =	simm.s32 $0x7;
	s25 =	simm.s32 $0x8;
	v16 =	vor.u32 v4, v31;
	v14 =	vor.u32 v4, v25;
	v27 =	vor.u32 v1, v31  }
.LBB2_21:
0x20a: {  	p2 =	slt.u32 s25, $0x78;
	v32 =	vshll.u32 v32, $0x5;
	v33 =	vshll.u32 v33, $0x5;
	v22 =	vadd.s32 s30, v0  }
0x20b: {  	v31 =	vshll.u32 v31, $0x5;
	v34 =	vshll.u32 v26, $0x5;
	v35 =	vand.u32 $0x7F, v22  }
0x20c: {  	v20 =	vor.u32 $0x3000, v0;
	v36 =	vshll.u32 v25, $0x5;
	v37 =	vshll.u32 v35, $0x5  }
0x20d: {  	v38 =	vor.u32 v20, v24;
	v39 =	vor.u32 v20, v32;
	v40 =	vor.u32 v20, v37  }
0x20e: {  	v41 =	vor.u32 v20, v33;
	v42 =	vor.u32 v20, v31;
	v43 =	vor.u32 v20, v34  }
0x20f: {  	v26 =	vor.u32 v1, v26;
	v44 =	vor.u32 v20, v23;
	v45 =	vor.u32 v20, v36  }
0x210: {  	v28 =	vand.u32 $0x7F8, v28;
	v29 =	vand.u32 $0x7F8, v29;
	v25 =	vor.u32 v1, v25  }
0x211: {  	v30 =	vand.u32 $0x7F8, v30;
	v27 =	vand.u32 $0x7F8, v27;
	v46 =	vor.u32 v1, v35  }
0x212: {  	v28 =	vor.u32 v13, v28;
	v47 =	vand.u32 $0x7, v22;
	v46 =	vand.u32 $0x7F8, v46;
	v40 =	vld.idx.msk [tilespmem:v40+s26+$0x0], $0xffff  }
0x213: {  	v22 =	vor.u32 $0x3010, v0;
	v29 =	vor.u32 v12, v29;
	v46 =	vor.u32 v47, v46;
	v38 =	vld.idx.msk [tilespmem:v38+s26+$0x0], $0xffff  }
0x214: {  	v24 =	vor.u32 v22, v24;
	v32 =	vor.u32 v22, v32;
	v37 =	vor.u32 v22, v37;
	v39 =	vld.idx.msk [tilespmem:v39+s26+$0x0], $0xffff  }
0x215: {  	v33 =	vor.u32 v22, v33;
	v31 =	vor.u32 v22, v31;
	v34 =	vor.u32 v22, v34;
	v41 =	vld.idx.msk [tilespmem:v41+s26+$0x0], $0xffff  }
0x216: {  	v30 =	vor.u32 v11, v30;
	v23 =	vor.u32 v22, v23;
	v36 =	vor.u32 v22, v36;
	v42 =	vld.idx.msk [tilespmem:v42+s26+$0x0], $0xffff  }
0x217: {  	v27 =	vor.u32 v10, v27;
	v26 =	vand.u32 $0x7F8, v26;
	v25 =	vand.u32 $0x7F8, v25;
	v43 =	vld.idx.msk [tilespmem:v43+s26+$0x0], $0xffff  }
0x218: {  	v26 =	vor.u32 v9, v26;
	v35 =	vor.u32 v4, v35;
	v45 =	vld.idx.msk [tilespmem:v45+s26+$0x0], $0xffff;
	[tilespmem:v46+s10+$0x0] =	vst.idx.msk $0xffff, v40  }
0x219: {  	v25 =	vor.u32 v8, v25;
	v35 =	vand.u32 $0xFF8, v35;
	[tilespmem:v28+s10+$0x0] =	vst.idx.msk $0xffff, v38;
	v28 =	vld.idx.msk [tilespmem:v37+s26+$0x0], $0xffff  }
0x21a: {  	v18 =	vand.u32 $0x7F8, v18;
	v37 =	vadd.s32 s25, v0;
	v38 =	vld.idx.msk [tilespmem:v44+s26+$0x0], $0xffff;
	[tilespmem:v29+s10+$0x0] =	vst.idx.msk $0xffff, v39;
	v29 =	vor.u32 v47, v35  }
0x21b: {  	s12 =	sadd.s32 $0x1, s25;
	v21 =	vand.u32 $0xFF8, v21;
	v18 =	vor.u32 v2, v18;
	v35 =	vand.u32 $0x7F, v37;
	v24 =	vld.idx.msk [tilespmem:v24+s26+$0x0], $0xffff;
	[tilespmem:v30+s10+$0x0] =	vst.idx.msk $0xffff, v41  }
0x21c: {  	v19 =	vand.u32 $0xFF8, v19;
	v13 =	vor.u32 v13, v21;
	v30 =	vadd.s32 s12, v0;
	s12 =	sadd.s32 $0x2, s25;
	v21 =	vld.idx.msk [tilespmem:v32+s26+$0x0], $0xffff;
	[tilespmem:v27+s10+$0x0] =	vst.idx.msk $0xffff, v42  }
0x21d: {  	v17 =	vand.u32 $0xFF8, v17;
	v12 =	vor.u32 v12, v19;
	v27 =	vadd.s32 s12, v0;
	s12 =	sadd.s32 $0x3, s25;
	v19 =	vld.idx.msk [tilespmem:v33+s26+$0x0], $0xffff;
	[tilespmem:v26+s10+$0x0] =	vst.idx.msk $0xffff, v43  }
0x21e: {  	v17 =	vor.u32 v11, v17;
	v11 =	vand.u32 $0xFF8, v16;
	v26 =	vadd.s32 s12, v0;
	s12 =	sadd.s32 $0x4, s25;
	v31 =	vld.idx.msk [tilespmem:v31+s26+$0x0], $0xffff;
	[tilespmem:v25+s10+$0x0] =	vst.idx.msk $0xffff, v45  }
0x21f: {  	v16 =	vadd.s32 s12, v0;
	s12 =	sadd.s32 $0x5, s25;
	v25 =	vor.u32 v10, v11;
	v10 =	vand.u32 $0xFF8, v15;
	v33 =	vld.idx.msk [tilespmem:v34+s26+$0x0], $0xffff;
	[tilespmem:v29+s10+$0x0] =	vst.idx.msk $0xffff, v28  }
0x220: {  	v15 =	vadd.s32 s12, v0;
	s12 =	sadd.s32 $0x6, s25;
	v28 =	vor.u32 v9, v10;
	v9 =	vand.u32 $0xFF8, v14;
	[tilespmem:v18+s10+$0x0] =	vst.idx.msk $0xffff, v38;
	v29 =	vld.idx.msk [tilespmem:v36+s26+$0x0], $0xffff  }
0x221: {  	v10 =	vand.u32 $0xFF8, v7;
	v14 =	vadd.s32 s12, v0;
	v34 =	vld.idx.msk [tilespmem:v23+s26+$0x0], $0xffff;
	[tilespmem:v13+s10+$0x0] =	vst.idx.msk $0xffff, v24;
	v24 =	vor.u32 v8, v9  }
0x222: {  	v7 =	vor.u32 v4, v35;
	v36 =	vor.u32 v2, v10;
	v13 =	vand.u32 $0x7, v30;
	[tilespmem:v12+s10+$0x0] =	vst.idx.msk $0xffff, v21  }
0x223: {  	v11 =	vand.u32 $0x7, v26;
	v10 =	vand.u32 $0x7, v16;
	v12 =	vand.u32 $0x7, v27;
	[tilespmem:v17+s10+$0x0] =	vst.idx.msk $0xffff, v19  }
0x224: {  	v18 =	vor.u32 v1, v35;
	v9 =	vand.u32 $0x7, v15;
	v8 =	vand.u32 $0x7, v14;
	[tilespmem:v25+s10+$0x0] =	vst.idx.msk $0xffff, v31  }
0x225: {  	v32 =	vand.u32 $0x7F, v27;
	v23 =	vshll.u32 v35, $0x5;
	v30 =	vand.u32 $0x7F, v30;
	[tilespmem:v28+s10+$0x0] =	vst.idx.msk $0xffff, v33  }
.Ltmp14:
0x226: {  	v31 =	vand.u32 $0x7F, v16;
	v33 =	vand.u32 $0x7F, v26;
	v26 =	vand.u32 $0x7F, v15;
	[tilespmem:v24+s10+$0x0] =	vst.idx.msk $0xffff, v29;
	(pc) =	sbr.rel @p2 .LBB2_21-.Ltmp14, $4  }
0x227: {  	v21 =	vor.u32 v4, v30;
	v19 =	vor.u32 v4, v32;
	v25 =	vand.u32 $0x7F, v14;
	[tilespmem:v36+s10+$0x0] =	vst.idx.msk $0xffff, v34  }
0x228: {  	v16 =	vor.u32 v4, v31;
	v17 =	vor.u32 v4, v33;
	v15 =	vor.u32 v4, v26  }
0x229: {  	v28 =	vor.u32 v1, v30;
	v14 =	vor.u32 v4, v25;
	v29 =	vor.u32 v1, v32  }
0x22a: {  	s30 =	sadd.s32 $0x7, s25;
	s25 =	sadd.s32 $0x8, s25;
	v27 =	vor.u32 v1, v31;
	v24 =	vshll.u32 v30, $0x5;
	v30 =	vor.u32 v1, v33  }
0x22b: {  	v34 =	vadd.s32 s30, v0;
	v32 =	vshll.u32 v32, $0x5  }
0x22c: {  	v33 =	vshll.u32 v33, $0x5;
	v31 =	vshll.u32 v31, $0x5;
	v37 =	vshll.u32 v26, $0x5  }
0x22d: {  	v38 =	vshll.u32 v25, $0x5;
	v40 =	vor.u32 v20, v24;
	v45 =	vor.u32 v20, v23  }
0x22e: {  	v60 =	vor.u32 v1, v26;
	v28 =	vand.u32 $0x7F8, v28;
	v29 =	vand.u32 $0x7F8, v29  }
0x22f: {  	v62 =	vor.u32 v1, v25;
	v30 =	vand.u32 $0x7F8, v30;
	v27 =	vand.u32 $0x7F8, v27  }
0x230: {  	v63 =	vor.u32 v22, v24;
	v47 =	vor.u32 v22, v23;
	v41 =	vor.u32 v20, v32  }
0x231: {  	v18 =	vand.u32 $0x7F8, v18;
	v21 =	vand.u32 $0xFF8, v21;
	v42 =	vor.u32 v20, v33  }
0x232: {  	v19 =	vand.u32 $0xFF8, v19;
	v17 =	vand.u32 $0xFF8, v17;
	v43 =	vor.u32 v20, v31  }
0x233: {  	v35 =	vand.u32 $0x7F, v34;
	v44 =	vor.u32 v20, v37;
	v28 =	vor.u32 v13, v28;
	v40 =	vld.idx.msk [tilespmem:v40+s26+$0x0], $0xffff  }
0x234: {  	v61 =	vor.u32 v20, v38;
	v18 =	vor.u32 v2, v18;
	v36 =	vshll.u32 v35, $0x5;
	v52 =	vld.idx.msk [tilespmem:v45+s26+$0x0], $0xffff  }
0x235: {  	v29 =	vor.u32 v12, v29;
	v32 =	vor.u32 v22, v32;
	v39 =	vor.u32 v20, v36;
	v41 =	vld.idx.msk [tilespmem:v41+s26+$0x0], $0xffff  }
0x236: {  	v33 =	vor.u32 v22, v33;
	v31 =	vor.u32 v22, v31;
	v30 =	vor.u32 v11, v30;
	v42 =	vld.idx.msk [tilespmem:v42+s26+$0x0], $0xffff  }
0x237: {  	v27 =	vor.u32 v10, v27;
	v26 =	vand.u32 $0x7F8, v60;
	v25 =	vand.u32 $0x7F8, v62;
	v43 =	vld.idx.msk [tilespmem:v43+s26+$0x0], $0xffff  }
0x238: {  	v46 =	vor.u32 v1, v35;
	v26 =	vor.u32 v9, v26;
	v49 =	vld.idx.msk [tilespmem:v44+s26+$0x0], $0xffff;
	[tilespmem:v28+s10+$0x0] =	vst.idx.msk $0xffff, v40  }
0x239: {  	v34 =	vand.u32 $0x7, v34;
	v25 =	vor.u32 v8, v25;
	v46 =	vand.u32 $0x7F8, v46;
	v20 =	vld.idx.msk [tilespmem:v61+s26+$0x0], $0xffff;
	[tilespmem:v18+s10+$0x0] =	vst.idx.msk $0xffff, v52  }
0x23a: {  	v37 =	vor.u32 v22, v37;
	v46 =	vor.u32 v34, v46;
	v39 =	vld.idx.msk [tilespmem:v39+s26+$0x0], $0xffff;
	[tilespmem:v29+s10+$0x0] =	vst.idx.msk $0xffff, v41  }
0x23b: {  	v53 =	vor.u32 v13, v21;
	v36 =	vor.u32 v22, v36;
	[tilespmem:v30+s10+$0x0] =	vst.idx.msk $0xffff, v42;
	v24 =	vld.idx.msk [tilespmem:v63+s26+$0x0], $0xffff  }
0x23c: {  	v16 =	vand.u32 $0xFF8, v16;
	v15 =	vand.u32 $0xFF8, v15;
	v55 =	vor.u32 v12, v19;
	[tilespmem:v27+s10+$0x0] =	vst.idx.msk $0xffff, v43;
	v54 =	vld.idx.msk [tilespmem:v32+s26+$0x0], $0xffff  }
0x23d: {  	v48 =	vor.u32 v22, v38;
	v57 =	vor.u32 v11, v17;
	[tilespmem:v26+s10+$0x0] =	vst.idx.msk $0xffff, v49;
	v56 =	vld.idx.msk [tilespmem:v33+s26+$0x0], $0xffff  }
0x23e: {  	v59 =	vor.u32 v10, v16;
	v35 =	vor.u32 v4, v35;
	[tilespmem:v25+s10+$0x0] =	vst.idx.msk $0xffff, v20;
	v58 =	vld.idx.msk [tilespmem:v31+s26+$0x0], $0xffff  }
0x23f: {  	v50 =	vand.u32 $0xFF8, v35;
	v61 =	vor.u32 v9, v15;
	v60 =	vld.idx.msk [tilespmem:v37+s26+$0x0], $0xffff;
	[tilespmem:v46+s10+$0x0] =	vst.idx.msk $0xffff, v39  }
0x240: {  	v28 =	vor.u32 v34, v50;
	v51 =	vld.idx.msk [tilespmem:v36+s26+$0x0], $0xffff;
	[tilespmem:v53+s10+$0x0] =	vst.idx.msk $0xffff, v24  }
0x241: {  	[tilespmem:v55+s10+$0x0] =	vst.idx.msk $0xffff, v54  }
0x242: {  	v14 =	vand.u32 $0xFF8, v14;
	[tilespmem:v57+s10+$0x0] =	vst.idx.msk $0xffff, v56  }
0x243: {  	v7 =	vand.u32 $0xFF8, v7;
	v8 =	vor.u32 v8, v14;
	v62 =	vld.idx.msk [tilespmem:v48+s26+$0x0], $0xffff;
	[tilespmem:v59+s10+$0x0] =	vst.idx.msk $0xffff, v58  }
0x244: {  	v7 =	vor.u32 v2, v7;
	v63 =	vld.idx.msk [tilespmem:v47+s26+$0x0], $0xffff;
	[tilespmem:v61+s10+$0x0] =	vst.idx.msk $0xffff, v60  }
0x245: {  	[tilespmem:v28+s10+$0x0] =	vst.idx.msk $0xffff, v51  }
0x246: {  	s12 =	rddreg [dreg:$0x9]  }
0x247: {  	s12 =	sadd.s32 s12, s20  }
0x248: {  	[tilespmem:v8+s10+$0x0] =	vst.idx.msk $0xffff, v62;
	s12 =	sshrl.u32 s12, $0x3  }
0x249: {  	[tilespmem:v7+s10+$0x0] =	vst.idx.msk $0xffff, v63;
	s22 =	sadd.s32 s4, s12  }
0x24a: {  	[hbm4b:s22+s2] =	stream.linear.scatter [tilespmem:s10], [sflag:$0xE], $0x400, $0x38;
	[tilespmem:$0x1A400] =	vst v63  }
0x24b: {  	s23 =	simm.s32 $0x13800;
	s30 =	sadd.s32 s12, s7  }
0x24c: {  	[hbm4b:s30+s2] =	stream.linear.scatter [tilespmem:s23], [sflag:$0xE], $0x400, $0x38;
	[tilespmem:$0x1A400] =	vst v63  }
.Ltmp15:
0x24d: {  	_ = 	snop;
	(pc) =	sbr.rel @p1 .LBB2_24-.Ltmp15, $4  }
0x24e: {  	s29 =	simm.s32 $0x13C00;
	s25 =	sadd.s32 s12, s8  }
0x24f: {  	[hbm4b:s25+s2] =	stream.linear.scatter [tilespmem:s29], [sflag:$0xE], $0x400, $0x38;
	[tilespmem:$0x1A400] =	vst v63  }
0x250: {  	s12 =	sadd.s32 s12, s9;
	s30 =	simm.s32 $0x14000  }
0x251: {  	[hbm4b:s12+s2] =	stream.linear.scatter [tilespmem:s30], [sflag:$0xE], $0x400, $0x38;
	[tilespmem:$0x1A400] =	vst v63  }
.Ltmp16:
0x252: {  	(pc) =	sbr.rel .LBB2_25-.Ltmp16, $4  }
0x253: {  	s12 =	simm.s32 $0x5  }
0x254: {  	_ =	swait.ge [sflag:s12], $0x1000  }
0x255: {  	[sflag:s12] =	ssyncset.done $0x0  }
0x256: {  	[sflag:s12] =	ssyncadd.s32 $0xFFFFF000  }
.LBB2_24:
0x257: {  	s12 =	smul.u32 $0x1400, s17;
	_ =	sdelay $0x1  }
0x258: {  	s22 =	simm.s32 $0x9400;
	s12 =	sshra.s32 s12, $0x2  }
.Ltmp17:
0x259: {  	s30 =	simm.s32 $0x5;
	s12 =	sadd.s32 $0x680, s12;
	(pc) =	sbr.rel @p0 .LBB2_26-.Ltmp17, $4  }
0x25a: {  	[tilespmem:s22], [sflag:$0x4] =	stream.indirect.gather [hbm4b:s3+s24], $0x20, s12, s24, $0xb8;
	[tilespmem:$0x1A400] =	vst v63  }
0x25b: {  	_ =	swait.ge [sflag:s30], $0x1000  }
0x25c: {  	[sflag:s30] =	ssyncset.done $0x0  }
0x25d: {  	[sflag:s30] =	ssyncadd.s32 $0xFFFFF000  }
.LBB2_25:
0x25e: {  	s12 =	simm.s32 $0xF  }
0x25f: {  	_ =	swait.ge [sflag:s12], $0x400  }
0x260: {  	[sflag:s12] =	ssyncset.done $0x0  }
0x261: {  	[sflag:s12] =	ssyncadd.s32 $0xFFFFFC00  }
0x262: {  	_ =	swait.ge [sflag:s12], $0x400  }
0x263: {  	[sflag:s12] =	ssyncset.done $0x0  }
0x264: {  	[sflag:s12] =	ssyncadd.s32 $0xFFFFFC00  }
0x265: {  	_ =	swait.ge [sflag:s12], $0x400  }
0x266: {  	[sflag:s12] =	ssyncset.done $0x0  }
0x267: {  	[sflag:s12] =	ssyncadd.s32 $0xFFFFFC00  }
0x268: {  	_ =	swait.ge [sflag:s12], $0x400  }
0x269: {  	[sflag:s12] =	ssyncset.done $0x0  }
0x26a: {  	[sflag:s12] =	ssyncadd.s32 $0xFFFFFC00  }
.LBB2_26:
0x26b: {  	s12 =	simm.s32 $0x0  }
0x26c: {  	s29 =	simm.s32 $0x1;
	s22 =	simm.s32 $0x2;
	s23 =	simm.s32 $0x3;
	v7 =	vadd.s32 s12, v0  }
0x26d: {  	s25 =	simm.s32 $0x5;
	v14 =	vadd.s32 s29, v0;
	v15 =	vadd.s32 s22, v0;
	v16 =	vadd.s32 s23, v0;
	s23 =	simm.s32 $0x4  }
0x26e: {  	v20 =	vadd.s32 s25, v0;
	s29 =	simm.s32 $0x6;
	v17 =	vand.u32 $0x7F, v7;
	v19 =	vadd.s32 s23, v0  }
0x26f: {  	v22 =	vadd.s32 s29, v0;
	v13 =	vand.u32 $0x7, v14;
	v12 =	vand.u32 $0x7, v15  }
0x270: {  	v11 =	vand.u32 $0x7, v16;
	v9 =	vand.u32 $0x7, v20;
	v24 =	vand.u32 $0x7F, v14  }
0x271: {  	v32 =	vand.u32 $0x7F, v15;
	v33 =	vand.u32 $0x7F, v16;
	v26 =	vand.u32 $0x7F, v20  }
0x272: {  	v7 =	vor.u32 v4, v17;
	v10 =	vand.u32 $0x7, v19;
	v18 =	vor.u32 v1, v17  }
0x273: {  	v8 =	vand.u32 $0x7, v22;
	v23 =	vshll.u32 v17, $0x5;
	v31 =	vand.u32 $0x7F, v19  }
0x274: {  	v21 =	vor.u32 v4, v24;
	v19 =	vor.u32 v4, v32;
	v25 =	vand.u32 $0x7F, v22  }
0x275: {  	v17 =	vor.u32 v4, v33;
	v15 =	vor.u32 v4, v26;
	v28 =	vor.u32 v1, v24  }
0x276: {  	v29 =	vor.u32 v1, v32;
	v24 =	vshll.u32 v24, $0x5;
	v30 =	vor.u32 v1, v33  }
0x277: {  	s30 =	simm.s32 $0x7;
	s25 =	simm.s32 $0x8;
	v16 =	vor.u32 v4, v31;
	v14 =	vor.u32 v4, v25;
	v27 =	vor.u32 v1, v31  }
.LBB2_27:
0x278: {  	p2 =	slt.u32 s25, $0x78;
	v32 =	vshll.u32 v32, $0x5;
	v33 =	vshll.u32 v33, $0x5;
	v22 =	vadd.s32 s30, v0  }
0x279: {  	v31 =	vshll.u32 v31, $0x5;
	v34 =	vshll.u32 v26, $0x5;
	v35 =	vand.u32 $0x7F, v22  }
0x27a: {  	v20 =	vor.u32 $0x4000, v0;
	v36 =	vshll.u32 v25, $0x5;
	v37 =	vshll.u32 v35, $0x5  }
0x27b: {  	v38 =	vor.u32 v20, v24;
	v39 =	vor.u32 v20, v32;
	v40 =	vor.u32 v20, v37  }
0x27c: {  	v41 =	vor.u32 v20, v33;
	v42 =	vor.u32 v20, v31;
	v43 =	vor.u32 v20, v34  }
0x27d: {  	v26 =	vor.u32 v1, v26;
	v44 =	vor.u32 v20, v23;
	v45 =	vor.u32 v20, v36  }
0x27e: {  	v28 =	vand.u32 $0x7F8, v28;
	v29 =	vand.u32 $0x7F8, v29;
	v25 =	vor.u32 v1, v25  }
0x27f: {  	v30 =	vand.u32 $0x7F8, v30;
	v27 =	vand.u32 $0x7F8, v27;
	v46 =	vor.u32 v1, v35  }
0x280: {  	v28 =	vor.u32 v13, v28;
	v47 =	vand.u32 $0x7, v22;
	v46 =	vand.u32 $0x7F8, v46;
	v40 =	vld.idx.msk [tilespmem:v40+s26+$0x0], $0xffff  }
0x281: {  	v22 =	vor.u32 $0x4010, v0;
	v29 =	vor.u32 v12, v29;
	v46 =	vor.u32 v47, v46;
	v38 =	vld.idx.msk [tilespmem:v38+s26+$0x0], $0xffff  }
0x282: {  	v24 =	vor.u32 v22, v24;
	v32 =	vor.u32 v22, v32;
	v37 =	vor.u32 v22, v37;
	v39 =	vld.idx.msk [tilespmem:v39+s26+$0x0], $0xffff  }
0x283: {  	v33 =	vor.u32 v22, v33;
	v31 =	vor.u32 v22, v31;
	v34 =	vor.u32 v22, v34;
	v41 =	vld.idx.msk [tilespmem:v41+s26+$0x0], $0xffff  }
0x284: {  	v30 =	vor.u32 v11, v30;
	v23 =	vor.u32 v22, v23;
	v36 =	vor.u32 v22, v36;
	v42 =	vld.idx.msk [tilespmem:v42+s26+$0x0], $0xffff  }
0x285: {  	v27 =	vor.u32 v10, v27;
	v26 =	vand.u32 $0x7F8, v26;
	v25 =	vand.u32 $0x7F8, v25;
	v43 =	vld.idx.msk [tilespmem:v43+s26+$0x0], $0xffff  }
0x286: {  	v26 =	vor.u32 v9, v26;
	v35 =	vor.u32 v4, v35;
	v45 =	vld.idx.msk [tilespmem:v45+s26+$0x0], $0xffff;
	[tilespmem:v46+s13+$0x0] =	vst.idx.msk $0xffff, v40  }
0x287: {  	v25 =	vor.u32 v8, v25;
	v35 =	vand.u32 $0xFF8, v35;
	[tilespmem:v28+s13+$0x0] =	vst.idx.msk $0xffff, v38;
	v28 =	vld.idx.msk [tilespmem:v37+s26+$0x0], $0xffff  }
0x288: {  	v18 =	vand.u32 $0x7F8, v18;
	v37 =	vadd.s32 s25, v0;
	v38 =	vld.idx.msk [tilespmem:v44+s26+$0x0], $0xffff;
	[tilespmem:v29+s13+$0x0] =	vst.idx.msk $0xffff, v39;
	v29 =	vor.u32 v47, v35  }
0x289: {  	s12 =	sadd.s32 $0x1, s25;
	v21 =	vand.u32 $0xFF8, v21;
	v18 =	vor.u32 v2, v18;
	v35 =	vand.u32 $0x7F, v37;
	v24 =	vld.idx.msk [tilespmem:v24+s26+$0x0], $0xffff;
	[tilespmem:v30+s13+$0x0] =	vst.idx.msk $0xffff, v41  }
0x28a: {  	v19 =	vand.u32 $0xFF8, v19;
	v13 =	vor.u32 v13, v21;
	v30 =	vadd.s32 s12, v0;
	s12 =	sadd.s32 $0x2, s25;
	v21 =	vld.idx.msk [tilespmem:v32+s26+$0x0], $0xffff;
	[tilespmem:v27+s13+$0x0] =	vst.idx.msk $0xffff, v42  }
0x28b: {  	v17 =	vand.u32 $0xFF8, v17;
	v12 =	vor.u32 v12, v19;
	v27 =	vadd.s32 s12, v0;
	s12 =	sadd.s32 $0x3, s25;
	v19 =	vld.idx.msk [tilespmem:v33+s26+$0x0], $0xffff;
	[tilespmem:v26+s13+$0x0] =	vst.idx.msk $0xffff, v43  }
0x28c: {  	v17 =	vor.u32 v11, v17;
	v11 =	vand.u32 $0xFF8, v16;
	v26 =	vadd.s32 s12, v0;
	s12 =	sadd.s32 $0x4, s25;
	v31 =	vld.idx.msk [tilespmem:v31+s26+$0x0], $0xffff;
	[tilespmem:v25+s13+$0x0] =	vst.idx.msk $0xffff, v45  }
0x28d: {  	v16 =	vadd.s32 s12, v0;
	s12 =	sadd.s32 $0x5, s25;
	v25 =	vor.u32 v10, v11;
	v10 =	vand.u32 $0xFF8, v15;
	v33 =	vld.idx.msk [tilespmem:v34+s26+$0x0], $0xffff;
	[tilespmem:v29+s13+$0x0] =	vst.idx.msk $0xffff, v28  }
0x28e: {  	v15 =	vadd.s32 s12, v0;
	s12 =	sadd.s32 $0x6, s25;
	v28 =	vor.u32 v9, v10;
	v9 =	vand.u32 $0xFF8, v14;
	[tilespmem:v18+s13+$0x0] =	vst.idx.msk $0xffff, v38;
	v29 =	vld.idx.msk [tilespmem:v36+s26+$0x0], $0xffff  }
0x28f: {  	v10 =	vand.u32 $0xFF8, v7;
	v14 =	vadd.s32 s12, v0;
	v34 =	vld.idx.msk [tilespmem:v23+s26+$0x0], $0xffff;
	[tilespmem:v13+s13+$0x0] =	vst.idx.msk $0xffff, v24;
	v24 =	vor.u32 v8, v9  }
0x290: {  	v7 =	vor.u32 v4, v35;
	v36 =	vor.u32 v2, v10;
	v13 =	vand.u32 $0x7, v30;
	[tilespmem:v12+s13+$0x0] =	vst.idx.msk $0xffff, v21  }
0x291: {  	v11 =	vand.u32 $0x7, v26;
	v10 =	vand.u32 $0x7, v16;
	v12 =	vand.u32 $0x7, v27;
	[tilespmem:v17+s13+$0x0] =	vst.idx.msk $0xffff, v19  }
0x292: {  	v18 =	vor.u32 v1, v35;
	v9 =	vand.u32 $0x7, v15;
	v8 =	vand.u32 $0x7, v14;
	[tilespmem:v25+s13+$0x0] =	vst.idx.msk $0xffff, v31  }
0x293: {  	v32 =	vand.u32 $0x7F, v27;
	v23 =	vshll.u32 v35, $0x5;
	v30 =	vand.u32 $0x7F, v30;
	[tilespmem:v28+s13+$0x0] =	vst.idx.msk $0xffff, v33  }
.Ltmp18:
0x294: {  	v31 =	vand.u32 $0x7F, v16;
	v33 =	vand.u32 $0x7F, v26;
	v26 =	vand.u32 $0x7F, v15;
	[tilespmem:v24+s13+$0x0] =	vst.idx.msk $0xffff, v29;
	(pc) =	sbr.rel @p2 .LBB2_27-.Ltmp18, $4  }
0x295: {  	v21 =	vor.u32 v4, v30;
	v19 =	vor.u32 v4, v32;
	v25 =	vand.u32 $0x7F, v14;
	[tilespmem:v36+s13+$0x0] =	vst.idx.msk $0xffff, v34  }
0x296: {  	v16 =	vor.u32 v4, v31;
	v17 =	vor.u32 v4, v33;
	v15 =	vor.u32 v4, v26  }
0x297: {  	v28 =	vor.u32 v1, v30;
	v14 =	vor.u32 v4, v25;
	v29 =	vor.u32 v1, v32  }
0x298: {  	s30 =	sadd.s32 $0x7, s25;
	s25 =	sadd.s32 $0x8, s25;
	v27 =	vor.u32 v1, v31;
	v24 =	vshll.u32 v30, $0x5;
	v30 =	vor.u32 v1, v33  }
0x299: {  	v34 =	vadd.s32 s30, v0;
	v32 =	vshll.u32 v32, $0x5  }
0x29a: {  	v33 =	vshll.u32 v33, $0x5;
	v31 =	vshll.u32 v31, $0x5;
	v37 =	vshll.u32 v26, $0x5  }
0x29b: {  	v38 =	vshll.u32 v25, $0x5;
	v40 =	vor.u32 v20, v24;
	v45 =	vor.u32 v20, v23  }
0x29c: {  	v60 =	vor.u32 v1, v26;
	v28 =	vand.u32 $0x7F8, v28;
	v29 =	vand.u32 $0x7F8, v29  }
0x29d: {  	v62 =	vor.u32 v1, v25;
	v30 =	vand.u32 $0x7F8, v30;
	v27 =	vand.u32 $0x7F8, v27  }
0x29e: {  	v63 =	vor.u32 v22, v24;
	v47 =	vor.u32 v22, v23;
	v41 =	vor.u32 v20, v32  }
0x29f: {  	v18 =	vand.u32 $0x7F8, v18;
	v21 =	vand.u32 $0xFF8, v21;
	v42 =	vor.u32 v20, v33  }
0x2a0: {  	v19 =	vand.u32 $0xFF8, v19;
	v17 =	vand.u32 $0xFF8, v17;
	v43 =	vor.u32 v20, v31  }
0x2a1: {  	v35 =	vand.u32 $0x7F, v34;
	v44 =	vor.u32 v20, v37;
	v28 =	vor.u32 v13, v28;
	v40 =	vld.idx.msk [tilespmem:v40+s26+$0x0], $0xffff  }
0x2a2: {  	v61 =	vor.u32 v20, v38;
	v18 =	vor.u32 v2, v18;
	v36 =	vshll.u32 v35, $0x5;
	v52 =	vld.idx.msk [tilespmem:v45+s26+$0x0], $0xffff  }
0x2a3: {  	v29 =	vor.u32 v12, v29;
	v32 =	vor.u32 v22, v32;
	v39 =	vor.u32 v20, v36;
	v41 =	vld.idx.msk [tilespmem:v41+s26+$0x0], $0xffff  }
0x2a4: {  	v33 =	vor.u32 v22, v33;
	v31 =	vor.u32 v22, v31;
	v30 =	vor.u32 v11, v30;
	v42 =	vld.idx.msk [tilespmem:v42+s26+$0x0], $0xffff  }
0x2a5: {  	v27 =	vor.u32 v10, v27;
	v26 =	vand.u32 $0x7F8, v60;
	v25 =	vand.u32 $0x7F8, v62;
	v43 =	vld.idx.msk [tilespmem:v43+s26+$0x0], $0xffff  }
0x2a6: {  	v46 =	vor.u32 v1, v35;
	v26 =	vor.u32 v9, v26;
	v49 =	vld.idx.msk [tilespmem:v44+s26+$0x0], $0xffff;
	[tilespmem:v28+s13+$0x0] =	vst.idx.msk $0xffff, v40  }
0x2a7: {  	v34 =	vand.u32 $0x7, v34;
	v25 =	vor.u32 v8, v25;
	v46 =	vand.u32 $0x7F8, v46;
	v20 =	vld.idx.msk [tilespmem:v61+s26+$0x0], $0xffff;
	[tilespmem:v18+s13+$0x0] =	vst.idx.msk $0xffff, v52  }
0x2a8: {  	v37 =	vor.u32 v22, v37;
	v46 =	vor.u32 v34, v46;
	v39 =	vld.idx.msk [tilespmem:v39+s26+$0x0], $0xffff;
	[tilespmem:v29+s13+$0x0] =	vst.idx.msk $0xffff, v41  }
0x2a9: {  	v53 =	vor.u32 v13, v21;
	v36 =	vor.u32 v22, v36;
	[tilespmem:v30+s13+$0x0] =	vst.idx.msk $0xffff, v42;
	v24 =	vld.idx.msk [tilespmem:v63+s26+$0x0], $0xffff  }
0x2aa: {  	v16 =	vand.u32 $0xFF8, v16;
	v15 =	vand.u32 $0xFF8, v15;
	v55 =	vor.u32 v12, v19;
	[tilespmem:v27+s13+$0x0] =	vst.idx.msk $0xffff, v43;
	v54 =	vld.idx.msk [tilespmem:v32+s26+$0x0], $0xffff  }
0x2ab: {  	v48 =	vor.u32 v22, v38;
	v57 =	vor.u32 v11, v17;
	[tilespmem:v26+s13+$0x0] =	vst.idx.msk $0xffff, v49;
	v56 =	vld.idx.msk [tilespmem:v33+s26+$0x0], $0xffff  }
0x2ac: {  	v59 =	vor.u32 v10, v16;
	v35 =	vor.u32 v4, v35;
	[tilespmem:v25+s13+$0x0] =	vst.idx.msk $0xffff, v20;
	v58 =	vld.idx.msk [tilespmem:v31+s26+$0x0], $0xffff  }
0x2ad: {  	v50 =	vand.u32 $0xFF8, v35;
	v61 =	vor.u32 v9, v15;
	v60 =	vld.idx.msk [tilespmem:v37+s26+$0x0], $0xffff;
	[tilespmem:v46+s13+$0x0] =	vst.idx.msk $0xffff, v39  }
0x2ae: {  	v28 =	vor.u32 v34, v50;
	v51 =	vld.idx.msk [tilespmem:v36+s26+$0x0], $0xffff;
	[tilespmem:v53+s13+$0x0] =	vst.idx.msk $0xffff, v24  }
0x2af: {  	[tilespmem:v55+s13+$0x0] =	vst.idx.msk $0xffff, v54  }
0x2b0: {  	v14 =	vand.u32 $0xFF8, v14;
	[tilespmem:v57+s13+$0x0] =	vst.idx.msk $0xffff, v56  }
0x2b1: {  	v7 =	vand.u32 $0xFF8, v7;
	v8 =	vor.u32 v8, v14;
	v62 =	vld.idx.msk [tilespmem:v48+s26+$0x0], $0xffff;
	[tilespmem:v59+s13+$0x0] =	vst.idx.msk $0xffff, v58  }
0x2b2: {  	v7 =	vor.u32 v2, v7;
	v63 =	vld.idx.msk [tilespmem:v47+s26+$0x0], $0xffff;
	[tilespmem:v61+s13+$0x0] =	vst.idx.msk $0xffff, v60  }
0x2b3: {  	[tilespmem:v28+s13+$0x0] =	vst.idx.msk $0xffff, v51  }
0x2b4: {  	s12 =	rddreg [dreg:$0xa]  }
0x2b5: {  	s12 =	sadd.s32 s12, s20  }
0x2b6: {  	[tilespmem:v8+s13+$0x0] =	vst.idx.msk $0xffff, v62;
	s12 =	sshrl.u32 s12, $0x3  }
0x2b7: {  	[tilespmem:v7+s13+$0x0] =	vst.idx.msk $0xffff, v63;
	s22 =	sadd.s32 s4, s12  }
0x2b8: {  	[hbm4b:s22+s2] =	stream.linear.scatter [tilespmem:s13], [sflag:$0xF], $0x400, $0x38;
	[tilespmem:$0x1A400] =	vst v63  }
0x2b9: {  	s23 =	simm.s32 $0x14800;
	s30 =	sadd.s32 s12, s7  }
0x2ba: {  	[hbm4b:s30+s2] =	stream.linear.scatter [tilespmem:s23], [sflag:$0xF], $0x400, $0x38;
	[tilespmem:$0x1A400] =	vst v63  }
.Ltmp19:
0x2bb: {  	_ = 	snop;
	(pc) =	sbr.rel @p1 .LBB2_30-.Ltmp19, $4  }
0x2bc: {  	s29 =	simm.s32 $0x14C00;
	s25 =	sadd.s32 s12, s8  }
0x2bd: {  	[hbm4b:s25+s2] =	stream.linear.scatter [tilespmem:s29], [sflag:$0xF], $0x400, $0x38;
	[tilespmem:$0x1A400] =	vst v63  }
0x2be: {  	s12 =	sadd.s32 s12, s9;
	s30 =	simm.s32 $0x15000  }
0x2bf: {  	[hbm4b:s12+s2] =	stream.linear.scatter [tilespmem:s30], [sflag:$0xF], $0x400, $0x38;
	[tilespmem:$0x1A400] =	vst v63  }
.Ltmp20:
0x2c0: {  	(pc) =	sbr.rel .LBB2_31-.Ltmp20, $4  }
0x2c1: {  	s12 =	simm.s32 $0x6  }
0x2c2: {  	_ =	swait.ge [sflag:s12], $0x1000  }
0x2c3: {  	[sflag:s12] =	ssyncset.done $0x0  }
0x2c4: {  	[sflag:s12] =	ssyncadd.s32 $0xFFFFF000  }
.LBB2_30:
0x2c5: {  	s12 =	smul.u32 $0x1400, s17;
	_ =	sdelay $0x1  }
0x2c6: {  	s22 =	simm.s32 $0xA400;
	s12 =	sshra.s32 s12, $0x2  }
.Ltmp21:
0x2c7: {  	s30 =	simm.s32 $0x6;
	s12 =	sadd.s32 $0x700, s12;
	(pc) =	sbr.rel @p0 .LBB2_32-.Ltmp21, $4  }
0x2c8: {  	[tilespmem:s22], [sflag:$0x5] =	stream.indirect.gather [hbm4b:s3+s24], $0x20, s12, s24, $0xb8;
	[tilespmem:$0x1A400] =	vst v63  }
0x2c9: {  	_ =	swait.ge [sflag:s30], $0x1000  }
0x2ca: {  	[sflag:s30] =	ssyncset.done $0x0  }
0x2cb: {  	[sflag:s30] =	ssyncadd.s32 $0xFFFFF000  }
.LBB2_31:
0x2cc: {  	_ =	swait.ge [sflag:s15], $0x400  }
0x2cd: {  	[sflag:s15] =	ssyncset.done $0x0  }
0x2ce: {  	[sflag:s15] =	ssyncadd.s32 $0xFFFFFC00  }
0x2cf: {  	_ =	swait.ge [sflag:s15], $0x400  }
0x2d0: {  	[sflag:s15] =	ssyncset.done $0x0  }
0x2d1: {  	[sflag:s15] =	ssyncadd.s32 $0xFFFFFC00  }
0x2d2: {  	_ =	swait.ge [sflag:s15], $0x400  }
0x2d3: {  	[sflag:s15] =	ssyncset.done $0x0  }
0x2d4: {  	[sflag:s15] =	ssyncadd.s32 $0xFFFFFC00  }
0x2d5: {  	_ =	swait.ge [sflag:s15], $0x400  }
0x2d6: {  	[sflag:s15] =	ssyncset.done $0x0  }
0x2d7: {  	[sflag:s15] =	ssyncadd.s32 $0xFFFFFC00  }
.LBB2_32:
0x2d8: {  	s12 =	simm.s32 $0x0  }
0x2d9: {  	s29 =	simm.s32 $0x1;
	s22 =	simm.s32 $0x2;
	s23 =	simm.s32 $0x3;
	v7 =	vadd.s32 s12, v0  }
0x2da: {  	s25 =	simm.s32 $0x5;
	v14 =	vadd.s32 s29, v0;
	v15 =	vadd.s32 s22, v0;
	v16 =	vadd.s32 s23, v0;
	s23 =	simm.s32 $0x4  }
0x2db: {  	v20 =	vadd.s32 s25, v0;
	s29 =	simm.s32 $0x6;
	v17 =	vand.u32 $0x7F, v7;
	v19 =	vadd.s32 s23, v0  }
0x2dc: {  	v22 =	vadd.s32 s29, v0;
	v13 =	vand.u32 $0x7, v14;
	v12 =	vand.u32 $0x7, v15  }
0x2dd: {  	v11 =	vand.u32 $0x7, v16;
	v9 =	vand.u32 $0x7, v20;
	v24 =	vand.u32 $0x7F, v14  }
0x2de: {  	v32 =	vand.u32 $0x7F, v15;
	v33 =	vand.u32 $0x7F, v16;
	v26 =	vand.u32 $0x7F, v20  }
0x2df: {  	v7 =	vor.u32 v4, v17;
	v10 =	vand.u32 $0x7, v19;
	v18 =	vor.u32 v1, v17  }
0x2e0: {  	v8 =	vand.u32 $0x7, v22;
	v23 =	vshll.u32 v17, $0x5;
	v31 =	vand.u32 $0x7F, v19  }
0x2e1: {  	v21 =	vor.u32 v4, v24;
	v19 =	vor.u32 v4, v32;
	v25 =	vand.u32 $0x7F, v22  }
0x2e2: {  	v17 =	vor.u32 v4, v33;
	v15 =	vor.u32 v4, v26;
	v28 =	vor.u32 v1, v24  }
0x2e3: {  	v29 =	vor.u32 v1, v32;
	v24 =	vshll.u32 v24, $0x5;
	v30 =	vor.u32 v1, v33  }
0x2e4: {  	s30 =	simm.s32 $0x7;
	s25 =	simm.s32 $0x8;
	v16 =	vor.u32 v4, v31;
	v14 =	vor.u32 v4, v25;
	v27 =	vor.u32 v1, v31  }
.LBB2_33:
0x2e5: {  	p2 =	slt.u32 s25, $0x78;
	v32 =	vshll.u32 v32, $0x5;
	v33 =	vshll.u32 v33, $0x5;
	v22 =	vadd.s32 s30, v0  }
0x2e6: {  	v31 =	vshll.u32 v31, $0x5;
	v34 =	vshll.u32 v26, $0x5;
	v35 =	vand.u32 $0x7F, v22  }
0x2e7: {  	v20 =	vor.u32 $0x5000, v0;
	v36 =	vshll.u32 v25, $0x5;
	v37 =	vshll.u32 v35, $0x5  }
0x2e8: {  	v38 =	vor.u32 v20, v24;
	v39 =	vor.u32 v20, v32;
	v40 =	vor.u32 v20, v37  }
0x2e9: {  	v41 =	vor.u32 v20, v33;
	v42 =	vor.u32 v20, v31;
	v43 =	vor.u32 v20, v34  }
0x2ea: {  	v26 =	vor.u32 v1, v26;
	v44 =	vor.u32 v20, v23;
	v45 =	vor.u32 v20, v36  }
0x2eb: {  	v28 =	vand.u32 $0x7F8, v28;
	v29 =	vand.u32 $0x7F8, v29;
	v25 =	vor.u32 v1, v25  }
0x2ec: {  	v30 =	vand.u32 $0x7F8, v30;
	v27 =	vand.u32 $0x7F8, v27;
	v46 =	vor.u32 v1, v35  }
0x2ed: {  	v28 =	vor.u32 v13, v28;
	v47 =	vand.u32 $0x7, v22;
	v46 =	vand.u32 $0x7F8, v46;
	v40 =	vld.idx.msk [tilespmem:v40+s26+$0x0], $0xffff  }
0x2ee: {  	v22 =	vor.u32 $0x5010, v0;
	v29 =	vor.u32 v12, v29;
	v46 =	vor.u32 v47, v46;
	v38 =	vld.idx.msk [tilespmem:v38+s26+$0x0], $0xffff  }
0x2ef: {  	v24 =	vor.u32 v22, v24;
	v32 =	vor.u32 v22, v32;
	v37 =	vor.u32 v22, v37;
	v39 =	vld.idx.msk [tilespmem:v39+s26+$0x0], $0xffff  }
0x2f0: {  	v33 =	vor.u32 v22, v33;
	v31 =	vor.u32 v22, v31;
	v34 =	vor.u32 v22, v34;
	v41 =	vld.idx.msk [tilespmem:v41+s26+$0x0], $0xffff  }
0x2f1: {  	v30 =	vor.u32 v11, v30;
	v23 =	vor.u32 v22, v23;
	v36 =	vor.u32 v22, v36;
	v42 =	vld.idx.msk [tilespmem:v42+s26+$0x0], $0xffff  }
0x2f2: {  	v27 =	vor.u32 v10, v27;
	v26 =	vand.u32 $0x7F8, v26;
	v25 =	vand.u32 $0x7F8, v25;
	v43 =	vld.idx.msk [tilespmem:v43+s26+$0x0], $0xffff  }
0x2f3: {  	v26 =	vor.u32 v9, v26;
	v35 =	vor.u32 v4, v35;
	v45 =	vld.idx.msk [tilespmem:v45+s26+$0x0], $0xffff;
	[tilespmem:v46+s16+$0x0] =	vst.idx.msk $0xffff, v40  }
0x2f4: {  	v25 =	vor.u32 v8, v25;
	v35 =	vand.u32 $0xFF8, v35;
	[tilespmem:v28+s16+$0x0] =	vst.idx.msk $0xffff, v38;
	v28 =	vld.idx.msk [tilespmem:v37+s26+$0x0], $0xffff  }
0x2f5: {  	v18 =	vand.u32 $0x7F8, v18;
	v37 =	vadd.s32 s25, v0;
	v38 =	vld.idx.msk [tilespmem:v44+s26+$0x0], $0xffff;
	[tilespmem:v29+s16+$0x0] =	vst.idx.msk $0xffff, v39;
	v29 =	vor.u32 v47, v35  }
0x2f6: {  	s12 =	sadd.s32 $0x1, s25;
	v21 =	vand.u32 $0xFF8, v21;
	v18 =	vor.u32 v2, v18;
	v35 =	vand.u32 $0x7F, v37;
	v24 =	vld.idx.msk [tilespmem:v24+s26+$0x0], $0xffff;
	[tilespmem:v30+s16+$0x0] =	vst.idx.msk $0xffff, v41  }
0x2f7: {  	v19 =	vand.u32 $0xFF8, v19;
	v13 =	vor.u32 v13, v21;
	v30 =	vadd.s32 s12, v0;
	s12 =	sadd.s32 $0x2, s25;
	v21 =	vld.idx.msk [tilespmem:v32+s26+$0x0], $0xffff;
	[tilespmem:v27+s16+$0x0] =	vst.idx.msk $0xffff, v42  }
0x2f8: {  	v17 =	vand.u32 $0xFF8, v17;
	v12 =	vor.u32 v12, v19;
	v27 =	vadd.s32 s12, v0;
	s12 =	sadd.s32 $0x3, s25;
	v19 =	vld.idx.msk [tilespmem:v33+s26+$0x0], $0xffff;
	[tilespmem:v26+s16+$0x0] =	vst.idx.msk $0xffff, v43  }
0x2f9: {  	v17 =	vor.u32 v11, v17;
	v11 =	vand.u32 $0xFF8, v16;
	v26 =	vadd.s32 s12, v0;
	s12 =	sadd.s32 $0x4, s25;
	v31 =	vld.idx.msk [tilespmem:v31+s26+$0x0], $0xffff;
	[tilespmem:v25+s16+$0x0] =	vst.idx.msk $0xffff, v45  }
0x2fa: {  	v16 =	vadd.s32 s12, v0;
	s12 =	sadd.s32 $0x5, s25;
	v25 =	vor.u32 v10, v11;
	v10 =	vand.u32 $0xFF8, v15;
	v33 =	vld.idx.msk [tilespmem:v34+s26+$0x0], $0xffff;
	[tilespmem:v29+s16+$0x0] =	vst.idx.msk $0xffff, v28  }
0x2fb: {  	v15 =	vadd.s32 s12, v0;
	s12 =	sadd.s32 $0x6, s25;
	v28 =	vor.u32 v9, v10;
	v9 =	vand.u32 $0xFF8, v14;
	[tilespmem:v18+s16+$0x0] =	vst.idx.msk $0xffff, v38;
	v29 =	vld.idx.msk [tilespmem:v36+s26+$0x0], $0xffff  }
0x2fc: {  	v10 =	vand.u32 $0xFF8, v7;
	v14 =	vadd.s32 s12, v0;
	v34 =	vld.idx.msk [tilespmem:v23+s26+$0x0], $0xffff;
	[tilespmem:v13+s16+$0x0] =	vst.idx.msk $0xffff, v24;
	v24 =	vor.u32 v8, v9  }
0x2fd: {  	v7 =	vor.u32 v4, v35;
	v36 =	vor.u32 v2, v10;
	v13 =	vand.u32 $0x7, v30;
	[tilespmem:v12+s16+$0x0] =	vst.idx.msk $0xffff, v21  }
0x2fe: {  	v11 =	vand.u32 $0x7, v26;
	v10 =	vand.u32 $0x7, v16;
	v12 =	vand.u32 $0x7, v27;
	[tilespmem:v17+s16+$0x0] =	vst.idx.msk $0xffff, v19  }
0x2ff: {  	v18 =	vor.u32 v1, v35;
	v9 =	vand.u32 $0x7, v15;
	v8 =	vand.u32 $0x7, v14;
	[tilespmem:v25+s16+$0x0] =	vst.idx.msk $0xffff, v31  }
0x300: {  	v32 =	vand.u32 $0x7F, v27;
	v23 =	vshll.u32 v35, $0x5;
	v30 =	vand.u32 $0x7F, v30;
	[tilespmem:v28+s16+$0x0] =	vst.idx.msk $0xffff, v33  }
.Ltmp22:
0x301: {  	v31 =	vand.u32 $0x7F, v16;
	v33 =	vand.u32 $0x7F, v26;
	v26 =	vand.u32 $0x7F, v15;
	[tilespmem:v24+s16+$0x0] =	vst.idx.msk $0xffff, v29;
	(pc) =	sbr.rel @p2 .LBB2_33-.Ltmp22, $4  }
0x302: {  	v21 =	vor.u32 v4, v30;
	v19 =	vor.u32 v4, v32;
	v25 =	vand.u32 $0x7F, v14;
	[tilespmem:v36+s16+$0x0] =	vst.idx.msk $0xffff, v34  }
0x303: {  	v16 =	vor.u32 v4, v31;
	v17 =	vor.u32 v4, v33;
	v15 =	vor.u32 v4, v26  }
0x304: {  	v28 =	vor.u32 v1, v30;
	v14 =	vor.u32 v4, v25;
	v29 =	vor.u32 v1, v32  }
0x305: {  	s30 =	sadd.s32 $0x7, s25;
	s25 =	sadd.s32 $0x8, s25;
	v27 =	vor.u32 v1, v31;
	v24 =	vshll.u32 v30, $0x5;
	v30 =	vor.u32 v1, v33  }
0x306: {  	v34 =	vadd.s32 s30, v0;
	v32 =	vshll.u32 v32, $0x5  }
0x307: {  	v33 =	vshll.u32 v33, $0x5;
	v31 =	vshll.u32 v31, $0x5;
	v37 =	vshll.u32 v26, $0x5  }
0x308: {  	v38 =	vshll.u32 v25, $0x5;
	v40 =	vor.u32 v20, v24;
	v45 =	vor.u32 v20, v23  }
0x309: {  	v60 =	vor.u32 v1, v26;
	v28 =	vand.u32 $0x7F8, v28;
	v29 =	vand.u32 $0x7F8, v29  }
0x30a: {  	v62 =	vor.u32 v1, v25;
	v30 =	vand.u32 $0x7F8, v30;
	v27 =	vand.u32 $0x7F8, v27  }
0x30b: {  	v63 =	vor.u32 v22, v24;
	v47 =	vor.u32 v22, v23;
	v41 =	vor.u32 v20, v32  }
0x30c: {  	v18 =	vand.u32 $0x7F8, v18;
	v21 =	vand.u32 $0xFF8, v21;
	v42 =	vor.u32 v20, v33  }
0x30d: {  	v19 =	vand.u32 $0xFF8, v19;
	v17 =	vand.u32 $0xFF8, v17;
	v43 =	vor.u32 v20, v31  }
0x30e: {  	v35 =	vand.u32 $0x7F, v34;
	v44 =	vor.u32 v20, v37;
	v28 =	vor.u32 v13, v28;
	v40 =	vld.idx.msk [tilespmem:v40+s26+$0x0], $0xffff  }
0x30f: {  	v61 =	vor.u32 v20, v38;
	v18 =	vor.u32 v2, v18;
	v36 =	vshll.u32 v35, $0x5;
	v52 =	vld.idx.msk [tilespmem:v45+s26+$0x0], $0xffff  }
0x310: {  	v29 =	vor.u32 v12, v29;
	v32 =	vor.u32 v22, v32;
	v39 =	vor.u32 v20, v36;
	v41 =	vld.idx.msk [tilespmem:v41+s26+$0x0], $0xffff  }
0x311: {  	v33 =	vor.u32 v22, v33;
	v31 =	vor.u32 v22, v31;
	v30 =	vor.u32 v11, v30;
	v42 =	vld.idx.msk [tilespmem:v42+s26+$0x0], $0xffff  }
0x312: {  	v27 =	vor.u32 v10, v27;
	v26 =	vand.u32 $0x7F8, v60;
	v25 =	vand.u32 $0x7F8, v62;
	v43 =	vld.idx.msk [tilespmem:v43+s26+$0x0], $0xffff  }
0x313: {  	v46 =	vor.u32 v1, v35;
	v26 =	vor.u32 v9, v26;
	v49 =	vld.idx.msk [tilespmem:v44+s26+$0x0], $0xffff;
	[tilespmem:v28+s16+$0x0] =	vst.idx.msk $0xffff, v40  }
0x314: {  	v34 =	vand.u32 $0x7, v34;
	v25 =	vor.u32 v8, v25;
	v46 =	vand.u32 $0x7F8, v46;
	v20 =	vld.idx.msk [tilespmem:v61+s26+$0x0], $0xffff;
	[tilespmem:v18+s16+$0x0] =	vst.idx.msk $0xffff, v52  }
0x315: {  	v37 =	vor.u32 v22, v37;
	v46 =	vor.u32 v34, v46;
	v39 =	vld.idx.msk [tilespmem:v39+s26+$0x0], $0xffff;
	[tilespmem:v29+s16+$0x0] =	vst.idx.msk $0xffff, v41  }
0x316: {  	v53 =	vor.u32 v13, v21;
	v36 =	vor.u32 v22, v36;
	[tilespmem:v30+s16+$0x0] =	vst.idx.msk $0xffff, v42;
	v24 =	vld.idx.msk [tilespmem:v63+s26+$0x0], $0xffff  }
0x317: {  	v16 =	vand.u32 $0xFF8, v16;
	v15 =	vand.u32 $0xFF8, v15;
	v55 =	vor.u32 v12, v19;
	[tilespmem:v27+s16+$0x0] =	vst.idx.msk $0xffff, v43;
	v54 =	vld.idx.msk [tilespmem:v32+s26+$0x0], $0xffff  }
0x318: {  	v48 =	vor.u32 v22, v38;
	v57 =	vor.u32 v11, v17;
	[tilespmem:v26+s16+$0x0] =	vst.idx.msk $0xffff, v49;
	v56 =	vld.idx.msk [tilespmem:v33+s26+$0x0], $0xffff  }
0x319: {  	v59 =	vor.u32 v10, v16;
	v35 =	vor.u32 v4, v35;
	[tilespmem:v25+s16+$0x0] =	vst.idx.msk $0xffff, v20;
	v58 =	vld.idx.msk [tilespmem:v31+s26+$0x0], $0xffff  }
0x31a: {  	v50 =	vand.u32 $0xFF8, v35;
	v61 =	vor.u32 v9, v15;
	v60 =	vld.idx.msk [tilespmem:v37+s26+$0x0], $0xffff;
	[tilespmem:v46+s16+$0x0] =	vst.idx.msk $0xffff, v39  }
0x31b: {  	v28 =	vor.u32 v34, v50;
	v51 =	vld.idx.msk [tilespmem:v36+s26+$0x0], $0xffff;
	[tilespmem:v53+s16+$0x0] =	vst.idx.msk $0xffff, v24  }
0x31c: {  	[tilespmem:v55+s16+$0x0] =	vst.idx.msk $0xffff, v54  }
0x31d: {  	v14 =	vand.u32 $0xFF8, v14;
	[tilespmem:v57+s16+$0x0] =	vst.idx.msk $0xffff, v56  }
0x31e: {  	v7 =	vand.u32 $0xFF8, v7;
	v8 =	vor.u32 v8, v14;
	v62 =	vld.idx.msk [tilespmem:v48+s26+$0x0], $0xffff;
	[tilespmem:v59+s16+$0x0] =	vst.idx.msk $0xffff, v58  }
0x31f: {  	v7 =	vor.u32 v2, v7;
	v63 =	vld.idx.msk [tilespmem:v47+s26+$0x0], $0xffff;
	[tilespmem:v61+s16+$0x0] =	vst.idx.msk $0xffff, v60  }
0x320: {  	[tilespmem:v28+s16+$0x0] =	vst.idx.msk $0xffff, v51  }
0x321: {  	s12 =	rddreg [dreg:$0xb]  }
0x322: {  	s12 =	sadd.s32 s12, s20  }
0x323: {  	[tilespmem:v8+s16+$0x0] =	vst.idx.msk $0xffff, v62;
	s12 =	sshrl.u32 s12, $0x3  }
0x324: {  	[tilespmem:v7+s16+$0x0] =	vst.idx.msk $0xffff, v63;
	s22 =	sadd.s32 s4, s12  }
0x325: {  	[hbm4b:s22+s2] =	stream.linear.scatter [tilespmem:s16], [sflag:$0x10], $0x400, $0x38;
	[tilespmem:$0x1A400] =	vst v63  }
0x326: {  	s23 =	simm.s32 $0x15800;
	s30 =	sadd.s32 s12, s7  }
0x327: {  	[hbm4b:s30+s2] =	stream.linear.scatter [tilespmem:s23], [sflag:$0x10], $0x400, $0x38;
	[tilespmem:$0x1A400] =	vst v63  }
.Ltmp23:
0x328: {  	_ = 	snop;
	(pc) =	sbr.rel @p1 .LBB2_36-.Ltmp23, $4  }
0x329: {  	s29 =	simm.s32 $0x15C00;
	s25 =	sadd.s32 s12, s8  }
0x32a: {  	[hbm4b:s25+s2] =	stream.linear.scatter [tilespmem:s29], [sflag:$0x10], $0x400, $0x38;
	[tilespmem:$0x1A400] =	vst v63  }
0x32b: {  	s12 =	sadd.s32 s12, s9;
	s30 =	simm.s32 $0x16000  }
0x32c: {  	[hbm4b:s12+s2] =	stream.linear.scatter [tilespmem:s30], [sflag:$0x10], $0x400, $0x38;
	[tilespmem:$0x1A400] =	vst v63  }
.Ltmp24:
0x32d: {  	(pc) =	sbr.rel .LBB2_37-.Ltmp24, $4  }
0x32e: {  	s12 =	simm.s32 $0x7  }
0x32f: {  	_ =	swait.ge [sflag:s12], $0x1000  }
0x330: {  	[sflag:s12] =	ssyncset.done $0x0  }
0x331: {  	[sflag:s12] =	ssyncadd.s32 $0xFFFFF000  }
.LBB2_36:
0x332: {  	s12 =	smul.u32 $0x1400, s17;
	_ =	sdelay $0x1  }
0x333: {  	s22 =	simm.s32 $0xB400;
	s12 =	sshra.s32 s12, $0x2  }
.Ltmp25:
0x334: {  	s30 =	simm.s32 $0x7;
	s12 =	sadd.s32 $0x780, s12;
	(pc) =	sbr.rel @p0 .LBB2_38-.Ltmp25, $4  }
0x335: {  	[tilespmem:s22], [sflag:$0x6] =	stream.indirect.gather [hbm4b:s3+s24], $0x20, s12, s24, $0xb8;
	[tilespmem:$0x1A400] =	vst v63  }
0x336: {  	_ =	swait.ge [sflag:s30], $0x1000  }
0x337: {  	[sflag:s30] =	ssyncset.done $0x0  }
0x338: {  	[sflag:s30] =	ssyncadd.s32 $0xFFFFF000  }
.LBB2_37:
0x339: {  	_ =	swait.ge [sflag:s18], $0x400  }
0x33a: {  	[sflag:s18] =	ssyncset.done $0x0  }
0x33b: {  	[sflag:s18] =	ssyncadd.s32 $0xFFFFFC00  }
0x33c: {  	_ =	swait.ge [sflag:s18], $0x400  }
0x33d: {  	[sflag:s18] =	ssyncset.done $0x0  }
0x33e: {  	[sflag:s18] =	ssyncadd.s32 $0xFFFFFC00  }
0x33f: {  	_ =	swait.ge [sflag:s18], $0x400  }
0x340: {  	[sflag:s18] =	ssyncset.done $0x0  }
0x341: {  	[sflag:s18] =	ssyncadd.s32 $0xFFFFFC00  }
0x342: {  	_ =	swait.ge [sflag:s18], $0x400  }
0x343: {  	[sflag:s18] =	ssyncset.done $0x0  }
0x344: {  	[sflag:s18] =	ssyncadd.s32 $0xFFFFFC00  }
.LBB2_38:
0x345: {  	s12 =	simm.s32 $0x0  }
0x346: {  	s29 =	simm.s32 $0x1;
	s22 =	simm.s32 $0x2;
	s23 =	simm.s32 $0x3;
	v7 =	vadd.s32 s12, v0  }
0x347: {  	s25 =	simm.s32 $0x5;
	v14 =	vadd.s32 s29, v0;
	v15 =	vadd.s32 s22, v0;
	v16 =	vadd.s32 s23, v0;
	s23 =	simm.s32 $0x4  }
0x348: {  	v20 =	vadd.s32 s25, v0;
	s29 =	simm.s32 $0x6;
	v17 =	vand.u32 $0x7F, v7;
	v19 =	vadd.s32 s23, v0  }
0x349: {  	v22 =	vadd.s32 s29, v0;
	v13 =	vand.u32 $0x7, v14;
	v12 =	vand.u32 $0x7, v15  }
0x34a: {  	v11 =	vand.u32 $0x7, v16;
	v9 =	vand.u32 $0x7, v20;
	v24 =	vand.u32 $0x7F, v14  }
0x34b: {  	v32 =	vand.u32 $0x7F, v15;
	v33 =	vand.u32 $0x7F, v16;
	v26 =	vand.u32 $0x7F, v20  }
0x34c: {  	v7 =	vor.u32 v4, v17;
	v10 =	vand.u32 $0x7, v19;
	v18 =	vor.u32 v1, v17  }
0x34d: {  	v8 =	vand.u32 $0x7, v22;
	v23 =	vshll.u32 v17, $0x5;
	v31 =	vand.u32 $0x7F, v19  }
0x34e: {  	v21 =	vor.u32 v4, v24;
	v19 =	vor.u32 v4, v32;
	v25 =	vand.u32 $0x7F, v22  }
0x34f: {  	v17 =	vor.u32 v4, v33;
	v15 =	vor.u32 v4, v26;
	v28 =	vor.u32 v1, v24  }
0x350: {  	v29 =	vor.u32 v1, v32;
	v24 =	vshll.u32 v24, $0x5;
	v30 =	vor.u32 v1, v33  }
0x351: {  	s30 =	simm.s32 $0x7;
	s25 =	simm.s32 $0x8;
	v16 =	vor.u32 v4, v31;
	v14 =	vor.u32 v4, v25;
	v27 =	vor.u32 v1, v31  }
.LBB2_39:
0x352: {  	p2 =	slt.u32 s25, $0x78;
	v32 =	vshll.u32 v32, $0x5;
	v33 =	vshll.u32 v33, $0x5;
	v22 =	vadd.s32 s30, v0  }
0x353: {  	v31 =	vshll.u32 v31, $0x5;
	v34 =	vshll.u32 v26, $0x5;
	v35 =	vand.u32 $0x7F, v22  }
0x354: {  	v20 =	vor.u32 $0x6000, v0;
	v36 =	vshll.u32 v25, $0x5;
	v37 =	vshll.u32 v35, $0x5  }
0x355: {  	v38 =	vor.u32 v20, v24;
	v39 =	vor.u32 v20, v32;
	v40 =	vor.u32 v20, v37  }
0x356: {  	v41 =	vor.u32 v20, v33;
	v42 =	vor.u32 v20, v31;
	v43 =	vor.u32 v20, v34  }
0x357: {  	v26 =	vor.u32 v1, v26;
	v44 =	vor.u32 v20, v23;
	v45 =	vor.u32 v20, v36  }
0x358: {  	v28 =	vand.u32 $0x7F8, v28;
	v29 =	vand.u32 $0x7F8, v29;
	v25 =	vor.u32 v1, v25  }
0x359: {  	v30 =	vand.u32 $0x7F8, v30;
	v27 =	vand.u32 $0x7F8, v27;
	v46 =	vor.u32 v1, v35  }
0x35a: {  	v28 =	vor.u32 v13, v28;
	v47 =	vand.u32 $0x7, v22;
	v46 =	vand.u32 $0x7F8, v46;
	v40 =	vld.idx.msk [tilespmem:v40+s26+$0x0], $0xffff  }
0x35b: {  	v22 =	vor.u32 $0x6010, v0;
	v29 =	vor.u32 v12, v29;
	v46 =	vor.u32 v47, v46;
	v38 =	vld.idx.msk [tilespmem:v38+s26+$0x0], $0xffff  }
0x35c: {  	v24 =	vor.u32 v22, v24;
	v32 =	vor.u32 v22, v32;
	v37 =	vor.u32 v22, v37;
	v39 =	vld.idx.msk [tilespmem:v39+s26+$0x0], $0xffff  }
0x35d: {  	v33 =	vor.u32 v22, v33;
	v31 =	vor.u32 v22, v31;
	v34 =	vor.u32 v22, v34;
	v41 =	vld.idx.msk [tilespmem:v41+s26+$0x0], $0xffff  }
0x35e: {  	v30 =	vor.u32 v11, v30;
	v23 =	vor.u32 v22, v23;
	v36 =	vor.u32 v22, v36;
	v42 =	vld.idx.msk [tilespmem:v42+s26+$0x0], $0xffff  }
0x35f: {  	v27 =	vor.u32 v10, v27;
	v26 =	vand.u32 $0x7F8, v26;
	v25 =	vand.u32 $0x7F8, v25;
	v43 =	vld.idx.msk [tilespmem:v43+s26+$0x0], $0xffff  }
0x360: {  	v26 =	vor.u32 v9, v26;
	v35 =	vor.u32 v4, v35;
	v45 =	vld.idx.msk [tilespmem:v45+s26+$0x0], $0xffff;
	[tilespmem:v46+s19+$0x0] =	vst.idx.msk $0xffff, v40  }
0x361: {  	v25 =	vor.u32 v8, v25;
	v35 =	vand.u32 $0xFF8, v35;
	[tilespmem:v28+s19+$0x0] =	vst.idx.msk $0xffff, v38;
	v28 =	vld.idx.msk [tilespmem:v37+s26+$0x0], $0xffff  }
0x362: {  	v18 =	vand.u32 $0x7F8, v18;
	v37 =	vadd.s32 s25, v0;
	v38 =	vld.idx.msk [tilespmem:v44+s26+$0x0], $0xffff;
	[tilespmem:v29+s19+$0x0] =	vst.idx.msk $0xffff, v39;
	v29 =	vor.u32 v47, v35  }
0x363: {  	s12 =	sadd.s32 $0x1, s25;
	v21 =	vand.u32 $0xFF8, v21;
	v18 =	vor.u32 v2, v18;
	v35 =	vand.u32 $0x7F, v37;
	v24 =	vld.idx.msk [tilespmem:v24+s26+$0x0], $0xffff;
	[tilespmem:v30+s19+$0x0] =	vst.idx.msk $0xffff, v41  }
0x364: {  	v19 =	vand.u32 $0xFF8, v19;
	v13 =	vor.u32 v13, v21;
	v30 =	vadd.s32 s12, v0;
	s12 =	sadd.s32 $0x2, s25;
	v21 =	vld.idx.msk [tilespmem:v32+s26+$0x0], $0xffff;
	[tilespmem:v27+s19+$0x0] =	vst.idx.msk $0xffff, v42  }
0x365: {  	v17 =	vand.u32 $0xFF8, v17;
	v12 =	vor.u32 v12, v19;
	v27 =	vadd.s32 s12, v0;
	s12 =	sadd.s32 $0x3, s25;
	v19 =	vld.idx.msk [tilespmem:v33+s26+$0x0], $0xffff;
	[tilespmem:v26+s19+$0x0] =	vst.idx.msk $0xffff, v43  }
0x366: {  	v17 =	vor.u32 v11, v17;
	v11 =	vand.u32 $0xFF8, v16;
	v26 =	vadd.s32 s12, v0;
	s12 =	sadd.s32 $0x4, s25;
	v31 =	vld.idx.msk [tilespmem:v31+s26+$0x0], $0xffff;
	[tilespmem:v25+s19+$0x0] =	vst.idx.msk $0xffff, v45  }
0x367: {  	v16 =	vadd.s32 s12, v0;
	s12 =	sadd.s32 $0x5, s25;
	v25 =	vor.u32 v10, v11;
	v10 =	vand.u32 $0xFF8, v15;
	v33 =	vld.idx.msk [tilespmem:v34+s26+$0x0], $0xffff;
	[tilespmem:v29+s19+$0x0] =	vst.idx.msk $0xffff, v28  }
0x368: {  	v15 =	vadd.s32 s12, v0;
	s12 =	sadd.s32 $0x6, s25;
	v28 =	vor.u32 v9, v10;
	v9 =	vand.u32 $0xFF8, v14;
	[tilespmem:v18+s19+$0x0] =	vst.idx.msk $0xffff, v38;
	v29 =	vld.idx.msk [tilespmem:v36+s26+$0x0], $0xffff  }
0x369: {  	v10 =	vand.u32 $0xFF8, v7;
	v14 =	vadd.s32 s12, v0;
	v34 =	vld.idx.msk [tilespmem:v23+s26+$0x0], $0xffff;
	[tilespmem:v13+s19+$0x0] =	vst.idx.msk $0xffff, v24;
	v24 =	vor.u32 v8, v9  }
0x36a: {  	v7 =	vor.u32 v4, v35;
	v36 =	vor.u32 v2, v10;
	v13 =	vand.u32 $0x7, v30;
	[tilespmem:v12+s19+$0x0] =	vst.idx.msk $0xffff, v21  }
0x36b: {  	v11 =	vand.u32 $0x7, v26;
	v10 =	vand.u32 $0x7, v16;
	v12 =	vand.u32 $0x7, v27;
	[tilespmem:v17+s19+$0x0] =	vst.idx.msk $0xffff, v19  }
0x36c: {  	v18 =	vor.u32 v1, v35;
	v9 =	vand.u32 $0x7, v15;
	v8 =	vand.u32 $0x7, v14;
	[tilespmem:v25+s19+$0x0] =	vst.idx.msk $0xffff, v31  }
0x36d: {  	v32 =	vand.u32 $0x7F, v27;
	v23 =	vshll.u32 v35, $0x5;
	v30 =	vand.u32 $0x7F, v30;
	[tilespmem:v28+s19+$0x0] =	vst.idx.msk $0xffff, v33  }
.Ltmp26:
0x36e: {  	v31 =	vand.u32 $0x7F, v16;
	v33 =	vand.u32 $0x7F, v26;
	v26 =	vand.u32 $0x7F, v15;
	[tilespmem:v24+s19+$0x0] =	vst.idx.msk $0xffff, v29;
	(pc) =	sbr.rel @p2 .LBB2_39-.Ltmp26, $4  }
0x36f: {  	v21 =	vor.u32 v4, v30;
	v19 =	vor.u32 v4, v32;
	v25 =	vand.u32 $0x7F, v14;
	[tilespmem:v36+s19+$0x0] =	vst.idx.msk $0xffff, v34  }
0x370: {  	v16 =	vor.u32 v4, v31;
	v17 =	vor.u32 v4, v33;
	v15 =	vor.u32 v4, v26  }
0x371: {  	v28 =	vor.u32 v1, v30;
	v14 =	vor.u32 v4, v25;
	v29 =	vor.u32 v1, v32  }
0x372: {  	s30 =	sadd.s32 $0x7, s25;
	s25 =	sadd.s32 $0x8, s25;
	v27 =	vor.u32 v1, v31;
	v24 =	vshll.u32 v30, $0x5;
	v30 =	vor.u32 v1, v33  }
0x373: {  	v34 =	vadd.s32 s30, v0;
	v32 =	vshll.u32 v32, $0x5  }
0x374: {  	v33 =	vshll.u32 v33, $0x5;
	v31 =	vshll.u32 v31, $0x5;
	v37 =	vshll.u32 v26, $0x5  }
0x375: {  	v38 =	vshll.u32 v25, $0x5;
	v40 =	vor.u32 v20, v24;
	v45 =	vor.u32 v20, v23  }
0x376: {  	v60 =	vor.u32 v1, v26;
	v28 =	vand.u32 $0x7F8, v28;
	v29 =	vand.u32 $0x7F8, v29  }
0x377: {  	v62 =	vor.u32 v1, v25;
	v30 =	vand.u32 $0x7F8, v30;
	v27 =	vand.u32 $0x7F8, v27  }
0x378: {  	v63 =	vor.u32 v22, v24;
	v47 =	vor.u32 v22, v23;
	v41 =	vor.u32 v20, v32  }
0x379: {  	v18 =	vand.u32 $0x7F8, v18;
	v21 =	vand.u32 $0xFF8, v21;
	v42 =	vor.u32 v20, v33  }
0x37a: {  	v19 =	vand.u32 $0xFF8, v19;
	v17 =	vand.u32 $0xFF8, v17;
	v43 =	vor.u32 v20, v31  }
0x37b: {  	v35 =	vand.u32 $0x7F, v34;
	v44 =	vor.u32 v20, v37;
	v28 =	vor.u32 v13, v28;
	v40 =	vld.idx.msk [tilespmem:v40+s26+$0x0], $0xffff  }
0x37c: {  	v61 =	vor.u32 v20, v38;
	v18 =	vor.u32 v2, v18;
	v36 =	vshll.u32 v35, $0x5;
	v52 =	vld.idx.msk [tilespmem:v45+s26+$0x0], $0xffff  }
0x37d: {  	v29 =	vor.u32 v12, v29;
	v32 =	vor.u32 v22, v32;
	v39 =	vor.u32 v20, v36;
	v41 =	vld.idx.msk [tilespmem:v41+s26+$0x0], $0xffff  }
0x37e: {  	v33 =	vor.u32 v22, v33;
	v31 =	vor.u32 v22, v31;
	v30 =	vor.u32 v11, v30;
	v42 =	vld.idx.msk [tilespmem:v42+s26+$0x0], $0xffff  }
0x37f: {  	v27 =	vor.u32 v10, v27;
	v26 =	vand.u32 $0x7F8, v60;
	v25 =	vand.u32 $0x7F8, v62;
	v43 =	vld.idx.msk [tilespmem:v43+s26+$0x0], $0xffff  }
0x380: {  	v46 =	vor.u32 v1, v35;
	v26 =	vor.u32 v9, v26;
	v49 =	vld.idx.msk [tilespmem:v44+s26+$0x0], $0xffff;
	[tilespmem:v28+s19+$0x0] =	vst.idx.msk $0xffff, v40  }
0x381: {  	v34 =	vand.u32 $0x7, v34;
	v25 =	vor.u32 v8, v25;
	v46 =	vand.u32 $0x7F8, v46;
	v20 =	vld.idx.msk [tilespmem:v61+s26+$0x0], $0xffff;
	[tilespmem:v18+s19+$0x0] =	vst.idx.msk $0xffff, v52  }
0x382: {  	v37 =	vor.u32 v22, v37;
	v46 =	vor.u32 v34, v46;
	v39 =	vld.idx.msk [tilespmem:v39+s26+$0x0], $0xffff;
	[tilespmem:v29+s19+$0x0] =	vst.idx.msk $0xffff, v41  }
0x383: {  	v53 =	vor.u32 v13, v21;
	v36 =	vor.u32 v22, v36;
	[tilespmem:v30+s19+$0x0] =	vst.idx.msk $0xffff, v42;
	v24 =	vld.idx.msk [tilespmem:v63+s26+$0x0], $0xffff  }
0x384: {  	v16 =	vand.u32 $0xFF8, v16;
	v15 =	vand.u32 $0xFF8, v15;
	v55 =	vor.u32 v12, v19;
	[tilespmem:v27+s19+$0x0] =	vst.idx.msk $0xffff, v43;
	v54 =	vld.idx.msk [tilespmem:v32+s26+$0x0], $0xffff  }
0x385: {  	v48 =	vor.u32 v22, v38;
	v57 =	vor.u32 v11, v17;
	[tilespmem:v26+s19+$0x0] =	vst.idx.msk $0xffff, v49;
	v56 =	vld.idx.msk [tilespmem:v33+s26+$0x0], $0xffff  }
0x386: {  	v59 =	vor.u32 v10, v16;
	v35 =	vor.u32 v4, v35;
	[tilespmem:v25+s19+$0x0] =	vst.idx.msk $0xffff, v20;
	v58 =	vld.idx.msk [tilespmem:v31+s26+$0x0], $0xffff  }
0x387: {  	v50 =	vand.u32 $0xFF8, v35;
	v61 =	vor.u32 v9, v15;
	v60 =	vld.idx.msk [tilespmem:v37+s26+$0x0], $0xffff;
	[tilespmem:v46+s19+$0x0] =	vst.idx.msk $0xffff, v39  }
0x388: {  	v28 =	vor.u32 v34, v50;
	v51 =	vld.idx.msk [tilespmem:v36+s26+$0x0], $0xffff;
	[tilespmem:v53+s19+$0x0] =	vst.idx.msk $0xffff, v24  }
0x389: {  	[tilespmem:v55+s19+$0x0] =	vst.idx.msk $0xffff, v54  }
0x38a: {  	v14 =	vand.u32 $0xFF8, v14;
	[tilespmem:v57+s19+$0x0] =	vst.idx.msk $0xffff, v56  }
0x38b: {  	v7 =	vand.u32 $0xFF8, v7;
	v8 =	vor.u32 v8, v14;
	v62 =	vld.idx.msk [tilespmem:v48+s26+$0x0], $0xffff;
	[tilespmem:v59+s19+$0x0] =	vst.idx.msk $0xffff, v58  }
0x38c: {  	v7 =	vor.u32 v2, v7;
	v63 =	vld.idx.msk [tilespmem:v47+s26+$0x0], $0xffff;
	[tilespmem:v61+s19+$0x0] =	vst.idx.msk $0xffff, v60  }
0x38d: {  	[tilespmem:v28+s19+$0x0] =	vst.idx.msk $0xffff, v51  }
0x38e: {  	s12 =	rddreg [dreg:$0xc]  }
0x38f: {  	s12 =	sadd.s32 s12, s20  }
0x390: {  	[tilespmem:v8+s19+$0x0] =	vst.idx.msk $0xffff, v62;
	s12 =	sshrl.u32 s12, $0x3  }
0x391: {  	[tilespmem:v7+s19+$0x0] =	vst.idx.msk $0xffff, v63;
	s22 =	sadd.s32 s4, s12  }
0x392: {  	[hbm4b:s22+s2] =	stream.linear.scatter [tilespmem:s19], [sflag:$0x11], $0x400, $0x38;
	[tilespmem:$0x1A400] =	vst v63  }
0x393: {  	s23 =	simm.s32 $0x16800;
	s30 =	sadd.s32 s12, s7  }
0x394: {  	[hbm4b:s30+s2] =	stream.linear.scatter [tilespmem:s23], [sflag:$0x11], $0x400, $0x38;
	[tilespmem:$0x1A400] =	vst v63  }
.Ltmp27:
0x395: {  	_ = 	snop;
	(pc) =	sbr.rel @p1 .LBB2_42-.Ltmp27, $4  }
0x396: {  	s29 =	simm.s32 $0x16C00;
	s25 =	sadd.s32 s12, s8  }
0x397: {  	[hbm4b:s25+s2] =	stream.linear.scatter [tilespmem:s29], [sflag:$0x11], $0x400, $0x38;
	[tilespmem:$0x1A400] =	vst v63  }
0x398: {  	s12 =	sadd.s32 s12, s9;
	s30 =	simm.s32 $0x17000  }
0x399: {  	[hbm4b:s12+s2] =	stream.linear.scatter [tilespmem:s30], [sflag:$0x11], $0x400, $0x38;
	[tilespmem:$0x1A400] =	vst v63  }
.Ltmp28:
0x39a: {  	(pc) =	sbr.rel .LBB2_43-.Ltmp28, $4  }
0x39b: {  	s12 =	simm.s32 $0x8  }
0x39c: {  	_ =	swait.ge [sflag:s12], $0x1000  }
0x39d: {  	[sflag:s12] =	ssyncset.done $0x0  }
0x39e: {  	[sflag:s12] =	ssyncadd.s32 $0xFFFFF000  }
.LBB2_42:
0x39f: {  	s12 =	smul.u32 $0x1400, s17;
	_ =	sdelay $0x1  }
0x3a0: {  	s22 =	simm.s32 $0xC400;
	s12 =	sshra.s32 s12, $0x2  }
.Ltmp29:
0x3a1: {  	s30 =	simm.s32 $0x8;
	s12 =	sadd.s32 $0x800, s12;
	(pc) =	sbr.rel @p0 .LBB2_44-.Ltmp29, $4  }
0x3a2: {  	[tilespmem:s22], [sflag:$0x7] =	stream.indirect.gather [hbm4b:s3+s24], $0x20, s12, s24, $0xb8;
	[tilespmem:$0x1A400] =	vst v63  }
0x3a3: {  	_ =	swait.ge [sflag:s30], $0x1000  }
0x3a4: {  	[sflag:s30] =	ssyncset.done $0x0  }
0x3a5: {  	[sflag:s30] =	ssyncadd.s32 $0xFFFFF000  }
.LBB2_43:
0x3a6: {  	_ =	swait.ge [sflag:s21], $0x400  }
0x3a7: {  	[sflag:s21] =	ssyncset.done $0x0  }
0x3a8: {  	[sflag:s21] =	ssyncadd.s32 $0xFFFFFC00  }
0x3a9: {  	_ =	swait.ge [sflag:s21], $0x400  }
0x3aa: {  	[sflag:s21] =	ssyncset.done $0x0  }
0x3ab: {  	[sflag:s21] =	ssyncadd.s32 $0xFFFFFC00  }
0x3ac: {  	_ =	swait.ge [sflag:s21], $0x400  }
0x3ad: {  	[sflag:s21] =	ssyncset.done $0x0  }
0x3ae: {  	[sflag:s21] =	ssyncadd.s32 $0xFFFFFC00  }
0x3af: {  	_ =	swait.ge [sflag:s21], $0x400  }
0x3b0: {  	[sflag:s21] =	ssyncset.done $0x0  }
0x3b1: {  	[sflag:s21] =	ssyncadd.s32 $0xFFFFFC00  }
.LBB2_44:
0x3b2: {  	s12 =	simm.s32 $0x0  }
0x3b3: {  	s29 =	simm.s32 $0x1;
	s22 =	simm.s32 $0x2;
	s23 =	simm.s32 $0x3;
	v7 =	vadd.s32 s12, v0  }
0x3b4: {  	s25 =	simm.s32 $0x5;
	v14 =	vadd.s32 s29, v0;
	v15 =	vadd.s32 s22, v0;
	v16 =	vadd.s32 s23, v0;
	s23 =	simm.s32 $0x4  }
0x3b5: {  	v20 =	vadd.s32 s25, v0;
	s29 =	simm.s32 $0x6;
	v17 =	vand.u32 $0x7F, v7;
	v19 =	vadd.s32 s23, v0  }
0x3b6: {  	v22 =	vadd.s32 s29, v0;
	v13 =	vand.u32 $0x7, v14;
	v12 =	vand.u32 $0x7, v15  }
0x3b7: {  	v11 =	vand.u32 $0x7, v16;
	v9 =	vand.u32 $0x7, v20;
	v24 =	vand.u32 $0x7F, v14  }
0x3b8: {  	v32 =	vand.u32 $0x7F, v15;
	v33 =	vand.u32 $0x7F, v16;
	v26 =	vand.u32 $0x7F, v20  }
0x3b9: {  	v7 =	vor.u32 v4, v17;
	v10 =	vand.u32 $0x7, v19;
	v18 =	vor.u32 v1, v17  }
0x3ba: {  	v8 =	vand.u32 $0x7, v22;
	v23 =	vshll.u32 v17, $0x5;
	v31 =	vand.u32 $0x7F, v19  }
0x3bb: {  	v21 =	vor.u32 v4, v24;
	v19 =	vor.u32 v4, v32;
	v25 =	vand.u32 $0x7F, v22  }
0x3bc: {  	v17 =	vor.u32 v4, v33;
	v15 =	vor.u32 v4, v26;
	v28 =	vor.u32 v1, v24  }
0x3bd: {  	v29 =	vor.u32 v1, v32;
	v24 =	vshll.u32 v24, $0x5;
	v30 =	vor.u32 v1, v33  }
0x3be: {  	s30 =	simm.s32 $0x7;
	s25 =	simm.s32 $0x8;
	v16 =	vor.u32 v4, v31;
	v14 =	vor.u32 v4, v25;
	v27 =	vor.u32 v1, v31  }
.LBB2_45:
0x3bf: {  	p2 =	slt.u32 s25, $0x78;
	v32 =	vshll.u32 v32, $0x5;
	v33 =	vshll.u32 v33, $0x5;
	v22 =	vadd.s32 s30, v0  }
0x3c0: {  	v31 =	vshll.u32 v31, $0x5;
	v34 =	vshll.u32 v26, $0x5;
	v35 =	vand.u32 $0x7F, v22  }
0x3c1: {  	v20 =	vor.u32 $0x7000, v0;
	v36 =	vshll.u32 v25, $0x5;
	v37 =	vshll.u32 v35, $0x5  }
0x3c2: {  	v38 =	vor.u32 v20, v24;
	v39 =	vor.u32 v20, v32;
	v40 =	vor.u32 v20, v37  }
0x3c3: {  	v41 =	vor.u32 v20, v33;
	v42 =	vor.u32 v20, v31;
	v43 =	vor.u32 v20, v34  }
0x3c4: {  	v26 =	vor.u32 v1, v26;
	v44 =	vor.u32 v20, v23;
	v45 =	vor.u32 v20, v36  }
0x3c5: {  	v28 =	vand.u32 $0x7F8, v28;
	v29 =	vand.u32 $0x7F8, v29;
	v25 =	vor.u32 v1, v25  }
0x3c6: {  	v30 =	vand.u32 $0x7F8, v30;
	v27 =	vand.u32 $0x7F8, v27;
	v46 =	vor.u32 v1, v35  }
0x3c7: {  	v28 =	vor.u32 v13, v28;
	v47 =	vand.u32 $0x7, v22;
	v46 =	vand.u32 $0x7F8, v46;
	v40 =	vld.idx.msk [tilespmem:v40+s26+$0x0], $0xffff  }
0x3c8: {  	v22 =	vor.u32 $0x7010, v0;
	v29 =	vor.u32 v12, v29;
	v46 =	vor.u32 v47, v46;
	v38 =	vld.idx.msk [tilespmem:v38+s26+$0x0], $0xffff  }
0x3c9: {  	v24 =	vor.u32 v22, v24;
	v32 =	vor.u32 v22, v32;
	v37 =	vor.u32 v22, v37;
	v39 =	vld.idx.msk [tilespmem:v39+s26+$0x0], $0xffff  }
0x3ca: {  	v33 =	vor.u32 v22, v33;
	v31 =	vor.u32 v22, v31;
	v34 =	vor.u32 v22, v34;
	v41 =	vld.idx.msk [tilespmem:v41+s26+$0x0], $0xffff  }
0x3cb: {  	v30 =	vor.u32 v11, v30;
	v23 =	vor.u32 v22, v23;
	v36 =	vor.u32 v22, v36;
	v42 =	vld.idx.msk [tilespmem:v42+s26+$0x0], $0xffff  }
0x3cc: {  	v27 =	vor.u32 v10, v27;
	v26 =	vand.u32 $0x7F8, v26;
	v25 =	vand.u32 $0x7F8, v25;
	v43 =	vld.idx.msk [tilespmem:v43+s26+$0x0], $0xffff  }
0x3cd: {  	v26 =	vor.u32 v9, v26;
	v35 =	vor.u32 v4, v35;
	v45 =	vld.idx.msk [tilespmem:v45+s26+$0x0], $0xffff;
	[tilespmem:v46+s6+$0x0] =	vst.idx.msk $0xffff, v40  }
0x3ce: {  	v25 =	vor.u32 v8, v25;
	v35 =	vand.u32 $0xFF8, v35;
	[tilespmem:v28+s6+$0x0] =	vst.idx.msk $0xffff, v38;
	v28 =	vld.idx.msk [tilespmem:v37+s26+$0x0], $0xffff  }
0x3cf: {  	v18 =	vand.u32 $0x7F8, v18;
	v37 =	vadd.s32 s25, v0;
	v38 =	vld.idx.msk [tilespmem:v44+s26+$0x0], $0xffff;
	[tilespmem:v29+s6+$0x0] =	vst.idx.msk $0xffff, v39;
	v29 =	vor.u32 v47, v35  }
0x3d0: {  	s12 =	sadd.s32 $0x1, s25;
	v21 =	vand.u32 $0xFF8, v21;
	v18 =	vor.u32 v2, v18;
	v35 =	vand.u32 $0x7F, v37;
	v24 =	vld.idx.msk [tilespmem:v24+s26+$0x0], $0xffff;
	[tilespmem:v30+s6+$0x0] =	vst.idx.msk $0xffff, v41  }
0x3d1: {  	v19 =	vand.u32 $0xFF8, v19;
	v13 =	vor.u32 v13, v21;
	v30 =	vadd.s32 s12, v0;
	s12 =	sadd.s32 $0x2, s25;
	v21 =	vld.idx.msk [tilespmem:v32+s26+$0x0], $0xffff;
	[tilespmem:v27+s6+$0x0] =	vst.idx.msk $0xffff, v42  }
0x3d2: {  	v17 =	vand.u32 $0xFF8, v17;
	v12 =	vor.u32 v12, v19;
	v27 =	vadd.s32 s12, v0;
	s12 =	sadd.s32 $0x3, s25;
	v19 =	vld.idx.msk [tilespmem:v33+s26+$0x0], $0xffff;
	[tilespmem:v26+s6+$0x0] =	vst.idx.msk $0xffff, v43  }
0x3d3: {  	v17 =	vor.u32 v11, v17;
	v11 =	vand.u32 $0xFF8, v16;
	v26 =	vadd.s32 s12, v0;
	s12 =	sadd.s32 $0x4, s25;
	v31 =	vld.idx.msk [tilespmem:v31+s26+$0x0], $0xffff;
	[tilespmem:v25+s6+$0x0] =	vst.idx.msk $0xffff, v45  }
0x3d4: {  	v16 =	vadd.s32 s12, v0;
	s12 =	sadd.s32 $0x5, s25;
	v25 =	vor.u32 v10, v11;
	v10 =	vand.u32 $0xFF8, v15;
	v33 =	vld.idx.msk [tilespmem:v34+s26+$0x0], $0xffff;
	[tilespmem:v29+s6+$0x0] =	vst.idx.msk $0xffff, v28  }
0x3d5: {  	v15 =	vadd.s32 s12, v0;
	s12 =	sadd.s32 $0x6, s25;
	v28 =	vor.u32 v9, v10;
	v9 =	vand.u32 $0xFF8, v14;
	[tilespmem:v18+s6+$0x0] =	vst.idx.msk $0xffff, v38;
	v29 =	vld.idx.msk [tilespmem:v36+s26+$0x0], $0xffff  }
0x3d6: {  	v10 =	vand.u32 $0xFF8, v7;
	v14 =	vadd.s32 s12, v0;
	v34 =	vld.idx.msk [tilespmem:v23+s26+$0x0], $0xffff;
	[tilespmem:v13+s6+$0x0] =	vst.idx.msk $0xffff, v24;
	v24 =	vor.u32 v8, v9  }
0x3d7: {  	v7 =	vor.u32 v4, v35;
	v36 =	vor.u32 v2, v10;
	v13 =	vand.u32 $0x7, v30;
	[tilespmem:v12+s6+$0x0] =	vst.idx.msk $0xffff, v21  }
0x3d8: {  	v11 =	vand.u32 $0x7, v26;
	v10 =	vand.u32 $0x7, v16;
	v12 =	vand.u32 $0x7, v27;
	[tilespmem:v17+s6+$0x0] =	vst.idx.msk $0xffff, v19  }
0x3d9: {  	v18 =	vor.u32 v1, v35;
	v9 =	vand.u32 $0x7, v15;
	v8 =	vand.u32 $0x7, v14;
	[tilespmem:v25+s6+$0x0] =	vst.idx.msk $0xffff, v31  }
0x3da: {  	v32 =	vand.u32 $0x7F, v27;
	v23 =	vshll.u32 v35, $0x5;
	v30 =	vand.u32 $0x7F, v30;
	[tilespmem:v28+s6+$0x0] =	vst.idx.msk $0xffff, v33  }
.Ltmp30:
0x3db: {  	v31 =	vand.u32 $0x7F, v16;
	v33 =	vand.u32 $0x7F, v26;
	v26 =	vand.u32 $0x7F, v15;
	[tilespmem:v24+s6+$0x0] =	vst.idx.msk $0xffff, v29;
	(pc) =	sbr.rel @p2 .LBB2_45-.Ltmp30, $4  }
0x3dc: {  	v21 =	vor.u32 v4, v30;
	v19 =	vor.u32 v4, v32;
	v25 =	vand.u32 $0x7F, v14;
	[tilespmem:v36+s6+$0x0] =	vst.idx.msk $0xffff, v34  }
0x3dd: {  	v16 =	vor.u32 v4, v31;
	v17 =	vor.u32 v4, v33;
	v15 =	vor.u32 v4, v26  }
0x3de: {  	v28 =	vor.u32 v1, v30;
	v14 =	vor.u32 v4, v25;
	v29 =	vor.u32 v1, v32  }
0x3df: {  	s30 =	sadd.s32 $0x7, s25;
	s25 =	sadd.s32 $0x8, s25;
	v27 =	vor.u32 v1, v31;
	v24 =	vshll.u32 v30, $0x5;
	v30 =	vor.u32 v1, v33  }
0x3e0: {  	v34 =	vadd.s32 s30, v0;
	v32 =	vshll.u32 v32, $0x5  }
0x3e1: {  	v33 =	vshll.u32 v33, $0x5;
	v31 =	vshll.u32 v31, $0x5;
	v37 =	vshll.u32 v26, $0x5  }
0x3e2: {  	v38 =	vshll.u32 v25, $0x5;
	v40 =	vor.u32 v20, v24;
	v45 =	vor.u32 v20, v23  }
0x3e3: {  	v60 =	vor.u32 v1, v26;
	v28 =	vand.u32 $0x7F8, v28;
	v29 =	vand.u32 $0x7F8, v29  }
0x3e4: {  	v62 =	vor.u32 v1, v25;
	v30 =	vand.u32 $0x7F8, v30;
	v27 =	vand.u32 $0x7F8, v27  }
0x3e5: {  	v63 =	vor.u32 v22, v24;
	v47 =	vor.u32 v22, v23;
	v41 =	vor.u32 v20, v32  }
0x3e6: {  	v18 =	vand.u32 $0x7F8, v18;
	v21 =	vand.u32 $0xFF8, v21;
	v42 =	vor.u32 v20, v33  }
0x3e7: {  	v19 =	vand.u32 $0xFF8, v19;
	v17 =	vand.u32 $0xFF8, v17;
	v43 =	vor.u32 v20, v31  }
0x3e8: {  	v35 =	vand.u32 $0x7F, v34;
	v44 =	vor.u32 v20, v37;
	v28 =	vor.u32 v13, v28;
	v40 =	vld.idx.msk [tilespmem:v40+s26+$0x0], $0xffff  }
0x3e9: {  	v61 =	vor.u32 v20, v38;
	v18 =	vor.u32 v2, v18;
	v36 =	vshll.u32 v35, $0x5;
	v52 =	vld.idx.msk [tilespmem:v45+s26+$0x0], $0xffff  }
0x3ea: {  	v29 =	vor.u32 v12, v29;
	v32 =	vor.u32 v22, v32;
	v39 =	vor.u32 v20, v36;
	v41 =	vld.idx.msk [tilespmem:v41+s26+$0x0], $0xffff  }
0x3eb: {  	v33 =	vor.u32 v22, v33;
	v31 =	vor.u32 v22, v31;
	v30 =	vor.u32 v11, v30;
	v42 =	vld.idx.msk [tilespmem:v42+s26+$0x0], $0xffff  }
0x3ec: {  	v27 =	vor.u32 v10, v27;
	v26 =	vand.u32 $0x7F8, v60;
	v25 =	vand.u32 $0x7F8, v62;
	v43 =	vld.idx.msk [tilespmem:v43+s26+$0x0], $0xffff  }
0x3ed: {  	v46 =	vor.u32 v1, v35;
	v26 =	vor.u32 v9, v26;
	v49 =	vld.idx.msk [tilespmem:v44+s26+$0x0], $0xffff;
	[tilespmem:v28+s6+$0x0] =	vst.idx.msk $0xffff, v40  }
0x3ee: {  	v34 =	vand.u32 $0x7, v34;
	v25 =	vor.u32 v8, v25;
	v46 =	vand.u32 $0x7F8, v46;
	v20 =	vld.idx.msk [tilespmem:v61+s26+$0x0], $0xffff;
	[tilespmem:v18+s6+$0x0] =	vst.idx.msk $0xffff, v52  }
0x3ef: {  	v37 =	vor.u32 v22, v37;
	v46 =	vor.u32 v34, v46;
	v39 =	vld.idx.msk [tilespmem:v39+s26+$0x0], $0xffff;
	[tilespmem:v29+s6+$0x0] =	vst.idx.msk $0xffff, v41  }
0x3f0: {  	v53 =	vor.u32 v13, v21;
	v36 =	vor.u32 v22, v36;
	[tilespmem:v30+s6+$0x0] =	vst.idx.msk $0xffff, v42;
	v24 =	vld.idx.msk [tilespmem:v63+s26+$0x0], $0xffff  }
0x3f1: {  	v16 =	vand.u32 $0xFF8, v16;
	v15 =	vand.u32 $0xFF8, v15;
	v55 =	vor.u32 v12, v19;
	[tilespmem:v27+s6+$0x0] =	vst.idx.msk $0xffff, v43;
	v54 =	vld.idx.msk [tilespmem:v32+s26+$0x0], $0xffff  }
0x3f2: {  	v48 =	vor.u32 v22, v38;
	v57 =	vor.u32 v11, v17;
	[tilespmem:v26+s6+$0x0] =	vst.idx.msk $0xffff, v49;
	v56 =	vld.idx.msk [tilespmem:v33+s26+$0x0], $0xffff  }
0x3f3: {  	v59 =	vor.u32 v10, v16;
	v35 =	vor.u32 v4, v35;
	[tilespmem:v25+s6+$0x0] =	vst.idx.msk $0xffff, v20;
	v58 =	vld.idx.msk [tilespmem:v31+s26+$0x0], $0xffff  }
0x3f4: {  	v50 =	vand.u32 $0xFF8, v35;
	v61 =	vor.u32 v9, v15;
	v60 =	vld.idx.msk [tilespmem:v37+s26+$0x0], $0xffff;
	[tilespmem:v46+s6+$0x0] =	vst.idx.msk $0xffff, v39  }
0x3f5: {  	v28 =	vor.u32 v34, v50;
	v51 =	vld.idx.msk [tilespmem:v36+s26+$0x0], $0xffff;
	[tilespmem:v53+s6+$0x0] =	vst.idx.msk $0xffff, v24  }
0x3f6: {  	[tilespmem:v55+s6+$0x0] =	vst.idx.msk $0xffff, v54  }
0x3f7: {  	v14 =	vand.u32 $0xFF8, v14;
	[tilespmem:v57+s6+$0x0] =	vst.idx.msk $0xffff, v56  }
0x3f8: {  	v7 =	vand.u32 $0xFF8, v7;
	v8 =	vor.u32 v8, v14;
	v62 =	vld.idx.msk [tilespmem:v48+s26+$0x0], $0xffff;
	[tilespmem:v59+s6+$0x0] =	vst.idx.msk $0xffff, v58  }
0x3f9: {  	v7 =	vor.u32 v2, v7;
	v63 =	vld.idx.msk [tilespmem:v47+s26+$0x0], $0xffff;
	[tilespmem:v61+s6+$0x0] =	vst.idx.msk $0xffff, v60  }
0x3fa: {  	[tilespmem:v28+s6+$0x0] =	vst.idx.msk $0xffff, v51  }
0x3fb: {  	s12 =	rddreg [dreg:$0xd]  }
0x3fc: {  	s12 =	sadd.s32 s12, s20  }
0x3fd: {  	[tilespmem:v8+s6+$0x0] =	vst.idx.msk $0xffff, v62;
	s12 =	sshrl.u32 s12, $0x3  }
0x3fe: {  	[tilespmem:v7+s6+$0x0] =	vst.idx.msk $0xffff, v63;
	s22 =	sadd.s32 s4, s12  }
0x3ff: {  	[hbm4b:s22+s2] =	stream.linear.scatter [tilespmem:s6], [sflag:$0x12], $0x400, $0x38;
	[tilespmem:$0x1A400] =	vst v63  }
0x400: {  	s23 =	simm.s32 $0x17800;
	s30 =	sadd.s32 s12, s7  }
0x401: {  	[hbm4b:s30+s2] =	stream.linear.scatter [tilespmem:s23], [sflag:$0x12], $0x400, $0x38;
	[tilespmem:$0x1A400] =	vst v63  }
.Ltmp31:
0x402: {  	_ = 	snop;
	(pc) =	sbr.rel @p1 .LBB2_48-.Ltmp31, $4  }
0x403: {  	s29 =	simm.s32 $0x17C00;
	s25 =	sadd.s32 s12, s8  }
0x404: {  	[hbm4b:s25+s2] =	stream.linear.scatter [tilespmem:s29], [sflag:$0x12], $0x400, $0x38;
	[tilespmem:$0x1A400] =	vst v63  }
0x405: {  	s12 =	sadd.s32 s12, s9;
	s30 =	simm.s32 $0x18000  }
0x406: {  	[hbm4b:s12+s2] =	stream.linear.scatter [tilespmem:s30], [sflag:$0x12], $0x400, $0x38;
	[tilespmem:$0x1A400] =	vst v63  }
.Ltmp32:
0x407: {  	(pc) =	sbr.rel .LBB2_49-.Ltmp32, $4  }
0x408: {  	s12 =	simm.s32 $0x9  }
0x409: {  	_ =	swait.ge [sflag:s12], $0x1000  }
0x40a: {  	[sflag:s12] =	ssyncset.done $0x0  }
0x40b: {  	[sflag:s12] =	ssyncadd.s32 $0xFFFFF000  }
.LBB2_48:
0x40c: {  	s12 =	smul.u32 $0x1400, s17;
	_ =	sdelay $0x1  }
0x40d: {  	s22 =	simm.s32 $0xD400;
	s12 =	sshra.s32 s12, $0x2  }
.Ltmp33:
0x40e: {  	s30 =	simm.s32 $0x9;
	s12 =	sadd.s32 $0x880, s12;
	(pc) =	sbr.rel @p0 .LBB2_50-.Ltmp33, $4  }
0x40f: {  	[tilespmem:s22], [sflag:$0x8] =	stream.indirect.gather [hbm4b:s3+s24], $0x20, s12, s24, $0xb8;
	[tilespmem:$0x1A400] =	vst v63  }
0x410: {  	_ =	swait.ge [sflag:s30], $0x1000  }
0x411: {  	[sflag:s30] =	ssyncset.done $0x0  }
0x412: {  	[sflag:s30] =	ssyncadd.s32 $0xFFFFF000  }
.LBB2_49:
0x413: {  	_ =	swait.ge [sflag:s31], $0x400  }
0x414: {  	[sflag:s31] =	ssyncset.done $0x0  }
0x415: {  	[sflag:s31] =	ssyncadd.s32 $0xFFFFFC00  }
0x416: {  	_ =	swait.ge [sflag:s31], $0x400  }
0x417: {  	[sflag:s31] =	ssyncset.done $0x0  }
0x418: {  	[sflag:s31] =	ssyncadd.s32 $0xFFFFFC00  }
0x419: {  	_ =	swait.ge [sflag:s31], $0x400  }
0x41a: {  	[sflag:s31] =	ssyncset.done $0x0  }
0x41b: {  	[sflag:s31] =	ssyncadd.s32 $0xFFFFFC00  }
0x41c: {  	_ =	swait.ge [sflag:s31], $0x400  }
0x41d: {  	[sflag:s31] =	ssyncset.done $0x0  }
0x41e: {  	[sflag:s31] =	ssyncadd.s32 $0xFFFFFC00  }
.LBB2_50:
0x41f: {  	s12 =	simm.s32 $0x0  }
0x420: {  	s29 =	simm.s32 $0x1;
	s22 =	simm.s32 $0x2;
	s23 =	simm.s32 $0x3;
	v7 =	vadd.s32 s12, v0  }
0x421: {  	s25 =	simm.s32 $0x5;
	v14 =	vadd.s32 s29, v0;
	v15 =	vadd.s32 s22, v0;
	v16 =	vadd.s32 s23, v0;
	s23 =	simm.s32 $0x4  }
0x422: {  	v20 =	vadd.s32 s25, v0;
	s29 =	simm.s32 $0x6;
	v17 =	vand.u32 $0x7F, v7;
	v19 =	vadd.s32 s23, v0  }
0x423: {  	v22 =	vadd.s32 s29, v0;
	v13 =	vand.u32 $0x7, v14;
	v12 =	vand.u32 $0x7, v15  }
0x424: {  	v11 =	vand.u32 $0x7, v16;
	v9 =	vand.u32 $0x7, v20;
	v24 =	vand.u32 $0x7F, v14  }
0x425: {  	v32 =	vand.u32 $0x7F, v15;
	v33 =	vand.u32 $0x7F, v16;
	v26 =	vand.u32 $0x7F, v20  }
0x426: {  	v7 =	vor.u32 v4, v17;
	v10 =	vand.u32 $0x7, v19;
	v18 =	vor.u32 v1, v17  }
0x427: {  	v8 =	vand.u32 $0x7, v22;
	v23 =	vshll.u32 v17, $0x5;
	v31 =	vand.u32 $0x7F, v19  }
0x428: {  	v21 =	vor.u32 v4, v24;
	v19 =	vor.u32 v4, v32;
	v25 =	vand.u32 $0x7F, v22  }
0x429: {  	v17 =	vor.u32 v4, v33;
	v15 =	vor.u32 v4, v26;
	v28 =	vor.u32 v1, v24  }
0x42a: {  	v29 =	vor.u32 v1, v32;
	v24 =	vshll.u32 v24, $0x5;
	v30 =	vor.u32 v1, v33  }
0x42b: {  	s30 =	simm.s32 $0x7;
	s25 =	simm.s32 $0x8;
	v16 =	vor.u32 v4, v31;
	v14 =	vor.u32 v4, v25;
	v27 =	vor.u32 v1, v31  }
.LBB2_51:
0x42c: {  	p2 =	slt.u32 s25, $0x78;
	v32 =	vshll.u32 v32, $0x5;
	v33 =	vshll.u32 v33, $0x5;
	v22 =	vadd.s32 s30, v0  }
0x42d: {  	v31 =	vshll.u32 v31, $0x5;
	v34 =	vshll.u32 v26, $0x5;
	v35 =	vand.u32 $0x7F, v22  }
0x42e: {  	v20 =	vor.u32 $0x8000, v0;
	v36 =	vshll.u32 v25, $0x5;
	v37 =	vshll.u32 v35, $0x5  }
0x42f: {  	v38 =	vor.u32 v20, v24;
	v39 =	vor.u32 v20, v32;
	v40 =	vor.u32 v20, v37  }
0x430: {  	v41 =	vor.u32 v20, v33;
	v42 =	vor.u32 v20, v31;
	v43 =	vor.u32 v20, v34  }
0x431: {  	v26 =	vor.u32 v1, v26;
	v44 =	vor.u32 v20, v23;
	v45 =	vor.u32 v20, v36  }
0x432: {  	v28 =	vand.u32 $0x7F8, v28;
	v29 =	vand.u32 $0x7F8, v29;
	v25 =	vor.u32 v1, v25  }
0x433: {  	v30 =	vand.u32 $0x7F8, v30;
	v27 =	vand.u32 $0x7F8, v27;
	v46 =	vor.u32 v1, v35  }
0x434: {  	v28 =	vor.u32 v13, v28;
	v47 =	vand.u32 $0x7, v22;
	v46 =	vand.u32 $0x7F8, v46;
	v40 =	vld.idx.msk [tilespmem:v40+s26+$0x0], $0xffff  }
0x435: {  	v22 =	vor.u32 $0x8010, v0;
	v29 =	vor.u32 v12, v29;
	v46 =	vor.u32 v47, v46;
	v38 =	vld.idx.msk [tilespmem:v38+s26+$0x0], $0xffff  }
0x436: {  	v24 =	vor.u32 v22, v24;
	v32 =	vor.u32 v22, v32;
	v37 =	vor.u32 v22, v37;
	v39 =	vld.idx.msk [tilespmem:v39+s26+$0x0], $0xffff  }
0x437: {  	v33 =	vor.u32 v22, v33;
	v31 =	vor.u32 v22, v31;
	v34 =	vor.u32 v22, v34;
	v41 =	vld.idx.msk [tilespmem:v41+s26+$0x0], $0xffff  }
0x438: {  	v30 =	vor.u32 v11, v30;
	v23 =	vor.u32 v22, v23;
	v36 =	vor.u32 v22, v36;
	v42 =	vld.idx.msk [tilespmem:v42+s26+$0x0], $0xffff  }
0x439: {  	v27 =	vor.u32 v10, v27;
	v26 =	vand.u32 $0x7F8, v26;
	v25 =	vand.u32 $0x7F8, v25;
	v43 =	vld.idx.msk [tilespmem:v43+s26+$0x0], $0xffff  }
0x43a: {  	v26 =	vor.u32 v9, v26;
	v35 =	vor.u32 v4, v35;
	v45 =	vld.idx.msk [tilespmem:v45+s26+$0x0], $0xffff;
	[tilespmem:v46+s0+$0x0] =	vst.idx.msk $0xffff, v40  }
0x43b: {  	v25 =	vor.u32 v8, v25;
	v35 =	vand.u32 $0xFF8, v35;
	[tilespmem:v28+s0+$0x0] =	vst.idx.msk $0xffff, v38;
	v28 =	vld.idx.msk [tilespmem:v37+s26+$0x0], $0xffff  }
0x43c: {  	v18 =	vand.u32 $0x7F8, v18;
	v37 =	vadd.s32 s25, v0;
	v38 =	vld.idx.msk [tilespmem:v44+s26+$0x0], $0xffff;
	[tilespmem:v29+s0+$0x0] =	vst.idx.msk $0xffff, v39;
	v29 =	vor.u32 v47, v35  }
0x43d: {  	s12 =	sadd.s32 $0x1, s25;
	v21 =	vand.u32 $0xFF8, v21;
	v18 =	vor.u32 v2, v18;
	v35 =	vand.u32 $0x7F, v37;
	v24 =	vld.idx.msk [tilespmem:v24+s26+$0x0], $0xffff;
	[tilespmem:v30+s0+$0x0] =	vst.idx.msk $0xffff, v41  }
0x43e: {  	v19 =	vand.u32 $0xFF8, v19;
	v13 =	vor.u32 v13, v21;
	v30 =	vadd.s32 s12, v0;
	s12 =	sadd.s32 $0x2, s25;
	v21 =	vld.idx.msk [tilespmem:v32+s26+$0x0], $0xffff;
	[tilespmem:v27+s0+$0x0] =	vst.idx.msk $0xffff, v42  }
0x43f: {  	v17 =	vand.u32 $0xFF8, v17;
	v12 =	vor.u32 v12, v19;
	v27 =	vadd.s32 s12, v0;
	s12 =	sadd.s32 $0x3, s25;
	v19 =	vld.idx.msk [tilespmem:v33+s26+$0x0], $0xffff;
	[tilespmem:v26+s0+$0x0] =	vst.idx.msk $0xffff, v43  }
0x440: {  	v17 =	vor.u32 v11, v17;
	v11 =	vand.u32 $0xFF8, v16;
	v26 =	vadd.s32 s12, v0;
	s12 =	sadd.s32 $0x4, s25;
	v31 =	vld.idx.msk [tilespmem:v31+s26+$0x0], $0xffff;
	[tilespmem:v25+s0+$0x0] =	vst.idx.msk $0xffff, v45  }
0x441: {  	v16 =	vadd.s32 s12, v0;
	s12 =	sadd.s32 $0x5, s25;
	v25 =	vor.u32 v10, v11;
	v10 =	vand.u32 $0xFF8, v15;
	v33 =	vld.idx.msk [tilespmem:v34+s26+$0x0], $0xffff;
	[tilespmem:v29+s0+$0x0] =	vst.idx.msk $0xffff, v28  }
0x442: {  	v15 =	vadd.s32 s12, v0;
	s12 =	sadd.s32 $0x6, s25;
	v28 =	vor.u32 v9, v10;
	v9 =	vand.u32 $0xFF8, v14;
	[tilespmem:v18+s0+$0x0] =	vst.idx.msk $0xffff, v38;
	v29 =	vld.idx.msk [tilespmem:v36+s26+$0x0], $0xffff  }
0x443: {  	v10 =	vand.u32 $0xFF8, v7;
	v14 =	vadd.s32 s12, v0;
	v34 =	vld.idx.msk [tilespmem:v23+s26+$0x0], $0xffff;
	[tilespmem:v13+s0+$0x0] =	vst.idx.msk $0xffff, v24;
	v24 =	vor.u32 v8, v9  }
0x444: {  	v7 =	vor.u32 v4, v35;
	v36 =	vor.u32 v2, v10;
	v13 =	vand.u32 $0x7, v30;
	[tilespmem:v12+s0+$0x0] =	vst.idx.msk $0xffff, v21  }
0x445: {  	v11 =	vand.u32 $0x7, v26;
	v10 =	vand.u32 $0x7, v16;
	v12 =	vand.u32 $0x7, v27;
	[tilespmem:v17+s0+$0x0] =	vst.idx.msk $0xffff, v19  }
0x446: {  	v18 =	vor.u32 v1, v35;
	v9 =	vand.u32 $0x7, v15;
	v8 =	vand.u32 $0x7, v14;
	[tilespmem:v25+s0+$0x0] =	vst.idx.msk $0xffff, v31  }
0x447: {  	v32 =	vand.u32 $0x7F, v27;
	v23 =	vshll.u32 v35, $0x5;
	v30 =	vand.u32 $0x7F, v30;
	[tilespmem:v28+s0+$0x0] =	vst.idx.msk $0xffff, v33  }
.Ltmp34:
0x448: {  	v31 =	vand.u32 $0x7F, v16;
	v33 =	vand.u32 $0x7F, v26;
	v26 =	vand.u32 $0x7F, v15;
	[tilespmem:v24+s0+$0x0] =	vst.idx.msk $0xffff, v29;
	(pc) =	sbr.rel @p2 .LBB2_51-.Ltmp34, $4  }
0x449: {  	v21 =	vor.u32 v4, v30;
	v19 =	vor.u32 v4, v32;
	v25 =	vand.u32 $0x7F, v14;
	[tilespmem:v36+s0+$0x0] =	vst.idx.msk $0xffff, v34  }
0x44a: {  	v16 =	vor.u32 v4, v31;
	v17 =	vor.u32 v4, v33;
	v15 =	vor.u32 v4, v26  }
0x44b: {  	v28 =	vor.u32 v1, v30;
	v14 =	vor.u32 v4, v25;
	v29 =	vor.u32 v1, v32  }
0x44c: {  	s30 =	sadd.s32 $0x7, s25;
	s25 =	sadd.s32 $0x8, s25;
	v27 =	vor.u32 v1, v31;
	v24 =	vshll.u32 v30, $0x5;
	v30 =	vor.u32 v1, v33  }
0x44d: {  	v34 =	vadd.s32 s30, v0;
	v32 =	vshll.u32 v32, $0x5  }
0x44e: {  	v33 =	vshll.u32 v33, $0x5;
	v31 =	vshll.u32 v31, $0x5;
	v37 =	vshll.u32 v26, $0x5  }
0x44f: {  	v38 =	vshll.u32 v25, $0x5;
	v40 =	vor.u32 v20, v24;
	v45 =	vor.u32 v20, v23  }
0x450: {  	v60 =	vor.u32 v1, v26;
	v28 =	vand.u32 $0x7F8, v28;
	v29 =	vand.u32 $0x7F8, v29  }
0x451: {  	v62 =	vor.u32 v1, v25;
	v30 =	vand.u32 $0x7F8, v30;
	v27 =	vand.u32 $0x7F8, v27  }
0x452: {  	v63 =	vor.u32 v22, v24;
	v47 =	vor.u32 v22, v23;
	v41 =	vor.u32 v20, v32  }
0x453: {  	v18 =	vand.u32 $0x7F8, v18;
	v21 =	vand.u32 $0xFF8, v21;
	v42 =	vor.u32 v20, v33  }
0x454: {  	v19 =	vand.u32 $0xFF8, v19;
	v17 =	vand.u32 $0xFF8, v17;
	v43 =	vor.u32 v20, v31  }
0x455: {  	v35 =	vand.u32 $0x7F, v34;
	v44 =	vor.u32 v20, v37;
	v28 =	vor.u32 v13, v28;
	v40 =	vld.idx.msk [tilespmem:v40+s26+$0x0], $0xffff  }
0x456: {  	v61 =	vor.u32 v20, v38;
	v18 =	vor.u32 v2, v18;
	v36 =	vshll.u32 v35, $0x5;
	v52 =	vld.idx.msk [tilespmem:v45+s26+$0x0], $0xffff  }
0x457: {  	v29 =	vor.u32 v12, v29;
	v32 =	vor.u32 v22, v32;
	v39 =	vor.u32 v20, v36;
	v41 =	vld.idx.msk [tilespmem:v41+s26+$0x0], $0xffff  }
0x458: {  	v33 =	vor.u32 v22, v33;
	v31 =	vor.u32 v22, v31;
	v30 =	vor.u32 v11, v30;
	v42 =	vld.idx.msk [tilespmem:v42+s26+$0x0], $0xffff  }
0x459: {  	v27 =	vor.u32 v10, v27;
	v26 =	vand.u32 $0x7F8, v60;
	v25 =	vand.u32 $0x7F8, v62;
	v43 =	vld.idx.msk [tilespmem:v43+s26+$0x0], $0xffff  }
0x45a: {  	v46 =	vor.u32 v1, v35;
	v26 =	vor.u32 v9, v26;
	v49 =	vld.idx.msk [tilespmem:v44+s26+$0x0], $0xffff;
	[tilespmem:v28+s0+$0x0] =	vst.idx.msk $0xffff, v40  }
0x45b: {  	v34 =	vand.u32 $0x7, v34;
	v25 =	vor.u32 v8, v25;
	v46 =	vand.u32 $0x7F8, v46;
	v20 =	vld.idx.msk [tilespmem:v61+s26+$0x0], $0xffff;
	[tilespmem:v18+s0+$0x0] =	vst.idx.msk $0xffff, v52  }
0x45c: {  	v37 =	vor.u32 v22, v37;
	v46 =	vor.u32 v34, v46;
	v39 =	vld.idx.msk [tilespmem:v39+s26+$0x0], $0xffff;
	[tilespmem:v29+s0+$0x0] =	vst.idx.msk $0xffff, v41  }
0x45d: {  	v53 =	vor.u32 v13, v21;
	v36 =	vor.u32 v22, v36;
	[tilespmem:v30+s0+$0x0] =	vst.idx.msk $0xffff, v42;
	v24 =	vld.idx.msk [tilespmem:v63+s26+$0x0], $0xffff  }
0x45e: {  	v16 =	vand.u32 $0xFF8, v16;
	v15 =	vand.u32 $0xFF8, v15;
	v55 =	vor.u32 v12, v19;
	[tilespmem:v27+s0+$0x0] =	vst.idx.msk $0xffff, v43;
	v54 =	vld.idx.msk [tilespmem:v32+s26+$0x0], $0xffff  }
0x45f: {  	v48 =	vor.u32 v22, v38;
	v57 =	vor.u32 v11, v17;
	[tilespmem:v26+s0+$0x0] =	vst.idx.msk $0xffff, v49;
	v56 =	vld.idx.msk [tilespmem:v33+s26+$0x0], $0xffff  }
0x460: {  	v59 =	vor.u32 v10, v16;
	v35 =	vor.u32 v4, v35;
	[tilespmem:v25+s0+$0x0] =	vst.idx.msk $0xffff, v20;
	v58 =	vld.idx.msk [tilespmem:v31+s26+$0x0], $0xffff  }
0x461: {  	v50 =	vand.u32 $0xFF8, v35;
	v61 =	vor.u32 v9, v15;
	v60 =	vld.idx.msk [tilespmem:v37+s26+$0x0], $0xffff;
	[tilespmem:v46+s0+$0x0] =	vst.idx.msk $0xffff, v39  }
0x462: {  	v28 =	vor.u32 v34, v50;
	v51 =	vld.idx.msk [tilespmem:v36+s26+$0x0], $0xffff;
	[tilespmem:v53+s0+$0x0] =	vst.idx.msk $0xffff, v24  }
0x463: {  	[tilespmem:v55+s0+$0x0] =	vst.idx.msk $0xffff, v54  }
0x464: {  	v14 =	vand.u32 $0xFF8, v14;
	[tilespmem:v57+s0+$0x0] =	vst.idx.msk $0xffff, v56  }
0x465: {  	v7 =	vand.u32 $0xFF8, v7;
	v8 =	vor.u32 v8, v14;
	v62 =	vld.idx.msk [tilespmem:v48+s26+$0x0], $0xffff;
	[tilespmem:v59+s0+$0x0] =	vst.idx.msk $0xffff, v58  }
0x466: {  	v7 =	vor.u32 v2, v7;
	v63 =	vld.idx.msk [tilespmem:v47+s26+$0x0], $0xffff;
	[tilespmem:v61+s0+$0x0] =	vst.idx.msk $0xffff, v60  }
0x467: {  	[tilespmem:v28+s0+$0x0] =	vst.idx.msk $0xffff, v51  }
0x468: {  	s12 =	rddreg [dreg:$0xe]  }
0x469: {  	s12 =	sadd.s32 s12, s20  }
0x46a: {  	[tilespmem:v8+s0+$0x0] =	vst.idx.msk $0xffff, v62;
	s12 =	sshrl.u32 s12, $0x3  }
0x46b: {  	[tilespmem:v7+s0+$0x0] =	vst.idx.msk $0xffff, v63;
	s22 =	sadd.s32 s4, s12  }
0x46c: {  	[hbm4b:s22+s2] =	stream.linear.scatter [tilespmem:s0], [sflag:$0x13], $0x400, $0x38;
	[tilespmem:$0x1A400] =	vst v63  }
0x46d: {  	s23 =	simm.s32 $0x18800;
	s30 =	sadd.s32 s12, s7  }
0x46e: {  	[hbm4b:s30+s2] =	stream.linear.scatter [tilespmem:s23], [sflag:$0x13], $0x400, $0x38;
	[tilespmem:$0x1A400] =	vst v63  }
.Ltmp35:
0x46f: {  	_ = 	snop;
	(pc) =	sbr.rel @p1 .LBB2_54-.Ltmp35, $4  }
0x470: {  	s29 =	simm.s32 $0x18C00;
	s25 =	sadd.s32 s12, s8  }
0x471: {  	[hbm4b:s25+s2] =	stream.linear.scatter [tilespmem:s29], [sflag:$0x13], $0x400, $0x38;
	[tilespmem:$0x1A400] =	vst v63  }
0x472: {  	s12 =	sadd.s32 s12, s9;
	s30 =	simm.s32 $0x19000  }
0x473: {  	[hbm4b:s12+s2] =	stream.linear.scatter [tilespmem:s30], [sflag:$0x13], $0x400, $0x38;
	[tilespmem:$0x1A400] =	vst v63  }
.Ltmp36:
0x474: {  	(pc) =	sbr.rel .LBB2_55-.Ltmp36, $4  }
0x475: {  	s12 =	simm.s32 $0xA  }
0x476: {  	_ =	swait.ge [sflag:s12], $0x1000  }
0x477: {  	[sflag:s12] =	ssyncset.done $0x0  }
0x478: {  	[sflag:s12] =	ssyncadd.s32 $0xFFFFF000  }
.LBB2_54:
0x479: {  	s12 =	smul.u32 $0x1400, s17;
	_ =	sdelay $0x1  }
0x47a: {  	s22 =	simm.s32 $0xE400;
	s12 =	sshra.s32 s12, $0x2  }
.Ltmp37:
0x47b: {  	s30 =	simm.s32 $0xA;
	s12 =	sadd.s32 $0x900, s12;
	(pc) =	sbr.rel @p0 .LBB2_56-.Ltmp37, $4  }
0x47c: {  	[tilespmem:s22], [sflag:$0x9] =	stream.indirect.gather [hbm4b:s3+s24], $0x20, s12, s24, $0xb8;
	[tilespmem:$0x1A400] =	vst v63  }
0x47d: {  	_ =	swait.ge [sflag:s30], $0x1000  }
0x47e: {  	[sflag:s30] =	ssyncset.done $0x0  }
0x47f: {  	[sflag:s30] =	ssyncadd.s32 $0xFFFFF000  }
.LBB2_55:
0x480: {  	_ =	swait.ge [sflag:s11], $0x400  }
0x481: {  	[sflag:s11] =	ssyncset.done $0x0  }
0x482: {  	[sflag:s11] =	ssyncadd.s32 $0xFFFFFC00  }
0x483: {  	_ =	swait.ge [sflag:s11], $0x400  }
0x484: {  	[sflag:s11] =	ssyncset.done $0x0  }
0x485: {  	[sflag:s11] =	ssyncadd.s32 $0xFFFFFC00  }
0x486: {  	_ =	swait.ge [sflag:s11], $0x400  }
0x487: {  	[sflag:s11] =	ssyncset.done $0x0  }
0x488: {  	[sflag:s11] =	ssyncadd.s32 $0xFFFFFC00  }
0x489: {  	_ =	swait.ge [sflag:s11], $0x400  }
0x48a: {  	[sflag:s11] =	ssyncset.done $0x0  }
0x48b: {  	[sflag:s11] =	ssyncadd.s32 $0xFFFFFC00  }
.LBB2_56:
0x48c: {  	s12 =	simm.s32 $0x0  }
0x48d: {  	s29 =	simm.s32 $0x1;
	s22 =	simm.s32 $0x2;
	s23 =	simm.s32 $0x3;
	v7 =	vadd.s32 s12, v0  }
0x48e: {  	s25 =	simm.s32 $0x5;
	v14 =	vadd.s32 s29, v0;
	v15 =	vadd.s32 s22, v0;
	v16 =	vadd.s32 s23, v0;
	s23 =	simm.s32 $0x4  }
0x48f: {  	v20 =	vadd.s32 s25, v0;
	s29 =	simm.s32 $0x6;
	v17 =	vand.u32 $0x7F, v7;
	v19 =	vadd.s32 s23, v0  }
0x490: {  	v22 =	vadd.s32 s29, v0;
	v13 =	vand.u32 $0x7, v14;
	v12 =	vand.u32 $0x7, v15  }
0x491: {  	v11 =	vand.u32 $0x7, v16;
	v9 =	vand.u32 $0x7, v20;
	v24 =	vand.u32 $0x7F, v14  }
0x492: {  	v32 =	vand.u32 $0x7F, v15;
	v33 =	vand.u32 $0x7F, v16;
	v26 =	vand.u32 $0x7F, v20  }
0x493: {  	v7 =	vor.u32 v4, v17;
	v10 =	vand.u32 $0x7, v19;
	v18 =	vor.u32 v1, v17  }
0x494: {  	v8 =	vand.u32 $0x7, v22;
	v23 =	vshll.u32 v17, $0x5;
	v31 =	vand.u32 $0x7F, v19  }
0x495: {  	v21 =	vor.u32 v4, v24;
	v19 =	vor.u32 v4, v32;
	v25 =	vand.u32 $0x7F, v22  }
0x496: {  	v17 =	vor.u32 v4, v33;
	v15 =	vor.u32 v4, v26;
	v28 =	vor.u32 v1, v24  }
0x497: {  	v29 =	vor.u32 v1, v32;
	v24 =	vshll.u32 v24, $0x5;
	v30 =	vor.u32 v1, v33  }
0x498: {  	s30 =	simm.s32 $0x7;
	s25 =	simm.s32 $0x8;
	v16 =	vor.u32 v4, v31;
	v14 =	vor.u32 v4, v25;
	v27 =	vor.u32 v1, v31  }
.LBB2_57:
0x499: {  	p0 =	slt.u32 s25, $0x78;
	v32 =	vshll.u32 v32, $0x5;
	v33 =	vshll.u32 v33, $0x5;
	v22 =	vadd.s32 s30, v0  }
0x49a: {  	v31 =	vshll.u32 v31, $0x5;
	v34 =	vshll.u32 v26, $0x5;
	v35 =	vand.u32 $0x7F, v22  }
0x49b: {  	v20 =	vor.u32 $0x9000, v0;
	v36 =	vshll.u32 v25, $0x5;
	v37 =	vshll.u32 v35, $0x5  }
0x49c: {  	v38 =	vor.u32 v20, v24;
	v39 =	vor.u32 v20, v32;
	v40 =	vor.u32 v20, v37  }
0x49d: {  	v41 =	vor.u32 v20, v33;
	v42 =	vor.u32 v20, v31;
	v43 =	vor.u32 v20, v34  }
0x49e: {  	v26 =	vor.u32 v1, v26;
	v44 =	vor.u32 v20, v23;
	v45 =	vor.u32 v20, v36  }
0x49f: {  	v28 =	vand.u32 $0x7F8, v28;
	v29 =	vand.u32 $0x7F8, v29;
	v25 =	vor.u32 v1, v25  }
0x4a0: {  	v30 =	vand.u32 $0x7F8, v30;
	v27 =	vand.u32 $0x7F8, v27;
	v46 =	vor.u32 v1, v35  }
0x4a1: {  	v28 =	vor.u32 v13, v28;
	v47 =	vand.u32 $0x7, v22;
	v46 =	vand.u32 $0x7F8, v46;
	v40 =	vld.idx.msk [tilespmem:v40+s26+$0x0], $0xffff  }
0x4a2: {  	v22 =	vor.u32 $0x9010, v0;
	v29 =	vor.u32 v12, v29;
	v46 =	vor.u32 v47, v46;
	v38 =	vld.idx.msk [tilespmem:v38+s26+$0x0], $0xffff  }
0x4a3: {  	v24 =	vor.u32 v22, v24;
	v32 =	vor.u32 v22, v32;
	v37 =	vor.u32 v22, v37;
	v39 =	vld.idx.msk [tilespmem:v39+s26+$0x0], $0xffff  }
0x4a4: {  	v33 =	vor.u32 v22, v33;
	v31 =	vor.u32 v22, v31;
	v34 =	vor.u32 v22, v34;
	v41 =	vld.idx.msk [tilespmem:v41+s26+$0x0], $0xffff  }
0x4a5: {  	v30 =	vor.u32 v11, v30;
	v23 =	vor.u32 v22, v23;
	v36 =	vor.u32 v22, v36;
	v42 =	vld.idx.msk [tilespmem:v42+s26+$0x0], $0xffff  }
0x4a6: {  	v27 =	vor.u32 v10, v27;
	v26 =	vand.u32 $0x7F8, v26;
	v25 =	vand.u32 $0x7F8, v25;
	v43 =	vld.idx.msk [tilespmem:v43+s26+$0x0], $0xffff  }
0x4a7: {  	v26 =	vor.u32 v9, v26;
	v35 =	vor.u32 v4, v35;
	v45 =	vld.idx.msk [tilespmem:v45+s26+$0x0], $0xffff;
	[tilespmem:v46+s14+$0x0] =	vst.idx.msk $0xffff, v40  }
0x4a8: {  	v25 =	vor.u32 v8, v25;
	v35 =	vand.u32 $0xFF8, v35;
	[tilespmem:v28+s14+$0x0] =	vst.idx.msk $0xffff, v38;
	v28 =	vld.idx.msk [tilespmem:v37+s26+$0x0], $0xffff  }
0x4a9: {  	v18 =	vand.u32 $0x7F8, v18;
	v37 =	vadd.s32 s25, v0;
	v38 =	vld.idx.msk [tilespmem:v44+s26+$0x0], $0xffff;
	[tilespmem:v29+s14+$0x0] =	vst.idx.msk $0xffff, v39;
	v29 =	vor.u32 v47, v35  }
0x4aa: {  	s12 =	sadd.s32 $0x1, s25;
	v21 =	vand.u32 $0xFF8, v21;
	v18 =	vor.u32 v2, v18;
	v35 =	vand.u32 $0x7F, v37;
	v24 =	vld.idx.msk [tilespmem:v24+s26+$0x0], $0xffff;
	[tilespmem:v30+s14+$0x0] =	vst.idx.msk $0xffff, v41  }
0x4ab: {  	v19 =	vand.u32 $0xFF8, v19;
	v13 =	vor.u32 v13, v21;
	v30 =	vadd.s32 s12, v0;
	s12 =	sadd.s32 $0x2, s25;
	v21 =	vld.idx.msk [tilespmem:v32+s26+$0x0], $0xffff;
	[tilespmem:v27+s14+$0x0] =	vst.idx.msk $0xffff, v42  }
0x4ac: {  	v17 =	vand.u32 $0xFF8, v17;
	v12 =	vor.u32 v12, v19;
	v27 =	vadd.s32 s12, v0;
	s12 =	sadd.s32 $0x3, s25;
	v19 =	vld.idx.msk [tilespmem:v33+s26+$0x0], $0xffff;
	[tilespmem:v26+s14+$0x0] =	vst.idx.msk $0xffff, v43  }
0x4ad: {  	v17 =	vor.u32 v11, v17;
	v11 =	vand.u32 $0xFF8, v16;
	v26 =	vadd.s32 s12, v0;
	s12 =	sadd.s32 $0x4, s25;
	v31 =	vld.idx.msk [tilespmem:v31+s26+$0x0], $0xffff;
	[tilespmem:v25+s14+$0x0] =	vst.idx.msk $0xffff, v45  }
0x4ae: {  	v16 =	vadd.s32 s12, v0;
	s12 =	sadd.s32 $0x5, s25;
	v25 =	vor.u32 v10, v11;
	v10 =	vand.u32 $0xFF8, v15;
	v33 =	vld.idx.msk [tilespmem:v34+s26+$0x0], $0xffff;
	[tilespmem:v29+s14+$0x0] =	vst.idx.msk $0xffff, v28  }
0x4af: {  	v15 =	vadd.s32 s12, v0;
	s12 =	sadd.s32 $0x6, s25;
	v28 =	vor.u32 v9, v10;
	v9 =	vand.u32 $0xFF8, v14;
	[tilespmem:v18+s14+$0x0] =	vst.idx.msk $0xffff, v38;
	v29 =	vld.idx.msk [tilespmem:v36+s26+$0x0], $0xffff  }
0x4b0: {  	v10 =	vand.u32 $0xFF8, v7;
	v14 =	vadd.s32 s12, v0;
	v34 =	vld.idx.msk [tilespmem:v23+s26+$0x0], $0xffff;
	[tilespmem:v13+s14+$0x0] =	vst.idx.msk $0xffff, v24;
	v24 =	vor.u32 v8, v9  }
0x4b1: {  	v7 =	vor.u32 v4, v35;
	v36 =	vor.u32 v2, v10;
	v13 =	vand.u32 $0x7, v30;
	[tilespmem:v12+s14+$0x0] =	vst.idx.msk $0xffff, v21  }
0x4b2: {  	v11 =	vand.u32 $0x7, v26;
	v10 =	vand.u32 $0x7, v16;
	v12 =	vand.u32 $0x7, v27;
	[tilespmem:v17+s14+$0x0] =	vst.idx.msk $0xffff, v19  }
0x4b3: {  	v18 =	vor.u32 v1, v35;
	v9 =	vand.u32 $0x7, v15;
	v8 =	vand.u32 $0x7, v14;
	[tilespmem:v25+s14+$0x0] =	vst.idx.msk $0xffff, v31  }
0x4b4: {  	v32 =	vand.u32 $0x7F, v27;
	v23 =	vshll.u32 v35, $0x5;
	v30 =	vand.u32 $0x7F, v30;
	[tilespmem:v28+s14+$0x0] =	vst.idx.msk $0xffff, v33  }
.Ltmp38:
0x4b5: {  	v31 =	vand.u32 $0x7F, v16;
	v33 =	vand.u32 $0x7F, v26;
	v26 =	vand.u32 $0x7F, v15;
	[tilespmem:v24+s14+$0x0] =	vst.idx.msk $0xffff, v29;
	(pc) =	sbr.rel @p0 .LBB2_57-.Ltmp38, $4  }
0x4b6: {  	v21 =	vor.u32 v4, v30;
	v19 =	vor.u32 v4, v32;
	v25 =	vand.u32 $0x7F, v14;
	[tilespmem:v36+s14+$0x0] =	vst.idx.msk $0xffff, v34  }
0x4b7: {  	v16 =	vor.u32 v4, v31;
	v17 =	vor.u32 v4, v33;
	v15 =	vor.u32 v4, v26  }
0x4b8: {  	v28 =	vor.u32 v1, v30;
	v14 =	vor.u32 v4, v25;
	v29 =	vor.u32 v1, v32  }
0x4b9: {  	s30 =	sadd.s32 $0x7, s25;
	s25 =	sadd.s32 $0x8, s25;
	v27 =	vor.u32 v1, v31;
	v24 =	vshll.u32 v30, $0x5;
	v30 =	vor.u32 v1, v33  }
0x4ba: {  	v34 =	vadd.s32 s30, v0;
	v32 =	vshll.u32 v32, $0x5  }
0x4bb: {  	v33 =	vshll.u32 v33, $0x5;
	v31 =	vshll.u32 v31, $0x5;
	v37 =	vshll.u32 v26, $0x5  }
0x4bc: {  	v38 =	vshll.u32 v25, $0x5;
	v40 =	vor.u32 v20, v24;
	v45 =	vor.u32 v20, v23  }
0x4bd: {  	v60 =	vor.u32 v1, v26;
	v28 =	vand.u32 $0x7F8, v28;
	v29 =	vand.u32 $0x7F8, v29  }
0x4be: {  	v62 =	vor.u32 v1, v25;
	v30 =	vand.u32 $0x7F8, v30;
	v27 =	vand.u32 $0x7F8, v27  }
0x4bf: {  	v63 =	vor.u32 v22, v24;
	v47 =	vor.u32 v22, v23;
	v41 =	vor.u32 v20, v32  }
0x4c0: {  	v18 =	vand.u32 $0x7F8, v18;
	v21 =	vand.u32 $0xFF8, v21;
	v42 =	vor.u32 v20, v33  }
0x4c1: {  	v19 =	vand.u32 $0xFF8, v19;
	v17 =	vand.u32 $0xFF8, v17;
	v43 =	vor.u32 v20, v31  }
0x4c2: {  	v35 =	vand.u32 $0x7F, v34;
	v44 =	vor.u32 v20, v37;
	v28 =	vor.u32 v13, v28;
	v40 =	vld.idx.msk [tilespmem:v40+s26+$0x0], $0xffff  }
0x4c3: {  	v61 =	vor.u32 v20, v38;
	v18 =	vor.u32 v2, v18;
	v36 =	vshll.u32 v35, $0x5;
	v52 =	vld.idx.msk [tilespmem:v45+s26+$0x0], $0xffff  }
0x4c4: {  	v29 =	vor.u32 v12, v29;
	v32 =	vor.u32 v22, v32;
	v39 =	vor.u32 v20, v36;
	v41 =	vld.idx.msk [tilespmem:v41+s26+$0x0], $0xffff  }
0x4c5: {  	v33 =	vor.u32 v22, v33;
	v31 =	vor.u32 v22, v31;
	v30 =	vor.u32 v11, v30;
	v42 =	vld.idx.msk [tilespmem:v42+s26+$0x0], $0xffff  }
0x4c6: {  	v27 =	vor.u32 v10, v27;
	v26 =	vand.u32 $0x7F8, v60;
	v25 =	vand.u32 $0x7F8, v62;
	v43 =	vld.idx.msk [tilespmem:v43+s26+$0x0], $0xffff  }
0x4c7: {  	v46 =	vor.u32 v1, v35;
	v26 =	vor.u32 v9, v26;
	v49 =	vld.idx.msk [tilespmem:v44+s26+$0x0], $0xffff;
	[tilespmem:v28+s14+$0x0] =	vst.idx.msk $0xffff, v40  }
0x4c8: {  	v34 =	vand.u32 $0x7, v34;
	v25 =	vor.u32 v8, v25;
	v46 =	vand.u32 $0x7F8, v46;
	v20 =	vld.idx.msk [tilespmem:v61+s26+$0x0], $0xffff;
	[tilespmem:v18+s14+$0x0] =	vst.idx.msk $0xffff, v52  }
0x4c9: {  	v37 =	vor.u32 v22, v37;
	v46 =	vor.u32 v34, v46;
	v39 =	vld.idx.msk [tilespmem:v39+s26+$0x0], $0xffff;
	[tilespmem:v29+s14+$0x0] =	vst.idx.msk $0xffff, v41  }
0x4ca: {  	v53 =	vor.u32 v13, v21;
	v36 =	vor.u32 v22, v36;
	[tilespmem:v30+s14+$0x0] =	vst.idx.msk $0xffff, v42;
	v24 =	vld.idx.msk [tilespmem:v63+s26+$0x0], $0xffff  }
0x4cb: {  	v16 =	vand.u32 $0xFF8, v16;
	v15 =	vand.u32 $0xFF8, v15;
	v55 =	vor.u32 v12, v19;
	[tilespmem:v27+s14+$0x0] =	vst.idx.msk $0xffff, v43;
	v54 =	vld.idx.msk [tilespmem:v32+s26+$0x0], $0xffff  }
0x4cc: {  	v48 =	vor.u32 v22, v38;
	v57 =	vor.u32 v11, v17;
	[tilespmem:v26+s14+$0x0] =	vst.idx.msk $0xffff, v49;
	v56 =	vld.idx.msk [tilespmem:v33+s26+$0x0], $0xffff  }
0x4cd: {  	v59 =	vor.u32 v10, v16;
	v35 =	vor.u32 v4, v35;
	[tilespmem:v25+s14+$0x0] =	vst.idx.msk $0xffff, v20;
	v58 =	vld.idx.msk [tilespmem:v31+s26+$0x0], $0xffff  }
0x4ce: {  	v50 =	vand.u32 $0xFF8, v35;
	v61 =	vor.u32 v9, v15;
	v60 =	vld.idx.msk [tilespmem:v37+s26+$0x0], $0xffff;
	[tilespmem:v46+s14+$0x0] =	vst.idx.msk $0xffff, v39  }
0x4cf: {  	v28 =	vor.u32 v34, v50;
	v51 =	vld.idx.msk [tilespmem:v36+s26+$0x0], $0xffff;
	[tilespmem:v53+s14+$0x0] =	vst.idx.msk $0xffff, v24  }
0x4d0: {  	[tilespmem:v55+s14+$0x0] =	vst.idx.msk $0xffff, v54  }
0x4d1: {  	v14 =	vand.u32 $0xFF8, v14;
	[tilespmem:v57+s14+$0x0] =	vst.idx.msk $0xffff, v56  }
0x4d2: {  	v7 =	vand.u32 $0xFF8, v7;
	v8 =	vor.u32 v8, v14;
	v62 =	vld.idx.msk [tilespmem:v48+s26+$0x0], $0xffff;
	[tilespmem:v59+s14+$0x0] =	vst.idx.msk $0xffff, v58  }
0x4d3: {  	v7 =	vor.u32 v2, v7;
	v63 =	vld.idx.msk [tilespmem:v47+s26+$0x0], $0xffff;
	[tilespmem:v61+s14+$0x0] =	vst.idx.msk $0xffff, v60  }
0x4d4: {  	[tilespmem:v28+s14+$0x0] =	vst.idx.msk $0xffff, v51  }
0x4d5: {  	s12 =	rddreg [dreg:$0xf]  }
0x4d6: {  	s12 =	sadd.s32 s12, s20  }
0x4d7: {  	[tilespmem:v8+s14+$0x0] =	vst.idx.msk $0xffff, v62;
	s12 =	sshrl.u32 s12, $0x3  }
0x4d8: {  	[tilespmem:v7+s14+$0x0] =	vst.idx.msk $0xffff, v63;
	s22 =	sadd.s32 s4, s12  }
0x4d9: {  	[hbm4b:s22+s2] =	stream.linear.scatter [tilespmem:s14], [sflag:$0x14], $0x400, $0x38;
	[tilespmem:$0x1A400] =	vst v63  }
0x4da: {  	p0 =	seq.s32 s17, $0x13;
	s23 =	sadd.s32 s12, s7;
	s22 =	simm.s32 $0x19800  }
0x4db: {  	[hbm4b:s23+s2] =	stream.linear.scatter [tilespmem:s22], [sflag:$0x14], $0x400, $0x38;
	[tilespmem:$0x1A400] =	vst v63  }
.Ltmp39:
0x4dc: {  	_ = 	snop;
	(pc) =	sbr.rel @p0 .LBB2_60-.Ltmp39, $4  }
0x4dd: {  	s29 =	simm.s32 $0x19C00;
	s25 =	sadd.s32 s12, s8  }
0x4de: {  	[hbm4b:s25+s2] =	stream.linear.scatter [tilespmem:s29], [sflag:$0x14], $0x400, $0x38;
	[tilespmem:$0x1A400] =	vst v63  }
0x4df: {  	s30 =	simm.s32 $0x1A000;
	s12 =	sadd.s32 s12, s9  }
0x4e0: {  	[hbm4b:s12+s2] =	stream.linear.scatter [tilespmem:s30], [sflag:$0x14], $0x400, $0x38;
	[tilespmem:$0x1A400] =	vst v63  }
0x4e1: {  	s12 =	smul.u32 $0x1400, s17  }
.Ltmp40:
0x4e2: {  	_ = 	snop;
	(pc) =	sbr.rel .LBB2_2-.Ltmp40, $4  }
0x4e3: {  	_ = 	snop  }
0x4e4: {  	s22 =	simm.s32 $0x80;
	s12 =	sshra.s32 s12, $0x2  }
0x4e5: {  	s20 =	simm.s32 $0xF400;
	s17 =	sadd.s32 $0x1, s17;
	s12 =	sadd.s32 $0x980, s12  }
0x4e6: {  	[tilespmem:s20], [sflag:$0xA] =	stream.indirect.gather [hbm4b:s3+s24], $0x20, s12, s24, $0xb8;
	[tilespmem:$0x1A400] =	vst v63  }
.LBB2_61:
0x4e7: {  	_ =	sfence.sel $0x180000  }
0x4e8: {  	[bflag:$0x0] =	sbarrier.arrive $0xFFFF  }
0x4e9: {  	_ =	strace $0x90000047  }
0x4ea: {  	s0 =	stileid.u32;
	[bflag:$0x2] =	sbarrier.arrive $0xFFFF  }
0x4eb: {  	p0 =	sne.s32 s0, $0x0;
	s0 =	rddreg [dreg:$0x1]  }
0x4ec: {  	s0 =	sadd.s32 @!p0 $0x100000, s0  }
0x4ed: {  	[sflag:s0] =	ssyncadd.tile.s32 @!p0 $0x1;
	_ =	shalt  }
.Lfunc_end2:
_tile_overlayer_lowered:
.L_overlay_start_2:
0x4ee: {  	(tag) =	ssettag $0x2  }
0x4ef: {  	s0 =	rddreg [dreg:$0x0];
	s2 =	stileid.u32  }
0x4f0: {  	s1 =	rddreg [dreg:$0x1];
	p0 =	sne.s32 s2, $0x0  }
0x4f1: {  	s3 =	rddreg [dreg:$0x2];
	[bflag:$0x3] =	sbarrier.arrive $0xFFFF;
	s2 =	simm.s32 @!p0 $0x1C15  }
0x4f2: {  	[timem:s3], [sflag:s2] =	dma.local @!p0 [hbm:s0], s1  }
0x4f3: {  	s0 =	simm.s32 @!p0 $0x15  }
0x4f4: {  	_ =	swait.ge @!p0 [sflag:s0], s1  }
0x4f5: {  	s1 =	ssub.s32 @!p0 $0x0, s1;
	[sflag:s0] =	ssyncset.done @!p0 $0x0  }
0x4f6: {  	[sflag:s0] =	ssyncadd.s32 @!p0 s1  }
0x4f7: {  	[bflag:$0x3] =	sbarrier.arrive $0xFFFF  }
0x4f8: {  	_ =	shalt  }

</sc_bundles>
